<compile_context>
chip_gen: v7x
topology: tpu7x:2x2x1
jax: 0.10.2.dev20260603
libtpu: 0.0.44.dev20260713+nightly
codegen_flags: <defaults>
</compile_context>

<pallas_src>
import functools

import jax
import jax.numpy as jnp
from jax import lax
from jax.experimental import pallas as pl
from jax.experimental.pallas import tpu as pltpu
from jax.experimental.pallas import tpu_sc as plsc

N = 10000
D = 128
DP = 144
E = 320000
NC, NS = 2, 16
NW = NC * NS
ECH0 = 118
ECH1 = 40
NCHUNK = NS * (ECH0 + ECH1)
AGG_ROWS = 10112
ZSTRIPE = 632

KNN_CB = 2000
KNN_NCH = 5
KNN_QB = 400

GCH0 = 14
GCH1 = 1
GNCH = NS * (GCH0 + GCH1)
GIDX = GNCH * 128


def _build_sc_scatter():
    mesh = plsc.VectorSubcoreMesh(core_axis_name="c", subcore_axis_name="s")

    @functools.partial(
        pl.kernel,
        out_type=jax.ShapeDtypeStruct((NC, N, DP), jnp.float32),
        mesh=mesh,
        scratch_types=[
            pltpu.VMEM((2, 128), jnp.int32),
            pltpu.VMEM((2, 128), jnp.int32),
            pltpu.VMEM((2, 128, DP), jnp.float32),
            pltpu.VMEM_SHARED((AGG_ROWS, DP), jnp.float32),
            pltpu.SemaphoreType.DMA,
            pltpu.SemaphoreType.DMA,
            pltpu.SemaphoreType.DMA,
            pltpu.SemaphoreType.DMA,
        ],
        compiler_params=pltpu.CompilerParams(use_tc_tiling_on_sc=False),
    )
    def sc_scatter(table, src_r, dst_r, zeros, out, src_v, dst_v, rows_v,
                   agg_sh, sem_i, sem_g0, sem_g1, sem_s):
        c = lax.axis_index("c")
        s = lax.axis_index("s")
        pltpu.sync_copy(zeros, agg_sh.at[pl.ds(s * ZSTRIPE, ZSTRIPE)])
        plsc.subcore_barrier()

        sem_g = [sem_g0, sem_g1]

        def run(base, nch):
            @pl.loop(0, nch, step=2)
            def _group(j):
                ids = []
                for b in range(2):
                    ids.append(pltpu.async_copy(src_r.at[base + j + b],
                                                src_v.at[b], sem_i))
                    ids.append(pltpu.async_copy(dst_r.at[base + j + b],
                                                dst_v.at[b], sem_i))
                for d in ids:
                    d.wait()
                gds = [pltpu.async_copy(table.at[src_v.at[b]],
                                        rows_v.at[b], sem_g[b])
                       for b in range(2)]
                sds = []
                for b in range(2):
                    gds[b].wait()
                    sds.append(pltpu.async_copy(rows_v.at[b],
                                                agg_sh.at[dst_v.at[b]],
                                                sem_s, add=True))
                for d in sds:
                    d.wait()

        @pl.when(c == 0)
        def _core0():
            run(s * ECH0, ECH0)

        @pl.when(c == 1)
        def _core1():
            run(NS * ECH0 + s * ECH1, ECH1)

        plsc.subcore_barrier()

        @pl.when(s < NS - 1)
        def _copy_full():
            pltpu.sync_copy(agg_sh.at[pl.ds(s * ZSTRIPE, ZSTRIPE)],
                            out.at[c, pl.ds(s * ZSTRIPE, ZSTRIPE)])

        @pl.when(s == NS - 1)
        def _copy_tail():
            pltpu.sync_copy(agg_sh.at[pl.ds((NS - 1) * ZSTRIPE, N - (NS - 1) * ZSTRIPE)],
                            out.at[c, pl.ds((NS - 1) * ZSTRIPE, N - (NS - 1) * ZSTRIPE)])

    return sc_scatter


def _build_sc_gather():
    mesh = plsc.VectorSubcoreMesh(core_axis_name="c", subcore_axis_name="s")

    @functools.partial(
        pl.kernel,
        out_type=jax.ShapeDtypeStruct((GIDX, DP), jnp.float32),
        mesh=mesh,
        scratch_types=[
            pltpu.VMEM((GCH0, 128), jnp.int32),
            pltpu.VMEM((2, 128, DP), jnp.float32),
            pltpu.SemaphoreType.DMA,
            pltpu.SemaphoreType.DMA,
            pltpu.SemaphoreType.DMA,
        ],
        compiler_params=pltpu.CompilerParams(use_tc_tiling_on_sc=False),
    )
    def sc_gather(table, idx_r, out, idx_v, rows_v, sem_g0, sem_g1, sem_s):
        c = lax.axis_index("c")
        s = lax.axis_index("s")
        sem_g = [sem_g0, sem_g1]

        cbase = jnp.where(c == 0, s * GCH0, NS * GCH0 + s * GCH1)

        @pl.when(c == 0)
        def _core0():
            pltpu.sync_copy(idx_r.at[pl.ds(cbase, GCH0)], idx_v)

            @pl.loop(0, GCH0, step=2)
            def _group(j):
                gds = [pltpu.async_copy(table.at[idx_v.at[j + b]],
                                        rows_v.at[b], sem_g[b])
                       for b in range(2)]
                sds = []
                for b in range(2):
                    gds[b].wait()
                    sds.append(pltpu.async_copy(
                        rows_v.at[b],
                        out.at[pl.ds((cbase + j + b) * 128, 128)], sem_s))
                for d in sds:
                    d.wait()

        @pl.when(c == 1)
        def _core1():
            pltpu.sync_copy(idx_r.at[pl.ds(cbase, GCH1)],
                            idx_v.at[pl.ds(0, GCH1)])
            pltpu.async_copy(table.at[idx_v.at[0]], rows_v.at[0],
                             sem_g0).wait()
            pltpu.sync_copy(rows_v.at[0], out.at[pl.ds(cbase * 128, 128)])

    return sc_gather


def _enc_kernel(x_ref, w1_ref, b1_ref, w2_ref, b2_ref, out_ref):
    x = x_ref[...]
    h = lax.dot_general(x, w1_ref[...], (((1,), (1,)), ((), ())),
                        preferred_element_type=jnp.float32) + b1_ref[...]
    h = jnp.maximum(h, 0.0)
    y = lax.dot_general(h, w2_ref[...], (((1,), (1,)), ((), ())),
                        preferred_element_type=jnp.float32) + b2_ref[...]
    out_ref[:, :D] = y
    out_ref[:, D:] = jnp.ones((out_ref.shape[0], DP - D), jnp.float32)


def _encoder(xin, W1, b1, W2, b2):
    BM = 1000
    nb = N // BM
    return pl.pallas_call(
        _enc_kernel,
        grid=(nb,),
        in_specs=[
            pl.BlockSpec((BM, xin.shape[1]), lambda i: (i, 0)),
            pl.BlockSpec(W1.shape, lambda i: (0, 0)),
            pl.BlockSpec((1, D), lambda i: (0, 0)),
            pl.BlockSpec(W2.shape, lambda i: (0, 0)),
            pl.BlockSpec((1, D), lambda i: (0, 0)),
        ],
        out_specs=pl.BlockSpec((BM, DP), lambda i: (i, 0)),
        out_shape=jax.ShapeDtypeStruct((N, DP), jnp.float32),
    )(xin, W1, b1.reshape(1, D), W2, b2.reshape(1, D))


def _sage_dense_kernel(p_ref, x_ref, wl_ref, wr_ref, out_ref,
                       acc_agg, acc_y, yraw, *, bm):
    ph = pl.program_id(0)
    i = pl.program_id(1)

    @pl.when(jnp.logical_and(ph == 0, i == 0))
    def _init():
        acc_agg[...] = jnp.zeros_like(acc_agg)
        acc_y[...] = jnp.zeros_like(acc_y)

    def _agg_block():
        feat = p_ref[0, :, :D] + p_ref[1, :, :D]
        cnt = p_ref[0, :, D:D + 1] + p_ref[1, :, D:D + 1]
        return feat / jnp.clip(cnt, 1.0, None)

    @pl.when(ph == 0)
    def _phase0():
        acc_agg[...] += jnp.sum(_agg_block(), axis=0, keepdims=True)

    @pl.when(ph == 1)
    def _phase1():
        agg = _agg_block() - acc_agg[...] / float(N)
        xf = x_ref[:, :D]
        t = lax.dot_general(agg, wl_ref[...], (((1,), (1,)), ((), ())),
                            preferred_element_type=jnp.float32)
        t = t + lax.dot_general(xf, wr_ref[...], (((1,), (1,)), ((), ())),
                                preferred_element_type=jnp.float32)
        yr = xf + jnp.maximum(t, 0.0)
        acc_y[...] += jnp.sum(yr, axis=0, keepdims=True)
        yraw[pl.ds(i * bm, bm), :] = yr

    @pl.when(ph == 2)
    def _phase2():
        out_ref[:, :D] = yraw[pl.ds(i * bm, bm), :] - acc_y[...] / float(N)
        out_ref[:, D:] = jnp.ones((bm, DP - D), jnp.float32)


def _sage_dense(p, x, Wl, Wr):
    BM = 1000
    nb = N // BM
    return pl.pallas_call(
        functools.partial(_sage_dense_kernel, bm=BM),
        grid=(3, nb),
        in_specs=[
            pl.BlockSpec((2, BM, DP), lambda ph, i: (0, i, 0)),
            pl.BlockSpec((BM, DP), lambda ph, i: (i, 0)),
            pl.BlockSpec((D, D), lambda ph, i: (0, 0)),
            pl.BlockSpec((D, D), lambda ph, i: (0, 0)),
        ],
        out_specs=pl.BlockSpec((BM, DP), lambda ph, i: (i, 0)),
        out_shape=jax.ShapeDtypeStruct((N, DP), jnp.float32),
        scratch_shapes=[
            pltpu.VMEM((1, D), jnp.float32),
            pltpu.VMEM((1, D), jnp.float32),
            pltpu.VMEM((N, D), jnp.float32),
        ],
    )(p, x, Wl, Wr)


def _knn_kernel(q_ref, c_ref, sq_ref, idx_ref, vals, inds):
    ch = pl.program_id(1)

    @pl.when(ch == 0)
    def _init():
        vals[...] = jnp.full_like(vals[...], jnp.inf)
        inds[...] = jnp.zeros_like(inds[...])

    q = q_ref[...]
    c = c_ref[0]
    d2 = (q[:, 0:1] - c[0:1, :]) ** 2
    d2 = d2 + (q[:, 1:2] - c[1:2, :]) ** 2
    d2 = d2 + (q[:, 2:3] - c[2:3, :]) ** 2

    base = ch * KNN_CB
    BIG = jnp.int32(1 << 30)
    lane = lax.broadcasted_iota(jnp.int32, d2.shape, 1)
    cvs, cis = [], []
    work = d2
    for _ in range(3):
        m = jnp.min(work, axis=1, keepdims=True)
        am = jnp.min(jnp.where(work == m, lane, BIG), axis=1, keepdims=True)
        cvs.append(m)
        cis.append(am + base)
        work = jnp.where(lane == am, jnp.inf, work)

    cv3 = jnp.concatenate(cvs, axis=1)
    ci3 = jnp.concatenate(cis, axis=1)
    for k in range(KNN_NCH):
        @pl.when(ch == k)
        def _stash(k=k):
            vals[:, 3 * k:3 * k + 3] = cv3
            inds[:, 3 * k:3 * k + 3] = ci3

    @pl.when(ch == KNN_NCH - 1)
    def _flush():
        catv = vals[...]
        cati = inds[...]
        lane16 = lax.broadcasted_iota(jnp.int32, catv.shape, 1)
        nvs, nis = [], []
        for _ in range(3):
            m = jnp.min(catv, axis=1, keepdims=True)
            am = jnp.min(jnp.where(catv == m, lane16, BIG),
                         axis=1, keepdims=True)
            sel = lane16 == am
            nvs.append(m)
            nis.append(jnp.sum(jnp.where(sel, cati, 0), axis=1, keepdims=True))
            catv = jnp.where(sel, jnp.inf, catv)
        sq_ref[:, 0:3] = jnp.concatenate(nvs, axis=1)
        sq_ref[:, 3:] = jnp.ones((sq_ref.shape[0], 5), jnp.float32)
        idx_ref[:, 0:3] = jnp.concatenate(nis, axis=1)
        idx_ref[:, 3:] = jnp.zeros((idx_ref.shape[0], 5), jnp.int32)


def _knn_top3(h_pos, l_posT_ch):
    nqb = N // KNN_QB
    return pl.pallas_call(
        _knn_kernel,
        grid=(nqb, KNN_NCH),
        in_specs=[
            pl.BlockSpec((KNN_QB, 3), lambda qb, ch: (qb, 0)),
            pl.BlockSpec((1, 3, KNN_CB), lambda qb, ch: (ch, 0, 0)),
        ],
        out_specs=[
            pl.BlockSpec((KNN_QB, 8), lambda qb, ch: (qb, 0)),
            pl.BlockSpec((KNN_QB, 8), lambda qb, ch: (qb, 0)),
        ],
        out_shape=[
            jax.ShapeDtypeStruct((N, 8), jnp.float32),
            jax.ShapeDtypeStruct((N, 8), jnp.int32),
        ],
        scratch_shapes=[
            pltpu.VMEM((KNN_QB, 16), jnp.float32),
            pltpu.VMEM((KNN_QB, 16), jnp.int32),
        ],
    )(h_pos, l_posT_ch)


def _interp_kernel(rows_ref, sq_ref, out_ref):
    w = 1.0 / jnp.clip(sq_ref[:, 0:3], 1e-16, None)
    num = w[:, 0:1] * rows_ref[:, 0, :D]
    num = num + w[:, 1:2] * rows_ref[:, 1, :D]
    num = num + w[:, 2:3] * rows_ref[:, 2, :D]
    den = w[:, 0:1] + w[:, 1:2]
    den = den + w[:, 2:3]
    out_ref[:, :D] = num / den
    out_ref[:, D:] = jnp.ones((out_ref.shape[0], DP - D), jnp.float32)


def _interp(rows, sq):
    BM = 1000
    nb = N // BM
    return pl.pallas_call(
        _interp_kernel,
        grid=(nb,),
        in_specs=[
            pl.BlockSpec((BM, 3, DP), lambda i: (i, 0, 0)),
            pl.BlockSpec((BM, 8), lambda i: (i, 0)),
        ],
        out_specs=pl.BlockSpec((BM, DP), lambda i: (i, 0)),
        out_shape=jax.ShapeDtypeStruct((N, DP), jnp.float32),
    )(rows, sq)


def kernel(l_pos1, l_y1, l_e1, h_pos1, h_e1, Wenc1, benc1, Wenc2, benc2,
           Wl1, bl1, Wr1, Wl2, bl2, Wr2):
    sc_scatter = _build_sc_scatter()
    sc_gather = _build_sc_gather()

    zeros = jnp.zeros((ZSTRIPE, DP), jnp.float32)

    def edge_parts(e):
        src = e[0].astype(jnp.int32)
        dst = e[1].astype(jnp.int32)
        pad = NCHUNK * 128 - E
        src = jnp.concatenate([src, jnp.zeros((pad,), jnp.int32)])
        dst = jnp.concatenate([dst, jnp.full((pad,), N, jnp.int32)])
        return src.reshape(NCHUNK, 128), dst.reshape(NCHUNK, 128)

    l_src, l_dst = edge_parts(l_e1)
    h_src, h_dst = edge_parts(h_e1)

    xin = jnp.concatenate([l_y1, l_pos1], axis=-1)
    x = _encoder(xin, Wenc1, benc1, Wenc2, benc2)

    for i in range(2):
        p = sc_scatter(x, l_src, l_dst, zeros)
        x = _sage_dense(p, x, Wl1[i], Wr1[i])

    l_posT_ch = l_pos1.T.reshape(3, KNN_NCH, KNN_CB).transpose(1, 0, 2)
    sq, idx = _knn_top3(h_pos1, l_posT_ch)
    idx_flat = idx[:, 0:3].reshape(-1)
    idx_flat = jnp.concatenate(
        [idx_flat, jnp.zeros((GIDX - 3 * N,), jnp.int32)]).reshape(GNCH, 128)
    rows = sc_gather(x, idx_flat).reshape(GIDX // 3, 3, DP)
    x = _interp(rows, sq)

    for i in range(2):
        p = sc_scatter(x, h_src, h_dst, zeros)
        x = _sage_dense(p, x, Wl2[i], Wr2[i])

    return x[:, :D]

# --- scband reference (transcript-rebuilt; emitter-appended) ---
"""Pipeline reference for scband-sage-shared-12120397709389 (READ-ONLY COPY).

The authoritative reference and input builder live on the scoring server;
editing this copy changes nothing except your own understanding.
"""

import jax, jax.numpy as jnp
import numpy as np

DEPTH = 2
HIDDEN = 128
KNN_K = 3
KNN_CHUNK = 1000


def _mlp(x, W1, b1, W2, b2):
    h = jax.nn.relu(x @ W1.T + b1)
    return h @ W2.T + b2


def _sage_conv(x, edge_index, Wl, bl, Wr):
    src = edge_index[0]
    dst = edge_index[1]
    N = x.shape[0]
    msg = jnp.take(x, src, axis=0)
    agg = jax.ops.segment_sum(msg, dst, num_segments=N)
    cnt = jax.ops.segment_sum(jnp.ones((src.shape[0],), x.dtype), dst, num_segments=N)
    agg = agg / jnp.clip(cnt, 1.0, None)[:, None]
    out = agg @ Wl.T + bl
    out = out - jnp.mean(out, axis=0)  # ib_e=True
    out = out + x @ Wr.T  # root weight
    return out


def _knn_interpolate(x, pos_x, pos_y):
    d = pos_y.shape[-1]

    def chunk_fn(py):
        d2 = jnp.sum((py[:, None, :] - pos_x[None, :, :]) ** 2, axis=-1)
        vals, idx = jax.lax.top_k(-d2, KNN_K)
        return (-vals, idx)

    py_chunks = pos_y.reshape(-1, KNN_CHUNK, d)
    sq, idx = jax.lax.map(chunk_fn, py_chunks)
    sq = sq.reshape(-1, KNN_K)
    idx = idx.reshape(-1, KNN_K)
    w = 1.0 / jnp.clip(sq, 1e-16, None)
    num = jnp.sum(jnp.take(x, idx, axis=0) * w[..., None], axis=1)
    den = jnp.sum(w, axis=1, keepdims=True)
    return num / den


def setup_inputs(seed: int = 0):
    key = jax.random.key(seed)
    ks = jax.random.split(key, 20)
    N_L = 10000
    N_H = 10000
    E_L = 320000
    E_H = 320000
    Y_IN = 16
    POS = 3
    h = HIDDEN
    s_in = 1.0 / np.sqrt(Y_IN + POS)
    s_h = 1.0 / np.sqrt(h)
    inp = {}
    inp['l_pos1'] = jax.random.normal(ks[0], (N_L, POS), jnp.float32)
    inp['l_y1'] = jax.random.normal(ks[1], (N_L, Y_IN), jnp.float32)
    inp['l_e1'] = jax.random.randint(ks[2], (2, E_L), 0, N_L)
    inp['h_pos1'] = jax.random.normal(ks[3], (N_H, POS), jnp.float32)
    inp['h_e1'] = jax.random.randint(ks[4], (2, E_H), 0, N_H)
    inp['Wenc1'] = jax.random.normal(ks[5], (h, Y_IN + POS), jnp.float32) * s_in
    inp['benc1'] = jnp.zeros((h,), jnp.float32)
    inp['Wenc2'] = jax.random.normal(ks[6], (h, h), jnp.float32) * s_h
    inp['benc2'] = jnp.zeros((h,), jnp.float32)
    inp['Wl1'] = jax.random.normal(ks[7], (DEPTH, h, h), jnp.float32) * s_h
    inp['bl1'] = jnp.zeros((DEPTH, h), jnp.float32)
    inp['Wr1'] = jax.random.normal(ks[8], (DEPTH, h, h), jnp.float32) * s_h
    inp['Wl2'] = jax.random.normal(ks[9], (DEPTH, h, h), jnp.float32) * s_h
    inp['bl2'] = jnp.zeros((DEPTH, h), jnp.float32)
    inp['Wr2'] = jax.random.normal(ks[10], (DEPTH, h, h), jnp.float32) * s_h
    return inp


def reference(l_pos1, l_y1, l_e1, h_pos1, h_e1, Wenc1, benc1, Wenc2, benc2, Wl1, bl1, Wr1, Wl2, bl2, Wr2):
    x = jnp.concatenate([l_y1, l_pos1], axis=-1)
    x = _mlp(x, Wenc1, benc1, Wenc2, benc2)
    for i in range(DEPTH):
        x_ = jax.nn.relu(_sage_conv(x, l_e1, Wl1[i], bl1[i], Wr1[i]))
        x = x + x_
        x = x - jnp.mean(x, axis=0)  # ib_n=True
    x = _knn_interpolate(x, l_pos1, h_pos1)
    for i in range(DEPTH):
        x_ = jax.nn.relu(_sage_conv(x, h_e1, Wl2[i], bl2[i], Wr2[i]))
        x = x + x_
        x = x - jnp.mean(x, axis=0)
    return x

if __name__ == "__main__":
    import jax
    _d = setup_inputs()
    print(jax.jit(kernel)(*tuple(_d.values())))

</pallas_src>

<mosaic_0001>
#map = affine_map<(d0, d1) -> (0, 0)>
#map1 = affine_map<(d0, d1) -> (0, 0, 0)>
module attributes {stable_mosaic.version = 14 : i64} {
  func.func @sc_scatter(%arg0: i32, %arg1: i32, %arg2: memref<10000x144xf32, #tpu.memory_space<hbm>>, %arg3: memref<2528x128xi32, #tpu.memory_space<hbm>>, %arg4: memref<2528x128xi32, #tpu.memory_space<hbm>>, %arg5: memref<632x144xf32, #tpu.memory_space<hbm>>, %arg6: memref<2x10000x144xf32, #tpu.memory_space<hbm>>, %arg7: memref<2x128xi32, #tpu.memory_space<vmem>>, %arg8: memref<2x128xi32, #tpu.memory_space<vmem>>, %arg9: memref<2x128x144xf32, #tpu.memory_space<vmem>>, %arg10: memref<10112x144xf32, #tpu.memory_space<vmem_shared>>, %arg11: memref<!tpu.dma_semaphore, #tpu.memory_space<semaphore_mem>>, %arg12: memref<!tpu.dma_semaphore, #tpu.memory_space<semaphore_mem>>, %arg13: memref<!tpu.dma_semaphore, #tpu.memory_space<semaphore_mem>>, %arg14: memref<!tpu.dma_semaphore, #tpu.memory_space<semaphore_mem>>) attributes {dimension_semantics = [#tpu.dimension_semantics<core_parallel>, #tpu.dimension_semantics<subcore_parallel>], iteration_bounds = array<i64: 2, 16>, scalar_prefetch = 0 : i64, scratch_operands = 8 : i64, tpu.core_type = #tpu.core_type<sc_vector_subcore>, window_params = [{transform_indices = #map}, {transform_indices = #map}, {transform_indices = #map}, {transform_indices = #map}, {transform_indices = #map1}]} {
    %mul3A = arith.constant 632 : i32
    %mul3A_0 = arith.muli %arg1, %mul3A : i32
    "tpu.region"() ({
      %run_scoped3A = tpu.sem_alloc : memref<!tpu.dma_semaphore, #tpu.memory_space<semaphore_mem>>
      %dma_start3A = arith.constant 0 : i32
      %dma_start3A_18 = tpu.memref_slice %arg10[%mul3A_0, %dma_start3A] : memref<10112x144xf32, #tpu.memory_space<vmem_shared>> -> memref<632x144xf32, #tpu.memory_space<vmem_shared>>
      tpu.enqueue_dma source(%arg5 : memref<632x144xf32, #tpu.memory_space<hbm>>) target(%dma_start3A_18 : memref<632x144xf32, #tpu.memory_space<vmem_shared>>) target_semaphore(%run_scoped3A : memref<!tpu.dma_semaphore, #tpu.memory_space<semaphore_mem>>)
      %dma_wait3A = arith.constant 0 : i32
      %dma_wait3A_19 = tpu.memref_slice %arg10[%mul3A_0, %dma_wait3A] : memref<10112x144xf32, #tpu.memory_space<vmem_shared>> -> memref<632x144xf32, #tpu.memory_space<vmem_shared>>
      tpu.wait_dma2 semaphore(%run_scoped3A : memref<!tpu.dma_semaphore, #tpu.memory_space<semaphore_mem>>) src(%arg5 : memref<632x144xf32, #tpu.memory_space<hbm>>) dst(%dma_wait3A_19 : memref<632x144xf32, #tpu.memory_space<vmem_shared>>)
      tpu.yield
    }) : () -> ()
    %barrier3A = arith.constant 0 : index
    tpu.barrier barrier_id(%barrier3A)
    %eq3A = arith.constant 0 : i32
    %eq3A_1 = arith.cmpi eq, %arg0, %eq3A : i32
    %convert_element_type3A = arith.extui %eq3A_1 : i1 to i32
    %cond3A = arith.constant 0 : i32
    %cond3A_2 = arith.cmpi ne, %convert_element_type3A, %cond3A : i32
    scf.if %cond3A_2 {
      %mul3A_18 = arith.constant 118 : i32
      %mul3A_19 = arith.muli %arg1, %mul3A_18 : i32
      %scan3A = arith.constant 0 : i32
      %scan3A_20 = arith.constant 59 : i32
      %scan3A_21 = arith.addi %scan3A, %scan3A_20 : i32
      %scan3A_22 = arith.constant 1 : i32
      scf.for %scan3A_24 = %scan3A to %scan3A_21 step %scan3A_22  : i32 {
        %mul3A_25 = arith.constant 2 : i32
        %mul3A_26 = arith.muli %scan3A_24, %mul3A_25 : i32
        %add3A = arith.constant 0 : i32
        %add3A_27 = arith.addi %add3A, %mul3A_26 : i32
        %add3A_28 = arith.addi %mul3A_19, %add3A_27 : i32
        %add3A_29 = arith.constant 0 : i32
        %add3A_30 = arith.addi %add3A_28, %add3A_29 : i32
        %dma_start3A = arith.constant 0 : i32
        %dma_start3A_31 = arith.constant 0 : i32
        %dma_start3A_32 = tpu.memref_slice %arg7[%dma_start3A, %dma_start3A_31] : memref<2x128xi32, #tpu.memory_space<vmem>> -> memref<1x128xi32, #tpu.memory_space<vmem>>
        %dma_start3A_33 = tpu.memref_squeeze %dma_start3A_32 : memref<1x128xi32, #tpu.memory_space<vmem>> -> memref<128xi32, #tpu.memory_space<vmem>>
        %dma_start3A_34 = arith.constant 0 : i32
        %dma_start3A_35 = tpu.memref_slice %arg3[%add3A_30, %dma_start3A_34] : memref<2528x128xi32, #tpu.memory_space<hbm>> -> memref<1x128xi32, #tpu.memory_space<hbm>>
        %dma_start3A_36 = tpu.memref_squeeze %dma_start3A_35 : memref<1x128xi32, #tpu.memory_space<hbm>> -> memref<128xi32, #tpu.memory_space<hbm>>
        %dma_start3A_37 = arith.constant 0 : i32
        %dma_start3A_38 = tpu.memref_slice %arg7[%dma_start3A, %dma_start3A_37] : memref<2x128xi32, #tpu.memory_space<vmem>> -> memref<1x128xi32, #tpu.memory_space<vmem>>
        %dma_start3A_39 = tpu.memref_squeeze %dma_start3A_38 : memref<1x128xi32, #tpu.memory_space<vmem>> -> memref<128xi32, #tpu.memory_space<vmem>>
        %dma_start3A_40 = arith.constant 0 : i32
        %dma_start3A_41 = tpu.memref_slice %arg3[%add3A_30, %dma_start3A_40] : memref<2528x128xi32, #tpu.memory_space<hbm>> -> memref<1x128xi32, #tpu.memory_space<hbm>>
        %dma_start3A_42 = tpu.memref_squeeze %dma_start3A_41 : memref<1x128xi32, #tpu.memory_space<hbm>> -> memref<128xi32, #tpu.memory_space<hbm>>
        tpu.enqueue_dma source(%dma_start3A_42 : memref<128xi32, #tpu.memory_space<hbm>>) target(%dma_start3A_39 : memref<128xi32, #tpu.memory_space<vmem>>) target_semaphore(%arg11 : memref<!tpu.dma_semaphore, #tpu.memory_space<semaphore_mem>>)
        %add3A_43 = arith.addi %mul3A_19, %add3A_27 : i32
        %add3A_44 = arith.constant 0 : i32
        %add3A_45 = arith.addi %add3A_43, %add3A_44 : i32
        %dma_start3A_46 = arith.constant 0 : i32
        %dma_start3A_47 = arith.constant 0 : i32
        %dma_start3A_48 = tpu.memref_slice %arg8[%dma_start3A_46, %dma_start3A_47] : memref<2x128xi32, #tpu.memory_space<vmem>> -> memref<1x128xi32, #tpu.memory_space<vmem>>
        %dma_start3A_49 = tpu.memref_squeeze %dma_start3A_48 : memref<1x128xi32, #tpu.memory_space<vmem>> -> memref<128xi32, #tpu.memory_space<vmem>>
        %dma_start3A_50 = arith.constant 0 : i32
        %dma_start3A_51 = tpu.memref_slice %arg4[%add3A_45, %dma_start3A_50] : memref<2528x128xi32, #tpu.memory_space<hbm>> -> memref<1x128xi32, #tpu.memory_space<hbm>>
        %dma_start3A_52 = tpu.memref_squeeze %dma_start3A_51 : memref<1x128xi32, #tpu.memory_space<hbm>> -> memref<128xi32, #tpu.memory_space<hbm>>
        %dma_start3A_53 = arith.constant 0 : i32
        %dma_start3A_54 = tpu.memref_slice %arg8[%dma_start3A_46, %dma_start3A_53] : memref<2x128xi32, #tpu.memory_space<vmem>> -> memref<1x128xi32, #tpu.memory_space<vmem>>
        %dma_start3A_55 = tpu.memref_squeeze %dma_start3A_54 : memref<1x128xi32, #tpu.memory_space<vmem>> -> memref<128xi32, #tpu.memory_space<vmem>>
        %dma_start3A_56 = arith.constant 0 : i32
        %dma_start3A_57 = tpu.memref_slice %arg4[%add3A_45, %dma_start3A_56] : memref<2528x128xi32, #tpu.memory_space<hbm>> -> memref<1x128xi32, #tpu.memory_space<hbm>>
        %dma_start3A_58 = tpu.memref_squeeze %dma_start3A_57 : memref<1x128xi32, #tpu.memory_space<hbm>> -> memref<128xi32, #tpu.memory_space<hbm>>
        tpu.enqueue_dma source(%dma_start3A_58 : memref<128xi32, #tpu.memory_space<hbm>>) target(%dma_start3A_55 : memref<128xi32, #tpu.memory_space<vmem>>) target_semaphore(%arg11 : memref<!tpu.dma_semaphore, #tpu.memory_space<semaphore_mem>>)
        %add3A_59 = arith.addi %mul3A_19, %add3A_27 : i32
        %add3A_60 = arith.constant 1 : i32
        %add3A_61 = arith.addi %add3A_59, %add3A_60 : i32
        %dma_start3A_62 = arith.constant 1 : i32
        %dma_start3A_63 = arith.constant 0 : i32
        %dma_start3A_64 = tpu.memref_slice %arg7[%dma_start3A_62, %dma_start3A_63] : memref<2x128xi32, #tpu.memory_space<vmem>> -> memref<1x128xi32, #tpu.memory_space<vmem>>
        %dma_start3A_65 = tpu.memref_squeeze %dma_start3A_64 : memref<1x128xi32, #tpu.memory_space<vmem>> -> memref<128xi32, #tpu.memory_space<vmem>>
        %dma_start3A_66 = arith.constant 0 : i32
        %dma_start3A_67 = tpu.memref_slice %arg3[%add3A_61, %dma_start3A_66] : memref<2528x128xi32, #tpu.memory_space<hbm>> -> memref<1x128xi32, #tpu.memory_space<hbm>>
        %dma_start3A_68 = tpu.memref_squeeze %dma_start3A_67 : memref<1x128xi32, #tpu.memory_space<hbm>> -> memref<128xi32, #tpu.memory_space<hbm>>
        %dma_start3A_69 = arith.constant 0 : i32
        %dma_start3A_70 = tpu.memref_slice %arg7[%dma_start3A_62, %dma_start3A_69] : memref<2x128xi32, #tpu.memory_space<vmem>> -> memref<1x128xi32, #tpu.memory_space<vmem>>
        %dma_start3A_71 = tpu.memref_squeeze %dma_start3A_70 : memref<1x128xi32, #tpu.memory_space<vmem>> -> memref<128xi32, #tpu.memory_space<vmem>>
        %dma_start3A_72 = arith.constant 0 : i32
        %dma_start3A_73 = tpu.memref_slice %arg3[%add3A_61, %dma_start3A_72] : memref<2528x128xi32, #tpu.memory_space<hbm>> -> memref<1x128xi32, #tpu.memory_space<hbm>>
        %dma_start3A_74 = tpu.memref_squeeze %dma_start3A_73 : memref<1x128xi32, #tpu.memory_space<hbm>> -> memref<128xi32, #tpu.memory_space<hbm>>
        tpu.enqueue_dma source(%dma_start3A_74 : memref<128xi32, #tpu.memory_space<hbm>>) target(%dma_start3A_71 : memref<128xi32, #tpu.memory_space<vmem>>) target_semaphore(%arg11 : memref<!tpu.dma_semaphore, #tpu.memory_space<semaphore_mem>>)
        %add3A_75 = arith.addi %mul3A_19, %add3A_27 : i32
        %add3A_76 = arith.constant 1 : i32
        %add3A_77 = arith.addi %add3A_75, %add3A_76 : i32
        %dma_start3A_78 = arith.constant 1 : i32
        %dma_start3A_79 = arith.constant 0 : i32
        %dma_start3A_80 = tpu.memref_slice %arg8[%dma_start3A_78, %dma_start3A_79] : memref<2x128xi32, #tpu.memory_space<vmem>> -> memref<1x128xi32, #tpu.memory_space<vmem>>
        %dma_start3A_81 = tpu.memref_squeeze %dma_start3A_80 : memref<1x128xi32, #tpu.memory_space<vmem>> -> memref<128xi32, #tpu.memory_space<vmem>>
        %dma_start3A_82 = arith.constant 0 : i32
        %dma_start3A_83 = tpu.memref_slice %arg4[%add3A_77, %dma_start3A_82] : memref<2528x128xi32, #tpu.memory_space<hbm>> -> memref<1x128xi32, #tpu.memory_space<hbm>>
        %dma_start3A_84 = tpu.memref_squeeze %dma_start3A_83 : memref<1x128xi32, #tpu.memory_space<hbm>> -> memref<128xi32, #tpu.memory_space<hbm>>
        %dma_start3A_85 = arith.constant 0 : i32
        %dma_start3A_86 = tpu.memref_slice %arg8[%dma_start3A_78, %dma_start3A_85] : memref<2x128xi32, #tpu.memory_space<vmem>> -> memref<1x128xi32, #tpu.memory_space<vmem>>
        %dma_start3A_87 = tpu.memref_squeeze %dma_start3A_86 : memref<1x128xi32, #tpu.memory_space<vmem>> -> memref<128xi32, #tpu.memory_space<vmem>>
        %dma_start3A_88 = arith.constant 0 : i32
        %dma_start3A_89 = tpu.memref_slice %arg4[%add3A_77, %dma_start3A_88] : memref<2528x128xi32, #tpu.memory_space<hbm>> -> memref<1x128xi32, #tpu.memory_space<hbm>>
        %dma_start3A_90 = tpu.memref_squeeze %dma_start3A_89 : memref<1x128xi32, #tpu.memory_space<hbm>> -> memref<128xi32, #tpu.memory_space<hbm>>
        tpu.enqueue_dma source(%dma_start3A_90 : memref<128xi32, #tpu.memory_space<hbm>>) target(%dma_start3A_87 : memref<128xi32, #tpu.memory_space<vmem>>) target_semaphore(%arg11 : memref<!tpu.dma_semaphore, #tpu.memory_space<semaphore_mem>>)
        %dma_wait3A = arith.constant 0 : i32
        %dma_wait3A_91 = arith.constant 0 : i32
        %dma_wait3A_92 = tpu.memref_slice %arg7[%dma_wait3A, %dma_wait3A_91] : memref<2x128xi32, #tpu.memory_space<vmem>> -> memref<1x128xi32, #tpu.memory_space<vmem>>
        %dma_wait3A_93 = tpu.memref_squeeze %dma_wait3A_92 : memref<1x128xi32, #tpu.memory_space<vmem>> -> memref<128xi32, #tpu.memory_space<vmem>>
        %dma_wait3A_94 = arith.constant 0 : i32
        %dma_wait3A_95 = tpu.memref_slice %arg3[%add3A_30, %dma_wait3A_94] : memref<2528x128xi32, #tpu.memory_space<hbm>> -> memref<1x128xi32, #tpu.memory_space<hbm>>
        %dma_wait3A_96 = tpu.memref_squeeze %dma_wait3A_95 : memref<1x128xi32, #tpu.memory_space<hbm>> -> memref<128xi32, #tpu.memory_space<hbm>>
        %dma_wait3A_97 = arith.constant 0 : i32
        %dma_wait3A_98 = tpu.memref_slice %arg7[%dma_wait3A, %dma_wait3A_97] : memref<2x128xi32, #tpu.memory_space<vmem>> -> memref<1x128xi32, #tpu.memory_space<vmem>>
        %dma_wait3A_99 = tpu.memref_squeeze %dma_wait3A_98 : memref<1x128xi32, #tpu.memory_space<vmem>> -> memref<128xi32, #tpu.memory_space<vmem>>
        %dma_wait3A_100 = arith.constant 0 : i32
        %dma_wait3A_101 = tpu.memref_slice %arg3[%add3A_30, %dma_wait3A_100] : memref<2528x128xi32, #tpu.memory_space<hbm>> -> memref<1x128xi32, #tpu.memory_space<hbm>>
        %dma_wait3A_102 = tpu.memref_squeeze %dma_wait3A_101 : memref<1x128xi32, #tpu.memory_space<hbm>> -> memref<128xi32, #tpu.memory_space<hbm>>
        tpu.wait_dma2 semaphore(%arg11 : memref<!tpu.dma_semaphore, #tpu.memory_space<semaphore_mem>>) src(%dma_wait3A_102 : memref<128xi32, #tpu.memory_space<hbm>>) dst(%dma_wait3A_99 : memref<128xi32, #tpu.memory_space<vmem>>)
        %dma_wait3A_103 = arith.constant 0 : i32
        %dma_wait3A_104 = arith.constant 0 : i32
        %dma_wait3A_105 = tpu.memref_slice %arg8[%dma_wait3A_103, %dma_wait3A_104] : memref<2x128xi32, #tpu.memory_space<vmem>> -> memref<1x128xi32, #tpu.memory_space<vmem>>
        %dma_wait3A_106 = tpu.memref_squeeze %dma_wait3A_105 : memref<1x128xi32, #tpu.memory_space<vmem>> -> memref<128xi32, #tpu.memory_space<vmem>>
        %dma_wait3A_107 = arith.constant 0 : i32
        %dma_wait3A_108 = tpu.memref_slice %arg4[%add3A_45, %dma_wait3A_107] : memref<2528x128xi32, #tpu.memory_space<hbm>> -> memref<1x128xi32, #tpu.memory_space<hbm>>
        %dma_wait3A_109 = tpu.memref_squeeze %dma_wait3A_108 : memref<1x128xi32, #tpu.memory_space<hbm>> -> memref<128xi32, #tpu.memory_space<hbm>>
        %dma_wait3A_110 = arith.constant 0 : i32
        %dma_wait3A_111 = tpu.memref_slice %arg8[%dma_wait3A_103, %dma_wait3A_110] : memref<2x128xi32, #tpu.memory_space<vmem>> -> memref<1x128xi32, #tpu.memory_space<vmem>>
        %dma_wait3A_112 = tpu.memref_squeeze %dma_wait3A_111 : memref<1x128xi32, #tpu.memory_space<vmem>> -> memref<128xi32, #tpu.memory_space<vmem>>
        %dma_wait3A_113 = arith.constant 0 : i32
        %dma_wait3A_114 = tpu.memref_slice %arg4[%add3A_45, %dma_wait3A_113] : memref<2528x128xi32, #tpu.memory_space<hbm>> -> memref<1x128xi32, #tpu.memory_space<hbm>>
        %dma_wait3A_115 = tpu.memref_squeeze %dma_wait3A_114 : memref<1x128xi32, #tpu.memory_space<hbm>> -> memref<128xi32, #tpu.memory_space<hbm>>
        tpu.wait_dma2 semaphore(%arg11 : memref<!tpu.dma_semaphore, #tpu.memory_space<semaphore_mem>>) src(%dma_wait3A_115 : memref<128xi32, #tpu.memory_space<hbm>>) dst(%dma_wait3A_112 : memref<128xi32, #tpu.memory_space<vmem>>)
        %dma_wait3A_116 = arith.constant 1 : i32
        %dma_wait3A_117 = arith.constant 0 : i32
        %dma_wait3A_118 = tpu.memref_slice %arg7[%dma_wait3A_116, %dma_wait3A_117] : memref<2x128xi32, #tpu.memory_space<vmem>> -> memref<1x128xi32, #tpu.memory_space<vmem>>
        %dma_wait3A_119 = tpu.memref_squeeze %dma_wait3A_118 : memref<1x128xi32, #tpu.memory_space<vmem>> -> memref<128xi32, #tpu.memory_space<vmem>>
        %dma_wait3A_120 = arith.constant 0 : i32
        %dma_wait3A_121 = tpu.memref_slice %arg3[%add3A_61, %dma_wait3A_120] : memref<2528x128xi32, #tpu.memory_space<hbm>> -> memref<1x128xi32, #tpu.memory_space<hbm>>
        %dma_wait3A_122 = tpu.memref_squeeze %dma_wait3A_121 : memref<1x128xi32, #tpu.memory_space<hbm>> -> memref<128xi32, #tpu.memory_space<hbm>>
        %dma_wait3A_123 = arith.constant 0 : i32
        %dma_wait3A_124 = tpu.memref_slice %arg7[%dma_wait3A_116, %dma_wait3A_123] : memref<2x128xi32, #tpu.memory_space<vmem>> -> memref<1x128xi32, #tpu.memory_space<vmem>>
        %dma_wait3A_125 = tpu.memref_squeeze %dma_wait3A_124 : memref<1x128xi32, #tpu.memory_space<vmem>> -> memref<128xi32, #tpu.memory_space<vmem>>
        %dma_wait3A_126 = arith.constant 0 : i32
        %dma_wait3A_127 = tpu.memref_slice %arg3[%add3A_61, %dma_wait3A_126] : memref<2528x128xi32, #tpu.memory_space<hbm>> -> memref<1x128xi32, #tpu.memory_space<hbm>>
        %dma_wait3A_128 = tpu.memref_squeeze %dma_wait3A_127 : memref<1x128xi32, #tpu.memory_space<hbm>> -> memref<128xi32, #tpu.memory_space<hbm>>
        tpu.wait_dma2 semaphore(%arg11 : memref<!tpu.dma_semaphore, #tpu.memory_space<semaphore_mem>>) src(%dma_wait3A_128 : memref<128xi32, #tpu.memory_space<hbm>>) dst(%dma_wait3A_125 : memref<128xi32, #tpu.memory_space<vmem>>)
        %dma_wait3A_129 = arith.constant 1 : i32
        %dma_wait3A_130 = arith.constant 0 : i32
        %dma_wait3A_131 = tpu.memref_slice %arg8[%dma_wait3A_129, %dma_wait3A_130] : memref<2x128xi32, #tpu.memory_space<vmem>> -> memref<1x128xi32, #tpu.memory_space<vmem>>
        %dma_wait3A_132 = tpu.memref_squeeze %dma_wait3A_131 : memref<1x128xi32, #tpu.memory_space<vmem>> -> memref<128xi32, #tpu.memory_space<vmem>>
        %dma_wait3A_133 = arith.constant 0 : i32
        %dma_wait3A_134 = tpu.memref_slice %arg4[%add3A_77, %dma_wait3A_133] : memref<2528x128xi32, #tpu.memory_space<hbm>> -> memref<1x128xi32, #tpu.memory_space<hbm>>
        %dma_wait3A_135 = tpu.memref_squeeze %dma_wait3A_134 : memref<1x128xi32, #tpu.memory_space<hbm>> -> memref<128xi32, #tpu.memory_space<hbm>>
        %dma_wait3A_136 = arith.constant 0 : i32
        %dma_wait3A_137 = tpu.memref_slice %arg8[%dma_wait3A_129, %dma_wait3A_136] : memref<2x128xi32, #tpu.memory_space<vmem>> -> memref<1x128xi32, #tpu.memory_space<vmem>>
        %dma_wait3A_138 = tpu.memref_squeeze %dma_wait3A_137 : memref<1x128xi32, #tpu.memory_space<vmem>> -> memref<128xi32, #tpu.memory_space<vmem>>
        %dma_wait3A_139 = arith.constant 0 : i32
        %dma_wait3A_140 = tpu.memref_slice %arg4[%add3A_77, %dma_wait3A_139] : memref<2528x128xi32, #tpu.memory_space<hbm>> -> memref<1x128xi32, #tpu.memory_space<hbm>>
        %dma_wait3A_141 = tpu.memref_squeeze %dma_wait3A_140 : memref<1x128xi32, #tpu.memory_space<hbm>> -> memref<128xi32, #tpu.memory_space<hbm>>
        tpu.wait_dma2 semaphore(%arg11 : memref<!tpu.dma_semaphore, #tpu.memory_space<semaphore_mem>>) src(%dma_wait3A_141 : memref<128xi32, #tpu.memory_space<hbm>>) dst(%dma_wait3A_138 : memref<128xi32, #tpu.memory_space<vmem>>)
        %dma_start3A_142 = arith.constant 0 : i32
        %dma_start3A_143 = arith.constant 0 : i32
        %dma_start3A_144 = arith.constant 0 : i32
        %dma_start3A_145 = arith.constant 0 : i32
        %dma_start3A_146 = tpu.memref_slice %arg9[%dma_start3A_143, %dma_start3A_144, %dma_start3A_145] : memref<2x128x144xf32, #tpu.memory_space<vmem>> -> memref<1x128x144xf32, #tpu.memory_space<vmem>>
        %dma_start3A_147 = tpu.memref_squeeze %dma_start3A_146 : memref<1x128x144xf32, #tpu.memory_space<vmem>> -> memref<128x144xf32, #tpu.memory_space<vmem>>
        %dma_start3A_148 = arith.constant 0 : i32
        %dma_start3A_149 = tpu.memref_slice %arg7[%dma_start3A_142, %dma_start3A_148] : memref<2x128xi32, #tpu.memory_space<vmem>> -> memref<1x128xi32, #tpu.memory_space<vmem>>
        %dma_start3A_150 = tpu.memref_squeeze %dma_start3A_149 : memref<1x128xi32, #tpu.memory_space<vmem>> -> memref<128xi32, #tpu.memory_space<vmem>>
        %dma_start3A_151 = arith.constant 0 : i32
        %dma_start3A_152 = arith.constant 0 : i32
        %dma_start3A_153 = tpu.memref_slice %arg2[%dma_start3A_151, %dma_start3A_152] : memref<10000x144xf32, #tpu.memory_space<hbm>> -> memref<10000x144xf32, #tpu.memory_space<hbm>>
        tpu.enqueue_indirect_dma source(%dma_start3A_153 : memref<10000x144xf32, #tpu.memory_space<hbm>>) target(%dma_start3A_147 : memref<128x144xf32, #tpu.memory_space<vmem>>) offsets(%dma_start3A_150 : memref<128xi32, #tpu.memory_space<vmem>>) semaphore(%arg12 : memref<!tpu.dma_semaphore, #tpu.memory_space<semaphore_mem>>)
        %dma_start3A_154 = arith.constant 1 : i32
        %dma_start3A_155 = arith.constant 1 : i32
        %dma_start3A_156 = arith.constant 0 : i32
        %dma_start3A_157 = arith.constant 0 : i32
        %dma_start3A_158 = tpu.memref_slice %arg9[%dma_start3A_155, %dma_start3A_156, %dma_start3A_157] : memref<2x128x144xf32, #tpu.memory_space<vmem>> -> memref<1x128x144xf32, #tpu.memory_space<vmem>>
        %dma_start3A_159 = tpu.memref_squeeze %dma_start3A_158 : memref<1x128x144xf32, #tpu.memory_space<vmem>> -> memref<128x144xf32, #tpu.memory_space<vmem>>
        %dma_start3A_160 = arith.constant 0 : i32
        %dma_start3A_161 = tpu.memref_slice %arg7[%dma_start3A_154, %dma_start3A_160] : memref<2x128xi32, #tpu.memory_space<vmem>> -> memref<1x128xi32, #tpu.memory_space<vmem>>
        %dma_start3A_162 = tpu.memref_squeeze %dma_start3A_161 : memref<1x128xi32, #tpu.memory_space<vmem>> -> memref<128xi32, #tpu.memory_space<vmem>>
        %dma_start3A_163 = arith.constant 0 : i32
        %dma_start3A_164 = arith.constant 0 : i32
        %dma_start3A_165 = tpu.memref_slice %arg2[%dma_start3A_163, %dma_start3A_164] : memref<10000x144xf32, #tpu.memory_space<hbm>> -> memref<10000x144xf32, #tpu.memory_space<hbm>>
        tpu.enqueue_indirect_dma source(%dma_start3A_165 : memref<10000x144xf32, #tpu.memory_space<hbm>>) target(%dma_start3A_159 : memref<128x144xf32, #tpu.memory_space<vmem>>) offsets(%dma_start3A_162 : memref<128xi32, #tpu.memory_space<vmem>>) semaphore(%arg13 : memref<!tpu.dma_semaphore, #tpu.memory_space<semaphore_mem>>)
        %dma_wait3A_166 = arith.constant 0 : i32
        %dma_wait3A_167 = arith.constant 0 : i32
        %dma_wait3A_168 = arith.constant 0 : i32
        %dma_wait3A_169 = arith.constant 0 : i32
        %dma_wait3A_170 = tpu.memref_slice %arg9[%dma_wait3A_167, %dma_wait3A_168, %dma_wait3A_169] : memref<2x128x144xf32, #tpu.memory_space<vmem>> -> memref<1x128x144xf32, #tpu.memory_space<vmem>>
        %dma_wait3A_171 = tpu.memref_squeeze %dma_wait3A_170 : memref<1x128x144xf32, #tpu.memory_space<vmem>> -> memref<128x144xf32, #tpu.memory_space<vmem>>
        %dma_wait3A_172 = arith.constant 0 : i32
        %dma_wait3A_173 = tpu.memref_slice %arg7[%dma_wait3A_166, %dma_wait3A_172] : memref<2x128xi32, #tpu.memory_space<vmem>> -> memref<1x128xi32, #tpu.memory_space<vmem>>
        %dma_wait3A_174 = tpu.memref_squeeze %dma_wait3A_173 : memref<1x128xi32, #tpu.memory_space<vmem>> -> memref<128xi32, #tpu.memory_space<vmem>>
        %dma_wait3A_175 = arith.constant 0 : i32
        %dma_wait3A_176 = arith.constant 0 : i32
        %dma_wait3A_177 = tpu.memref_slice %arg2[%dma_wait3A_175, %dma_wait3A_176] : memref<10000x144xf32, #tpu.memory_space<hbm>> -> memref<10000x144xf32, #tpu.memory_space<hbm>>
        tpu.wait_indirect_dma semaphore(%arg12 : memref<!tpu.dma_semaphore, #tpu.memory_space<semaphore_mem>>) src(%dma_wait3A_177 : memref<10000x144xf32, #tpu.memory_space<hbm>>) dst(%dma_wait3A_171 : memref<128x144xf32, #tpu.memory_space<vmem>>)
        %dma_start3A_178 = arith.constant 0 : i32
        %dma_start3A_179 = arith.constant 0 : i32
        %dma_start3A_180 = arith.constant 0 : i32
        %dma_start3A_181 = arith.constant 0 : i32
        %dma_start3A_182 = tpu.memref_slice %arg9[%dma_start3A_178, %dma_start3A_180, %dma_start3A_181] : memref<2x128x144xf32, #tpu.memory_space<vmem>> -> memref<1x128x144xf32, #tpu.memory_space<vmem>>
        %dma_start3A_183 = tpu.memref_squeeze %dma_start3A_182 : memref<1x128x144xf32, #tpu.memory_space<vmem>> -> memref<128x144xf32, #tpu.memory_space<vmem>>
        %dma_start3A_184 = arith.constant 0 : i32
        %dma_start3A_185 = tpu.memref_slice %arg8[%dma_start3A_179, %dma_start3A_184] : memref<2x128xi32, #tpu.memory_space<vmem>> -> memref<1x128xi32, #tpu.memory_space<vmem>>
        %dma_start3A_186 = tpu.memref_squeeze %dma_start3A_185 : memref<1x128xi32, #tpu.memory_space<vmem>> -> memref<128xi32, #tpu.memory_space<vmem>>
        %dma_start3A_187 = arith.constant 0 : i32
        %dma_start3A_188 = arith.constant 0 : i32
        %dma_start3A_189 = tpu.memref_slice %arg10[%dma_start3A_187, %dma_start3A_188] : memref<10112x144xf32, #tpu.memory_space<vmem_shared>> -> memref<10112x144xf32, #tpu.memory_space<vmem_shared>>
        tpu.enqueue_indirect_dma source(%dma_start3A_183 : memref<128x144xf32, #tpu.memory_space<vmem>>) target(%dma_start3A_189 : memref<10112x144xf32, #tpu.memory_space<vmem_shared>>) offsets(%dma_start3A_186 : memref<128xi32, #tpu.memory_space<vmem>>) semaphore(%arg14 : memref<!tpu.dma_semaphore, #tpu.memory_space<semaphore_mem>>) {add = true}
        %dma_wait3A_190 = arith.constant 1 : i32
        %dma_wait3A_191 = arith.constant 1 : i32
        %dma_wait3A_192 = arith.constant 0 : i32
        %dma_wait3A_193 = arith.constant 0 : i32
        %dma_wait3A_194 = tpu.memref_slice %arg9[%dma_wait3A_191, %dma_wait3A_192, %dma_wait3A_193] : memref<2x128x144xf32, #tpu.memory_space<vmem>> -> memref<1x128x144xf32, #tpu.memory_space<vmem>>
        %dma_wait3A_195 = tpu.memref_squeeze %dma_wait3A_194 : memref<1x128x144xf32, #tpu.memory_space<vmem>> -> memref<128x144xf32, #tpu.memory_space<vmem>>
        %dma_wait3A_196 = arith.constant 0 : i32
        %dma_wait3A_197 = tpu.memref_slice %arg7[%dma_wait3A_190, %dma_wait3A_196] : memref<2x128xi32, #tpu.memory_space<vmem>> -> memref<1x128xi32, #tpu.memory_space<vmem>>
        %dma_wait3A_198 = tpu.memref_squeeze %dma_wait3A_197 : memref<1x128xi32, #tpu.memory_space<vmem>> -> memref<128xi32, #tpu.memory_space<vmem>>
        %dma_wait3A_199 = arith.constant 0 : i32
        %dma_wait3A_200 = arith.constant 0 : i32
        %dma_wait3A_201 = tpu.memref_slice %arg2[%dma_wait3A_199, %dma_wait3A_200] : memref<10000x144xf32, #tpu.memory_space<hbm>> -> memref<10000x144xf32, #tpu.memory_space<hbm>>
        tpu.wait_indirect_dma semaphore(%arg13 : memref<!tpu.dma_semaphore, #tpu.memory_space<semaphore_mem>>) src(%dma_wait3A_201 : memref<10000x144xf32, #tpu.memory_space<hbm>>) dst(%dma_wait3A_195 : memref<128x144xf32, #tpu.memory_space<vmem>>)
        %dma_start3A_202 = arith.constant 1 : i32
        %dma_start3A_203 = arith.constant 1 : i32
        %dma_start3A_204 = arith.constant 0 : i32
        %dma_start3A_205 = arith.constant 0 : i32
        %dma_start3A_206 = tpu.memref_slice %arg9[%dma_start3A_202, %dma_start3A_204, %dma_start3A_205] : memref<2x128x144xf32, #tpu.memory_space<vmem>> -> memref<1x128x144xf32, #tpu.memory_space<vmem>>
        %dma_start3A_207 = tpu.memref_squeeze %dma_start3A_206 : memref<1x128x144xf32, #tpu.memory_space<vmem>> -> memref<128x144xf32, #tpu.memory_space<vmem>>
        %dma_start3A_208 = arith.constant 0 : i32
        %dma_start3A_209 = tpu.memref_slice %arg8[%dma_start3A_203, %dma_start3A_208] : memref<2x128xi32, #tpu.memory_space<vmem>> -> memref<1x128xi32, #tpu.memory_space<vmem>>
        %dma_start3A_210 = tpu.memref_squeeze %dma_start3A_209 : memref<1x128xi32, #tpu.memory_space<vmem>> -> memref<128xi32, #tpu.memory_space<vmem>>
        %dma_start3A_211 = arith.constant 0 : i32
        %dma_start3A_212 = arith.constant 0 : i32
        %dma_start3A_213 = tpu.memref_slice %arg10[%dma_start3A_211, %dma_start3A_212] : memref<10112x144xf32, #tpu.memory_space<vmem_shared>> -> memref<10112x144xf32, #tpu.memory_space<vmem_shared>>
        tpu.enqueue_indirect_dma source(%dma_start3A_207 : memref<128x144xf32, #tpu.memory_space<vmem>>) target(%dma_start3A_213 : memref<10112x144xf32, #tpu.memory_space<vmem_shared>>) offsets(%dma_start3A_210 : memref<128xi32, #tpu.memory_space<vmem>>) semaphore(%arg14 : memref<!tpu.dma_semaphore, #tpu.memory_space<semaphore_mem>>) {add = true}
        %dma_wait3A_214 = arith.constant 0 : i32
        %dma_wait3A_215 = arith.constant 0 : i32
        %dma_wait3A_216 = arith.constant 0 : i32
        %dma_wait3A_217 = arith.constant 0 : i32
        %dma_wait3A_218 = tpu.memref_slice %arg9[%dma_wait3A_214, %dma_wait3A_216, %dma_wait3A_217] : memref<2x128x144xf32, #tpu.memory_space<vmem>> -> memref<1x128x144xf32, #tpu.memory_space<vmem>>
        %dma_wait3A_219 = tpu.memref_squeeze %dma_wait3A_218 : memref<1x128x144xf32, #tpu.memory_space<vmem>> -> memref<128x144xf32, #tpu.memory_space<vmem>>
        %dma_wait3A_220 = arith.constant 0 : i32
        %dma_wait3A_221 = tpu.memref_slice %arg8[%dma_wait3A_215, %dma_wait3A_220] : memref<2x128xi32, #tpu.memory_space<vmem>> -> memref<1x128xi32, #tpu.memory_space<vmem>>
        %dma_wait3A_222 = tpu.memref_squeeze %dma_wait3A_221 : memref<1x128xi32, #tpu.memory_space<vmem>> -> memref<128xi32, #tpu.memory_space<vmem>>
        %dma_wait3A_223 = arith.constant 0 : i32
        %dma_wait3A_224 = arith.constant 0 : i32
        %dma_wait3A_225 = tpu.memref_slice %arg10[%dma_wait3A_223, %dma_wait3A_224] : memref<10112x144xf32, #tpu.memory_space<vmem_shared>> -> memref<10112x144xf32, #tpu.memory_space<vmem_shared>>
        tpu.wait_indirect_dma semaphore(%arg14 : memref<!tpu.dma_semaphore, #tpu.memory_space<semaphore_mem>>) src(%dma_wait3A_219 : memref<128x144xf32, #tpu.memory_space<vmem>>) dst(%dma_wait3A_225 : memref<10112x144xf32, #tpu.memory_space<vmem_shared>>)
        %dma_wait3A_226 = arith.constant 1 : i32
        %dma_wait3A_227 = arith.constant 1 : i32
        %dma_wait3A_228 = arith.constant 0 : i32
        %dma_wait3A_229 = arith.constant 0 : i32
        %dma_wait3A_230 = tpu.memref_slice %arg9[%dma_wait3A_226, %dma_wait3A_228, %dma_wait3A_229] : memref<2x128x144xf32, #tpu.memory_space<vmem>> -> memref<1x128x144xf32, #tpu.memory_space<vmem>>
        %dma_wait3A_231 = tpu.memref_squeeze %dma_wait3A_230 : memref<1x128x144xf32, #tpu.memory_space<vmem>> -> memref<128x144xf32, #tpu.memory_space<vmem>>
        %dma_wait3A_232 = arith.constant 0 : i32
        %dma_wait3A_233 = tpu.memref_slice %arg8[%dma_wait3A_227, %dma_wait3A_232] : memref<2x128xi32, #tpu.memory_space<vmem>> -> memref<1x128xi32, #tpu.memory_space<vmem>>
        %dma_wait3A_234 = tpu.memref_squeeze %dma_wait3A_233 : memref<1x128xi32, #tpu.memory_space<vmem>> -> memref<128xi32, #tpu.memory_space<vmem>>
        %dma_wait3A_235 = arith.constant 0 : i32
        %dma_wait3A_236 = arith.constant 0 : i32
        %dma_wait3A_237 = tpu.memref_slice %arg10[%dma_wait3A_235, %dma_wait3A_236] : memref<10112x144xf32, #tpu.memory_space<vmem_shared>> -> memref<10112x144xf32, #tpu.memory_space<vmem_shared>>
        tpu.wait_indirect_dma semaphore(%arg14 : memref<!tpu.dma_semaphore, #tpu.memory_space<semaphore_mem>>) src(%dma_wait3A_231 : memref<128x144xf32, #tpu.memory_space<vmem>>) dst(%dma_wait3A_237 : memref<10112x144xf32, #tpu.memory_space<vmem_shared>>)
      }
      %scan3A_23 = arith.constant 59 : i32
    } else {
    }
    %eq3A_3 = arith.constant 1 : i32
    %eq3A_4 = arith.cmpi eq, %arg0, %eq3A_3 : i32
    %convert_element_type3A_5 = arith.extui %eq3A_4 : i1 to i32
    %cond3A_6 = arith.constant 0 : i32
    %cond3A_7 = arith.cmpi ne, %convert_element_type3A_5, %cond3A_6 : i32
    scf.if %cond3A_7 {
      %mul3A_18 = arith.constant 40 : i32
      %mul3A_19 = arith.muli %arg1, %mul3A_18 : i32
      %add3A = arith.constant 1888 : i32
      %add3A_20 = arith.addi %add3A, %mul3A_19 : i32
      %scan3A = arith.constant 0 : i32
      %scan3A_21 = arith.constant 20 : i32
      %scan3A_22 = arith.addi %scan3A, %scan3A_21 : i32
      %scan3A_23 = arith.constant 1 : i32
      scf.for %scan3A_25 = %scan3A to %scan3A_22 step %scan3A_23  : i32 {
        %mul3A_26 = arith.constant 2 : i32
        %mul3A_27 = arith.muli %scan3A_25, %mul3A_26 : i32
        %add3A_28 = arith.constant 0 : i32
        %add3A_29 = arith.addi %add3A_28, %mul3A_27 : i32
        %add3A_30 = arith.addi %add3A_20, %add3A_29 : i32
        %add3A_31 = arith.constant 0 : i32
        %add3A_32 = arith.addi %add3A_30, %add3A_31 : i32
        %dma_start3A = arith.constant 0 : i32
        %dma_start3A_33 = arith.constant 0 : i32
        %dma_start3A_34 = tpu.memref_slice %arg7[%dma_start3A, %dma_start3A_33] : memref<2x128xi32, #tpu.memory_space<vmem>> -> memref<1x128xi32, #tpu.memory_space<vmem>>
        %dma_start3A_35 = tpu.memref_squeeze %dma_start3A_34 : memref<1x128xi32, #tpu.memory_space<vmem>> -> memref<128xi32, #tpu.memory_space<vmem>>
        %dma_start3A_36 = arith.constant 0 : i32
        %dma_start3A_37 = tpu.memref_slice %arg3[%add3A_32, %dma_start3A_36] : memref<2528x128xi32, #tpu.memory_space<hbm>> -> memref<1x128xi32, #tpu.memory_space<hbm>>
        %dma_start3A_38 = tpu.memref_squeeze %dma_start3A_37 : memref<1x128xi32, #tpu.memory_space<hbm>> -> memref<128xi32, #tpu.memory_space<hbm>>
        %dma_start3A_39 = arith.constant 0 : i32
        %dma_start3A_40 = tpu.memref_slice %arg7[%dma_start3A, %dma_start3A_39] : memref<2x128xi32, #tpu.memory_space<vmem>> -> memref<1x128xi32, #tpu.memory_space<vmem>>
        %dma_start3A_41 = tpu.memref_squeeze %dma_start3A_40 : memref<1x128xi32, #tpu.memory_space<vmem>> -> memref<128xi32, #tpu.memory_space<vmem>>
        %dma_start3A_42 = arith.constant 0 : i32
        %dma_start3A_43 = tpu.memref_slice %arg3[%add3A_32, %dma_start3A_42] : memref<2528x128xi32, #tpu.memory_space<hbm>> -> memref<1x128xi32, #tpu.memory_space<hbm>>
        %dma_start3A_44 = tpu.memref_squeeze %dma_start3A_43 : memref<1x128xi32, #tpu.memory_space<hbm>> -> memref<128xi32, #tpu.memory_space<hbm>>
        tpu.enqueue_dma source(%dma_start3A_44 : memref<128xi32, #tpu.memory_space<hbm>>) target(%dma_start3A_41 : memref<128xi32, #tpu.memory_space<vmem>>) target_semaphore(%arg11 : memref<!tpu.dma_semaphore, #tpu.memory_space<semaphore_mem>>)
        %add3A_45 = arith.addi %add3A_20, %add3A_29 : i32
        %add3A_46 = arith.constant 0 : i32
        %add3A_47 = arith.addi %add3A_45, %add3A_46 : i32
        %dma_start3A_48 = arith.constant 0 : i32
        %dma_start3A_49 = arith.constant 0 : i32
        %dma_start3A_50 = tpu.memref_slice %arg8[%dma_start3A_48, %dma_start3A_49] : memref<2x128xi32, #tpu.memory_space<vmem>> -> memref<1x128xi32, #tpu.memory_space<vmem>>
        %dma_start3A_51 = tpu.memref_squeeze %dma_start3A_50 : memref<1x128xi32, #tpu.memory_space<vmem>> -> memref<128xi32, #tpu.memory_space<vmem>>
        %dma_start3A_52 = arith.constant 0 : i32
        %dma_start3A_53 = tpu.memref_slice %arg4[%add3A_47, %dma_start3A_52] : memref<2528x128xi32, #tpu.memory_space<hbm>> -> memref<1x128xi32, #tpu.memory_space<hbm>>
        %dma_start3A_54 = tpu.memref_squeeze %dma_start3A_53 : memref<1x128xi32, #tpu.memory_space<hbm>> -> memref<128xi32, #tpu.memory_space<hbm>>
        %dma_start3A_55 = arith.constant 0 : i32
        %dma_start3A_56 = tpu.memref_slice %arg8[%dma_start3A_48, %dma_start3A_55] : memref<2x128xi32, #tpu.memory_space<vmem>> -> memref<1x128xi32, #tpu.memory_space<vmem>>
        %dma_start3A_57 = tpu.memref_squeeze %dma_start3A_56 : memref<1x128xi32, #tpu.memory_space<vmem>> -> memref<128xi32, #tpu.memory_space<vmem>>
        %dma_start3A_58 = arith.constant 0 : i32
        %dma_start3A_59 = tpu.memref_slice %arg4[%add3A_47, %dma_start3A_58] : memref<2528x128xi32, #tpu.memory_space<hbm>> -> memref<1x128xi32, #tpu.memory_space<hbm>>
        %dma_start3A_60 = tpu.memref_squeeze %dma_start3A_59 : memref<1x128xi32, #tpu.memory_space<hbm>> -> memref<128xi32, #tpu.memory_space<hbm>>
        tpu.enqueue_dma source(%dma_start3A_60 : memref<128xi32, #tpu.memory_space<hbm>>) target(%dma_start3A_57 : memref<128xi32, #tpu.memory_space<vmem>>) target_semaphore(%arg11 : memref<!tpu.dma_semaphore, #tpu.memory_space<semaphore_mem>>)
        %add3A_61 = arith.addi %add3A_20, %add3A_29 : i32
        %add3A_62 = arith.constant 1 : i32
        %add3A_63 = arith.addi %add3A_61, %add3A_62 : i32
        %dma_start3A_64 = arith.constant 1 : i32
        %dma_start3A_65 = arith.constant 0 : i32
        %dma_start3A_66 = tpu.memref_slice %arg7[%dma_start3A_64, %dma_start3A_65] : memref<2x128xi32, #tpu.memory_space<vmem>> -> memref<1x128xi32, #tpu.memory_space<vmem>>
        %dma_start3A_67 = tpu.memref_squeeze %dma_start3A_66 : memref<1x128xi32, #tpu.memory_space<vmem>> -> memref<128xi32, #tpu.memory_space<vmem>>
        %dma_start3A_68 = arith.constant 0 : i32
        %dma_start3A_69 = tpu.memref_slice %arg3[%add3A_63, %dma_start3A_68] : memref<2528x128xi32, #tpu.memory_space<hbm>> -> memref<1x128xi32, #tpu.memory_space<hbm>>
        %dma_start3A_70 = tpu.memref_squeeze %dma_start3A_69 : memref<1x128xi32, #tpu.memory_space<hbm>> -> memref<128xi32, #tpu.memory_space<hbm>>
        %dma_start3A_71 = arith.constant 0 : i32
        %dma_start3A_72 = tpu.memref_slice %arg7[%dma_start3A_64, %dma_start3A_71] : memref<2x128xi32, #tpu.memory_space<vmem>> -> memref<1x128xi32, #tpu.memory_space<vmem>>
        %dma_start3A_73 = tpu.memref_squeeze %dma_start3A_72 : memref<1x128xi32, #tpu.memory_space<vmem>> -> memref<128xi32, #tpu.memory_space<vmem>>
        %dma_start3A_74 = arith.constant 0 : i32
        %dma_start3A_75 = tpu.memref_slice %arg3[%add3A_63, %dma_start3A_74] : memref<2528x128xi32, #tpu.memory_space<hbm>> -> memref<1x128xi32, #tpu.memory_space<hbm>>
        %dma_start3A_76 = tpu.memref_squeeze %dma_start3A_75 : memref<1x128xi32, #tpu.memory_space<hbm>> -> memref<128xi32, #tpu.memory_space<hbm>>
        tpu.enqueue_dma source(%dma_start3A_76 : memref<128xi32, #tpu.memory_space<hbm>>) target(%dma_start3A_73 : memref<128xi32, #tpu.memory_space<vmem>>) target_semaphore(%arg11 : memref<!tpu.dma_semaphore, #tpu.memory_space<semaphore_mem>>)
        %add3A_77 = arith.addi %add3A_20, %add3A_29 : i32
        %add3A_78 = arith.constant 1 : i32
        %add3A_79 = arith.addi %add3A_77, %add3A_78 : i32
        %dma_start3A_80 = arith.constant 1 : i32
        %dma_start3A_81 = arith.constant 0 : i32
        %dma_start3A_82 = tpu.memref_slice %arg8[%dma_start3A_80, %dma_start3A_81] : memref<2x128xi32, #tpu.memory_space<vmem>> -> memref<1x128xi32, #tpu.memory_space<vmem>>
        %dma_start3A_83 = tpu.memref_squeeze %dma_start3A_82 : memref<1x128xi32, #tpu.memory_space<vmem>> -> memref<128xi32, #tpu.memory_space<vmem>>
        %dma_start3A_84 = arith.constant 0 : i32
        %dma_start3A_85 = tpu.memref_slice %arg4[%add3A_79, %dma_start3A_84] : memref<2528x128xi32, #tpu.memory_space<hbm>> -> memref<1x128xi32, #tpu.memory_space<hbm>>
        %dma_start3A_86 = tpu.memref_squeeze %dma_start3A_85 : memref<1x128xi32, #tpu.memory_space<hbm>> -> memref<128xi32, #tpu.memory_space<hbm>>
        %dma_start3A_87 = arith.constant 0 : i32
        %dma_start3A_88 = tpu.memref_slice %arg8[%dma_start3A_80, %dma_start3A_87] : memref<2x128xi32, #tpu.memory_space<vmem>> -> memref<1x128xi32, #tpu.memory_space<vmem>>
        %dma_start3A_89 = tpu.memref_squeeze %dma_start3A_88 : memref<1x128xi32, #tpu.memory_space<vmem>> -> memref<128xi32, #tpu.memory_space<vmem>>
        %dma_start3A_90 = arith.constant 0 : i32
        %dma_start3A_91 = tpu.memref_slice %arg4[%add3A_79, %dma_start3A_90] : memref<2528x128xi32, #tpu.memory_space<hbm>> -> memref<1x128xi32, #tpu.memory_space<hbm>>
        %dma_start3A_92 = tpu.memref_squeeze %dma_start3A_91 : memref<1x128xi32, #tpu.memory_space<hbm>> -> memref<128xi32, #tpu.memory_space<hbm>>
        tpu.enqueue_dma source(%dma_start3A_92 : memref<128xi32, #tpu.memory_space<hbm>>) target(%dma_start3A_89 : memref<128xi32, #tpu.memory_space<vmem>>) target_semaphore(%arg11 : memref<!tpu.dma_semaphore, #tpu.memory_space<semaphore_mem>>)
        %dma_wait3A = arith.constant 0 : i32
        %dma_wait3A_93 = arith.constant 0 : i32
        %dma_wait3A_94 = tpu.memref_slice %arg7[%dma_wait3A, %dma_wait3A_93] : memref<2x128xi32, #tpu.memory_space<vmem>> -> memref<1x128xi32, #tpu.memory_space<vmem>>
        %dma_wait3A_95 = tpu.memref_squeeze %dma_wait3A_94 : memref<1x128xi32, #tpu.memory_space<vmem>> -> memref<128xi32, #tpu.memory_space<vmem>>
        %dma_wait3A_96 = arith.constant 0 : i32
        %dma_wait3A_97 = tpu.memref_slice %arg3[%add3A_32, %dma_wait3A_96] : memref<2528x128xi32, #tpu.memory_space<hbm>> -> memref<1x128xi32, #tpu.memory_space<hbm>>
        %dma_wait3A_98 = tpu.memref_squeeze %dma_wait3A_97 : memref<1x128xi32, #tpu.memory_space<hbm>> -> memref<128xi32, #tpu.memory_space<hbm>>
        %dma_wait3A_99 = arith.constant 0 : i32
        %dma_wait3A_100 = tpu.memref_slice %arg7[%dma_wait3A, %dma_wait3A_99] : memref<2x128xi32, #tpu.memory_space<vmem>> -> memref<1x128xi32, #tpu.memory_space<vmem>>
        %dma_wait3A_101 = tpu.memref_squeeze %dma_wait3A_100 : memref<1x128xi32, #tpu.memory_space<vmem>> -> memref<128xi32, #tpu.memory_space<vmem>>
        %dma_wait3A_102 = arith.constant 0 : i32
        %dma_wait3A_103 = tpu.memref_slice %arg3[%add3A_32, %dma_wait3A_102] : memref<2528x128xi32, #tpu.memory_space<hbm>> -> memref<1x128xi32, #tpu.memory_space<hbm>>
        %dma_wait3A_104 = tpu.memref_squeeze %dma_wait3A_103 : memref<1x128xi32, #tpu.memory_space<hbm>> -> memref<128xi32, #tpu.memory_space<hbm>>
        tpu.wait_dma2 semaphore(%arg11 : memref<!tpu.dma_semaphore, #tpu.memory_space<semaphore_mem>>) src(%dma_wait3A_104 : memref<128xi32, #tpu.memory_space<hbm>>) dst(%dma_wait3A_101 : memref<128xi32, #tpu.memory_space<vmem>>)
        %dma_wait3A_105 = arith.constant 0 : i32
        %dma_wait3A_106 = arith.constant 0 : i32
        %dma_wait3A_107 = tpu.memref_slice %arg8[%dma_wait3A_105, %dma_wait3A_106] : memref<2x128xi32, #tpu.memory_space<vmem>> -> memref<1x128xi32, #tpu.memory_space<vmem>>
        %dma_wait3A_108 = tpu.memref_squeeze %dma_wait3A_107 : memref<1x128xi32, #tpu.memory_space<vmem>> -> memref<128xi32, #tpu.memory_space<vmem>>
        %dma_wait3A_109 = arith.constant 0 : i32
        %dma_wait3A_110 = tpu.memref_slice %arg4[%add3A_47, %dma_wait3A_109] : memref<2528x128xi32, #tpu.memory_space<hbm>> -> memref<1x128xi32, #tpu.memory_space<hbm>>
        %dma_wait3A_111 = tpu.memref_squeeze %dma_wait3A_110 : memref<1x128xi32, #tpu.memory_space<hbm>> -> memref<128xi32, #tpu.memory_space<hbm>>
        %dma_wait3A_112 = arith.constant 0 : i32
        %dma_wait3A_113 = tpu.memref_slice %arg8[%dma_wait3A_105, %dma_wait3A_112] : memref<2x128xi32, #tpu.memory_space<vmem>> -> memref<1x128xi32, #tpu.memory_space<vmem>>
        %dma_wait3A_114 = tpu.memref_squeeze %dma_wait3A_113 : memref<1x128xi32, #tpu.memory_space<vmem>> -> memref<128xi32, #tpu.memory_space<vmem>>
        %dma_wait3A_115 = arith.constant 0 : i32
        %dma_wait3A_116 = tpu.memref_slice %arg4[%add3A_47, %dma_wait3A_115] : memref<2528x128xi32, #tpu.memory_space<hbm>> -> memref<1x128xi32, #tpu.memory_space<hbm>>
        %dma_wait3A_117 = tpu.memref_squeeze %dma_wait3A_116 : memref<1x128xi32, #tpu.memory_space<hbm>> -> memref<128xi32, #tpu.memory_space<hbm>>
        tpu.wait_dma2 semaphore(%arg11 : memref<!tpu.dma_semaphore, #tpu.memory_space<semaphore_mem>>) src(%dma_wait3A_117 : memref<128xi32, #tpu.memory_space<hbm>>) dst(%dma_wait3A_114 : memref<128xi32, #tpu.memory_space<vmem>>)
        %dma_wait3A_118 = arith.constant 1 : i32
        %dma_wait3A_119 = arith.constant 0 : i32
        %dma_wait3A_120 = tpu.memref_slice %arg7[%dma_wait3A_118, %dma_wait3A_119] : memref<2x128xi32, #tpu.memory_space<vmem>> -> memref<1x128xi32, #tpu.memory_space<vmem>>
        %dma_wait3A_121 = tpu.memref_squeeze %dma_wait3A_120 : memref<1x128xi32, #tpu.memory_space<vmem>> -> memref<128xi32, #tpu.memory_space<vmem>>
        %dma_wait3A_122 = arith.constant 0 : i32
        %dma_wait3A_123 = tpu.memref_slice %arg3[%add3A_63, %dma_wait3A_122] : memref<2528x128xi32, #tpu.memory_space<hbm>> -> memref<1x128xi32, #tpu.memory_space<hbm>>
        %dma_wait3A_124 = tpu.memref_squeeze %dma_wait3A_123 : memref<1x128xi32, #tpu.memory_space<hbm>> -> memref<128xi32, #tpu.memory_space<hbm>>
        %dma_wait3A_125 = arith.constant 0 : i32
        %dma_wait3A_126 = tpu.memref_slice %arg7[%dma_wait3A_118, %dma_wait3A_125] : memref<2x128xi32, #tpu.memory_space<vmem>> -> memref<1x128xi32, #tpu.memory_space<vmem>>
        %dma_wait3A_127 = tpu.memref_squeeze %dma_wait3A_126 : memref<1x128xi32, #tpu.memory_space<vmem>> -> memref<128xi32, #tpu.memory_space<vmem>>
        %dma_wait3A_128 = arith.constant 0 : i32
        %dma_wait3A_129 = tpu.memref_slice %arg3[%add3A_63, %dma_wait3A_128] : memref<2528x128xi32, #tpu.memory_space<hbm>> -> memref<1x128xi32, #tpu.memory_space<hbm>>
        %dma_wait3A_130 = tpu.memref_squeeze %dma_wait3A_129 : memref<1x128xi32, #tpu.memory_space<hbm>> -> memref<128xi32, #tpu.memory_space<hbm>>
        tpu.wait_dma2 semaphore(%arg11 : memref<!tpu.dma_semaphore, #tpu.memory_space<semaphore_mem>>) src(%dma_wait3A_130 : memref<128xi32, #tpu.memory_space<hbm>>) dst(%dma_wait3A_127 : memref<128xi32, #tpu.memory_space<vmem>>)
        %dma_wait3A_131 = arith.constant 1 : i32
        %dma_wait3A_132 = arith.constant 0 : i32
        %dma_wait3A_133 = tpu.memref_slice %arg8[%dma_wait3A_131, %dma_wait3A_132] : memref<2x128xi32, #tpu.memory_space<vmem>> -> memref<1x128xi32, #tpu.memory_space<vmem>>
        %dma_wait3A_134 = tpu.memref_squeeze %dma_wait3A_133 : memref<1x128xi32, #tpu.memory_space<vmem>> -> memref<128xi32, #tpu.memory_space<vmem>>
        %dma_wait3A_135 = arith.constant 0 : i32
        %dma_wait3A_136 = tpu.memref_slice %arg4[%add3A_79, %dma_wait3A_135] : memref<2528x128xi32, #tpu.memory_space<hbm>> -> memref<1x128xi32, #tpu.memory_space<hbm>>
        %dma_wait3A_137 = tpu.memref_squeeze %dma_wait3A_136 : memref<1x128xi32, #tpu.memory_space<hbm>> -> memref<128xi32, #tpu.memory_space<hbm>>
        %dma_wait3A_138 = arith.constant 0 : i32
        %dma_wait3A_139 = tpu.memref_slice %arg8[%dma_wait3A_131, %dma_wait3A_138] : memref<2x128xi32, #tpu.memory_space<vmem>> -> memref<1x128xi32, #tpu.memory_space<vmem>>
        %dma_wait3A_140 = tpu.memref_squeeze %dma_wait3A_139 : memref<1x128xi32, #tpu.memory_space<vmem>> -> memref<128xi32, #tpu.memory_space<vmem>>
        %dma_wait3A_141 = arith.constant 0 : i32
        %dma_wait3A_142 = tpu.memref_slice %arg4[%add3A_79, %dma_wait3A_141] : memref<2528x128xi32, #tpu.memory_space<hbm>> -> memref<1x128xi32, #tpu.memory_space<hbm>>
        %dma_wait3A_143 = tpu.memref_squeeze %dma_wait3A_142 : memref<1x128xi32, #tpu.memory_space<hbm>> -> memref<128xi32, #tpu.memory_space<hbm>>
        tpu.wait_dma2 semaphore(%arg11 : memref<!tpu.dma_semaphore, #tpu.memory_space<semaphore_mem>>) src(%dma_wait3A_143 : memref<128xi32, #tpu.memory_space<hbm>>) dst(%dma_wait3A_140 : memref<128xi32, #tpu.memory_space<vmem>>)
        %dma_start3A_144 = arith.constant 0 : i32
        %dma_start3A_145 = arith.constant 0 : i32
        %dma_start3A_146 = arith.constant 0 : i32
        %dma_start3A_147 = arith.constant 0 : i32
        %dma_start3A_148 = tpu.memref_slice %arg9[%dma_start3A_145, %dma_start3A_146, %dma_start3A_147] : memref<2x128x144xf32, #tpu.memory_space<vmem>> -> memref<1x128x144xf32, #tpu.memory_space<vmem>>
        %dma_start3A_149 = tpu.memref_squeeze %dma_start3A_148 : memref<1x128x144xf32, #tpu.memory_space<vmem>> -> memref<128x144xf32, #tpu.memory_space<vmem>>
        %dma_start3A_150 = arith.constant 0 : i32
        %dma_start3A_151 = tpu.memref_slice %arg7[%dma_start3A_144, %dma_start3A_150] : memref<2x128xi32, #tpu.memory_space<vmem>> -> memref<1x128xi32, #tpu.memory_space<vmem>>
        %dma_start3A_152 = tpu.memref_squeeze %dma_start3A_151 : memref<1x128xi32, #tpu.memory_space<vmem>> -> memref<128xi32, #tpu.memory_space<vmem>>
        %dma_start3A_153 = arith.constant 0 : i32
        %dma_start3A_154 = arith.constant 0 : i32
        %dma_start3A_155 = tpu.memref_slice %arg2[%dma_start3A_153, %dma_start3A_154] : memref<10000x144xf32, #tpu.memory_space<hbm>> -> memref<10000x144xf32, #tpu.memory_space<hbm>>
        tpu.enqueue_indirect_dma source(%dma_start3A_155 : memref<10000x144xf32, #tpu.memory_space<hbm>>) target(%dma_start3A_149 : memref<128x144xf32, #tpu.memory_space<vmem>>) offsets(%dma_start3A_152 : memref<128xi32, #tpu.memory_space<vmem>>) semaphore(%arg12 : memref<!tpu.dma_semaphore, #tpu.memory_space<semaphore_mem>>)
        %dma_start3A_156 = arith.constant 1 : i32
        %dma_start3A_157 = arith.constant 1 : i32
        %dma_start3A_158 = arith.constant 0 : i32
        %dma_start3A_159 = arith.constant 0 : i32
        %dma_start3A_160 = tpu.memref_slice %arg9[%dma_start3A_157, %dma_start3A_158, %dma_start3A_159] : memref<2x128x144xf32, #tpu.memory_space<vmem>> -> memref<1x128x144xf32, #tpu.memory_space<vmem>>
        %dma_start3A_161 = tpu.memref_squeeze %dma_start3A_160 : memref<1x128x144xf32, #tpu.memory_space<vmem>> -> memref<128x144xf32, #tpu.memory_space<vmem>>
        %dma_start3A_162 = arith.constant 0 : i32
        %dma_start3A_163 = tpu.memref_slice %arg7[%dma_start3A_156, %dma_start3A_162] : memref<2x128xi32, #tpu.memory_space<vmem>> -> memref<1x128xi32, #tpu.memory_space<vmem>>
        %dma_start3A_164 = tpu.memref_squeeze %dma_start3A_163 : memref<1x128xi32, #tpu.memory_space<vmem>> -> memref<128xi32, #tpu.memory_space<vmem>>
        %dma_start3A_165 = arith.constant 0 : i32
        %dma_start3A_166 = arith.constant 0 : i32
        %dma_start3A_167 = tpu.memref_slice %arg2[%dma_start3A_165, %dma_start3A_166] : memref<10000x144xf32, #tpu.memory_space<hbm>> -> memref<10000x144xf32, #tpu.memory_space<hbm>>
        tpu.enqueue_indirect_dma source(%dma_start3A_167 : memref<10000x144xf32, #tpu.memory_space<hbm>>) target(%dma_start3A_161 : memref<128x144xf32, #tpu.memory_space<vmem>>) offsets(%dma_start3A_164 : memref<128xi32, #tpu.memory_space<vmem>>) semaphore(%arg13 : memref<!tpu.dma_semaphore, #tpu.memory_space<semaphore_mem>>)
        %dma_wait3A_168 = arith.constant 0 : i32
        %dma_wait3A_169 = arith.constant 0 : i32
        %dma_wait3A_170 = arith.constant 0 : i32
        %dma_wait3A_171 = arith.constant 0 : i32
        %dma_wait3A_172 = tpu.memref_slice %arg9[%dma_wait3A_169, %dma_wait3A_170, %dma_wait3A_171] : memref<2x128x144xf32, #tpu.memory_space<vmem>> -> memref<1x128x144xf32, #tpu.memory_space<vmem>>
        %dma_wait3A_173 = tpu.memref_squeeze %dma_wait3A_172 : memref<1x128x144xf32, #tpu.memory_space<vmem>> -> memref<128x144xf32, #tpu.memory_space<vmem>>
        %dma_wait3A_174 = arith.constant 0 : i32
        %dma_wait3A_175 = tpu.memref_slice %arg7[%dma_wait3A_168, %dma_wait3A_174] : memref<2x128xi32, #tpu.memory_space<vmem>> -> memref<1x128xi32, #tpu.memory_space<vmem>>
        %dma_wait3A_176 = tpu.memref_squeeze %dma_wait3A_175 : memref<1x128xi32, #tpu.memory_space<vmem>> -> memref<128xi32, #tpu.memory_space<vmem>>
        %dma_wait3A_177 = arith.constant 0 : i32
        %dma_wait3A_178 = arith.constant 0 : i32
        %dma_wait3A_179 = tpu.memref_slice %arg2[%dma_wait3A_177, %dma_wait3A_178] : memref<10000x144xf32, #tpu.memory_space<hbm>> -> memref<10000x144xf32, #tpu.memory_space<hbm>>
        tpu.wait_indirect_dma semaphore(%arg12 : memref<!tpu.dma_semaphore, #tpu.memory_space<semaphore_mem>>) src(%dma_wait3A_179 : memref<10000x144xf32, #tpu.memory_space<hbm>>) dst(%dma_wait3A_173 : memref<128x144xf32, #tpu.memory_space<vmem>>)
        %dma_start3A_180 = arith.constant 0 : i32
        %dma_start3A_181 = arith.constant 0 : i32
        %dma_start3A_182 = arith.constant 0 : i32
        %dma_start3A_183 = arith.constant 0 : i32
        %dma_start3A_184 = tpu.memref_slice %arg9[%dma_start3A_180, %dma_start3A_182, %dma_start3A_183] : memref<2x128x144xf32, #tpu.memory_space<vmem>> -> memref<1x128x144xf32, #tpu.memory_space<vmem>>
        %dma_start3A_185 = tpu.memref_squeeze %dma_start3A_184 : memref<1x128x144xf32, #tpu.memory_space<vmem>> -> memref<128x144xf32, #tpu.memory_space<vmem>>
        %dma_start3A_186 = arith.constant 0 : i32
        %dma_start3A_187 = tpu.memref_slice %arg8[%dma_start3A_181, %dma_start3A_186] : memref<2x128xi32, #tpu.memory_space<vmem>> -> memref<1x128xi32, #tpu.memory_space<vmem>>
        %dma_start3A_188 = tpu.memref_squeeze %dma_start3A_187 : memref<1x128xi32, #tpu.memory_space<vmem>> -> memref<128xi32, #tpu.memory_space<vmem>>
        %dma_start3A_189 = arith.constant 0 : i32
        %dma_start3A_190 = arith.constant 0 : i32
        %dma_start3A_191 = tpu.memref_slice %arg10[%dma_start3A_189, %dma_start3A_190] : memref<10112x144xf32, #tpu.memory_space<vmem_shared>> -> memref<10112x144xf32, #tpu.memory_space<vmem_shared>>
        tpu.enqueue_indirect_dma source(%dma_start3A_185 : memref<128x144xf32, #tpu.memory_space<vmem>>) target(%dma_start3A_191 : memref<10112x144xf32, #tpu.memory_space<vmem_shared>>) offsets(%dma_start3A_188 : memref<128xi32, #tpu.memory_space<vmem>>) semaphore(%arg14 : memref<!tpu.dma_semaphore, #tpu.memory_space<semaphore_mem>>) {add = true}
        %dma_wait3A_192 = arith.constant 1 : i32
        %dma_wait3A_193 = arith.constant 1 : i32
        %dma_wait3A_194 = arith.constant 0 : i32
        %dma_wait3A_195 = arith.constant 0 : i32
        %dma_wait3A_196 = tpu.memref_slice %arg9[%dma_wait3A_193, %dma_wait3A_194, %dma_wait3A_195] : memref<2x128x144xf32, #tpu.memory_space<vmem>> -> memref<1x128x144xf32, #tpu.memory_space<vmem>>
        %dma_wait3A_197 = tpu.memref_squeeze %dma_wait3A_196 : memref<1x128x144xf32, #tpu.memory_space<vmem>> -> memref<128x144xf32, #tpu.memory_space<vmem>>
        %dma_wait3A_198 = arith.constant 0 : i32
        %dma_wait3A_199 = tpu.memref_slice %arg7[%dma_wait3A_192, %dma_wait3A_198] : memref<2x128xi32, #tpu.memory_space<vmem>> -> memref<1x128xi32, #tpu.memory_space<vmem>>
        %dma_wait3A_200 = tpu.memref_squeeze %dma_wait3A_199 : memref<1x128xi32, #tpu.memory_space<vmem>> -> memref<128xi32, #tpu.memory_space<vmem>>
        %dma_wait3A_201 = arith.constant 0 : i32
        %dma_wait3A_202 = arith.constant 0 : i32
        %dma_wait3A_203 = tpu.memref_slice %arg2[%dma_wait3A_201, %dma_wait3A_202] : memref<10000x144xf32, #tpu.memory_space<hbm>> -> memref<10000x144xf32, #tpu.memory_space<hbm>>
        tpu.wait_indirect_dma semaphore(%arg13 : memref<!tpu.dma_semaphore, #tpu.memory_space<semaphore_mem>>) src(%dma_wait3A_203 : memref<10000x144xf32, #tpu.memory_space<hbm>>) dst(%dma_wait3A_197 : memref<128x144xf32, #tpu.memory_space<vmem>>)
        %dma_start3A_204 = arith.constant 1 : i32
        %dma_start3A_205 = arith.constant 1 : i32
        %dma_start3A_206 = arith.constant 0 : i32
        %dma_start3A_207 = arith.constant 0 : i32
        %dma_start3A_208 = tpu.memref_slice %arg9[%dma_start3A_204, %dma_start3A_206, %dma_start3A_207] : memref<2x128x144xf32, #tpu.memory_space<vmem>> -> memref<1x128x144xf32, #tpu.memory_space<vmem>>
        %dma_start3A_209 = tpu.memref_squeeze %dma_start3A_208 : memref<1x128x144xf32, #tpu.memory_space<vmem>> -> memref<128x144xf32, #tpu.memory_space<vmem>>
        %dma_start3A_210 = arith.constant 0 : i32
        %dma_start3A_211 = tpu.memref_slice %arg8[%dma_start3A_205, %dma_start3A_210] : memref<2x128xi32, #tpu.memory_space<vmem>> -> memref<1x128xi32, #tpu.memory_space<vmem>>
        %dma_start3A_212 = tpu.memref_squeeze %dma_start3A_211 : memref<1x128xi32, #tpu.memory_space<vmem>> -> memref<128xi32, #tpu.memory_space<vmem>>
        %dma_start3A_213 = arith.constant 0 : i32
        %dma_start3A_214 = arith.constant 0 : i32
        %dma_start3A_215 = tpu.memref_slice %arg10[%dma_start3A_213, %dma_start3A_214] : memref<10112x144xf32, #tpu.memory_space<vmem_shared>> -> memref<10112x144xf32, #tpu.memory_space<vmem_shared>>
        tpu.enqueue_indirect_dma source(%dma_start3A_209 : memref<128x144xf32, #tpu.memory_space<vmem>>) target(%dma_start3A_215 : memref<10112x144xf32, #tpu.memory_space<vmem_shared>>) offsets(%dma_start3A_212 : memref<128xi32, #tpu.memory_space<vmem>>) semaphore(%arg14 : memref<!tpu.dma_semaphore, #tpu.memory_space<semaphore_mem>>) {add = true}
        %dma_wait3A_216 = arith.constant 0 : i32
        %dma_wait3A_217 = arith.constant 0 : i32
        %dma_wait3A_218 = arith.constant 0 : i32
        %dma_wait3A_219 = arith.constant 0 : i32
        %dma_wait3A_220 = tpu.memref_slice %arg9[%dma_wait3A_216, %dma_wait3A_218, %dma_wait3A_219] : memref<2x128x144xf32, #tpu.memory_space<vmem>> -> memref<1x128x144xf32, #tpu.memory_space<vmem>>
        %dma_wait3A_221 = tpu.memref_squeeze %dma_wait3A_220 : memref<1x128x144xf32, #tpu.memory_space<vmem>> -> memref<128x144xf32, #tpu.memory_space<vmem>>
        %dma_wait3A_222 = arith.constant 0 : i32
        %dma_wait3A_223 = tpu.memref_slice %arg8[%dma_wait3A_217, %dma_wait3A_222] : memref<2x128xi32, #tpu.memory_space<vmem>> -> memref<1x128xi32, #tpu.memory_space<vmem>>
        %dma_wait3A_224 = tpu.memref_squeeze %dma_wait3A_223 : memref<1x128xi32, #tpu.memory_space<vmem>> -> memref<128xi32, #tpu.memory_space<vmem>>
        %dma_wait3A_225 = arith.constant 0 : i32
        %dma_wait3A_226 = arith.constant 0 : i32
        %dma_wait3A_227 = tpu.memref_slice %arg10[%dma_wait3A_225, %dma_wait3A_226] : memref<10112x144xf32, #tpu.memory_space<vmem_shared>> -> memref<10112x144xf32, #tpu.memory_space<vmem_shared>>
        tpu.wait_indirect_dma semaphore(%arg14 : memref<!tpu.dma_semaphore, #tpu.memory_space<semaphore_mem>>) src(%dma_wait3A_221 : memref<128x144xf32, #tpu.memory_space<vmem>>) dst(%dma_wait3A_227 : memref<10112x144xf32, #tpu.memory_space<vmem_shared>>)
        %dma_wait3A_228 = arith.constant 1 : i32
        %dma_wait3A_229 = arith.constant 1 : i32
        %dma_wait3A_230 = arith.constant 0 : i32
        %dma_wait3A_231 = arith.constant 0 : i32
        %dma_wait3A_232 = tpu.memref_slice %arg9[%dma_wait3A_228, %dma_wait3A_230, %dma_wait3A_231] : memref<2x128x144xf32, #tpu.memory_space<vmem>> -> memref<1x128x144xf32, #tpu.memory_space<vmem>>
        %dma_wait3A_233 = tpu.memref_squeeze %dma_wait3A_232 : memref<1x128x144xf32, #tpu.memory_space<vmem>> -> memref<128x144xf32, #tpu.memory_space<vmem>>
        %dma_wait3A_234 = arith.constant 0 : i32
        %dma_wait3A_235 = tpu.memref_slice %arg8[%dma_wait3A_229, %dma_wait3A_234] : memref<2x128xi32, #tpu.memory_space<vmem>> -> memref<1x128xi32, #tpu.memory_space<vmem>>
        %dma_wait3A_236 = tpu.memref_squeeze %dma_wait3A_235 : memref<1x128xi32, #tpu.memory_space<vmem>> -> memref<128xi32, #tpu.memory_space<vmem>>
        %dma_wait3A_237 = arith.constant 0 : i32
        %dma_wait3A_238 = arith.constant 0 : i32
        %dma_wait3A_239 = tpu.memref_slice %arg10[%dma_wait3A_237, %dma_wait3A_238] : memref<10112x144xf32, #tpu.memory_space<vmem_shared>> -> memref<10112x144xf32, #tpu.memory_space<vmem_shared>>
        tpu.wait_indirect_dma semaphore(%arg14 : memref<!tpu.dma_semaphore, #tpu.memory_space<semaphore_mem>>) src(%dma_wait3A_233 : memref<128x144xf32, #tpu.memory_space<vmem>>) dst(%dma_wait3A_239 : memref<10112x144xf32, #tpu.memory_space<vmem_shared>>)
      }
      %scan3A_24 = arith.constant 20 : i32
    } else {
    }
    %barrier3A_8 = arith.constant 0 : index
    tpu.barrier barrier_id(%barrier3A_8)
    %lt3A = arith.constant 15 : i32
    %lt3A_9 = arith.cmpi slt, %arg1, %lt3A : i32
    %convert_element_type3A_10 = arith.extui %lt3A_9 : i1 to i32
    %cond3A_11 = arith.constant 0 : i32
    %cond3A_12 = arith.cmpi ne, %convert_element_type3A_10, %cond3A_11 : i32
    scf.if %cond3A_12 {
      %mul3A_18 = arith.constant 632 : i32
      %mul3A_19 = arith.muli %arg1, %mul3A_18 : i32
      %mul3A_20 = arith.constant 632 : i32
      %mul3A_21 = arith.muli %arg1, %mul3A_20 : i32
      "tpu.region"() ({
        %run_scoped3A = tpu.sem_alloc : memref<!tpu.dma_semaphore, #tpu.memory_space<semaphore_mem>>
        %dma_start3A = arith.constant 0 : i32
        %dma_start3A_22 = tpu.memref_slice %arg6[%arg0, %mul3A_21, %dma_start3A] : memref<2x10000x144xf32, #tpu.memory_space<hbm>> -> memref<1x632x144xf32, #tpu.memory_space<hbm>>
        %dma_start3A_23 = tpu.memref_squeeze %dma_start3A_22 : memref<1x632x144xf32, #tpu.memory_space<hbm>> -> memref<632x144xf32, #tpu.memory_space<hbm>>
        %dma_start3A_24 = arith.constant 0 : i32
        %dma_start3A_25 = tpu.memref_slice %arg10[%mul3A_19, %dma_start3A_24] : memref<10112x144xf32, #tpu.memory_space<vmem_shared>> -> memref<632x144xf32, #tpu.memory_space<vmem_shared>>
        tpu.enqueue_dma source(%dma_start3A_25 : memref<632x144xf32, #tpu.memory_space<vmem_shared>>) target(%dma_start3A_23 : memref<632x144xf32, #tpu.memory_space<hbm>>) target_semaphore(%run_scoped3A : memref<!tpu.dma_semaphore, #tpu.memory_space<semaphore_mem>>)
        %dma_wait3A = arith.constant 0 : i32
        %dma_wait3A_26 = tpu.memref_slice %arg6[%arg0, %mul3A_21, %dma_wait3A] : memref<2x10000x144xf32, #tpu.memory_space<hbm>> -> memref<1x632x144xf32, #tpu.memory_space<hbm>>
        %dma_wait3A_27 = tpu.memref_squeeze %dma_wait3A_26 : memref<1x632x144xf32, #tpu.memory_space<hbm>> -> memref<632x144xf32, #tpu.memory_space<hbm>>
        %dma_wait3A_28 = arith.constant 0 : i32
        %dma_wait3A_29 = tpu.memref_slice %arg10[%mul3A_19, %dma_wait3A_28] : memref<10112x144xf32, #tpu.memory_space<vmem_shared>> -> memref<632x144xf32, #tpu.memory_space<vmem_shared>>
        tpu.wait_dma2 semaphore(%run_scoped3A : memref<!tpu.dma_semaphore, #tpu.memory_space<semaphore_mem>>) src(%dma_wait3A_29 : memref<632x144xf32, #tpu.memory_space<vmem_shared>>) dst(%dma_wait3A_27 : memref<632x144xf32, #tpu.memory_space<hbm>>)
        tpu.yield
      }) : () -> ()
    } else {
    }
    %eq3A_13 = arith.constant 15 : i32
    %eq3A_14 = arith.cmpi eq, %arg1, %eq3A_13 : i32
    %convert_element_type3A_15 = arith.extui %eq3A_14 : i1 to i32
    %cond3A_16 = arith.constant 0 : i32
    %cond3A_17 = arith.cmpi ne, %convert_element_type3A_15, %cond3A_16 : i32
    scf.if %cond3A_17 {
      "tpu.region"() ({
        %run_scoped3A = tpu.sem_alloc : memref<!tpu.dma_semaphore, #tpu.memory_space<semaphore_mem>>
        %dma_start3A = arith.constant 9480 : i32
        %dma_start3A_18 = arith.constant 0 : i32
        %dma_start3A_19 = tpu.memref_slice %arg6[%arg0, %dma_start3A, %dma_start3A_18] : memref<2x10000x144xf32, #tpu.memory_space<hbm>> -> memref<1x520x144xf32, #tpu.memory_space<hbm>>
        %dma_start3A_20 = tpu.memref_squeeze %dma_start3A_19 : memref<1x520x144xf32, #tpu.memory_space<hbm>> -> memref<520x144xf32, #tpu.memory_space<hbm>>
        %dma_start3A_21 = arith.constant 9480 : i32
        %dma_start3A_22 = arith.constant 0 : i32
        %dma_start3A_23 = tpu.memref_slice %arg10[%dma_start3A_21, %dma_start3A_22] : memref<10112x144xf32, #tpu.memory_space<vmem_shared>> -> memref<520x144xf32, #tpu.memory_space<vmem_shared>>
        tpu.enqueue_dma source(%dma_start3A_23 : memref<520x144xf32, #tpu.memory_space<vmem_shared>>) target(%dma_start3A_20 : memref<520x144xf32, #tpu.memory_space<hbm>>) target_semaphore(%run_scoped3A : memref<!tpu.dma_semaphore, #tpu.memory_space<semaphore_mem>>)
        %dma_wait3A = arith.constant 9480 : i32
        %dma_wait3A_24 = arith.constant 0 : i32
        %dma_wait3A_25 = tpu.memref_slice %arg6[%arg0, %dma_wait3A, %dma_wait3A_24] : memref<2x10000x144xf32, #tpu.memory_space<hbm>> -> memref<1x520x144xf32, #tpu.memory_space<hbm>>
        %dma_wait3A_26 = tpu.memref_squeeze %dma_wait3A_25 : memref<1x520x144xf32, #tpu.memory_space<hbm>> -> memref<520x144xf32, #tpu.memory_space<hbm>>
        %dma_wait3A_27 = arith.constant 9480 : i32
        %dma_wait3A_28 = arith.constant 0 : i32
        %dma_wait3A_29 = tpu.memref_slice %arg10[%dma_wait3A_27, %dma_wait3A_28] : memref<10112x144xf32, #tpu.memory_space<vmem_shared>> -> memref<520x144xf32, #tpu.memory_space<vmem_shared>>
        tpu.wait_dma2 semaphore(%run_scoped3A : memref<!tpu.dma_semaphore, #tpu.memory_space<semaphore_mem>>) src(%dma_wait3A_29 : memref<520x144xf32, #tpu.memory_space<vmem_shared>>) dst(%dma_wait3A_26 : memref<520x144xf32, #tpu.memory_space<hbm>>)
        tpu.yield
      }) : () -> ()
    } else {
    }
    return
  }
}

#map = affine_map<(d0, d1) -> (0, 0)>
#map1 = affine_map<(d0, d1) -> (0, 0, 0)>
module attributes {stable_mosaic.version = 14 : i64} {
  func.func @sc_scatter(%arg0: i32, %arg1: i32, %arg2: memref<10000x144xf32, #tpu.memory_space<hbm>>, %arg3: memref<2528x128xi32, #tpu.memory_space<hbm>>, %arg4: memref<2528x128xi32, #tpu.memory_space<hbm>>, %arg5: memref<632x144xf32, #tpu.memory_space<hbm>>, %arg6: memref<2x10000x144xf32, #tpu.memory_space<hbm>>, %arg7: memref<2x128xi32, #tpu.memory_space<vmem>>, %arg8: memref<2x128xi32, #tpu.memory_space<vmem>>, %arg9: memref<2x128x144xf32, #tpu.memory_space<vmem>>, %arg10: memref<10112x144xf32, #tpu.memory_space<vmem_shared>>, %arg11: memref<!tpu.dma_semaphore, #tpu.memory_space<semaphore_mem>>, %arg12: memref<!tpu.dma_semaphore, #tpu.memory_space<semaphore_mem>>, %arg13: memref<!tpu.dma_semaphore, #tpu.memory_space<semaphore_mem>>, %arg14: memref<!tpu.dma_semaphore, #tpu.memory_space<semaphore_mem>>) attributes {dimension_semantics = [#tpu.dimension_semantics<core_parallel>, #tpu.dimension_semantics<subcore_parallel>], iteration_bounds = array<i64: 2, 16>, scalar_prefetch = 0 : i64, scratch_operands = 8 : i64, tpu.core_type = #tpu.core_type<sc_vector_subcore>, window_params = [{transform_indices = #map}, {transform_indices = #map}, {transform_indices = #map}, {transform_indices = #map}, {transform_indices = #map1}]} {
    %mul3A = arith.constant 632 : i32
    %mul3A_0 = arith.muli %arg1, %mul3A : i32
    "tpu.region"() ({
      %run_scoped3A = tpu.sem_alloc : memref<!tpu.dma_semaphore, #tpu.memory_space<semaphore_mem>>
      %dma_start3A = arith.constant 0 : i32
      %dma_start3A_18 = tpu.memref_slice %arg10[%mul3A_0, %dma_start3A] : memref<10112x144xf32, #tpu.memory_space<vmem_shared>> -> memref<632x144xf32, #tpu.memory_space<vmem_shared>>
      tpu.enqueue_dma source(%arg5 : memref<632x144xf32, #tpu.memory_space<hbm>>) target(%dma_start3A_18 : memref<632x144xf32, #tpu.memory_space<vmem_shared>>) target_semaphore(%run_scoped3A : memref<!tpu.dma_semaphore, #tpu.memory_space<semaphore_mem>>)
      %dma_wait3A = arith.constant 0 : i32
      %dma_wait3A_19 = tpu.memref_slice %arg10[%mul3A_0, %dma_wait3A] : memref<10112x144xf32, #tpu.memory_space<vmem_shared>> -> memref<632x144xf32, #tpu.memory_space<vmem_shared>>
      tpu.wait_dma2 semaphore(%run_scoped3A : memref<!tpu.dma_semaphore, #tpu.memory_space<semaphore_mem>>) src(%arg5 : memref<632x144xf32, #tpu.memory_space<hbm>>) dst(%dma_wait3A_19 : memref<632x144xf32, #tpu.memory_space<vmem_shared>>)
      tpu.yield
    }) : () -> ()
    %barrier3A = arith.constant 0 : index
    tpu.barrier barrier_id(%barrier3A)
    %eq3A = arith.constant 0 : i32
    %eq3A_1 = arith.cmpi eq, %arg0, %eq3A : i32
    %convert_element_type3A = arith.extui %eq3A_1 : i1 to i32
    %cond3A = arith.constant 0 : i32
    %cond3A_2 = arith.cmpi ne, %convert_element_type3A, %cond3A : i32
    scf.if %cond3A_2 {
      %mul3A_18 = arith.constant 118 : i32
      %mul3A_19 = arith.muli %arg1, %mul3A_18 : i32
      %scan3A = arith.constant 0 : i32
      %scan3A_20 = arith.constant 59 : i32
      %scan3A_21 = arith.addi %scan3A, %scan3A_20 : i32
      %scan3A_22 = arith.constant 1 : i32
      scf.for %scan3A_24 = %scan3A to %scan3A_21 step %scan3A_22  : i32 {
        %mul3A_25 = arith.constant 2 : i32
        %mul3A_26 = arith.muli %scan3A_24, %mul3A_25 : i32
        %add3A = arith.constant 0 : i32
        %add3A_27 = arith.addi %add3A, %mul3A_26 : i32
        %add3A_28 = arith.addi %mul3A_19, %add3A_27 : i32
        %add3A_29 = arith.constant 0 : i32
        %add3A_30 = arith.addi %add3A_28, %add3A_29 : i32
        %dma_start3A = arith.constant 0 : i32
        %dma_start3A_31 = arith.constant 0 : i32
        %dma_start3A_32 = tpu.memref_slice %arg7[%dma_start3A, %dma_start3A_31] : memref<2x128xi32, #tpu.memory_space<vmem>> -> memref<1x128xi32, #tpu.memory_space<vmem>>
        %dma_start3A_33 = tpu.memref_squeeze %dma_start3A_32 : memref<1x128xi32, #tpu.memory_space<vmem>> -> memref<128xi32, #tpu.memory_space<vmem>>
        %dma_start3A_34 = arith.constant 0 : i32
        %dma_start3A_35 = tpu.memref_slice %arg3[%add3A_30, %dma_start3A_34] : memref<2528x128xi32, #tpu.memory_space<hbm>> -> memref<1x128xi32, #tpu.memory_space<hbm>>
        %dma_start3A_36 = tpu.memref_squeeze %dma_start3A_35 : memref<1x128xi32, #tpu.memory_space<hbm>> -> memref<128xi32, #tpu.memory_space<hbm>>
        %dma_start3A_37 = arith.constant 0 : i32
        %dma_start3A_38 = tpu.memref_slice %arg7[%dma_start3A, %dma_start3A_37] : memref<2x128xi32, #tpu.memory_space<vmem>> -> memref<1x128xi32, #tpu.memory_space<vmem>>
        %dma_start3A_39 = tpu.memref_squeeze %dma_start3A_38 : memref<1x128xi32, #tpu.memory_space<vmem>> -> memref<128xi32, #tpu.memory_space<vmem>>
        %dma_start3A_40 = arith.constant 0 : i32
        %dma_start3A_41 = tpu.memref_slice %arg3[%add3A_30, %dma_start3A_40] : memref<2528x128xi32, #tpu.memory_space<hbm>> -> memref<1x128xi32, #tpu.memory_space<hbm>>
        %dma_start3A_42 = tpu.memref_squeeze %dma_start3A_41 : memref<1x128xi32, #tpu.memory_space<hbm>> -> memref<128xi32, #tpu.memory_space<hbm>>
        tpu.enqueue_dma source(%dma_start3A_42 : memref<128xi32, #tpu.memory_space<hbm>>) target(%dma_start3A_39 : memref<128xi32, #tpu.memory_space<vmem>>) target_semaphore(%arg11 : memref<!tpu.dma_semaphore, #tpu.memory_space<semaphore_mem>>)
        %add3A_43 = arith.addi %mul3A_19, %add3A_27 : i32
        %add3A_44 = arith.constant 0 : i32
        %add3A_45 = arith.addi %add3A_43, %add3A_44 : i32
        %dma_start3A_46 = arith.constant 0 : i32
        %dma_start3A_47 = arith.constant 0 : i32
        %dma_start3A_48 = tpu.memref_slice %arg8[%dma_start3A_46, %dma_start3A_47] : memref<2x128xi32, #tpu.memory_space<vmem>> -> memref<1x128xi32, #tpu.memory_space<vmem>>
        %dma_start3A_49 = tpu.memref_squeeze %dma_start3A_48 : memref<1x128xi32, #tpu.memory_space<vmem>> -> memref<128xi32, #tpu.memory_space<vmem>>
        %dma_start3A_50 = arith.constant 0 : i32
        %dma_start3A_51 = tpu.memref_slice %arg4[%add3A_45, %dma_start3A_50] : memref<2528x128xi32, #tpu.memory_space<hbm>> -> memref<1x128xi32, #tpu.memory_space<hbm>>
        %dma_start3A_52 = tpu.memref_squeeze %dma_start3A_51 : memref<1x128xi32, #tpu.memory_space<hbm>> -> memref<128xi32, #tpu.memory_space<hbm>>
        %dma_start3A_53 = arith.constant 0 : i32
        %dma_start3A_54 = tpu.memref_slice %arg8[%dma_start3A_46, %dma_start3A_53] : memref<2x128xi32, #tpu.memory_space<vmem>> -> memref<1x128xi32, #tpu.memory_space<vmem>>
        %dma_start3A_55 = tpu.memref_squeeze %dma_start3A_54 : memref<1x128xi32, #tpu.memory_space<vmem>> -> memref<128xi32, #tpu.memory_space<vmem>>
        %dma_start3A_56 = arith.constant 0 : i32
        %dma_start3A_57 = tpu.memref_slice %arg4[%add3A_45, %dma_start3A_56] : memref<2528x128xi32, #tpu.memory_space<hbm>> -> memref<1x128xi32, #tpu.memory_space<hbm>>
        %dma_start3A_58 = tpu.memref_squeeze %dma_start3A_57 : memref<1x128xi32, #tpu.memory_space<hbm>> -> memref<128xi32, #tpu.memory_space<hbm>>
        tpu.enqueue_dma source(%dma_start3A_58 : memref<128xi32, #tpu.memory_space<hbm>>) target(%dma_start3A_55 : memref<128xi32, #tpu.memory_space<vmem>>) target_semaphore(%arg11 : memref<!tpu.dma_semaphore, #tpu.memory_space<semaphore_mem>>)
        %add3A_59 = arith.addi %mul3A_19, %add3A_27 : i32
        %add3A_60 = arith.constant 1 : i32
        %add3A_61 = arith.addi %add3A_59, %add3A_60 : i32
        %dma_start3A_62 = arith.constant 1 : i32
        %dma_start3A_63 = arith.constant 0 : i32
        %dma_start3A_64 = tpu.memref_slice %arg7[%dma_start3A_62, %dma_start3A_63] : memref<2x128xi32, #tpu.memory_space<vmem>> -> memref<1x128xi32, #tpu.memory_space<vmem>>
        %dma_start3A_65 = tpu.memref_squeeze %dma_start3A_64 : memref<1x128xi32, #tpu.memory_space<vmem>> -> memref<128xi32, #tpu.memory_space<vmem>>
        %dma_start3A_66 = arith.constant 0 : i32
        %dma_start3A_67 = tpu.memref_slice %arg3[%add3A_61, %dma_start3A_66] : memref<2528x128xi32, #tpu.memory_space<hbm>> -> memref<1x128xi32, #tpu.memory_space<hbm>>
        %dma_start3A_68 = tpu.memref_squeeze %dma_start3A_67 : memref<1x128xi32, #tpu.memory_space<hbm>> -> memref<128xi32, #tpu.memory_space<hbm>>
        %dma_start3A_69 = arith.constant 0 : i32
        %dma_start3A_70 = tpu.memref_slice %arg7[%dma_start3A_62, %dma_start3A_69] : memref<2x128xi32, #tpu.memory_space<vmem>> -> memref<1x128xi32, #tpu.memory_space<vmem>>
        %dma_start3A_71 = tpu.memref_squeeze %dma_start3A_70 : memref<1x128xi32, #tpu.memory_space<vmem>> -> memref<128xi32, #tpu.memory_space<vmem>>
        %dma_start3A_72 = arith.constant 0 : i32
        %dma_start3A_73 = tpu.memref_slice %arg3[%add3A_61, %dma_start3A_72] : memref<2528x128xi32, #tpu.memory_space<hbm>> -> memref<1x128xi32, #tpu.memory_space<hbm>>
        %dma_start3A_74 = tpu.memref_squeeze %dma_start3A_73 : memref<1x128xi32, #tpu.memory_space<hbm>> -> memref<128xi32, #tpu.memory_space<hbm>>
        tpu.enqueue_dma source(%dma_start3A_74 : memref<128xi32, #tpu.memory_space<hbm>>) target(%dma_start3A_71 : memref<128xi32, #tpu.memory_space<vmem>>) target_semaphore(%arg11 : memref<!tpu.dma_semaphore, #tpu.memory_space<semaphore_mem>>)
        %add3A_75 = arith.addi %mul3A_19, %add3A_27 : i32
        %add3A_76 = arith.constant 1 : i32
        %add3A_77 = arith.addi %add3A_75, %add3A_76 : i32
        %dma_start3A_78 = arith.constant 1 : i32
        %dma_start3A_79 = arith.constant 0 : i32
        %dma_start3A_80 = tpu.memref_slice %arg8[%dma_start3A_78, %dma_start3A_79] : memref<2x128xi32, #tpu.memory_space<vmem>> -> memref<1x128xi32, #tpu.memory_space<vmem>>
        %dma_start3A_81 = tpu.memref_squeeze %dma_start3A_80 : memref<1x128xi32, #tpu.memory_space<vmem>> -> memref<128xi32, #tpu.memory_space<vmem>>
        %dma_start3A_82 = arith.constant 0 : i32
        %dma_start3A_83 = tpu.memref_slice %arg4[%add3A_77, %dma_start3A_82] : memref<2528x128xi32, #tpu.memory_space<hbm>> -> memref<1x128xi32, #tpu.memory_space<hbm>>
        %dma_start3A_84 = tpu.memref_squeeze %dma_start3A_83 : memref<1x128xi32, #tpu.memory_space<hbm>> -> memref<128xi32, #tpu.memory_space<hbm>>
        %dma_start3A_85 = arith.constant 0 : i32
        %dma_start3A_86 = tpu.memref_slice %arg8[%dma_start3A_78, %dma_start3A_85] : memref<2x128xi32, #tpu.memory_space<vmem>> -> memref<1x128xi32, #tpu.memory_space<vmem>>
        %dma_start3A_87 = tpu.memref_squeeze %dma_start3A_86 : memref<1x128xi32, #tpu.memory_space<vmem>> -> memref<128xi32, #tpu.memory_space<vmem>>
        %dma_start3A_88 = arith.constant 0 : i32
        %dma_start3A_89 = tpu.memref_slice %arg4[%add3A_77, %dma_start3A_88] : memref<2528x128xi32, #tpu.memory_space<hbm>> -> memref<1x128xi32, #tpu.memory_space<hbm>>
        %dma_start3A_90 = tpu.memref_squeeze %dma_start3A_89 : memref<1x128xi32, #tpu.memory_space<hbm>> -> memref<128xi32, #tpu.memory_space<hbm>>
        tpu.enqueue_dma source(%dma_start3A_90 : memref<128xi32, #tpu.memory_space<hbm>>) target(%dma_start3A_87 : memref<128xi32, #tpu.memory_space<vmem>>) target_semaphore(%arg11 : memref<!tpu.dma_semaphore, #tpu.memory_space<semaphore_mem>>)
        %dma_wait3A = arith.constant 0 : i32
        %dma_wait3A_91 = arith.constant 0 : i32
        %dma_wait3A_92 = tpu.memref_slice %arg7[%dma_wait3A, %dma_wait3A_91] : memref<2x128xi32, #tpu.memory_space<vmem>> -> memref<1x128xi32, #tpu.memory_space<vmem>>
        %dma_wait3A_93 = tpu.memref_squeeze %dma_wait3A_92 : memref<1x128xi32, #tpu.memory_space<vmem>> -> memref<128xi32, #tpu.memory_space<vmem>>
        %dma_wait3A_94 = arith.constant 0 : i32
        %dma_wait3A_95 = tpu.memref_slice %arg3[%add3A_30, %dma_wait3A_94] : memref<2528x128xi32, #tpu.memory_space<hbm>> -> memref<1x128xi32, #tpu.memory_space<hbm>>
        %dma_wait3A_96 = tpu.memref_squeeze %dma_wait3A_95 : memref<1x128xi32, #tpu.memory_space<hbm>> -> memref<128xi32, #tpu.memory_space<hbm>>
        %dma_wait3A_97 = arith.constant 0 : i32
        %dma_wait3A_98 = tpu.memref_slice %arg7[%dma_wait3A, %dma_wait3A_97] : memref<2x128xi32, #tpu.memory_space<vmem>> -> memref<1x128xi32, #tpu.memory_space<vmem>>
        %dma_wait3A_99 = tpu.memref_squeeze %dma_wait3A_98 : memref<1x128xi32, #tpu.memory_space<vmem>> -> memref<128xi32, #tpu.memory_space<vmem>>
        %dma_wait3A_100 = arith.constant 0 : i32
        %dma_wait3A_101 = tpu.memref_slice %arg3[%add3A_30, %dma_wait3A_100] : memref<2528x128xi32, #tpu.memory_space<hbm>> -> memref<1x128xi32, #tpu.memory_space<hbm>>
        %dma_wait3A_102 = tpu.memref_squeeze %dma_wait3A_101 : memref<1x128xi32, #tpu.memory_space<hbm>> -> memref<128xi32, #tpu.memory_space<hbm>>
        tpu.wait_dma2 semaphore(%arg11 : memref<!tpu.dma_semaphore, #tpu.memory_space<semaphore_mem>>) src(%dma_wait3A_102 : memref<128xi32, #tpu.memory_space<hbm>>) dst(%dma_wait3A_99 : memref<128xi32, #tpu.memory_space<vmem>>)
        %dma_wait3A_103 = arith.constant 0 : i32
        %dma_wait3A_104 = arith.constant 0 : i32
        %dma_wait3A_105 = tpu.memref_slice %arg8[%dma_wait3A_103, %dma_wait3A_104] : memref<2x128xi32, #tpu.memory_space<vmem>> -> memref<1x128xi32, #tpu.memory_space<vmem>>
        %dma_wait3A_106 = tpu.memref_squeeze %dma_wait3A_105 : memref<1x128xi32, #tpu.memory_space<vmem>> -> memref<128xi32, #tpu.memory_space<vmem>>
        %dma_wait3A_107 = arith.constant 0 : i32
        %dma_wait3A_108 = tpu.memref_slice %arg4[%add3A_45, %dma_wait3A_107] : memref<2528x128xi32, #tpu.memory_space<hbm>> -> memref<1x128xi32, #tpu.memory_space<hbm>>
        %dma_wait3A_109 = tpu.memref_squeeze %dma_wait3A_108 : memref<1x128xi32, #tpu.memory_space<hbm>> -> memref<128xi32, #tpu.memory_space<hbm>>
        %dma_wait3A_110 = arith.constant 0 : i32
        %dma_wait3A_111 = tpu.memref_slice %arg8[%dma_wait3A_103, %dma_wait3A_110] : memref<2x128xi32, #tpu.memory_space<vmem>> -> memref<1x128xi32, #tpu.memory_space<vmem>>
        %dma_wait3A_112 = tpu.memref_squeeze %dma_wait3A_111 : memref<1x128xi32, #tpu.memory_space<vmem>> -> memref<128xi32, #tpu.memory_space<vmem>>
        %dma_wait3A_113 = arith.constant 0 : i32
        %dma_wait3A_114 = tpu.memref_slice %arg4[%add3A_45, %dma_wait3A_113] : memref<2528x128xi32, #tpu.memory_space<hbm>> -> memref<1x128xi32, #tpu.memory_space<hbm>>
        %dma_wait3A_115 = tpu.memref_squeeze %dma_wait3A_114 : memref<1x128xi32, #tpu.memory_space<hbm>> -> memref<128xi32, #tpu.memory_space<hbm>>
        tpu.wait_dma2 semaphore(%arg11 : memref<!tpu.dma_semaphore, #tpu.memory_space<semaphore_mem>>) src(%dma_wait3A_115 : memref<128xi32, #tpu.memory_space<hbm>>) dst(%dma_wait3A_112 : memref<128xi32, #tpu.memory_space<vmem>>)
        %dma_wait3A_116 = arith.constant 1 : i32
        %dma_wait3A_117 = arith.constant 0 : i32
        %dma_wait3A_118 = tpu.memref_slice %arg7[%dma_wait3A_116, %dma_wait3A_117] : memref<2x128xi32, #tpu.memory_space<vmem>> -> memref<1x128xi32, #tpu.memory_space<vmem>>
        %dma_wait3A_119 = tpu.memref_squeeze %dma_wait3A_118 : memref<1x128xi32, #tpu.memory_space<vmem>> -> memref<128xi32, #tpu.memory_space<vmem>>
        %dma_wait3A_120 = arith.constant 0 : i32
        %dma_wait3A_121 = tpu.memref_slice %arg3[%add3A_61, %dma_wait3A_120] : memref<2528x128xi32, #tpu.memory_space<hbm>> -> memref<1x128xi32, #tpu.memory_space<hbm>>
        %dma_wait3A_122 = tpu.memref_squeeze %dma_wait3A_121 : memref<1x128xi32, #tpu.memory_space<hbm>> -> memref<128xi32, #tpu.memory_space<hbm>>
        %dma_wait3A_123 = arith.constant 0 : i32
        %dma_wait3A_124 = tpu.memref_slice %arg7[%dma_wait3A_116, %dma_wait3A_123] : memref<2x128xi32, #tpu.memory_space<vmem>> -> memref<1x128xi32, #tpu.memory_space<vmem>>
        %dma_wait3A_125 = tpu.memref_squeeze %dma_wait3A_124 : memref<1x128xi32, #tpu.memory_space<vmem>> -> memref<128xi32, #tpu.memory_space<vmem>>
        %dma_wait3A_126 = arith.constant 0 : i32
        %dma_wait3A_127 = tpu.memref_slice %arg3[%add3A_61, %dma_wait3A_126] : memref<2528x128xi32, #tpu.memory_space<hbm>> -> memref<1x128xi32, #tpu.memory_space<hbm>>
        %dma_wait3A_128 = tpu.memref_squeeze %dma_wait3A_127 : memref<1x128xi32, #tpu.memory_space<hbm>> -> memref<128xi32, #tpu.memory_space<hbm>>
        tpu.wait_dma2 semaphore(%arg11 : memref<!tpu.dma_semaphore, #tpu.memory_space<semaphore_mem>>) src(%dma_wait3A_128 : memref<128xi32, #tpu.memory_space<hbm>>) dst(%dma_wait3A_125 : memref<128xi32, #tpu.memory_space<vmem>>)
        %dma_wait3A_129 = arith.constant 1 : i32
        %dma_wait3A_130 = arith.constant 0 : i32
        %dma_wait3A_131 = tpu.memref_slice %arg8[%dma_wait3A_129, %dma_wait3A_130] : memref<2x128xi32, #tpu.memory_space<vmem>> -> memref<1x128xi32, #tpu.memory_space<vmem>>
        %dma_wait3A_132 = tpu.memref_squeeze %dma_wait3A_131 : memref<1x128xi32, #tpu.memory_space<vmem>> -> memref<128xi32, #tpu.memory_space<vmem>>
        %dma_wait3A_133 = arith.constant 0 : i32
        %dma_wait3A_134 = tpu.memref_slice %arg4[%add3A_77, %dma_wait3A_133] : memref<2528x128xi32, #tpu.memory_space<hbm>> -> memref<1x128xi32, #tpu.memory_space<hbm>>
        %dma_wait3A_135 = tpu.memref_squeeze %dma_wait3A_134 : memref<1x128xi32, #tpu.memory_space<hbm>> -> memref<128xi32, #tpu.memory_space<hbm>>
        %dma_wait3A_136 = arith.constant 0 : i32
        %dma_wait3A_137 = tpu.memref_slice %arg8[%dma_wait3A_129, %dma_wait3A_136] : memref<2x128xi32, #tpu.memory_space<vmem>> -> memref<1x128xi32, #tpu.memory_space<vmem>>
        %dma_wait3A_138 = tpu.memref_squeeze %dma_wait3A_137 : memref<1x128xi32, #tpu.memory_space<vmem>> -> memref<128xi32, #tpu.memory_space<vmem>>
        %dma_wait3A_139 = arith.constant 0 : i32
        %dma_wait3A_140 = tpu.memref_slice %arg4[%add3A_77, %dma_wait3A_139] : memref<2528x128xi32, #tpu.memory_space<hbm>> -> memref<1x128xi32, #tpu.memory_space<hbm>>
        %dma_wait3A_141 = tpu.memref_squeeze %dma_wait3A_140 : memref<1x128xi32, #tpu.memory_space<hbm>> -> memref<128xi32, #tpu.memory_space<hbm>>
        tpu.wait_dma2 semaphore(%arg11 : memref<!tpu.dma_semaphore, #tpu.memory_space<semaphore_mem>>) src(%dma_wait3A_141 : memref<128xi32, #tpu.memory_space<hbm>>) dst(%dma_wait3A_138 : memref<128xi32, #tpu.memory_space<vmem>>)
        %dma_start3A_142 = arith.constant 0 : i32
        %dma_start3A_143 = arith.constant 0 : i32
        %dma_start3A_144 = arith.constant 0 : i32
        %dma_start3A_145 = arith.constant 0 : i32
        %dma_start3A_146 = tpu.memref_slice %arg9[%dma_start3A_143, %dma_start3A_144, %dma_start3A_145] : memref<2x128x144xf32, #tpu.memory_space<vmem>> -> memref<1x128x144xf32, #tpu.memory_space<vmem>>
        %dma_start3A_147 = tpu.memref_squeeze %dma_start3A_146 : memref<1x128x144xf32, #tpu.memory_space<vmem>> -> memref<128x144xf32, #tpu.memory_space<vmem>>
        %dma_start3A_148 = arith.constant 0 : i32
        %dma_start3A_149 = tpu.memref_slice %arg7[%dma_start3A_142, %dma_start3A_148] : memref<2x128xi32, #tpu.memory_space<vmem>> -> memref<1x128xi32, #tpu.memory_space<vmem>>
        %dma_start3A_150 = tpu.memref_squeeze %dma_start3A_149 : memref<1x128xi32, #tpu.memory_space<vmem>> -> memref<128xi32, #tpu.memory_space<vmem>>
        %dma_start3A_151 = arith.constant 0 : i32
        %dma_start3A_152 = arith.constant 0 : i32
        %dma_start3A_153 = tpu.memref_slice %arg2[%dma_start3A_151, %dma_start3A_152] : memref<10000x144xf32, #tpu.memory_space<hbm>> -> memref<10000x144xf32, #tpu.memory_space<hbm>>
        tpu.enqueue_indirect_dma source(%dma_start3A_153 : memref<10000x144xf32, #tpu.memory_space<hbm>>) target(%dma_start3A_147 : memref<128x144xf32, #tpu.memory_space<vmem>>) offsets(%dma_start3A_150 : memref<128xi32, #tpu.memory_space<vmem>>) semaphore(%arg12 : memref<!tpu.dma_semaphore, #tpu.memory_space<semaphore_mem>>)
        %dma_start3A_154 = arith.constant 1 : i32
        %dma_start3A_155 = arith.constant 1 : i32
        %dma_start3A_156 = arith.constant 0 : i32
        %dma_start3A_157 = arith.constant 0 : i32
        %dma_start3A_158 = tpu.memref_slice %arg9[%dma_start3A_155, %dma_start3A_156, %dma_start3A_157] : memref<2x128x144xf32, #tpu.memory_space<vmem>> -> memref<1x128x144xf32, #tpu.memory_space<vmem>>
        %dma_start3A_159 = tpu.memref_squeeze %dma_start3A_158 : memref<1x128x144xf32, #tpu.memory_space<vmem>> -> memref<128x144xf32, #tpu.memory_space<vmem>>
        %dma_start3A_160 = arith.constant 0 : i32
        %dma_start3A_161 = tpu.memref_slice %arg7[%dma_start3A_154, %dma_start3A_160] : memref<2x128xi32, #tpu.memory_space<vmem>> -> memref<1x128xi32, #tpu.memory_space<vmem>>
        %dma_start3A_162 = tpu.memref_squeeze %dma_start3A_161 : memref<1x128xi32, #tpu.memory_space<vmem>> -> memref<128xi32, #tpu.memory_space<vmem>>
        %dma_start3A_163 = arith.constant 0 : i32
        %dma_start3A_164 = arith.constant 0 : i32
        %dma_start3A_165 = tpu.memref_slice %arg2[%dma_start3A_163, %dma_start3A_164] : memref<10000x144xf32, #tpu.memory_space<hbm>> -> memref<10000x144xf32, #tpu.memory_space<hbm>>
        tpu.enqueue_indirect_dma source(%dma_start3A_165 : memref<10000x144xf32, #tpu.memory_space<hbm>>) target(%dma_start3A_159 : memref<128x144xf32, #tpu.memory_space<vmem>>) offsets(%dma_start3A_162 : memref<128xi32, #tpu.memory_space<vmem>>) semaphore(%arg13 : memref<!tpu.dma_semaphore, #tpu.memory_space<semaphore_mem>>)
        %dma_wait3A_166 = arith.constant 0 : i32
        %dma_wait3A_167 = arith.constant 0 : i32
        %dma_wait3A_168 = arith.constant 0 : i32
        %dma_wait3A_169 = arith.constant 0 : i32
        %dma_wait3A_170 = tpu.memref_slice %arg9[%dma_wait3A_167, %dma_wait3A_168, %dma_wait3A_169] : memref<2x128x144xf32, #tpu.memory_space<vmem>> -> memref<1x128x144xf32, #tpu.memory_space<vmem>>
        %dma_wait3A_171 = tpu.memref_squeeze %dma_wait3A_170 : memref<1x128x144xf32, #tpu.memory_space<vmem>> -> memref<128x144xf32, #tpu.memory_space<vmem>>
        %dma_wait3A_172 = arith.constant 0 : i32
        %dma_wait3A_173 = tpu.memref_slice %arg7[%dma_wait3A_166, %dma_wait3A_172] : memref<2x128xi32, #tpu.memory_space<vmem>> -> memref<1x128xi32, #tpu.memory_space<vmem>>
        %dma_wait3A_174 = tpu.memref_squeeze %dma_wait3A_173 : memref<1x128xi32, #tpu.memory_space<vmem>> -> memref<128xi32, #tpu.memory_space<vmem>>
        %dma_wait3A_175 = arith.constant 0 : i32
        %dma_wait3A_176 = arith.constant 0 : i32
        %dma_wait3A_177 = tpu.memref_slice %arg2[%dma_wait3A_175, %dma_wait3A_176] : memref<10000x144xf32, #tpu.memory_space<hbm>> -> memref<10000x144xf32, #tpu.memory_space<hbm>>
        tpu.wait_indirect_dma semaphore(%arg12 : memref<!tpu.dma_semaphore, #tpu.memory_space<semaphore_mem>>) src(%dma_wait3A_177 : memref<10000x144xf32, #tpu.memory_space<hbm>>) dst(%dma_wait3A_171 : memref<128x144xf32, #tpu.memory_space<vmem>>)
        %dma_start3A_178 = arith.constant 0 : i32
        %dma_start3A_179 = arith.constant 0 : i32
        %dma_start3A_180 = arith.constant 0 : i32
        %dma_start3A_181 = arith.constant 0 : i32
        %dma_start3A_182 = tpu.memref_slice %arg9[%dma_start3A_178, %dma_start3A_180, %dma_start3A_181] : memref<2x128x144xf32, #tpu.memory_space<vmem>> -> memref<1x128x144xf32, #tpu.memory_space<vmem>>
        %dma_start3A_183 = tpu.memref_squeeze %dma_start3A_182 : memref<1x128x144xf32, #tpu.memory_space<vmem>> -> memref<128x144xf32, #tpu.memory_space<vmem>>
        %dma_start3A_184 = arith.constant 0 : i32
        %dma_start3A_185 = tpu.memref_slice %arg8[%dma_start3A_179, %dma_start3A_184] : memref<2x128xi32, #tpu.memory_space<vmem>> -> memref<1x128xi32, #tpu.memory_space<vmem>>
        %dma_start3A_186 = tpu.memref_squeeze %dma_start3A_185 : memref<1x128xi32, #tpu.memory_space<vmem>> -> memref<128xi32, #tpu.memory_space<vmem>>
        %dma_start3A_187 = arith.constant 0 : i32
        %dma_start3A_188 = arith.constant 0 : i32
        %dma_start3A_189 = tpu.memref_slice %arg10[%dma_start3A_187, %dma_start3A_188] : memref<10112x144xf32, #tpu.memory_space<vmem_shared>> -> memref<10112x144xf32, #tpu.memory_space<vmem_shared>>
        tpu.enqueue_indirect_dma source(%dma_start3A_183 : memref<128x144xf32, #tpu.memory_space<vmem>>) target(%dma_start3A_189 : memref<10112x144xf32, #tpu.memory_space<vmem_shared>>) offsets(%dma_start3A_186 : memref<128xi32, #tpu.memory_space<vmem>>) semaphore(%arg14 : memref<!tpu.dma_semaphore, #tpu.memory_space<semaphore_mem>>) {add = true}
        %dma_wait3A_190 = arith.constant 1 : i32
        %dma_wait3A_191 = arith.constant 1 : i32
        %dma_wait3A_192 = arith.constant 0 : i32
        %dma_wait3A_193 = arith.constant 0 : i32
        %dma_wait3A_194 = tpu.memref_slice %arg9[%dma_wait3A_191, %dma_wait3A_192, %dma_wait3A_193] : memref<2x128x144xf32, #tpu.memory_space<vmem>> -> memref<1x128x144xf32, #tpu.memory_space<vmem>>
        %dma_wait3A_195 = tpu.memref_squeeze %dma_wait3A_194 : memref<1x128x144xf32, #tpu.memory_space<vmem>> -> memref<128x144xf32, #tpu.memory_space<vmem>>
        %dma_wait3A_196 = arith.constant 0 : i32
        %dma_wait3A_197 = tpu.memref_slice %arg7[%dma_wait3A_190, %dma_wait3A_196] : memref<2x128xi32, #tpu.memory_space<vmem>> -> memref<1x128xi32, #tpu.memory_space<vmem>>
        %dma_wait3A_198 = tpu.memref_squeeze %dma_wait3A_197 : memref<1x128xi32, #tpu.memory_space<vmem>> -> memref<128xi32, #tpu.memory_space<vmem>>
        %dma_wait3A_199 = arith.constant 0 : i32
        %dma_wait3A_200 = arith.constant 0 : i32
        %dma_wait3A_201 = tpu.memref_slice %arg2[%dma_wait3A_199, %dma_wait3A_200] : memref<10000x144xf32, #tpu.memory_space<hbm>> -> memref<10000x144xf32, #tpu.memory_space<hbm>>
        tpu.wait_indirect_dma semaphore(%arg13 : memref<!tpu.dma_semaphore, #tpu.memory_space<semaphore_mem>>) src(%dma_wait3A_201 : memref<10000x144xf32, #tpu.memory_space<hbm>>) dst(%dma_wait3A_195 : memref<128x144xf32, #tpu.memory_space<vmem>>)
        %dma_start3A_202 = arith.constant 1 : i32
        %dma_start3A_203 = arith.constant 1 : i32
        %dma_start3A_204 = arith.constant 0 : i32
        %dma_start3A_205 = arith.constant 0 : i32
        %dma_start3A_206 = tpu.memref_slice %arg9[%dma_start3A_202, %dma_start3A_204, %dma_start3A_205] : memref<2x128x144xf32, #tpu.memory_space<vmem>> -> memref<1x128x144xf32, #tpu.memory_space<vmem>>
        %dma_start3A_207 = tpu.memref_squeeze %dma_start3A_206 : memref<1x128x144xf32, #tpu.memory_space<vmem>> -> memref<128x144xf32, #tpu.memory_space<vmem>>
        %dma_start3A_208 = arith.constant 0 : i32
        %dma_start3A_209 = tpu.memref_slice %arg8[%dma_start3A_203, %dma_start3A_208] : memref<2x128xi32, #tpu.memory_space<vmem>> -> memref<1x128xi32, #tpu.memory_space<vmem>>
        %dma_start3A_210 = tpu.memref_squeeze %dma_start3A_209 : memref<1x128xi32, #tpu.memory_space<vmem>> -> memref<128xi32, #tpu.memory_space<vmem>>
        %dma_start3A_211 = arith.constant 0 : i32
        %dma_start3A_212 = arith.constant 0 : i32
        %dma_start3A_213 = tpu.memref_slice %arg10[%dma_start3A_211, %dma_start3A_212] : memref<10112x144xf32, #tpu.memory_space<vmem_shared>> -> memref<10112x144xf32, #tpu.memory_space<vmem_shared>>
        tpu.enqueue_indirect_dma source(%dma_start3A_207 : memref<128x144xf32, #tpu.memory_space<vmem>>) target(%dma_start3A_213 : memref<10112x144xf32, #tpu.memory_space<vmem_shared>>) offsets(%dma_start3A_210 : memref<128xi32, #tpu.memory_space<vmem>>) semaphore(%arg14 : memref<!tpu.dma_semaphore, #tpu.memory_space<semaphore_mem>>) {add = true}
        %dma_wait3A_214 = arith.constant 0 : i32
        %dma_wait3A_215 = arith.constant 0 : i32
        %dma_wait3A_216 = arith.constant 0 : i32
        %dma_wait3A_217 = arith.constant 0 : i32
        %dma_wait3A_218 = tpu.memref_slice %arg9[%dma_wait3A_214, %dma_wait3A_216, %dma_wait3A_217] : memref<2x128x144xf32, #tpu.memory_space<vmem>> -> memref<1x128x144xf32, #tpu.memory_space<vmem>>
        %dma_wait3A_219 = tpu.memref_squeeze %dma_wait3A_218 : memref<1x128x144xf32, #tpu.memory_space<vmem>> -> memref<128x144xf32, #tpu.memory_space<vmem>>
        %dma_wait3A_220 = arith.constant 0 : i32
        %dma_wait3A_221 = tpu.memref_slice %arg8[%dma_wait3A_215, %dma_wait3A_220] : memref<2x128xi32, #tpu.memory_space<vmem>> -> memref<1x128xi32, #tpu.memory_space<vmem>>
        %dma_wait3A_222 = tpu.memref_squeeze %dma_wait3A_221 : memref<1x128xi32, #tpu.memory_space<vmem>> -> memref<128xi32, #tpu.memory_space<vmem>>
        %dma_wait3A_223 = arith.constant 0 : i32
        %dma_wait3A_224 = arith.constant 0 : i32
        %dma_wait3A_225 = tpu.memref_slice %arg10[%dma_wait3A_223, %dma_wait3A_224] : memref<10112x144xf32, #tpu.memory_space<vmem_shared>> -> memref<10112x144xf32, #tpu.memory_space<vmem_shared>>
        tpu.wait_indirect_dma semaphore(%arg14 : memref<!tpu.dma_semaphore, #tpu.memory_space<semaphore_mem>>) src(%dma_wait3A_219 : memref<128x144xf32, #tpu.memory_space<vmem>>) dst(%dma_wait3A_225 : memref<10112x144xf32, #tpu.memory_space<vmem_shared>>)
        %dma_wait3A_226 = arith.constant 1 : i32
        %dma_wait3A_227 = arith.constant 1 : i32
        %dma_wait3A_228 = arith.constant 0 : i32
        %dma_wait3A_229 = arith.constant 0 : i32
        %dma_wait3A_230 = tpu.memref_slice %arg9[%dma_wait3A_226, %dma_wait3A_228, %dma_wait3A_229] : memref<2x128x144xf32, #tpu.memory_space<vmem>> -> memref<1x128x144xf32, #tpu.memory_space<vmem>>
        %dma_wait3A_231 = tpu.memref_squeeze %dma_wait3A_230 : memref<1x128x144xf32, #tpu.memory_space<vmem>> -> memref<128x144xf32, #tpu.memory_space<vmem>>
        %dma_wait3A_232 = arith.constant 0 : i32
        %dma_wait3A_233 = tpu.memref_slice %arg8[%dma_wait3A_227, %dma_wait3A_232] : memref<2x128xi32, #tpu.memory_space<vmem>> -> memref<1x128xi32, #tpu.memory_space<vmem>>
        %dma_wait3A_234 = tpu.memref_squeeze %dma_wait3A_233 : memref<1x128xi32, #tpu.memory_space<vmem>> -> memref<128xi32, #tpu.memory_space<vmem>>
        %dma_wait3A_235 = arith.constant 0 : i32
        %dma_wait3A_236 = arith.constant 0 : i32
        %dma_wait3A_237 = tpu.memref_slice %arg10[%dma_wait3A_235, %dma_wait3A_236] : memref<10112x144xf32, #tpu.memory_space<vmem_shared>> -> memref<10112x144xf32, #tpu.memory_space<vmem_shared>>
        tpu.wait_indirect_dma semaphore(%arg14 : memref<!tpu.dma_semaphore, #tpu.memory_space<semaphore_mem>>) src(%dma_wait3A_231 : memref<128x144xf32, #tpu.memory_space<vmem>>) dst(%dma_wait3A_237 : memref<10112x144xf32, #tpu.memory_space<vmem_shared>>)
      }
      %scan3A_23 = arith.constant 59 : i32
    } else {
    }
    %eq3A_3 = arith.constant 1 : i32
    %eq3A_4 = arith.cmpi eq, %arg0, %eq3A_3 : i32
    %convert_element_type3A_5 = arith.extui %eq3A_4 : i1 to i32
    %cond3A_6 = arith.constant 0 : i32
    %cond3A_7 = arith.cmpi ne, %convert_element_type3A_5, %cond3A_6 : i32
    scf.if %cond3A_7 {
      %mul3A_18 = arith.constant 40 : i32
      %mul3A_19 = arith.muli %arg1, %mul3A_18 : i32
      %add3A = arith.constant 1888 : i32
      %add3A_20 = arith.addi %add3A, %mul3A_19 : i32
      %scan3A = arith.constant 0 : i32
      %scan3A_21 = arith.constant 20 : i32
      %scan3A_22 = arith.addi %scan3A, %scan3A_21 : i32
      %scan3A_23 = arith.constant 1 : i32
      scf.for %scan3A_25 = %scan3A to %scan3A_22 step %scan3A_23  : i32 {
        %mul3A_26 = arith.constant 2 : i32
        %mul3A_27 = arith.muli %scan3A_25, %mul3A_26 : i32
        %add3A_28 = arith.constant 0 : i32
        %add3A_29 = arith.addi %add3A_28, %mul3A_27 : i32
        %add3A_30 = arith.addi %add3A_20, %add3A_29 : i32
        %add3A_31 = arith.constant 0 : i32
        %add3A_32 = arith.addi %add3A_30, %add3A_31 : i32
        %dma_start3A = arith.constant 0 : i32
        %dma_start3A_33 = arith.constant 0 : i32
        %dma_start3A_34 = tpu.memref_slice %arg7[%dma_start3A, %dma_start3A_33] : memref<2x128xi32, #tpu.memory_space<vmem>> -> memref<1x128xi32, #tpu.memory_space<vmem>>
        %dma_start3A_35 = tpu.memref_squeeze %dma_start3A_34 : memref<1x128xi32, #tpu.memory_space<vmem>> -> memref<128xi32, #tpu.memory_space<vmem>>
        %dma_start3A_36 = arith.constant 0 : i32
        %dma_start3A_37 = tpu.memref_slice %arg3[%add3A_32, %dma_start3A_36] : memref<2528x128xi32, #tpu.memory_space<hbm>> -> memref<1x128xi32, #tpu.memory_space<hbm>>
        %dma_start3A_38 = tpu.memref_squeeze %dma_start3A_37 : memref<1x128xi32, #tpu.memory_space<hbm>> -> memref<128xi32, #tpu.memory_space<hbm>>
        %dma_start3A_39 = arith.constant 0 : i32
        %dma_start3A_40 = tpu.memref_slice %arg7[%dma_start3A, %dma_start3A_39] : memref<2x128xi32, #tpu.memory_space<vmem>> -> memref<1x128xi32, #tpu.memory_space<vmem>>
        %dma_start3A_41 = tpu.memref_squeeze %dma_start3A_40 : memref<1x128xi32, #tpu.memory_space<vmem>> -> memref<128xi32, #tpu.memory_space<vmem>>
        %dma_start3A_42 = arith.constant 0 : i32
        %dma_start3A_43 = tpu.memref_slice %arg3[%add3A_32, %dma_start3A_42] : memref<2528x128xi32, #tpu.memory_space<hbm>> -> memref<1x128xi32, #tpu.memory_space<hbm>>
        %dma_start3A_44 = tpu.memref_squeeze %dma_start3A_43 : memref<1x128xi32, #tpu.memory_space<hbm>> -> memref<128xi32, #tpu.memory_space<hbm>>
        tpu.enqueue_dma source(%dma_start3A_44 : memref<128xi32, #tpu.memory_space<hbm>>) target(%dma_start3A_41 : memref<128xi32, #tpu.memory_space<vmem>>) target_semaphore(%arg11 : memref<!tpu.dma_semaphore, #tpu.memory_space<semaphore_mem>>)
        %add3A_45 = arith.addi %add3A_20, %add3A_29 : i32
        %add3A_46 = arith.constant 0 : i32
        %add3A_47 = arith.addi %add3A_45, %add3A_46 : i32
        %dma_start3A_48 = arith.constant 0 : i32
        %dma_start3A_49 = arith.constant 0 : i32
        %dma_start3A_50 = tpu.memref_slice %arg8[%dma_start3A_48, %dma_start3A_49] : memref<2x128xi32, #tpu.memory_space<vmem>> -> memref<1x128xi32, #tpu.memory_space<vmem>>
        %dma_start3A_51 = tpu.memref_squeeze %dma_start3A_50 : memref<1x128xi32, #tpu.memory_space<vmem>> -> memref<128xi32, #tpu.memory_space<vmem>>
        %dma_start3A_52 = arith.constant 0 : i32
        %dma_start3A_53 = tpu.memref_slice %arg4[%add3A_47, %dma_start3A_52] : memref<2528x128xi32, #tpu.memory_space<hbm>> -> memref<1x128xi32, #tpu.memory_space<hbm>>
        %dma_start3A_54 = tpu.memref_squeeze %dma_start3A_53 : memref<1x128xi32, #tpu.memory_space<hbm>> -> memref<128xi32, #tpu.memory_space<hbm>>
        %dma_start3A_55 = arith.constant 0 : i32
        %dma_start3A_56 = tpu.memref_slice %arg8[%dma_start3A_48, %dma_start3A_55] : memref<2x128xi32, #tpu.memory_space<vmem>> -> memref<1x128xi32, #tpu.memory_space<vmem>>
        %dma_start3A_57 = tpu.memref_squeeze %dma_start3A_56 : memref<1x128xi32, #tpu.memory_space<vmem>> -> memref<128xi32, #tpu.memory_space<vmem>>
        %dma_start3A_58 = arith.constant 0 : i32
        %dma_start3A_59 = tpu.memref_slice %arg4[%add3A_47, %dma_start3A_58] : memref<2528x128xi32, #tpu.memory_space<hbm>> -> memref<1x128xi32, #tpu.memory_space<hbm>>
        %dma_start3A_60 = tpu.memref_squeeze %dma_start3A_59 : memref<1x128xi32, #tpu.memory_space<hbm>> -> memref<128xi32, #tpu.memory_space<hbm>>
        tpu.enqueue_dma source(%dma_start3A_60 : memref<128xi32, #tpu.memory_space<hbm>>) target(%dma_start3A_57 : memref<128xi32, #tpu.memory_space<vmem>>) target_semaphore(%arg11 : memref<!tpu.dma_semaphore, #tpu.memory_space<semaphore_mem>>)
        %add3A_61 = arith.addi %add3A_20, %add3A_29 : i32
        %add3A_62 = arith.constant 1 : i32
        %add3A_63 = arith.addi %add3A_61, %add3A_62 : i32
        %dma_start3A_64 = arith.constant 1 : i32
        %dma_start3A_65 = arith.constant 0 : i32
        %dma_start3A_66 = tpu.memref_slice %arg7[%dma_start3A_64, %dma_start3A_65] : memref<2x128xi32, #tpu.memory_space<vmem>> -> memref<1x128xi32, #tpu.memory_space<vmem>>
        %dma_start3A_67 = tpu.memref_squeeze %dma_start3A_66 : memref<1x128xi32, #tpu.memory_space<vmem>> -> memref<128xi32, #tpu.memory_space<vmem>>
        %dma_start3A_68 = arith.constant 0 : i32
        %dma_start3A_69 = tpu.memref_slice %arg3[%add3A_63, %dma_start3A_68] : memref<2528x128xi32, #tpu.memory_space<hbm>> -> memref<1x128xi32, #tpu.memory_space<hbm>>
        %dma_start3A_70 = tpu.memref_squeeze %dma_start3A_69 : memref<1x128xi32, #tpu.memory_space<hbm>> -> memref<128xi32, #tpu.memory_space<hbm>>
        %dma_start3A_71 = arith.constant 0 : i32
        %dma_start3A_72 = tpu.memref_slice %arg7[%dma_start3A_64, %dma_start3A_71] : memref<2x128xi32, #tpu.memory_space<vmem>> -> memref<1x128xi32, #tpu.memory_space<vmem>>
        %dma_start3A_73 = tpu.memref_squeeze %dma_start3A_72 : memref<1x128xi32, #tpu.memory_space<vmem>> -> memref<128xi32, #tpu.memory_space<vmem>>
        %dma_start3A_74 = arith.constant 0 : i32
        %dma_start3A_75 = tpu.memref_slice %arg3[%add3A_63, %dma_start3A_74] : memref<2528x128xi32, #tpu.memory_space<hbm>> -> memref<1x128xi32, #tpu.memory_space<hbm>>
        %dma_start3A_76 = tpu.memref_squeeze %dma_start3A_75 : memref<1x128xi32, #tpu.memory_space<hbm>> -> memref<128xi32, #tpu.memory_space<hbm>>
        tpu.enqueue_dma source(%dma_start3A_76 : memref<128xi32, #tpu.memory_space<hbm>>) target(%dma_start3A_73 : memref<128xi32, #tpu.memory_space<vmem>>) target_semaphore(%arg11 : memref<!tpu.dma_semaphore, #tpu.memory_space<semaphore_mem>>)
        %add3A_77 = arith.addi %add3A_20, %add3A_29 : i32
        %add3A_78 = arith.constant 1 : i32
        %add3A_79 = arith.addi %add3A_77, %add3A_78 : i32
        %dma_start3A_80 = arith.constant 1 : i32
        %dma_start3A_81 = arith.constant 0 : i32
        %dma_start3A_82 = tpu.memref_slice %arg8[%dma_start3A_80, %dma_start3A_81] : memref<2x128xi32, #tpu.memory_space<vmem>> -> memref<1x128xi32, #tpu.memory_space<vmem>>
        %dma_start3A_83 = tpu.memref_squeeze %dma_start3A_82 : memref<1x128xi32, #tpu.memory_space<vmem>> -> memref<128xi32, #tpu.memory_space<vmem>>
        %dma_start3A_84 = arith.constant 0 : i32
        %dma_start3A_85 = tpu.memref_slice %arg4[%add3A_79, %dma_start3A_84] : memref<2528x128xi32, #tpu.memory_space<hbm>> -> memref<1x128xi32, #tpu.memory_space<hbm>>
        %dma_start3A_86 = tpu.memref_squeeze %dma_start3A_85 : memref<1x128xi32, #tpu.memory_space<hbm>> -> memref<128xi32, #tpu.memory_space<hbm>>
        %dma_start3A_87 = arith.constant 0 : i32
        %dma_start3A_88 = tpu.memref_slice %arg8[%dma_start3A_80, %dma_start3A_87] : memref<2x128xi32, #tpu.memory_space<vmem>> -> memref<1x128xi32, #tpu.memory_space<vmem>>
        %dma_start3A_89 = tpu.memref_squeeze %dma_start3A_88 : memref<1x128xi32, #tpu.memory_space<vmem>> -> memref<128xi32, #tpu.memory_space<vmem>>
        %dma_start3A_90 = arith.constant 0 : i32
        %dma_start3A_91 = tpu.memref_slice %arg4[%add3A_79, %dma_start3A_90] : memref<2528x128xi32, #tpu.memory_space<hbm>> -> memref<1x128xi32, #tpu.memory_space<hbm>>
        %dma_start3A_92 = tpu.memref_squeeze %dma_start3A_91 : memref<1x128xi32, #tpu.memory_space<hbm>> -> memref<128xi32, #tpu.memory_space<hbm>>
        tpu.enqueue_dma source(%dma_start3A_92 : memref<128xi32, #tpu.memory_space<hbm>>) target(%dma_start3A_89 : memref<128xi32, #tpu.memory_space<vmem>>) target_semaphore(%arg11 : memref<!tpu.dma_semaphore, #tpu.memory_space<semaphore_mem>>)
        %dma_wait3A = arith.constant 0 : i32
        %dma_wait3A_93 = arith.constant 0 : i32
        %dma_wait3A_94 = tpu.memref_slice %arg7[%dma_wait3A, %dma_wait3A_93] : memref<2x128xi32, #tpu.memory_space<vmem>> -> memref<1x128xi32, #tpu.memory_space<vmem>>
        %dma_wait3A_95 = tpu.memref_squeeze %dma_wait3A_94 : memref<1x128xi32, #tpu.memory_space<vmem>> -> memref<128xi32, #tpu.memory_space<vmem>>
        %dma_wait3A_96 = arith.constant 0 : i32
        %dma_wait3A_97 = tpu.memref_slice %arg3[%add3A_32, %dma_wait3A_96] : memref<2528x128xi32, #tpu.memory_space<hbm>> -> memref<1x128xi32, #tpu.memory_space<hbm>>
        %dma_wait3A_98 = tpu.memref_squeeze %dma_wait3A_97 : memref<1x128xi32, #tpu.memory_space<hbm>> -> memref<128xi32, #tpu.memory_space<hbm>>
        %dma_wait3A_99 = arith.constant 0 : i32
        %dma_wait3A_100 = tpu.memref_slice %arg7[%dma_wait3A, %dma_wait3A_99] : memref<2x128xi32, #tpu.memory_space<vmem>> -> memref<1x128xi32, #tpu.memory_space<vmem>>
        %dma_wait3A_101 = tpu.memref_squeeze %dma_wait3A_100 : memref<1x128xi32, #tpu.memory_space<vmem>> -> memref<128xi32, #tpu.memory_space<vmem>>
        %dma_wait3A_102 = arith.constant 0 : i32
        %dma_wait3A_103 = tpu.memref_slice %arg3[%add3A_32, %dma_wait3A_102] : memref<2528x128xi32, #tpu.memory_space<hbm>> -> memref<1x128xi32, #tpu.memory_space<hbm>>
        %dma_wait3A_104 = tpu.memref_squeeze %dma_wait3A_103 : memref<1x128xi32, #tpu.memory_space<hbm>> -> memref<128xi32, #tpu.memory_space<hbm>>
        tpu.wait_dma2 semaphore(%arg11 : memref<!tpu.dma_semaphore, #tpu.memory_space<semaphore_mem>>) src(%dma_wait3A_104 : memref<128xi32, #tpu.memory_space<hbm>>) dst(%dma_wait3A_101 : memref<128xi32, #tpu.memory_space<vmem>>)
        %dma_wait3A_105 = arith.constant 0 : i32
        %dma_wait3A_106 = arith.constant 0 : i32
        %dma_wait3A_107 = tpu.memref_slice %arg8[%dma_wait3A_105, %dma_wait3A_106] : memref<2x128xi32, #tpu.memory_space<vmem>> -> memref<1x128xi32, #tpu.memory_space<vmem>>
        %dma_wait3A_108 = tpu.memref_squeeze %dma_wait3A_107 : memref<1x128xi32, #tpu.memory_space<vmem>> -> memref<128xi32, #tpu.memory_space<vmem>>
        %dma_wait3A_109 = arith.constant 0 : i32
        %dma_wait3A_110 = tpu.memref_slice %arg4[%add3A_47, %dma_wait3A_109] : memref<2528x128xi32, #tpu.memory_space<hbm>> -> memref<1x128xi32, #tpu.memory_space<hbm>>
        %dma_wait3A_111 = tpu.memref_squeeze %dma_wait3A_110 : memref<1x128xi32, #tpu.memory_space<hbm>> -> memref<128xi32, #tpu.memory_space<hbm>>
        %dma_wait3A_112 = arith.constant 0 : i32
        %dma_wait3A_113 = tpu.memref_slice %arg8[%dma_wait3A_105, %dma_wait3A_112] : memref<2x128xi32, #tpu.memory_space<vmem>> -> memref<1x128xi32, #tpu.memory_space<vmem>>
        %dma_wait3A_114 = tpu.memref_squeeze %dma_wait3A_113 : memref<1x128xi32, #tpu.memory_space<vmem>> -> memref<128xi32, #tpu.memory_space<vmem>>
        %dma_wait3A_115 = arith.constant 0 : i32
        %dma_wait3A_116 = tpu.memref_slice %arg4[%add3A_47, %dma_wait3A_115] : memref<2528x128xi32, #tpu.memory_space<hbm>> -> memref<1x128xi32, #tpu.memory_space<hbm>>
        %dma_wait3A_117 = tpu.memref_squeeze %dma_wait3A_116 : memref<1x128xi32, #tpu.memory_space<hbm>> -> memref<128xi32, #tpu.memory_space<hbm>>
        tpu.wait_dma2 semaphore(%arg11 : memref<!tpu.dma_semaphore, #tpu.memory_space<semaphore_mem>>) src(%dma_wait3A_117 : memref<128xi32, #tpu.memory_space<hbm>>) dst(%dma_wait3A_114 : memref<128xi32, #tpu.memory_space<vmem>>)
        %dma_wait3A_118 = arith.constant 1 : i32
        %dma_wait3A_119 = arith.constant 0 : i32
        %dma_wait3A_120 = tpu.memref_slice %arg7[%dma_wait3A_118, %dma_wait3A_119] : memref<2x128xi32, #tpu.memory_space<vmem>> -> memref<1x128xi32, #tpu.memory_space<vmem>>
        %dma_wait3A_121 = tpu.memref_squeeze %dma_wait3A_120 : memref<1x128xi32, #tpu.memory_space<vmem>> -> memref<128xi32, #tpu.memory_space<vmem>>
        %dma_wait3A_122 = arith.constant 0 : i32
        %dma_wait3A_123 = tpu.memref_slice %arg3[%add3A_63, %dma_wait3A_122] : memref<2528x128xi32, #tpu.memory_space<hbm>> -> memref<1x128xi32, #tpu.memory_space<hbm>>
        %dma_wait3A_124 = tpu.memref_squeeze %dma_wait3A_123 : memref<1x128xi32, #tpu.memory_space<hbm>> -> memref<128xi32, #tpu.memory_space<hbm>>
        %dma_wait3A_125 = arith.constant 0 : i32
        %dma_wait3A_126 = tpu.memref_slice %arg7[%dma_wait3A_118, %dma_wait3A_125] : memref<2x128xi32, #tpu.memory_space<vmem>> -> memref<1x128xi32, #tpu.memory_space<vmem>>
        %dma_wait3A_127 = tpu.memref_squeeze %dma_wait3A_126 : memref<1x128xi32, #tpu.memory_space<vmem>> -> memref<128xi32, #tpu.memory_space<vmem>>
        %dma_wait3A_128 = arith.constant 0 : i32
        %dma_wait3A_129 = tpu.memref_slice %arg3[%add3A_63, %dma_wait3A_128] : memref<2528x128xi32, #tpu.memory_space<hbm>> -> memref<1x128xi32, #tpu.memory_space<hbm>>
        %dma_wait3A_130 = tpu.memref_squeeze %dma_wait3A_129 : memref<1x128xi32, #tpu.memory_space<hbm>> -> memref<128xi32, #tpu.memory_space<hbm>>
        tpu.wait_dma2 semaphore(%arg11 : memref<!tpu.dma_semaphore, #tpu.memory_space<semaphore_mem>>) src(%dma_wait3A_130 : memref<128xi32, #tpu.memory_space<hbm>>) dst(%dma_wait3A_127 : memref<128xi32, #tpu.memory_space<vmem>>)
        %dma_wait3A_131 = arith.constant 1 : i32
        %dma_wait3A_132 = arith.constant 0 : i32
        %dma_wait3A_133 = tpu.memref_slice %arg8[%dma_wait3A_131, %dma_wait3A_132] : memref<2x128xi32, #tpu.memory_space<vmem>> -> memref<1x128xi32, #tpu.memory_space<vmem>>
        %dma_wait3A_134 = tpu.memref_squeeze %dma_wait3A_133 : memref<1x128xi32, #tpu.memory_space<vmem>> -> memref<128xi32, #tpu.memory_space<vmem>>
        %dma_wait3A_135 = arith.constant 0 : i32
        %dma_wait3A_136 = tpu.memref_slice %arg4[%add3A_79, %dma_wait3A_135] : memref<2528x128xi32, #tpu.memory_space<hbm>> -> memref<1x128xi32, #tpu.memory_space<hbm>>
        %dma_wait3A_137 = tpu.memref_squeeze %dma_wait3A_136 : memref<1x128xi32, #tpu.memory_space<hbm>> -> memref<128xi32, #tpu.memory_space<hbm>>
        %dma_wait3A_138 = arith.constant 0 : i32
        %dma_wait3A_139 = tpu.memref_slice %arg8[%dma_wait3A_131, %dma_wait3A_138] : memref<2x128xi32, #tpu.memory_space<vmem>> -> memref<1x128xi32, #tpu.memory_space<vmem>>
        %dma_wait3A_140 = tpu.memref_squeeze %dma_wait3A_139 : memref<1x128xi32, #tpu.memory_space<vmem>> -> memref<128xi32, #tpu.memory_space<vmem>>
        %dma_wait3A_141 = arith.constant 0 : i32
        %dma_wait3A_142 = tpu.memref_slice %arg4[%add3A_79, %dma_wait3A_141] : memref<2528x128xi32, #tpu.memory_space<hbm>> -> memref<1x128xi32, #tpu.memory_space<hbm>>
        %dma_wait3A_143 = tpu.memref_squeeze %dma_wait3A_142 : memref<1x128xi32, #tpu.memory_space<hbm>> -> memref<128xi32, #tpu.memory_space<hbm>>
        tpu.wait_dma2 semaphore(%arg11 : memref<!tpu.dma_semaphore, #tpu.memory_space<semaphore_mem>>) src(%dma_wait3A_143 : memref<128xi32, #tpu.memory_space<hbm>>) dst(%dma_wait3A_140 : memref<128xi32, #tpu.memory_space<vmem>>)
        %dma_start3A_144 = arith.constant 0 : i32
        %dma_start3A_145 = arith.constant 0 : i32
        %dma_start3A_146 = arith.constant 0 : i32
        %dma_start3A_147 = arith.constant 0 : i32
        %dma_start3A_148 = tpu.memref_slice %arg9[%dma_start3A_145, %dma_start3A_146, %dma_start3A_147] : memref<2x128x144xf32, #tpu.memory_space<vmem>> -> memref<1x128x144xf32, #tpu.memory_space<vmem>>
        %dma_start3A_149 = tpu.memref_squeeze %dma_start3A_148 : memref<1x128x144xf32, #tpu.memory_space<vmem>> -> memref<128x144xf32, #tpu.memory_space<vmem>>
        %dma_start3A_150 = arith.constant 0 : i32
        %dma_start3A_151 = tpu.memref_slice %arg7[%dma_start3A_144, %dma_start3A_150] : memref<2x128xi32, #tpu.memory_space<vmem>> -> memref<1x128xi32, #tpu.memory_space<vmem>>
        %dma_start3A_152 = tpu.memref_squeeze %dma_start3A_151 : memref<1x128xi32, #tpu.memory_space<vmem>> -> memref<128xi32, #tpu.memory_space<vmem>>
        %dma_start3A_153 = arith.constant 0 : i32
        %dma_start3A_154 = arith.constant 0 : i32
        %dma_start3A_155 = tpu.memref_slice %arg2[%dma_start3A_153, %dma_start3A_154] : memref<10000x144xf32, #tpu.memory_space<hbm>> -> memref<10000x144xf32, #tpu.memory_space<hbm>>
        tpu.enqueue_indirect_dma source(%dma_start3A_155 : memref<10000x144xf32, #tpu.memory_space<hbm>>) target(%dma_start3A_149 : memref<128x144xf32, #tpu.memory_space<vmem>>) offsets(%dma_start3A_152 : memref<128xi32, #tpu.memory_space<vmem>>) semaphore(%arg12 : memref<!tpu.dma_semaphore, #tpu.memory_space<semaphore_mem>>)
        %dma_start3A_156 = arith.constant 1 : i32
        %dma_start3A_157 = arith.constant 1 : i32
        %dma_start3A_158 = arith.constant 0 : i32
        %dma_start3A_159 = arith.constant 0 : i32
        %dma_start3A_160 = tpu.memref_slice %arg9[%dma_start3A_157, %dma_start3A_158, %dma_start3A_159] : memref<2x128x144xf32, #tpu.memory_space<vmem>> -> memref<1x128x144xf32, #tpu.memory_space<vmem>>
        %dma_start3A_161 = tpu.memref_squeeze %dma_start3A_160 : memref<1x128x144xf32, #tpu.memory_space<vmem>> -> memref<128x144xf32, #tpu.memory_space<vmem>>
        %dma_start3A_162 = arith.constant 0 : i32
        %dma_start3A_163 = tpu.memref_slice %arg7[%dma_start3A_156, %dma_start3A_162] : memref<2x128xi32, #tpu.memory_space<vmem>> -> memref<1x128xi32, #tpu.memory_space<vmem>>
        %dma_start3A_164 = tpu.memref_squeeze %dma_start3A_163 : memref<1x128xi32, #tpu.memory_space<vmem>> -> memref<128xi32, #tpu.memory_space<vmem>>
        %dma_start3A_165 = arith.constant 0 : i32
        %dma_start3A_166 = arith.constant 0 : i32
        %dma_start3A_167 = tpu.memref_slice %arg2[%dma_start3A_165, %dma_start3A_166] : memref<10000x144xf32, #tpu.memory_space<hbm>> -> memref<10000x144xf32, #tpu.memory_space<hbm>>
        tpu.enqueue_indirect_dma source(%dma_start3A_167 : memref<10000x144xf32, #tpu.memory_space<hbm>>) target(%dma_start3A_161 : memref<128x144xf32, #tpu.memory_space<vmem>>) offsets(%dma_start3A_164 : memref<128xi32, #tpu.memory_space<vmem>>) semaphore(%arg13 : memref<!tpu.dma_semaphore, #tpu.memory_space<semaphore_mem>>)
        %dma_wait3A_168 = arith.constant 0 : i32
        %dma_wait3A_169 = arith.constant 0 : i32
        %dma_wait3A_170 = arith.constant 0 : i32
        %dma_wait3A_171 = arith.constant 0 : i32
        %dma_wait3A_172 = tpu.memref_slice %arg9[%dma_wait3A_169, %dma_wait3A_170, %dma_wait3A_171] : memref<2x128x144xf32, #tpu.memory_space<vmem>> -> memref<1x128x144xf32, #tpu.memory_space<vmem>>
        %dma_wait3A_173 = tpu.memref_squeeze %dma_wait3A_172 : memref<1x128x144xf32, #tpu.memory_space<vmem>> -> memref<128x144xf32, #tpu.memory_space<vmem>>
        %dma_wait3A_174 = arith.constant 0 : i32
        %dma_wait3A_175 = tpu.memref_slice %arg7[%dma_wait3A_168, %dma_wait3A_174] : memref<2x128xi32, #tpu.memory_space<vmem>> -> memref<1x128xi32, #tpu.memory_space<vmem>>
        %dma_wait3A_176 = tpu.memref_squeeze %dma_wait3A_175 : memref<1x128xi32, #tpu.memory_space<vmem>> -> memref<128xi32, #tpu.memory_space<vmem>>
        %dma_wait3A_177 = arith.constant 0 : i32
        %dma_wait3A_178 = arith.constant 0 : i32
        %dma_wait3A_179 = tpu.memref_slice %arg2[%dma_wait3A_177, %dma_wait3A_178] : memref<10000x144xf32, #tpu.memory_space<hbm>> -> memref<10000x144xf32, #tpu.memory_space<hbm>>
        tpu.wait_indirect_dma semaphore(%arg12 : memref<!tpu.dma_semaphore, #tpu.memory_space<semaphore_mem>>) src(%dma_wait3A_179 : memref<10000x144xf32, #tpu.memory_space<hbm>>) dst(%dma_wait3A_173 : memref<128x144xf32, #tpu.memory_space<vmem>>)
        %dma_start3A_180 = arith.constant 0 : i32
        %dma_start3A_181 = arith.constant 0 : i32
        %dma_start3A_182 = arith.constant 0 : i32
        %dma_start3A_183 = arith.constant 0 : i32
        %dma_start3A_184 = tpu.memref_slice %arg9[%dma_start3A_180, %dma_start3A_182, %dma_start3A_183] : memref<2x128x144xf32, #tpu.memory_space<vmem>> -> memref<1x128x144xf32, #tpu.memory_space<vmem>>
        %dma_start3A_185 = tpu.memref_squeeze %dma_start3A_184 : memref<1x128x144xf32, #tpu.memory_space<vmem>> -> memref<128x144xf32, #tpu.memory_space<vmem>>
        %dma_start3A_186 = arith.constant 0 : i32
        %dma_start3A_187 = tpu.memref_slice %arg8[%dma_start3A_181, %dma_start3A_186] : memref<2x128xi32, #tpu.memory_space<vmem>> -> memref<1x128xi32, #tpu.memory_space<vmem>>
        %dma_start3A_188 = tpu.memref_squeeze %dma_start3A_187 : memref<1x128xi32, #tpu.memory_space<vmem>> -> memref<128xi32, #tpu.memory_space<vmem>>
        %dma_start3A_189 = arith.constant 0 : i32
        %dma_start3A_190 = arith.constant 0 : i32
        %dma_start3A_191 = tpu.memref_slice %arg10[%dma_start3A_189, %dma_start3A_190] : memref<10112x144xf32, #tpu.memory_space<vmem_shared>> -> memref<10112x144xf32, #tpu.memory_space<vmem_shared>>
        tpu.enqueue_indirect_dma source(%dma_start3A_185 : memref<128x144xf32, #tpu.memory_space<vmem>>) target(%dma_start3A_191 : memref<10112x144xf32, #tpu.memory_space<vmem_shared>>) offsets(%dma_start3A_188 : memref<128xi32, #tpu.memory_space<vmem>>) semaphore(%arg14 : memref<!tpu.dma_semaphore, #tpu.memory_space<semaphore_mem>>) {add = true}
        %dma_wait3A_192 = arith.constant 1 : i32
        %dma_wait3A_193 = arith.constant 1 : i32
        %dma_wait3A_194 = arith.constant 0 : i32
        %dma_wait3A_195 = arith.constant 0 : i32
        %dma_wait3A_196 = tpu.memref_slice %arg9[%dma_wait3A_193, %dma_wait3A_194, %dma_wait3A_195] : memref<2x128x144xf32, #tpu.memory_space<vmem>> -> memref<1x128x144xf32, #tpu.memory_space<vmem>>
        %dma_wait3A_197 = tpu.memref_squeeze %dma_wait3A_196 : memref<1x128x144xf32, #tpu.memory_space<vmem>> -> memref<128x144xf32, #tpu.memory_space<vmem>>
        %dma_wait3A_198 = arith.constant 0 : i32
        %dma_wait3A_199 = tpu.memref_slice %arg7[%dma_wait3A_192, %dma_wait3A_198] : memref<2x128xi32, #tpu.memory_space<vmem>> -> memref<1x128xi32, #tpu.memory_space<vmem>>
        %dma_wait3A_200 = tpu.memref_squeeze %dma_wait3A_199 : memref<1x128xi32, #tpu.memory_space<vmem>> -> memref<128xi32, #tpu.memory_space<vmem>>
        %dma_wait3A_201 = arith.constant 0 : i32
        %dma_wait3A_202 = arith.constant 0 : i32
        %dma_wait3A_203 = tpu.memref_slice %arg2[%dma_wait3A_201, %dma_wait3A_202] : memref<10000x144xf32, #tpu.memory_space<hbm>> -> memref<10000x144xf32, #tpu.memory_space<hbm>>
        tpu.wait_indirect_dma semaphore(%arg13 : memref<!tpu.dma_semaphore, #tpu.memory_space<semaphore_mem>>) src(%dma_wait3A_203 : memref<10000x144xf32, #tpu.memory_space<hbm>>) dst(%dma_wait3A_197 : memref<128x144xf32, #tpu.memory_space<vmem>>)
        %dma_start3A_204 = arith.constant 1 : i32
        %dma_start3A_205 = arith.constant 1 : i32
        %dma_start3A_206 = arith.constant 0 : i32
        %dma_start3A_207 = arith.constant 0 : i32
        %dma_start3A_208 = tpu.memref_slice %arg9[%dma_start3A_204, %dma_start3A_206, %dma_start3A_207] : memref<2x128x144xf32, #tpu.memory_space<vmem>> -> memref<1x128x144xf32, #tpu.memory_space<vmem>>
        %dma_start3A_209 = tpu.memref_squeeze %dma_start3A_208 : memref<1x128x144xf32, #tpu.memory_space<vmem>> -> memref<128x144xf32, #tpu.memory_space<vmem>>
        %dma_start3A_210 = arith.constant 0 : i32
        %dma_start3A_211 = tpu.memref_slice %arg8[%dma_start3A_205, %dma_start3A_210] : memref<2x128xi32, #tpu.memory_space<vmem>> -> memref<1x128xi32, #tpu.memory_space<vmem>>
        %dma_start3A_212 = tpu.memref_squeeze %dma_start3A_211 : memref<1x128xi32, #tpu.memory_space<vmem>> -> memref<128xi32, #tpu.memory_space<vmem>>
        %dma_start3A_213 = arith.constant 0 : i32
        %dma_start3A_214 = arith.constant 0 : i32
        %dma_start3A_215 = tpu.memref_slice %arg10[%dma_start3A_213, %dma_start3A_214] : memref<10112x144xf32, #tpu.memory_space<vmem_shared>> -> memref<10112x144xf32, #tpu.memory_space<vmem_shared>>
        tpu.enqueue_indirect_dma source(%dma_start3A_209 : memref<128x144xf32, #tpu.memory_space<vmem>>) target(%dma_start3A_215 : memref<10112x144xf32, #tpu.memory_space<vmem_shared>>) offsets(%dma_start3A_212 : memref<128xi32, #tpu.memory_space<vmem>>) semaphore(%arg14 : memref<!tpu.dma_semaphore, #tpu.memory_space<semaphore_mem>>) {add = true}
        %dma_wait3A_216 = arith.constant 0 : i32
        %dma_wait3A_217 = arith.constant 0 : i32
        %dma_wait3A_218 = arith.constant 0 : i32
        %dma_wait3A_219 = arith.constant 0 : i32
        %dma_wait3A_220 = tpu.memref_slice %arg9[%dma_wait3A_216, %dma_wait3A_218, %dma_wait3A_219] : memref<2x128x144xf32, #tpu.memory_space<vmem>> -> memref<1x128x144xf32, #tpu.memory_space<vmem>>
        %dma_wait3A_221 = tpu.memref_squeeze %dma_wait3A_220 : memref<1x128x144xf32, #tpu.memory_space<vmem>> -> memref<128x144xf32, #tpu.memory_space<vmem>>
        %dma_wait3A_222 = arith.constant 0 : i32
        %dma_wait3A_223 = tpu.memref_slice %arg8[%dma_wait3A_217, %dma_wait3A_222] : memref<2x128xi32, #tpu.memory_space<vmem>> -> memref<1x128xi32, #tpu.memory_space<vmem>>
        %dma_wait3A_224 = tpu.memref_squeeze %dma_wait3A_223 : memref<1x128xi32, #tpu.memory_space<vmem>> -> memref<128xi32, #tpu.memory_space<vmem>>
        %dma_wait3A_225 = arith.constant 0 : i32
        %dma_wait3A_226 = arith.constant 0 : i32
        %dma_wait3A_227 = tpu.memref_slice %arg10[%dma_wait3A_225, %dma_wait3A_226] : memref<10112x144xf32, #tpu.memory_space<vmem_shared>> -> memref<10112x144xf32, #tpu.memory_space<vmem_shared>>
        tpu.wait_indirect_dma semaphore(%arg14 : memref<!tpu.dma_semaphore, #tpu.memory_space<semaphore_mem>>) src(%dma_wait3A_221 : memref<128x144xf32, #tpu.memory_space<vmem>>) dst(%dma_wait3A_227 : memref<10112x144xf32, #tpu.memory_space<vmem_shared>>)
        %dma_wait3A_228 = arith.constant 1 : i32
        %dma_wait3A_229 = arith.constant 1 : i32
        %dma_wait3A_230 = arith.constant 0 : i32
        %dma_wait3A_231 = arith.constant 0 : i32
        %dma_wait3A_232 = tpu.memref_slice %arg9[%dma_wait3A_228, %dma_wait3A_230, %dma_wait3A_231] : memref<2x128x144xf32, #tpu.memory_space<vmem>> -> memref<1x128x144xf32, #tpu.memory_space<vmem>>
        %dma_wait3A_233 = tpu.memref_squeeze %dma_wait3A_232 : memref<1x128x144xf32, #tpu.memory_space<vmem>> -> memref<128x144xf32, #tpu.memory_space<vmem>>
        %dma_wait3A_234 = arith.constant 0 : i32
        %dma_wait3A_235 = tpu.memref_slice %arg8[%dma_wait3A_229, %dma_wait3A_234] : memref<2x128xi32, #tpu.memory_space<vmem>> -> memref<1x128xi32, #tpu.memory_space<vmem>>
        %dma_wait3A_236 = tpu.memref_squeeze %dma_wait3A_235 : memref<1x128xi32, #tpu.memory_space<vmem>> -> memref<128xi32, #tpu.memory_space<vmem>>
        %dma_wait3A_237 = arith.constant 0 : i32
        %dma_wait3A_238 = arith.constant 0 : i32
        %dma_wait3A_239 = tpu.memref_slice %arg10[%dma_wait3A_237, %dma_wait3A_238] : memref<10112x144xf32, #tpu.memory_space<vmem_shared>> -> memref<10112x144xf32, #tpu.memory_space<vmem_shared>>
        tpu.wait_indirect_dma semaphore(%arg14 : memref<!tpu.dma_semaphore, #tpu.memory_space<semaphore_mem>>) src(%dma_wait3A_233 : memref<128x144xf32, #tpu.memory_space<vmem>>) dst(%dma_wait3A_239 : memref<10112x144xf32, #tpu.memory_space<vmem_shared>>)
      }
      %scan3A_24 = arith.constant 20 : i32
    } else {
    }
    %barrier3A_8 = arith.constant 0 : index
    tpu.barrier barrier_id(%barrier3A_8)
    %lt3A = arith.constant 15 : i32
    %lt3A_9 = arith.cmpi slt, %arg1, %lt3A : i32
    %convert_element_type3A_10 = arith.extui %lt3A_9 : i1 to i32
    %cond3A_11 = arith.constant 0 : i32
    %cond3A_12 = arith.cmpi ne, %convert_element_type3A_10, %cond3A_11 : i32
    scf.if %cond3A_12 {
      %mul3A_18 = arith.constant 632 : i32
      %mul3A_19 = arith.muli %arg1, %mul3A_18 : i32
      %mul3A_20 = arith.constant 632 : i32
      %mul3A_21 = arith.muli %arg1, %mul3A_20 : i32
      "tpu.region"() ({
        %run_scoped3A = tpu.sem_alloc : memref<!tpu.dma_semaphore, #tpu.memory_space<semaphore_mem>>
        %dma_start3A = arith.constant 0 : i32
        %dma_start3A_22 = tpu.memref_slice %arg6[%arg0, %mul3A_21, %dma_start3A] : memref<2x10000x144xf32, #tpu.memory_space<hbm>> -> memref<1x632x144xf32, #tpu.memory_space<hbm>>
        %dma_start3A_23 = tpu.memref_squeeze %dma_start3A_22 : memref<1x632x144xf32, #tpu.memory_space<hbm>> -> memref<632x144xf32, #tpu.memory_space<hbm>>
        %dma_start3A_24 = arith.constant 0 : i32
        %dma_start3A_25 = tpu.memref_slice %arg10[%mul3A_19, %dma_start3A_24] : memref<10112x144xf32, #tpu.memory_space<vmem_shared>> -> memref<632x144xf32, #tpu.memory_space<vmem_shared>>
        tpu.enqueue_dma source(%dma_start3A_25 : memref<632x144xf32, #tpu.memory_space<vmem_shared>>) target(%dma_start3A_23 : memref<632x144xf32, #tpu.memory_space<hbm>>) target_semaphore(%run_scoped3A : memref<!tpu.dma_semaphore, #tpu.memory_space<semaphore_mem>>)
        %dma_wait3A = arith.constant 0 : i32
        %dma_wait3A_26 = tpu.memref_slice %arg6[%arg0, %mul3A_21, %dma_wait3A] : memref<2x10000x144xf32, #tpu.memory_space<hbm>> -> memref<1x632x144xf32, #tpu.memory_space<hbm>>
        %dma_wait3A_27 = tpu.memref_squeeze %dma_wait3A_26 : memref<1x632x144xf32, #tpu.memory_space<hbm>> -> memref<632x144xf32, #tpu.memory_space<hbm>>
        %dma_wait3A_28 = arith.constant 0 : i32
        %dma_wait3A_29 = tpu.memref_slice %arg10[%mul3A_19, %dma_wait3A_28] : memref<10112x144xf32, #tpu.memory_space<vmem_shared>> -> memref<632x144xf32, #tpu.memory_space<vmem_shared>>
        tpu.wait_dma2 semaphore(%run_scoped3A : memref<!tpu.dma_semaphore, #tpu.memory_space<semaphore_mem>>) src(%dma_wait3A_29 : memref<632x144xf32, #tpu.memory_space<vmem_shared>>) dst(%dma_wait3A_27 : memref<632x144xf32, #tpu.memory_space<hbm>>)
        tpu.yield
      }) : () -> ()
    } else {
    }
    %eq3A_13 = arith.constant 15 : i32
    %eq3A_14 = arith.cmpi eq, %arg1, %eq3A_13 : i32
    %convert_element_type3A_15 = arith.extui %eq3A_14 : i1 to i32
    %cond3A_16 = arith.constant 0 : i32
    %cond3A_17 = arith.cmpi ne, %convert_element_type3A_15, %cond3A_16 : i32
    scf.if %cond3A_17 {
      "tpu.region"() ({
        %run_scoped3A = tpu.sem_alloc : memref<!tpu.dma_semaphore, #tpu.memory_space<semaphore_mem>>
        %dma_start3A = arith.constant 9480 : i32
        %dma_start3A_18 = arith.constant 0 : i32
        %dma_start3A_19 = tpu.memref_slice %arg6[%arg0, %dma_start3A, %dma_start3A_18] : memref<2x10000x144xf32, #tpu.memory_space<hbm>> -> memref<1x520x144xf32, #tpu.memory_space<hbm>>
        %dma_start3A_20 = tpu.memref_squeeze %dma_start3A_19 : memref<1x520x144xf32, #tpu.memory_space<hbm>> -> memref<520x144xf32, #tpu.memory_space<hbm>>
        %dma_start3A_21 = arith.constant 9480 : i32
        %dma_start3A_22 = arith.constant 0 : i32
        %dma_start3A_23 = tpu.memref_slice %arg10[%dma_start3A_21, %dma_start3A_22] : memref<10112x144xf32, #tpu.memory_space<vmem_shared>> -> memref<520x144xf32, #tpu.memory_space<vmem_shared>>
        tpu.enqueue_dma source(%dma_start3A_23 : memref<520x144xf32, #tpu.memory_space<vmem_shared>>) target(%dma_start3A_20 : memref<520x144xf32, #tpu.memory_space<hbm>>) target_semaphore(%run_scoped3A : memref<!tpu.dma_semaphore, #tpu.memory_space<semaphore_mem>>)
        %dma_wait3A = arith.constant 9480 : i32
        %dma_wait3A_24 = arith.constant 0 : i32
        %dma_wait3A_25 = tpu.memref_slice %arg6[%arg0, %dma_wait3A, %dma_wait3A_24] : memref<2x10000x144xf32, #tpu.memory_space<hbm>> -> memref<1x520x144xf32, #tpu.memory_space<hbm>>
        %dma_wait3A_26 = tpu.memref_squeeze %dma_wait3A_25 : memref<1x520x144xf32, #tpu.memory_space<hbm>> -> memref<520x144xf32, #tpu.memory_space<hbm>>
        %dma_wait3A_27 = arith.constant 9480 : i32
        %dma_wait3A_28 = arith.constant 0 : i32
        %dma_wait3A_29 = tpu.memref_slice %arg10[%dma_wait3A_27, %dma_wait3A_28] : memref<10112x144xf32, #tpu.memory_space<vmem_shared>> -> memref<520x144xf32, #tpu.memory_space<vmem_shared>>
        tpu.wait_dma2 semaphore(%run_scoped3A : memref<!tpu.dma_semaphore, #tpu.memory_space<semaphore_mem>>) src(%dma_wait3A_29 : memref<520x144xf32, #tpu.memory_space<vmem_shared>>) dst(%dma_wait3A_26 : memref<520x144xf32, #tpu.memory_space<hbm>>)
        tpu.yield
      }) : () -> ()
    } else {
    }
    return
  }
}

#map = affine_map<(d0, d1) -> (0, 0)>
module attributes {stable_mosaic.version = 14 : i64} {
  func.func @sc_gather(%arg0: i32, %arg1: i32, %arg2: memref<10000x144xf32, #tpu.memory_space<hbm>>, %arg3: memref<240x128xi32, #tpu.memory_space<hbm>>, %arg4: memref<30720x144xf32, #tpu.memory_space<hbm>>, %arg5: memref<14x128xi32, #tpu.memory_space<vmem>>, %arg6: memref<2x128x144xf32, #tpu.memory_space<vmem>>, %arg7: memref<!tpu.dma_semaphore, #tpu.memory_space<semaphore_mem>>, %arg8: memref<!tpu.dma_semaphore, #tpu.memory_space<semaphore_mem>>, %arg9: memref<!tpu.dma_semaphore, #tpu.memory_space<semaphore_mem>>) attributes {dimension_semantics = [#tpu.dimension_semantics<core_parallel>, #tpu.dimension_semantics<subcore_parallel>], iteration_bounds = array<i64: 2, 16>, scalar_prefetch = 0 : i64, scratch_operands = 5 : i64, tpu.core_type = #tpu.core_type<sc_vector_subcore>, window_params = [{transform_indices = #map}, {transform_indices = #map}, {transform_indices = #map}]} {
    %eq3A = arith.constant 0 : i32
    %eq3A_0 = arith.cmpi eq, %arg0, %eq3A : i32
    %mul3A = arith.constant 14 : i32
    %mul3A_1 = arith.muli %arg1, %mul3A : i32
    %mul3A_2 = arith.constant 1 : i32
    %mul3A_3 = arith.muli %arg1, %mul3A_2 : i32
    %add3A = arith.constant 224 : i32
    %add3A_4 = arith.addi %add3A, %mul3A_3 : i32
    %select_n3A = arith.select %eq3A_0, %mul3A_1, %add3A_4 : i32
    %eq3A_5 = arith.constant 0 : i32
    %eq3A_6 = arith.cmpi eq, %arg0, %eq3A_5 : i32
    %convert_element_type3A = arith.extui %eq3A_6 : i1 to i32
    %cond3A = arith.constant 0 : i32
    %cond3A_7 = arith.cmpi ne, %convert_element_type3A, %cond3A : i32
    scf.if %cond3A_7 {
      "tpu.region"() ({
        %run_scoped3A = tpu.sem_alloc : memref<!tpu.dma_semaphore, #tpu.memory_space<semaphore_mem>>
        %dma_start3A = arith.constant 0 : i32
        %dma_start3A_17 = tpu.memref_slice %arg3[%select_n3A, %dma_start3A] : memref<240x128xi32, #tpu.memory_space<hbm>> -> memref<14x128xi32, #tpu.memory_space<hbm>>
        %dma_start3A_18 = arith.constant 0 : i32
        %dma_start3A_19 = tpu.memref_slice %arg3[%select_n3A, %dma_start3A_18] : memref<240x128xi32, #tpu.memory_space<hbm>> -> memref<14x128xi32, #tpu.memory_space<hbm>>
        tpu.enqueue_dma source(%dma_start3A_19 : memref<14x128xi32, #tpu.memory_space<hbm>>) target(%arg5 : memref<14x128xi32, #tpu.memory_space<vmem>>) target_semaphore(%run_scoped3A : memref<!tpu.dma_semaphore, #tpu.memory_space<semaphore_mem>>)
        %dma_wait3A = arith.constant 0 : i32
        %dma_wait3A_20 = tpu.memref_slice %arg3[%select_n3A, %dma_wait3A] : memref<240x128xi32, #tpu.memory_space<hbm>> -> memref<14x128xi32, #tpu.memory_space<hbm>>
        %dma_wait3A_21 = arith.constant 0 : i32
        %dma_wait3A_22 = tpu.memref_slice %arg3[%select_n3A, %dma_wait3A_21] : memref<240x128xi32, #tpu.memory_space<hbm>> -> memref<14x128xi32, #tpu.memory_space<hbm>>
        tpu.wait_dma2 semaphore(%run_scoped3A : memref<!tpu.dma_semaphore, #tpu.memory_space<semaphore_mem>>) src(%dma_wait3A_22 : memref<14x128xi32, #tpu.memory_space<hbm>>) dst(%arg5 : memref<14x128xi32, #tpu.memory_space<vmem>>)
        tpu.yield
      }) : () -> ()
      %scan3A = arith.constant 0 : i32
      %scan3A_13 = arith.constant 7 : i32
      %scan3A_14 = arith.addi %scan3A, %scan3A_13 : i32
      %scan3A_15 = arith.constant 1 : i32
      scf.for %scan3A_17 = %scan3A to %scan3A_14 step %scan3A_15  : i32 {
        %mul3A_18 = arith.constant 2 : i32
        %mul3A_19 = arith.muli %scan3A_17, %mul3A_18 : i32
        %add3A_20 = arith.constant 0 : i32
        %add3A_21 = arith.addi %add3A_20, %mul3A_19 : i32
        %add3A_22 = arith.constant 0 : i32
        %add3A_23 = arith.addi %add3A_21, %add3A_22 : i32
        %dma_start3A = arith.constant 0 : i32
        %dma_start3A_24 = arith.constant 0 : i32
        %dma_start3A_25 = arith.constant 0 : i32
        %dma_start3A_26 = tpu.memref_slice %arg6[%dma_start3A, %dma_start3A_24, %dma_start3A_25] : memref<2x128x144xf32, #tpu.memory_space<vmem>> -> memref<1x128x144xf32, #tpu.memory_space<vmem>>
        %dma_start3A_27 = tpu.memref_squeeze %dma_start3A_26 : memref<1x128x144xf32, #tpu.memory_space<vmem>> -> memref<128x144xf32, #tpu.memory_space<vmem>>
        %dma_start3A_28 = arith.constant 0 : i32
        %dma_start3A_29 = tpu.memref_slice %arg5[%add3A_23, %dma_start3A_28] : memref<14x128xi32, #tpu.memory_space<vmem>> -> memref<1x128xi32, #tpu.memory_space<vmem>>
        %dma_start3A_30 = tpu.memref_squeeze %dma_start3A_29 : memref<1x128xi32, #tpu.memory_space<vmem>> -> memref<128xi32, #tpu.memory_space<vmem>>
        %dma_start3A_31 = arith.constant 0 : i32
        %dma_start3A_32 = arith.constant 0 : i32
        %dma_start3A_33 = tpu.memref_slice %arg2[%dma_start3A_31, %dma_start3A_32] : memref<10000x144xf32, #tpu.memory_space<hbm>> -> memref<10000x144xf32, #tpu.memory_space<hbm>>
        tpu.enqueue_indirect_dma source(%dma_start3A_33 : memref<10000x144xf32, #tpu.memory_space<hbm>>) target(%dma_start3A_27 : memref<128x144xf32, #tpu.memory_space<vmem>>) offsets(%dma_start3A_30 : memref<128xi32, #tpu.memory_space<vmem>>) semaphore(%arg7 : memref<!tpu.dma_semaphore, #tpu.memory_space<semaphore_mem>>)
        %add3A_34 = arith.constant 1 : i32
        %add3A_35 = arith.addi %add3A_21, %add3A_34 : i32
        %dma_start3A_36 = arith.constant 1 : i32
        %dma_start3A_37 = arith.constant 0 : i32
        %dma_start3A_38 = arith.constant 0 : i32
        %dma_start3A_39 = tpu.memref_slice %arg6[%dma_start3A_36, %dma_start3A_37, %dma_start3A_38] : memref<2x128x144xf32, #tpu.memory_space<vmem>> -> memref<1x128x144xf32, #tpu.memory_space<vmem>>
        %dma_start3A_40 = tpu.memref_squeeze %dma_start3A_39 : memref<1x128x144xf32, #tpu.memory_space<vmem>> -> memref<128x144xf32, #tpu.memory_space<vmem>>
        %dma_start3A_41 = arith.constant 0 : i32
        %dma_start3A_42 = tpu.memref_slice %arg5[%add3A_35, %dma_start3A_41] : memref<14x128xi32, #tpu.memory_space<vmem>> -> memref<1x128xi32, #tpu.memory_space<vmem>>
        %dma_start3A_43 = tpu.memref_squeeze %dma_start3A_42 : memref<1x128xi32, #tpu.memory_space<vmem>> -> memref<128xi32, #tpu.memory_space<vmem>>
        %dma_start3A_44 = arith.constant 0 : i32
        %dma_start3A_45 = arith.constant 0 : i32
        %dma_start3A_46 = tpu.memref_slice %arg2[%dma_start3A_44, %dma_start3A_45] : memref<10000x144xf32, #tpu.memory_space<hbm>> -> memref<10000x144xf32, #tpu.memory_space<hbm>>
        tpu.enqueue_indirect_dma source(%dma_start3A_46 : memref<10000x144xf32, #tpu.memory_space<hbm>>) target(%dma_start3A_40 : memref<128x144xf32, #tpu.memory_space<vmem>>) offsets(%dma_start3A_43 : memref<128xi32, #tpu.memory_space<vmem>>) semaphore(%arg8 : memref<!tpu.dma_semaphore, #tpu.memory_space<semaphore_mem>>)
        %dma_wait3A = arith.constant 0 : i32
        %dma_wait3A_47 = arith.constant 0 : i32
        %dma_wait3A_48 = arith.constant 0 : i32
        %dma_wait3A_49 = tpu.memref_slice %arg6[%dma_wait3A, %dma_wait3A_47, %dma_wait3A_48] : memref<2x128x144xf32, #tpu.memory_space<vmem>> -> memref<1x128x144xf32, #tpu.memory_space<vmem>>
        %dma_wait3A_50 = tpu.memref_squeeze %dma_wait3A_49 : memref<1x128x144xf32, #tpu.memory_space<vmem>> -> memref<128x144xf32, #tpu.memory_space<vmem>>
        %dma_wait3A_51 = arith.constant 0 : i32
        %dma_wait3A_52 = tpu.memref_slice %arg5[%add3A_23, %dma_wait3A_51] : memref<14x128xi32, #tpu.memory_space<vmem>> -> memref<1x128xi32, #tpu.memory_space<vmem>>
        %dma_wait3A_53 = tpu.memref_squeeze %dma_wait3A_52 : memref<1x128xi32, #tpu.memory_space<vmem>> -> memref<128xi32, #tpu.memory_space<vmem>>
        %dma_wait3A_54 = arith.constant 0 : i32
        %dma_wait3A_55 = arith.constant 0 : i32
        %dma_wait3A_56 = tpu.memref_slice %arg2[%dma_wait3A_54, %dma_wait3A_55] : memref<10000x144xf32, #tpu.memory_space<hbm>> -> memref<10000x144xf32, #tpu.memory_space<hbm>>
        tpu.wait_indirect_dma semaphore(%arg7 : memref<!tpu.dma_semaphore, #tpu.memory_space<semaphore_mem>>) src(%dma_wait3A_56 : memref<10000x144xf32, #tpu.memory_space<hbm>>) dst(%dma_wait3A_50 : memref<128x144xf32, #tpu.memory_space<vmem>>)
        %add3A_57 = arith.addi %select_n3A, %add3A_21 : i32
        %add3A_58 = arith.constant 0 : i32
        %add3A_59 = arith.addi %add3A_57, %add3A_58 : i32
        %mul3A_60 = arith.constant 128 : i32
        %mul3A_61 = arith.muli %add3A_59, %mul3A_60 : i32
        %dma_start3A_62 = arith.constant 0 : i32
        %dma_start3A_63 = arith.constant 0 : i32
        %dma_start3A_64 = arith.constant 0 : i32
        %dma_start3A_65 = tpu.memref_slice %arg6[%dma_start3A_62, %dma_start3A_63, %dma_start3A_64] : memref<2x128x144xf32, #tpu.memory_space<vmem>> -> memref<1x128x144xf32, #tpu.memory_space<vmem>>
        %dma_start3A_66 = tpu.memref_squeeze %dma_start3A_65 : memref<1x128x144xf32, #tpu.memory_space<vmem>> -> memref<128x144xf32, #tpu.memory_space<vmem>>
        %dma_start3A_67 = arith.constant 0 : i32
        %dma_start3A_68 = tpu.memref_slice %arg4[%mul3A_61, %dma_start3A_67] : memref<30720x144xf32, #tpu.memory_space<hbm>> -> memref<128x144xf32, #tpu.memory_space<hbm>>
        %dma_start3A_69 = arith.constant 0 : i32
        %dma_start3A_70 = tpu.memref_slice %arg4[%mul3A_61, %dma_start3A_69] : memref<30720x144xf32, #tpu.memory_space<hbm>> -> memref<128x144xf32, #tpu.memory_space<hbm>>
        %dma_start3A_71 = arith.constant 0 : i32
        %dma_start3A_72 = arith.constant 0 : i32
        %dma_start3A_73 = tpu.memref_slice %arg6[%dma_start3A_62, %dma_start3A_71, %dma_start3A_72] : memref<2x128x144xf32, #tpu.memory_space<vmem>> -> memref<1x128x144xf32, #tpu.memory_space<vmem>>
        %dma_start3A_74 = tpu.memref_squeeze %dma_start3A_73 : memref<1x128x144xf32, #tpu.memory_space<vmem>> -> memref<128x144xf32, #tpu.memory_space<vmem>>
        tpu.enqueue_dma source(%dma_start3A_74 : memref<128x144xf32, #tpu.memory_space<vmem>>) target(%dma_start3A_70 : memref<128x144xf32, #tpu.memory_space<hbm>>) target_semaphore(%arg9 : memref<!tpu.dma_semaphore, #tpu.memory_space<semaphore_mem>>)
        %dma_wait3A_75 = arith.constant 1 : i32
        %dma_wait3A_76 = arith.constant 0 : i32
        %dma_wait3A_77 = arith.constant 0 : i32
        %dma_wait3A_78 = tpu.memref_slice %arg6[%dma_wait3A_75, %dma_wait3A_76, %dma_wait3A_77] : memref<2x128x144xf32, #tpu.memory_space<vmem>> -> memref<1x128x144xf32, #tpu.memory_space<vmem>>
        %dma_wait3A_79 = tpu.memref_squeeze %dma_wait3A_78 : memref<1x128x144xf32, #tpu.memory_space<vmem>> -> memref<128x144xf32, #tpu.memory_space<vmem>>
        %dma_wait3A_80 = arith.constant 0 : i32
        %dma_wait3A_81 = tpu.memref_slice %arg5[%add3A_35, %dma_wait3A_80] : memref<14x128xi32, #tpu.memory_space<vmem>> -> memref<1x128xi32, #tpu.memory_space<vmem>>
        %dma_wait3A_82 = tpu.memref_squeeze %dma_wait3A_81 : memref<1x128xi32, #tpu.memory_space<vmem>> -> memref<128xi32, #tpu.memory_space<vmem>>
        %dma_wait3A_83 = arith.constant 0 : i32
        %dma_wait3A_84 = arith.constant 0 : i32
        %dma_wait3A_85 = tpu.memref_slice %arg2[%dma_wait3A_83, %dma_wait3A_84] : memref<10000x144xf32, #tpu.memory_space<hbm>> -> memref<10000x144xf32, #tpu.memory_space<hbm>>
        tpu.wait_indirect_dma semaphore(%arg8 : memref<!tpu.dma_semaphore, #tpu.memory_space<semaphore_mem>>) src(%dma_wait3A_85 : memref<10000x144xf32, #tpu.memory_space<hbm>>) dst(%dma_wait3A_79 : memref<128x144xf32, #tpu.memory_space<vmem>>)
        %add3A_86 = arith.addi %select_n3A, %add3A_21 : i32
        %add3A_87 = arith.constant 1 : i32
        %add3A_88 = arith.addi %add3A_86, %add3A_87 : i32
        %mul3A_89 = arith.constant 128 : i32
        %mul3A_90 = arith.muli %add3A_88, %mul3A_89 : i32
        %dma_start3A_91 = arith.constant 1 : i32
        %dma_start3A_92 = arith.constant 0 : i32
        %dma_start3A_93 = arith.constant 0 : i32
        %dma_start3A_94 = tpu.memref_slice %arg6[%dma_start3A_91, %dma_start3A_92, %dma_start3A_93] : memref<2x128x144xf32, #tpu.memory_space<vmem>> -> memref<1x128x144xf32, #tpu.memory_space<vmem>>
        %dma_start3A_95 = tpu.memref_squeeze %dma_start3A_94 : memref<1x128x144xf32, #tpu.memory_space<vmem>> -> memref<128x144xf32, #tpu.memory_space<vmem>>
        %dma_start3A_96 = arith.constant 0 : i32
        %dma_start3A_97 = tpu.memref_slice %arg4[%mul3A_90, %dma_start3A_96] : memref<30720x144xf32, #tpu.memory_space<hbm>> -> memref<128x144xf32, #tpu.memory_space<hbm>>
        %dma_start3A_98 = arith.constant 0 : i32
        %dma_start3A_99 = tpu.memref_slice %arg4[%mul3A_90, %dma_start3A_98] : memref<30720x144xf32, #tpu.memory_space<hbm>> -> memref<128x144xf32, #tpu.memory_space<hbm>>
        %dma_start3A_100 = arith.constant 0 : i32
        %dma_start3A_101 = arith.constant 0 : i32
        %dma_start3A_102 = tpu.memref_slice %arg6[%dma_start3A_91, %dma_start3A_100, %dma_start3A_101] : memref<2x128x144xf32, #tpu.memory_space<vmem>> -> memref<1x128x144xf32, #tpu.memory_space<vmem>>
        %dma_start3A_103 = tpu.memref_squeeze %dma_start3A_102 : memref<1x128x144xf32, #tpu.memory_space<vmem>> -> memref<128x144xf32, #tpu.memory_space<vmem>>
        tpu.enqueue_dma source(%dma_start3A_103 : memref<128x144xf32, #tpu.memory_space<vmem>>) target(%dma_start3A_99 : memref<128x144xf32, #tpu.memory_space<hbm>>) target_semaphore(%arg9 : memref<!tpu.dma_semaphore, #tpu.memory_space<semaphore_mem>>)
        %dma_wait3A_104 = arith.constant 0 : i32
        %dma_wait3A_105 = arith.constant 0 : i32
        %dma_wait3A_106 = arith.constant 0 : i32
        %dma_wait3A_107 = tpu.memref_slice %arg6[%dma_wait3A_104, %dma_wait3A_105, %dma_wait3A_106] : memref<2x128x144xf32, #tpu.memory_space<vmem>> -> memref<1x128x144xf32, #tpu.memory_space<vmem>>
        %dma_wait3A_108 = tpu.memref_squeeze %dma_wait3A_107 : memref<1x128x144xf32, #tpu.memory_space<vmem>> -> memref<128x144xf32, #tpu.memory_space<vmem>>
        %dma_wait3A_109 = arith.constant 0 : i32
        %dma_wait3A_110 = tpu.memref_slice %arg4[%mul3A_61, %dma_wait3A_109] : memref<30720x144xf32, #tpu.memory_space<hbm>> -> memref<128x144xf32, #tpu.memory_space<hbm>>
        %dma_wait3A_111 = arith.constant 0 : i32
        %dma_wait3A_112 = tpu.memref_slice %arg4[%mul3A_61, %dma_wait3A_111] : memref<30720x144xf32, #tpu.memory_space<hbm>> -> memref<128x144xf32, #tpu.memory_space<hbm>>
        %dma_wait3A_113 = arith.constant 0 : i32
        %dma_wait3A_114 = arith.constant 0 : i32
        %dma_wait3A_115 = tpu.memref_slice %arg6[%dma_wait3A_104, %dma_wait3A_113, %dma_wait3A_114] : memref<2x128x144xf32, #tpu.memory_space<vmem>> -> memref<1x128x144xf32, #tpu.memory_space<vmem>>
        %dma_wait3A_116 = tpu.memref_squeeze %dma_wait3A_115 : memref<1x128x144xf32, #tpu.memory_space<vmem>> -> memref<128x144xf32, #tpu.memory_space<vmem>>
        tpu.wait_dma2 semaphore(%arg9 : memref<!tpu.dma_semaphore, #tpu.memory_space<semaphore_mem>>) src(%dma_wait3A_116 : memref<128x144xf32, #tpu.memory_space<vmem>>) dst(%dma_wait3A_112 : memref<128x144xf32, #tpu.memory_space<hbm>>)
        %dma_wait3A_117 = arith.constant 1 : i32
        %dma_wait3A_118 = arith.constant 0 : i32
        %dma_wait3A_119 = arith.constant 0 : i32
        %dma_wait3A_120 = tpu.memref_slice %arg6[%dma_wait3A_117, %dma_wait3A_118, %dma_wait3A_119] : memref<2x128x144xf32, #tpu.memory_space<vmem>> -> memref<1x128x144xf32, #tpu.memory_space<vmem>>
        %dma_wait3A_121 = tpu.memref_squeeze %dma_wait3A_120 : memref<1x128x144xf32, #tpu.memory_space<vmem>> -> memref<128x144xf32, #tpu.memory_space<vmem>>
        %dma_wait3A_122 = arith.constant 0 : i32
        %dma_wait3A_123 = tpu.memref_slice %arg4[%mul3A_90, %dma_wait3A_122] : memref<30720x144xf32, #tpu.memory_space<hbm>> -> memref<128x144xf32, #tpu.memory_space<hbm>>
        %dma_wait3A_124 = arith.constant 0 : i32
        %dma_wait3A_125 = tpu.memref_slice %arg4[%mul3A_90, %dma_wait3A_124] : memref<30720x144xf32, #tpu.memory_space<hbm>> -> memref<128x144xf32, #tpu.memory_space<hbm>>
        %dma_wait3A_126 = arith.constant 0 : i32
        %dma_wait3A_127 = arith.constant 0 : i32
        %dma_wait3A_128 = tpu.memref_slice %arg6[%dma_wait3A_117, %dma_wait3A_126, %dma_wait3A_127] : memref<2x128x144xf32, #tpu.memory_space<vmem>> -> memref<1x128x144xf32, #tpu.memory_space<vmem>>
        %dma_wait3A_129 = tpu.memref_squeeze %dma_wait3A_128 : memref<1x128x144xf32, #tpu.memory_space<vmem>> -> memref<128x144xf32, #tpu.memory_space<vmem>>
        tpu.wait_dma2 semaphore(%arg9 : memref<!tpu.dma_semaphore, #tpu.memory_space<semaphore_mem>>) src(%dma_wait3A_129 : memref<128x144xf32, #tpu.memory_space<vmem>>) dst(%dma_wait3A_125 : memref<128x144xf32, #tpu.memory_space<hbm>>)
      }
      %scan3A_16 = arith.constant 7 : i32
    } else {
    }
    %eq3A_8 = arith.constant 1 : i32
    %eq3A_9 = arith.cmpi eq, %arg0, %eq3A_8 : i32
    %convert_element_type3A_10 = arith.extui %eq3A_9 : i1 to i32
    %cond3A_11 = arith.constant 0 : i32
    %cond3A_12 = arith.cmpi ne, %convert_element_type3A_10, %cond3A_11 : i32
    scf.if %cond3A_12 {
      "tpu.region"() ({
        %run_scoped3A_37 = tpu.sem_alloc : memref<!tpu.dma_semaphore, #tpu.memory_space<semaphore_mem>>
        %dma_start3A_38 = arith.constant 0 : i32
        %dma_start3A_39 = arith.constant 0 : i32
        %dma_start3A_40 = tpu.memref_slice %arg5[%dma_start3A_38, %dma_start3A_39] : memref<14x128xi32, #tpu.memory_space<vmem>> -> memref<1x128xi32, #tpu.memory_space<vmem>>
        %dma_start3A_41 = arith.constant 0 : i32
        %dma_start3A_42 = tpu.memref_slice %arg3[%select_n3A, %dma_start3A_41] : memref<240x128xi32, #tpu.memory_space<hbm>> -> memref<1x128xi32, #tpu.memory_space<hbm>>
        %dma_start3A_43 = arith.constant 0 : i32
        %dma_start3A_44 = arith.constant 0 : i32
        %dma_start3A_45 = tpu.memref_slice %arg5[%dma_start3A_43, %dma_start3A_44] : memref<14x128xi32, #tpu.memory_space<vmem>> -> memref<1x128xi32, #tpu.memory_space<vmem>>
        %dma_start3A_46 = arith.constant 0 : i32
        %dma_start3A_47 = tpu.memref_slice %arg3[%select_n3A, %dma_start3A_46] : memref<240x128xi32, #tpu.memory_space<hbm>> -> memref<1x128xi32, #tpu.memory_space<hbm>>
        tpu.enqueue_dma source(%dma_start3A_47 : memref<1x128xi32, #tpu.memory_space<hbm>>) target(%dma_start3A_45 : memref<1x128xi32, #tpu.memory_space<vmem>>) target_semaphore(%run_scoped3A_37 : memref<!tpu.dma_semaphore, #tpu.memory_space<semaphore_mem>>)
        %dma_wait3A_48 = arith.constant 0 : i32
        %dma_wait3A_49 = arith.constant 0 : i32
        %dma_wait3A_50 = tpu.memref_slice %arg5[%dma_wait3A_48, %dma_wait3A_49] : memref<14x128xi32, #tpu.memory_space<vmem>> -> memref<1x128xi32, #tpu.memory_space<vmem>>
        %dma_wait3A_51 = arith.constant 0 : i32
        %dma_wait3A_52 = tpu.memref_slice %arg3[%select_n3A, %dma_wait3A_51] : memref<240x128xi32, #tpu.memory_space<hbm>> -> memref<1x128xi32, #tpu.memory_space<hbm>>
        %dma_wait3A_53 = arith.constant 0 : i32
        %dma_wait3A_54 = arith.constant 0 : i32
        %dma_wait3A_55 = tpu.memref_slice %arg5[%dma_wait3A_53, %dma_wait3A_54] : memref<14x128xi32, #tpu.memory_space<vmem>> -> memref<1x128xi32, #tpu.memory_space<vmem>>
        %dma_wait3A_56 = arith.constant 0 : i32
        %dma_wait3A_57 = tpu.memref_slice %arg3[%select_n3A, %dma_wait3A_56] : memref<240x128xi32, #tpu.memory_space<hbm>> -> memref<1x128xi32, #tpu.memory_space<hbm>>
        tpu.wait_dma2 semaphore(%run_scoped3A_37 : memref<!tpu.dma_semaphore, #tpu.memory_space<semaphore_mem>>) src(%dma_wait3A_57 : memref<1x128xi32, #tpu.memory_space<hbm>>) dst(%dma_wait3A_55 : memref<1x128xi32, #tpu.memory_space<vmem>>)
        tpu.yield
      }) : () -> ()
      %dma_start3A = arith.constant 0 : i32
      %dma_start3A_13 = arith.constant 0 : i32
      %dma_start3A_14 = arith.constant 0 : i32
      %dma_start3A_15 = arith.constant 0 : i32
      %dma_start3A_16 = tpu.memref_slice %arg6[%dma_start3A_13, %dma_start3A_14, %dma_start3A_15] : memref<2x128x144xf32, #tpu.memory_space<vmem>> -> memref<1x128x144xf32, #tpu.memory_space<vmem>>
      %dma_start3A_17 = tpu.memref_squeeze %dma_start3A_16 : memref<1x128x144xf32, #tpu.memory_space<vmem>> -> memref<128x144xf32, #tpu.memory_space<vmem>>
      %dma_start3A_18 = arith.constant 0 : i32
      %dma_start3A_19 = tpu.memref_slice %arg5[%dma_start3A, %dma_start3A_18] : memref<14x128xi32, #tpu.memory_space<vmem>> -> memref<1x128xi32, #tpu.memory_space<vmem>>
      %dma_start3A_20 = tpu.memref_squeeze %dma_start3A_19 : memref<1x128xi32, #tpu.memory_space<vmem>> -> memref<128xi32, #tpu.memory_space<vmem>>
      %dma_start3A_21 = arith.constant 0 : i32
      %dma_start3A_22 = arith.constant 0 : i32
      %dma_start3A_23 = tpu.memref_slice %arg2[%dma_start3A_21, %dma_start3A_22] : memref<10000x144xf32, #tpu.memory_space<hbm>> -> memref<10000x144xf32, #tpu.memory_space<hbm>>
      tpu.enqueue_indirect_dma source(%dma_start3A_23 : memref<10000x144xf32, #tpu.memory_space<hbm>>) target(%dma_start3A_17 : memref<128x144xf32, #tpu.memory_space<vmem>>) offsets(%dma_start3A_20 : memref<128xi32, #tpu.memory_space<vmem>>) semaphore(%arg7 : memref<!tpu.dma_semaphore, #tpu.memory_space<semaphore_mem>>)
      %dma_wait3A = arith.constant 0 : i32
      %dma_wait3A_24 = arith.constant 0 : i32
      %dma_wait3A_25 = arith.constant 0 : i32
      %dma_wait3A_26 = arith.constant 0 : i32
      %dma_wait3A_27 = tpu.memref_slice %arg6[%dma_wait3A_24, %dma_wait3A_25, %dma_wait3A_26] : memref<2x128x144xf32, #tpu.memory_space<vmem>> -> memref<1x128x144xf32, #tpu.memory_space<vmem>>
      %dma_wait3A_28 = tpu.memref_squeeze %dma_wait3A_27 : memref<1x128x144xf32, #tpu.memory_space<vmem>> -> memref<128x144xf32, #tpu.memory_space<vmem>>
      %dma_wait3A_29 = arith.constant 0 : i32
      %dma_wait3A_30 = tpu.memref_slice %arg5[%dma_wait3A, %dma_wait3A_29] : memref<14x128xi32, #tpu.memory_space<vmem>> -> memref<1x128xi32, #tpu.memory_space<vmem>>
      %dma_wait3A_31 = tpu.memref_squeeze %dma_wait3A_30 : memref<1x128xi32, #tpu.memory_space<vmem>> -> memref<128xi32, #tpu.memory_space<vmem>>
      %dma_wait3A_32 = arith.constant 0 : i32
      %dma_wait3A_33 = arith.constant 0 : i32
      %dma_wait3A_34 = tpu.memref_slice %arg2[%dma_wait3A_32, %dma_wait3A_33] : memref<10000x144xf32, #tpu.memory_space<hbm>> -> memref<10000x144xf32, #tpu.memory_space<hbm>>
      tpu.wait_indirect_dma semaphore(%arg7 : memref<!tpu.dma_semaphore, #tpu.memory_space<semaphore_mem>>) src(%dma_wait3A_34 : memref<10000x144xf32, #tpu.memory_space<hbm>>) dst(%dma_wait3A_28 : memref<128x144xf32, #tpu.memory_space<vmem>>)
      %mul3A_35 = arith.constant 128 : i32
      %mul3A_36 = arith.muli %select_n3A, %mul3A_35 : i32
      %run_scoped3A = arith.constant 0 : i32
      "tpu.region"() ({
        %run_scoped3A_37 = tpu.sem_alloc : memref<!tpu.dma_semaphore, #tpu.memory_space<semaphore_mem>>
        %dma_start3A_38 = arith.constant 0 : i32
        %dma_start3A_39 = arith.constant 0 : i32
        %dma_start3A_40 = tpu.memref_slice %arg6[%run_scoped3A, %dma_start3A_38, %dma_start3A_39] : memref<2x128x144xf32, #tpu.memory_space<vmem>> -> memref<1x128x144xf32, #tpu.memory_space<vmem>>
        %dma_start3A_41 = tpu.memref_squeeze %dma_start3A_40 : memref<1x128x144xf32, #tpu.memory_space<vmem>> -> memref<128x144xf32, #tpu.memory_space<vmem>>
        %dma_start3A_42 = arith.constant 0 : i32
        %dma_start3A_43 = tpu.memref_slice %arg4[%mul3A_36, %dma_start3A_42] : memref<30720x144xf32, #tpu.memory_space<hbm>> -> memref<128x144xf32, #tpu.memory_space<hbm>>
        %dma_start3A_44 = arith.constant 0 : i32
        %dma_start3A_45 = tpu.memref_slice %arg4[%mul3A_36, %dma_start3A_44] : memref<30720x144xf32, #tpu.memory_space<hbm>> -> memref<128x144xf32, #tpu.memory_space<hbm>>
        %dma_start3A_46 = arith.constant 0 : i32
        %dma_start3A_47 = arith.constant 0 : i32
        %dma_start3A_48 = tpu.memref_slice %arg6[%run_scoped3A, %dma_start3A_46, %dma_start3A_47] : memref<2x128x144xf32, #tpu.memory_space<vmem>> -> memref<1x128x144xf32, #tpu.memory_space<vmem>>
        %dma_start3A_49 = tpu.memref_squeeze %dma_start3A_48 : memref<1x128x144xf32, #tpu.memory_space<vmem>> -> memref<128x144xf32, #tpu.memory_space<vmem>>
        tpu.enqueue_dma source(%dma_start3A_49 : memref<128x144xf32, #tpu.memory_space<vmem>>) target(%dma_start3A_45 : memref<128x144xf32, #tpu.memory_space<hbm>>) target_semaphore(%run_scoped3A_37 : memref<!tpu.dma_semaphore, #tpu.memory_space<semaphore_mem>>)
        %dma_wait3A_50 = arith.constant 0 : i32
        %dma_wait3A_51 = arith.constant 0 : i32
        %dma_wait3A_52 = tpu.memref_slice %arg6[%run_scoped3A, %dma_wait3A_50, %dma_wait3A_51] : memref<2x128x144xf32, #tpu.memory_space<vmem>> -> memref<1x128x144xf32, #tpu.memory_space<vmem>>
        %dma_wait3A_53 = tpu.memref_squeeze %dma_wait3A_52 : memref<1x128x144xf32, #tpu.memory_space<vmem>> -> memref<128x144xf32, #tpu.memory_space<vmem>>
        %dma_wait3A_54 = arith.constant 0 : i32
        %dma_wait3A_55 = tpu.memref_slice %arg4[%mul3A_36, %dma_wait3A_54] : memref<30720x144xf32, #tpu.memory_space<hbm>> -> memref<128x144xf32, #tpu.memory_space<hbm>>
        %dma_wait3A_56 = arith.constant 0 : i32
        %dma_wait3A_57 = tpu.memref_slice %arg4[%mul3A_36, %dma_wait3A_56] : memref<30720x144xf32, #tpu.memory_space<hbm>> -> memref<128x144xf32, #tpu.memory_space<hbm>>
        %dma_wait3A_58 = arith.constant 0 : i32
        %dma_wait3A_59 = arith.constant 0 : i32
        %dma_wait3A_60 = tpu.memref_slice %arg6[%run_scoped3A, %dma_wait3A_58, %dma_wait3A_59] : memref<2x128x144xf32, #tpu.memory_space<vmem>> -> memref<1x128x144xf32, #tpu.memory_space<vmem>>
        %dma_wait3A_61 = tpu.memref_squeeze %dma_wait3A_60 : memref<1x128x144xf32, #tpu.memory_space<vmem>> -> memref<128x144xf32, #tpu.memory_space<vmem>>
        tpu.wait_dma2 semaphore(%run_scoped3A_37 : memref<!tpu.dma_semaphore, #tpu.memory_space<semaphore_mem>>) src(%dma_wait3A_61 : memref<128x144xf32, #tpu.memory_space<vmem>>) dst(%dma_wait3A_57 : memref<128x144xf32, #tpu.memory_space<hbm>>)
        tpu.yield
      }) : () -> ()
    } else {
    }
    return
  }
}

#map = affine_map<(d0, d1) -> (0, 0)>
#map1 = affine_map<(d0, d1) -> (0, 0, 0)>
module attributes {stable_mosaic.version = 14 : i64} {
  func.func @sc_scatter(%arg0: i32, %arg1: i32, %arg2: memref<10000x144xf32, #tpu.memory_space<hbm>>, %arg3: memref<2528x128xi32, #tpu.memory_space<hbm>>, %arg4: memref<2528x128xi32, #tpu.memory_space<hbm>>, %arg5: memref<632x144xf32, #tpu.memory_space<hbm>>, %arg6: memref<2x10000x144xf32, #tpu.memory_space<hbm>>, %arg7: memref<2x128xi32, #tpu.memory_space<vmem>>, %arg8: memref<2x128xi32, #tpu.memory_space<vmem>>, %arg9: memref<2x128x144xf32, #tpu.memory_space<vmem>>, %arg10: memref<10112x144xf32, #tpu.memory_space<vmem_shared>>, %arg11: memref<!tpu.dma_semaphore, #tpu.memory_space<semaphore_mem>>, %arg12: memref<!tpu.dma_semaphore, #tpu.memory_space<semaphore_mem>>, %arg13: memref<!tpu.dma_semaphore, #tpu.memory_space<semaphore_mem>>, %arg14: memref<!tpu.dma_semaphore, #tpu.memory_space<semaphore_mem>>) attributes {dimension_semantics = [#tpu.dimension_semantics<core_parallel>, #tpu.dimension_semantics<subcore_parallel>], iteration_bounds = array<i64: 2, 16>, scalar_prefetch = 0 : i64, scratch_operands = 8 : i64, tpu.core_type = #tpu.core_type<sc_vector_subcore>, window_params = [{transform_indices = #map}, {transform_indices = #map}, {transform_indices = #map}, {transform_indices = #map}, {transform_indices = #map1}]} {
    %mul3A = arith.constant 632 : i32
    %mul3A_0 = arith.muli %arg1, %mul3A : i32
    "tpu.region"() ({
      %run_scoped3A = tpu.sem_alloc : memref<!tpu.dma_semaphore, #tpu.memory_space<semaphore_mem>>
      %dma_start3A = arith.constant 0 : i32
      %dma_start3A_18 = tpu.memref_slice %arg10[%mul3A_0, %dma_start3A] : memref<10112x144xf32, #tpu.memory_space<vmem_shared>> -> memref<632x144xf32, #tpu.memory_space<vmem_shared>>
      tpu.enqueue_dma source(%arg5 : memref<632x144xf32, #tpu.memory_space<hbm>>) target(%dma_start3A_18 : memref<632x144xf32, #tpu.memory_space<vmem_shared>>) target_semaphore(%run_scoped3A : memref<!tpu.dma_semaphore, #tpu.memory_space<semaphore_mem>>)
      %dma_wait3A = arith.constant 0 : i32
      %dma_wait3A_19 = tpu.memref_slice %arg10[%mul3A_0, %dma_wait3A] : memref<10112x144xf32, #tpu.memory_space<vmem_shared>> -> memref<632x144xf32, #tpu.memory_space<vmem_shared>>
      tpu.wait_dma2 semaphore(%run_scoped3A : memref<!tpu.dma_semaphore, #tpu.memory_space<semaphore_mem>>) src(%arg5 : memref<632x144xf32, #tpu.memory_space<hbm>>) dst(%dma_wait3A_19 : memref<632x144xf32, #tpu.memory_space<vmem_shared>>)
      tpu.yield
    }) : () -> ()
    %barrier3A = arith.constant 0 : index
    tpu.barrier barrier_id(%barrier3A)
    %eq3A = arith.constant 0 : i32
    %eq3A_1 = arith.cmpi eq, %arg0, %eq3A : i32
    %convert_element_type3A = arith.extui %eq3A_1 : i1 to i32
    %cond3A = arith.constant 0 : i32
    %cond3A_2 = arith.cmpi ne, %convert_element_type3A, %cond3A : i32
    scf.if %cond3A_2 {
      %mul3A_18 = arith.constant 118 : i32
      %mul3A_19 = arith.muli %arg1, %mul3A_18 : i32
      %scan3A = arith.constant 0 : i32
      %scan3A_20 = arith.constant 59 : i32
      %scan3A_21 = arith.addi %scan3A, %scan3A_20 : i32
      %scan3A_22 = arith.constant 1 : i32
      scf.for %scan3A_24 = %scan3A to %scan3A_21 step %scan3A_22  : i32 {
        %mul3A_25 = arith.constant 2 : i32
        %mul3A_26 = arith.muli %scan3A_24, %mul3A_25 : i32
        %add3A = arith.constant 0 : i32
        %add3A_27 = arith.addi %add3A, %mul3A_26 : i32
        %add3A_28 = arith.addi %mul3A_19, %add3A_27 : i32
        %add3A_29 = arith.constant 0 : i32
        %add3A_30 = arith.addi %add3A_28, %add3A_29 : i32
        %dma_start3A = arith.constant 0 : i32
        %dma_start3A_31 = arith.constant 0 : i32
        %dma_start3A_32 = tpu.memref_slice %arg7[%dma_start3A, %dma_start3A_31] : memref<2x128xi32, #tpu.memory_space<vmem>> -> memref<1x128xi32, #tpu.memory_space<vmem>>
        %dma_start3A_33 = tpu.memref_squeeze %dma_start3A_32 : memref<1x128xi32, #tpu.memory_space<vmem>> -> memref<128xi32, #tpu.memory_space<vmem>>
        %dma_start3A_34 = arith.constant 0 : i32
        %dma_start3A_35 = tpu.memref_slice %arg3[%add3A_30, %dma_start3A_34] : memref<2528x128xi32, #tpu.memory_space<hbm>> -> memref<1x128xi32, #tpu.memory_space<hbm>>
        %dma_start3A_36 = tpu.memref_squeeze %dma_start3A_35 : memref<1x128xi32, #tpu.memory_space<hbm>> -> memref<128xi32, #tpu.memory_space<hbm>>
        %dma_start3A_37 = arith.constant 0 : i32
        %dma_start3A_38 = tpu.memref_slice %arg7[%dma_start3A, %dma_start3A_37] : memref<2x128xi32, #tpu.memory_space<vmem>> -> memref<1x128xi32, #tpu.memory_space<vmem>>
        %dma_start3A_39 = tpu.memref_squeeze %dma_start3A_38 : memref<1x128xi32, #tpu.memory_space<vmem>> -> memref<128xi32, #tpu.memory_space<vmem>>
        %dma_start3A_40 = arith.constant 0 : i32
        %dma_start3A_41 = tpu.memref_slice %arg3[%add3A_30, %dma_start3A_40] : memref<2528x128xi32, #tpu.memory_space<hbm>> -> memref<1x128xi32, #tpu.memory_space<hbm>>
        %dma_start3A_42 = tpu.memref_squeeze %dma_start3A_41 : memref<1x128xi32, #tpu.memory_space<hbm>> -> memref<128xi32, #tpu.memory_space<hbm>>
        tpu.enqueue_dma source(%dma_start3A_42 : memref<128xi32, #tpu.memory_space<hbm>>) target(%dma_start3A_39 : memref<128xi32, #tpu.memory_space<vmem>>) target_semaphore(%arg11 : memref<!tpu.dma_semaphore, #tpu.memory_space<semaphore_mem>>)
        %add3A_43 = arith.addi %mul3A_19, %add3A_27 : i32
        %add3A_44 = arith.constant 0 : i32
        %add3A_45 = arith.addi %add3A_43, %add3A_44 : i32
        %dma_start3A_46 = arith.constant 0 : i32
        %dma_start3A_47 = arith.constant 0 : i32
        %dma_start3A_48 = tpu.memref_slice %arg8[%dma_start3A_46, %dma_start3A_47] : memref<2x128xi32, #tpu.memory_space<vmem>> -> memref<1x128xi32, #tpu.memory_space<vmem>>
        %dma_start3A_49 = tpu.memref_squeeze %dma_start3A_48 : memref<1x128xi32, #tpu.memory_space<vmem>> -> memref<128xi32, #tpu.memory_space<vmem>>
        %dma_start3A_50 = arith.constant 0 : i32
        %dma_start3A_51 = tpu.memref_slice %arg4[%add3A_45, %dma_start3A_50] : memref<2528x128xi32, #tpu.memory_space<hbm>> -> memref<1x128xi32, #tpu.memory_space<hbm>>
        %dma_start3A_52 = tpu.memref_squeeze %dma_start3A_51 : memref<1x128xi32, #tpu.memory_space<hbm>> -> memref<128xi32, #tpu.memory_space<hbm>>
        %dma_start3A_53 = arith.constant 0 : i32
        %dma_start3A_54 = tpu.memref_slice %arg8[%dma_start3A_46, %dma_start3A_53] : memref<2x128xi32, #tpu.memory_space<vmem>> -> memref<1x128xi32, #tpu.memory_space<vmem>>
        %dma_start3A_55 = tpu.memref_squeeze %dma_start3A_54 : memref<1x128xi32, #tpu.memory_space<vmem>> -> memref<128xi32, #tpu.memory_space<vmem>>
        %dma_start3A_56 = arith.constant 0 : i32
        %dma_start3A_57 = tpu.memref_slice %arg4[%add3A_45, %dma_start3A_56] : memref<2528x128xi32, #tpu.memory_space<hbm>> -> memref<1x128xi32, #tpu.memory_space<hbm>>
        %dma_start3A_58 = tpu.memref_squeeze %dma_start3A_57 : memref<1x128xi32, #tpu.memory_space<hbm>> -> memref<128xi32, #tpu.memory_space<hbm>>
        tpu.enqueue_dma source(%dma_start3A_58 : memref<128xi32, #tpu.memory_space<hbm>>) target(%dma_start3A_55 : memref<128xi32, #tpu.memory_space<vmem>>) target_semaphore(%arg11 : memref<!tpu.dma_semaphore, #tpu.memory_space<semaphore_mem>>)
        %add3A_59 = arith.addi %mul3A_19, %add3A_27 : i32
        %add3A_60 = arith.constant 1 : i32
        %add3A_61 = arith.addi %add3A_59, %add3A_60 : i32
        %dma_start3A_62 = arith.constant 1 : i32
        %dma_start3A_63 = arith.constant 0 : i32
        %dma_start3A_64 = tpu.memref_slice %arg7[%dma_start3A_62, %dma_start3A_63] : memref<2x128xi32, #tpu.memory_space<vmem>> -> memref<1x128xi32, #tpu.memory_space<vmem>>
        %dma_start3A_65 = tpu.memref_squeeze %dma_start3A_64 : memref<1x128xi32, #tpu.memory_space<vmem>> -> memref<128xi32, #tpu.memory_space<vmem>>
        %dma_start3A_66 = arith.constant 0 : i32
        %dma_start3A_67 = tpu.memref_slice %arg3[%add3A_61, %dma_start3A_66] : memref<2528x128xi32, #tpu.memory_space<hbm>> -> memref<1x128xi32, #tpu.memory_space<hbm>>
        %dma_start3A_68 = tpu.memref_squeeze %dma_start3A_67 : memref<1x128xi32, #tpu.memory_space<hbm>> -> memref<128xi32, #tpu.memory_space<hbm>>
        %dma_start3A_69 = arith.constant 0 : i32
        %dma_start3A_70 = tpu.memref_slice %arg7[%dma_start3A_62, %dma_start3A_69] : memref<2x128xi32, #tpu.memory_space<vmem>> -> memref<1x128xi32, #tpu.memory_space<vmem>>
        %dma_start3A_71 = tpu.memref_squeeze %dma_start3A_70 : memref<1x128xi32, #tpu.memory_space<vmem>> -> memref<128xi32, #tpu.memory_space<vmem>>
        %dma_start3A_72 = arith.constant 0 : i32
        %dma_start3A_73 = tpu.memref_slice %arg3[%add3A_61, %dma_start3A_72] : memref<2528x128xi32, #tpu.memory_space<hbm>> -> memref<1x128xi32, #tpu.memory_space<hbm>>
        %dma_start3A_74 = tpu.memref_squeeze %dma_start3A_73 : memref<1x128xi32, #tpu.memory_space<hbm>> -> memref<128xi32, #tpu.memory_space<hbm>>
        tpu.enqueue_dma source(%dma_start3A_74 : memref<128xi32, #tpu.memory_space<hbm>>) target(%dma_start3A_71 : memref<128xi32, #tpu.memory_space<vmem>>) target_semaphore(%arg11 : memref<!tpu.dma_semaphore, #tpu.memory_space<semaphore_mem>>)
        %add3A_75 = arith.addi %mul3A_19, %add3A_27 : i32
        %add3A_76 = arith.constant 1 : i32
        %add3A_77 = arith.addi %add3A_75, %add3A_76 : i32
        %dma_start3A_78 = arith.constant 1 : i32
        %dma_start3A_79 = arith.constant 0 : i32
        %dma_start3A_80 = tpu.memref_slice %arg8[%dma_start3A_78, %dma_start3A_79] : memref<2x128xi32, #tpu.memory_space<vmem>> -> memref<1x128xi32, #tpu.memory_space<vmem>>
        %dma_start3A_81 = tpu.memref_squeeze %dma_start3A_80 : memref<1x128xi32, #tpu.memory_space<vmem>> -> memref<128xi32, #tpu.memory_space<vmem>>
        %dma_start3A_82 = arith.constant 0 : i32
        %dma_start3A_83 = tpu.memref_slice %arg4[%add3A_77, %dma_start3A_82] : memref<2528x128xi32, #tpu.memory_space<hbm>> -> memref<1x128xi32, #tpu.memory_space<hbm>>
        %dma_start3A_84 = tpu.memref_squeeze %dma_start3A_83 : memref<1x128xi32, #tpu.memory_space<hbm>> -> memref<128xi32, #tpu.memory_space<hbm>>
        %dma_start3A_85 = arith.constant 0 : i32
        %dma_start3A_86 = tpu.memref_slice %arg8[%dma_start3A_78, %dma_start3A_85] : memref<2x128xi32, #tpu.memory_space<vmem>> -> memref<1x128xi32, #tpu.memory_space<vmem>>
        %dma_start3A_87 = tpu.memref_squeeze %dma_start3A_86 : memref<1x128xi32, #tpu.memory_space<vmem>> -> memref<128xi32, #tpu.memory_space<vmem>>
        %dma_start3A_88 = arith.constant 0 : i32
        %dma_start3A_89 = tpu.memref_slice %arg4[%add3A_77, %dma_start3A_88] : memref<2528x128xi32, #tpu.memory_space<hbm>> -> memref<1x128xi32, #tpu.memory_space<hbm>>
        %dma_start3A_90 = tpu.memref_squeeze %dma_start3A_89 : memref<1x128xi32, #tpu.memory_space<hbm>> -> memref<128xi32, #tpu.memory_space<hbm>>
        tpu.enqueue_dma source(%dma_start3A_90 : memref<128xi32, #tpu.memory_space<hbm>>) target(%dma_start3A_87 : memref<128xi32, #tpu.memory_space<vmem>>) target_semaphore(%arg11 : memref<!tpu.dma_semaphore, #tpu.memory_space<semaphore_mem>>)
        %dma_wait3A = arith.constant 0 : i32
        %dma_wait3A_91 = arith.constant 0 : i32
        %dma_wait3A_92 = tpu.memref_slice %arg7[%dma_wait3A, %dma_wait3A_91] : memref<2x128xi32, #tpu.memory_space<vmem>> -> memref<1x128xi32, #tpu.memory_space<vmem>>
        %dma_wait3A_93 = tpu.memref_squeeze %dma_wait3A_92 : memref<1x128xi32, #tpu.memory_space<vmem>> -> memref<128xi32, #tpu.memory_space<vmem>>
        %dma_wait3A_94 = arith.constant 0 : i32
        %dma_wait3A_95 = tpu.memref_slice %arg3[%add3A_30, %dma_wait3A_94] : memref<2528x128xi32, #tpu.memory_space<hbm>> -> memref<1x128xi32, #tpu.memory_space<hbm>>
        %dma_wait3A_96 = tpu.memref_squeeze %dma_wait3A_95 : memref<1x128xi32, #tpu.memory_space<hbm>> -> memref<128xi32, #tpu.memory_space<hbm>>
        %dma_wait3A_97 = arith.constant 0 : i32
        %dma_wait3A_98 = tpu.memref_slice %arg7[%dma_wait3A, %dma_wait3A_97] : memref<2x128xi32, #tpu.memory_space<vmem>> -> memref<1x128xi32, #tpu.memory_space<vmem>>
        %dma_wait3A_99 = tpu.memref_squeeze %dma_wait3A_98 : memref<1x128xi32, #tpu.memory_space<vmem>> -> memref<128xi32, #tpu.memory_space<vmem>>
        %dma_wait3A_100 = arith.constant 0 : i32
        %dma_wait3A_101 = tpu.memref_slice %arg3[%add3A_30, %dma_wait3A_100] : memref<2528x128xi32, #tpu.memory_space<hbm>> -> memref<1x128xi32, #tpu.memory_space<hbm>>
        %dma_wait3A_102 = tpu.memref_squeeze %dma_wait3A_101 : memref<1x128xi32, #tpu.memory_space<hbm>> -> memref<128xi32, #tpu.memory_space<hbm>>
        tpu.wait_dma2 semaphore(%arg11 : memref<!tpu.dma_semaphore, #tpu.memory_space<semaphore_mem>>) src(%dma_wait3A_102 : memref<128xi32, #tpu.memory_space<hbm>>) dst(%dma_wait3A_99 : memref<128xi32, #tpu.memory_space<vmem>>)
        %dma_wait3A_103 = arith.constant 0 : i32
        %dma_wait3A_104 = arith.constant 0 : i32
        %dma_wait3A_105 = tpu.memref_slice %arg8[%dma_wait3A_103, %dma_wait3A_104] : memref<2x128xi32, #tpu.memory_space<vmem>> -> memref<1x128xi32, #tpu.memory_space<vmem>>
        %dma_wait3A_106 = tpu.memref_squeeze %dma_wait3A_105 : memref<1x128xi32, #tpu.memory_space<vmem>> -> memref<128xi32, #tpu.memory_space<vmem>>
        %dma_wait3A_107 = arith.constant 0 : i32
        %dma_wait3A_108 = tpu.memref_slice %arg4[%add3A_45, %dma_wait3A_107] : memref<2528x128xi32, #tpu.memory_space<hbm>> -> memref<1x128xi32, #tpu.memory_space<hbm>>
        %dma_wait3A_109 = tpu.memref_squeeze %dma_wait3A_108 : memref<1x128xi32, #tpu.memory_space<hbm>> -> memref<128xi32, #tpu.memory_space<hbm>>
        %dma_wait3A_110 = arith.constant 0 : i32
        %dma_wait3A_111 = tpu.memref_slice %arg8[%dma_wait3A_103, %dma_wait3A_110] : memref<2x128xi32, #tpu.memory_space<vmem>> -> memref<1x128xi32, #tpu.memory_space<vmem>>
        %dma_wait3A_112 = tpu.memref_squeeze %dma_wait3A_111 : memref<1x128xi32, #tpu.memory_space<vmem>> -> memref<128xi32, #tpu.memory_space<vmem>>
        %dma_wait3A_113 = arith.constant 0 : i32
        %dma_wait3A_114 = tpu.memref_slice %arg4[%add3A_45, %dma_wait3A_113] : memref<2528x128xi32, #tpu.memory_space<hbm>> -> memref<1x128xi32, #tpu.memory_space<hbm>>
        %dma_wait3A_115 = tpu.memref_squeeze %dma_wait3A_114 : memref<1x128xi32, #tpu.memory_space<hbm>> -> memref<128xi32, #tpu.memory_space<hbm>>
        tpu.wait_dma2 semaphore(%arg11 : memref<!tpu.dma_semaphore, #tpu.memory_space<semaphore_mem>>) src(%dma_wait3A_115 : memref<128xi32, #tpu.memory_space<hbm>>) dst(%dma_wait3A_112 : memref<128xi32, #tpu.memory_space<vmem>>)
        %dma_wait3A_116 = arith.constant 1 : i32
        %dma_wait3A_117 = arith.constant 0 : i32
        %dma_wait3A_118 = tpu.memref_slice %arg7[%dma_wait3A_116, %dma_wait3A_117] : memref<2x128xi32, #tpu.memory_space<vmem>> -> memref<1x128xi32, #tpu.memory_space<vmem>>
        %dma_wait3A_119 = tpu.memref_squeeze %dma_wait3A_118 : memref<1x128xi32, #tpu.memory_space<vmem>> -> memref<128xi32, #tpu.memory_space<vmem>>
        %dma_wait3A_120 = arith.constant 0 : i32
        %dma_wait3A_121 = tpu.memref_slice %arg3[%add3A_61, %dma_wait3A_120] : memref<2528x128xi32, #tpu.memory_space<hbm>> -> memref<1x128xi32, #tpu.memory_space<hbm>>
        %dma_wait3A_122 = tpu.memref_squeeze %dma_wait3A_121 : memref<1x128xi32, #tpu.memory_space<hbm>> -> memref<128xi32, #tpu.memory_space<hbm>>
        %dma_wait3A_123 = arith.constant 0 : i32
        %dma_wait3A_124 = tpu.memref_slice %arg7[%dma_wait3A_116, %dma_wait3A_123] : memref<2x128xi32, #tpu.memory_space<vmem>> -> memref<1x128xi32, #tpu.memory_space<vmem>>
        %dma_wait3A_125 = tpu.memref_squeeze %dma_wait3A_124 : memref<1x128xi32, #tpu.memory_space<vmem>> -> memref<128xi32, #tpu.memory_space<vmem>>
        %dma_wait3A_126 = arith.constant 0 : i32
        %dma_wait3A_127 = tpu.memref_slice %arg3[%add3A_61, %dma_wait3A_126] : memref<2528x128xi32, #tpu.memory_space<hbm>> -> memref<1x128xi32, #tpu.memory_space<hbm>>
        %dma_wait3A_128 = tpu.memref_squeeze %dma_wait3A_127 : memref<1x128xi32, #tpu.memory_space<hbm>> -> memref<128xi32, #tpu.memory_space<hbm>>
        tpu.wait_dma2 semaphore(%arg11 : memref<!tpu.dma_semaphore, #tpu.memory_space<semaphore_mem>>) src(%dma_wait3A_128 : memref<128xi32, #tpu.memory_space<hbm>>) dst(%dma_wait3A_125 : memref<128xi32, #tpu.memory_space<vmem>>)
        %dma_wait3A_129 = arith.constant 1 : i32
        %dma_wait3A_130 = arith.constant 0 : i32
        %dma_wait3A_131 = tpu.memref_slice %arg8[%dma_wait3A_129, %dma_wait3A_130] : memref<2x128xi32, #tpu.memory_space<vmem>> -> memref<1x128xi32, #tpu.memory_space<vmem>>
        %dma_wait3A_132 = tpu.memref_squeeze %dma_wait3A_131 : memref<1x128xi32, #tpu.memory_space<vmem>> -> memref<128xi32, #tpu.memory_space<vmem>>
        %dma_wait3A_133 = arith.constant 0 : i32
        %dma_wait3A_134 = tpu.memref_slice %arg4[%add3A_77, %dma_wait3A_133] : memref<2528x128xi32, #tpu.memory_space<hbm>> -> memref<1x128xi32, #tpu.memory_space<hbm>>
        %dma_wait3A_135 = tpu.memref_squeeze %dma_wait3A_134 : memref<1x128xi32, #tpu.memory_space<hbm>> -> memref<128xi32, #tpu.memory_space<hbm>>
        %dma_wait3A_136 = arith.constant 0 : i32
        %dma_wait3A_137 = tpu.memref_slice %arg8[%dma_wait3A_129, %dma_wait3A_136] : memref<2x128xi32, #tpu.memory_space<vmem>> -> memref<1x128xi32, #tpu.memory_space<vmem>>
        %dma_wait3A_138 = tpu.memref_squeeze %dma_wait3A_137 : memref<1x128xi32, #tpu.memory_space<vmem>> -> memref<128xi32, #tpu.memory_space<vmem>>
        %dma_wait3A_139 = arith.constant 0 : i32
        %dma_wait3A_140 = tpu.memref_slice %arg4[%add3A_77, %dma_wait3A_139] : memref<2528x128xi32, #tpu.memory_space<hbm>> -> memref<1x128xi32, #tpu.memory_space<hbm>>
        %dma_wait3A_141 = tpu.memref_squeeze %dma_wait3A_140 : memref<1x128xi32, #tpu.memory_space<hbm>> -> memref<128xi32, #tpu.memory_space<hbm>>
        tpu.wait_dma2 semaphore(%arg11 : memref<!tpu.dma_semaphore, #tpu.memory_space<semaphore_mem>>) src(%dma_wait3A_141 : memref<128xi32, #tpu.memory_space<hbm>>) dst(%dma_wait3A_138 : memref<128xi32, #tpu.memory_space<vmem>>)
        %dma_start3A_142 = arith.constant 0 : i32
        %dma_start3A_143 = arith.constant 0 : i32
        %dma_start3A_144 = arith.constant 0 : i32
        %dma_start3A_145 = arith.constant 0 : i32
        %dma_start3A_146 = tpu.memref_slice %arg9[%dma_start3A_143, %dma_start3A_144, %dma_start3A_145] : memref<2x128x144xf32, #tpu.memory_space<vmem>> -> memref<1x128x144xf32, #tpu.memory_space<vmem>>
        %dma_start3A_147 = tpu.memref_squeeze %dma_start3A_146 : memref<1x128x144xf32, #tpu.memory_space<vmem>> -> memref<128x144xf32, #tpu.memory_space<vmem>>
        %dma_start3A_148 = arith.constant 0 : i32
        %dma_start3A_149 = tpu.memref_slice %arg7[%dma_start3A_142, %dma_start3A_148] : memref<2x128xi32, #tpu.memory_space<vmem>> -> memref<1x128xi32, #tpu.memory_space<vmem>>
        %dma_start3A_150 = tpu.memref_squeeze %dma_start3A_149 : memref<1x128xi32, #tpu.memory_space<vmem>> -> memref<128xi32, #tpu.memory_space<vmem>>
        %dma_start3A_151 = arith.constant 0 : i32
        %dma_start3A_152 = arith.constant 0 : i32
        %dma_start3A_153 = tpu.memref_slice %arg2[%dma_start3A_151, %dma_start3A_152] : memref<10000x144xf32, #tpu.memory_space<hbm>> -> memref<10000x144xf32, #tpu.memory_space<hbm>>
        tpu.enqueue_indirect_dma source(%dma_start3A_153 : memref<10000x144xf32, #tpu.memory_space<hbm>>) target(%dma_start3A_147 : memref<128x144xf32, #tpu.memory_space<vmem>>) offsets(%dma_start3A_150 : memref<128xi32, #tpu.memory_space<vmem>>) semaphore(%arg12 : memref<!tpu.dma_semaphore, #tpu.memory_space<semaphore_mem>>)
        %dma_start3A_154 = arith.constant 1 : i32
        %dma_start3A_155 = arith.constant 1 : i32
        %dma_start3A_156 = arith.constant 0 : i32
        %dma_start3A_157 = arith.constant 0 : i32
        %dma_start3A_158 = tpu.memref_slice %arg9[%dma_start3A_155, %dma_start3A_156, %dma_start3A_157] : memref<2x128x144xf32, #tpu.memory_space<vmem>> -> memref<1x128x144xf32, #tpu.memory_space<vmem>>
        %dma_start3A_159 = tpu.memref_squeeze %dma_start3A_158 : memref<1x128x144xf32, #tpu.memory_space<vmem>> -> memref<128x144xf32, #tpu.memory_space<vmem>>
        %dma_start3A_160 = arith.constant 0 : i32
        %dma_start3A_161 = tpu.memref_slice %arg7[%dma_start3A_154, %dma_start3A_160] : memref<2x128xi32, #tpu.memory_space<vmem>> -> memref<1x128xi32, #tpu.memory_space<vmem>>
        %dma_start3A_162 = tpu.memref_squeeze %dma_start3A_161 : memref<1x128xi32, #tpu.memory_space<vmem>> -> memref<128xi32, #tpu.memory_space<vmem>>
        %dma_start3A_163 = arith.constant 0 : i32
        %dma_start3A_164 = arith.constant 0 : i32
        %dma_start3A_165 = tpu.memref_slice %arg2[%dma_start3A_163, %dma_start3A_164] : memref<10000x144xf32, #tpu.memory_space<hbm>> -> memref<10000x144xf32, #tpu.memory_space<hbm>>
        tpu.enqueue_indirect_dma source(%dma_start3A_165 : memref<10000x144xf32, #tpu.memory_space<hbm>>) target(%dma_start3A_159 : memref<128x144xf32, #tpu.memory_space<vmem>>) offsets(%dma_start3A_162 : memref<128xi32, #tpu.memory_space<vmem>>) semaphore(%arg13 : memref<!tpu.dma_semaphore, #tpu.memory_space<semaphore_mem>>)
        %dma_wait3A_166 = arith.constant 0 : i32
        %dma_wait3A_167 = arith.constant 0 : i32
        %dma_wait3A_168 = arith.constant 0 : i32
        %dma_wait3A_169 = arith.constant 0 : i32
        %dma_wait3A_170 = tpu.memref_slice %arg9[%dma_wait3A_167, %dma_wait3A_168, %dma_wait3A_169] : memref<2x128x144xf32, #tpu.memory_space<vmem>> -> memref<1x128x144xf32, #tpu.memory_space<vmem>>
        %dma_wait3A_171 = tpu.memref_squeeze %dma_wait3A_170 : memref<1x128x144xf32, #tpu.memory_space<vmem>> -> memref<128x144xf32, #tpu.memory_space<vmem>>
        %dma_wait3A_172 = arith.constant 0 : i32
        %dma_wait3A_173 = tpu.memref_slice %arg7[%dma_wait3A_166, %dma_wait3A_172] : memref<2x128xi32, #tpu.memory_space<vmem>> -> memref<1x128xi32, #tpu.memory_space<vmem>>
        %dma_wait3A_174 = tpu.memref_squeeze %dma_wait3A_173 : memref<1x128xi32, #tpu.memory_space<vmem>> -> memref<128xi32, #tpu.memory_space<vmem>>
        %dma_wait3A_175 = arith.constant 0 : i32
        %dma_wait3A_176 = arith.constant 0 : i32
        %dma_wait3A_177 = tpu.memref_slice %arg2[%dma_wait3A_175, %dma_wait3A_176] : memref<10000x144xf32, #tpu.memory_space<hbm>> -> memref<10000x144xf32, #tpu.memory_space<hbm>>
        tpu.wait_indirect_dma semaphore(%arg12 : memref<!tpu.dma_semaphore, #tpu.memory_space<semaphore_mem>>) src(%dma_wait3A_177 : memref<10000x144xf32, #tpu.memory_space<hbm>>) dst(%dma_wait3A_171 : memref<128x144xf32, #tpu.memory_space<vmem>>)
        %dma_start3A_178 = arith.constant 0 : i32
        %dma_start3A_179 = arith.constant 0 : i32
        %dma_start3A_180 = arith.constant 0 : i32
        %dma_start3A_181 = arith.constant 0 : i32
        %dma_start3A_182 = tpu.memref_slice %arg9[%dma_start3A_178, %dma_start3A_180, %dma_start3A_181] : memref<2x128x144xf32, #tpu.memory_space<vmem>> -> memref<1x128x144xf32, #tpu.memory_space<vmem>>
        %dma_start3A_183 = tpu.memref_squeeze %dma_start3A_182 : memref<1x128x144xf32, #tpu.memory_space<vmem>> -> memref<128x144xf32, #tpu.memory_space<vmem>>
        %dma_start3A_184 = arith.constant 0 : i32
        %dma_start3A_185 = tpu.memref_slice %arg8[%dma_start3A_179, %dma_start3A_184] : memref<2x128xi32, #tpu.memory_space<vmem>> -> memref<1x128xi32, #tpu.memory_space<vmem>>
        %dma_start3A_186 = tpu.memref_squeeze %dma_start3A_185 : memref<1x128xi32, #tpu.memory_space<vmem>> -> memref<128xi32, #tpu.memory_space<vmem>>
        %dma_start3A_187 = arith.constant 0 : i32
        %dma_start3A_188 = arith.constant 0 : i32
        %dma_start3A_189 = tpu.memref_slice %arg10[%dma_start3A_187, %dma_start3A_188] : memref<10112x144xf32, #tpu.memory_space<vmem_shared>> -> memref<10112x144xf32, #tpu.memory_space<vmem_shared>>
        tpu.enqueue_indirect_dma source(%dma_start3A_183 : memref<128x144xf32, #tpu.memory_space<vmem>>) target(%dma_start3A_189 : memref<10112x144xf32, #tpu.memory_space<vmem_shared>>) offsets(%dma_start3A_186 : memref<128xi32, #tpu.memory_space<vmem>>) semaphore(%arg14 : memref<!tpu.dma_semaphore, #tpu.memory_space<semaphore_mem>>) {add = true}
        %dma_wait3A_190 = arith.constant 1 : i32
        %dma_wait3A_191 = arith.constant 1 : i32
        %dma_wait3A_192 = arith.constant 0 : i32
        %dma_wait3A_193 = arith.constant 0 : i32
        %dma_wait3A_194 = tpu.memref_slice %arg9[%dma_wait3A_191, %dma_wait3A_192, %dma_wait3A_193] : memref<2x128x144xf32, #tpu.memory_space<vmem>> -> memref<1x128x144xf32, #tpu.memory_space<vmem>>
        %dma_wait3A_195 = tpu.memref_squeeze %dma_wait3A_194 : memref<1x128x144xf32, #tpu.memory_space<vmem>> -> memref<128x144xf32, #tpu.memory_space<vmem>>
        %dma_wait3A_196 = arith.constant 0 : i32
        %dma_wait3A_197 = tpu.memref_slice %arg7[%dma_wait3A_190, %dma_wait3A_196] : memref<2x128xi32, #tpu.memory_space<vmem>> -> memref<1x128xi32, #tpu.memory_space<vmem>>
        %dma_wait3A_198 = tpu.memref_squeeze %dma_wait3A_197 : memref<1x128xi32, #tpu.memory_space<vmem>> -> memref<128xi32, #tpu.memory_space<vmem>>
        %dma_wait3A_199 = arith.constant 0 : i32
        %dma_wait3A_200 = arith.constant 0 : i32
        %dma_wait3A_201 = tpu.memref_slice %arg2[%dma_wait3A_199, %dma_wait3A_200] : memref<10000x144xf32, #tpu.memory_space<hbm>> -> memref<10000x144xf32, #tpu.memory_space<hbm>>
        tpu.wait_indirect_dma semaphore(%arg13 : memref<!tpu.dma_semaphore, #tpu.memory_space<semaphore_mem>>) src(%dma_wait3A_201 : memref<10000x144xf32, #tpu.memory_space<hbm>>) dst(%dma_wait3A_195 : memref<128x144xf32, #tpu.memory_space<vmem>>)
        %dma_start3A_202 = arith.constant 1 : i32
        %dma_start3A_203 = arith.constant 1 : i32
        %dma_start3A_204 = arith.constant 0 : i32
        %dma_start3A_205 = arith.constant 0 : i32
        %dma_start3A_206 = tpu.memref_slice %arg9[%dma_start3A_202, %dma_start3A_204, %dma_start3A_205] : memref<2x128x144xf32, #tpu.memory_space<vmem>> -> memref<1x128x144xf32, #tpu.memory_space<vmem>>
        %dma_start3A_207 = tpu.memref_squeeze %dma_start3A_206 : memref<1x128x144xf32, #tpu.memory_space<vmem>> -> memref<128x144xf32, #tpu.memory_space<vmem>>
        %dma_start3A_208 = arith.constant 0 : i32
        %dma_start3A_209 = tpu.memref_slice %arg8[%dma_start3A_203, %dma_start3A_208] : memref<2x128xi32, #tpu.memory_space<vmem>> -> memref<1x128xi32, #tpu.memory_space<vmem>>
        %dma_start3A_210 = tpu.memref_squeeze %dma_start3A_209 : memref<1x128xi32, #tpu.memory_space<vmem>> -> memref<128xi32, #tpu.memory_space<vmem>>
        %dma_start3A_211 = arith.constant 0 : i32
        %dma_start3A_212 = arith.constant 0 : i32
        %dma_start3A_213 = tpu.memref_slice %arg10[%dma_start3A_211, %dma_start3A_212] : memref<10112x144xf32, #tpu.memory_space<vmem_shared>> -> memref<10112x144xf32, #tpu.memory_space<vmem_shared>>
        tpu.enqueue_indirect_dma source(%dma_start3A_207 : memref<128x144xf32, #tpu.memory_space<vmem>>) target(%dma_start3A_213 : memref<10112x144xf32, #tpu.memory_space<vmem_shared>>) offsets(%dma_start3A_210 : memref<128xi32, #tpu.memory_space<vmem>>) semaphore(%arg14 : memref<!tpu.dma_semaphore, #tpu.memory_space<semaphore_mem>>) {add = true}
        %dma_wait3A_214 = arith.constant 0 : i32
        %dma_wait3A_215 = arith.constant 0 : i32
        %dma_wait3A_216 = arith.constant 0 : i32
        %dma_wait3A_217 = arith.constant 0 : i32
        %dma_wait3A_218 = tpu.memref_slice %arg9[%dma_wait3A_214, %dma_wait3A_216, %dma_wait3A_217] : memref<2x128x144xf32, #tpu.memory_space<vmem>> -> memref<1x128x144xf32, #tpu.memory_space<vmem>>
        %dma_wait3A_219 = tpu.memref_squeeze %dma_wait3A_218 : memref<1x128x144xf32, #tpu.memory_space<vmem>> -> memref<128x144xf32, #tpu.memory_space<vmem>>
        %dma_wait3A_220 = arith.constant 0 : i32
        %dma_wait3A_221 = tpu.memref_slice %arg8[%dma_wait3A_215, %dma_wait3A_220] : memref<2x128xi32, #tpu.memory_space<vmem>> -> memref<1x128xi32, #tpu.memory_space<vmem>>
        %dma_wait3A_222 = tpu.memref_squeeze %dma_wait3A_221 : memref<1x128xi32, #tpu.memory_space<vmem>> -> memref<128xi32, #tpu.memory_space<vmem>>
        %dma_wait3A_223 = arith.constant 0 : i32
        %dma_wait3A_224 = arith.constant 0 : i32
        %dma_wait3A_225 = tpu.memref_slice %arg10[%dma_wait3A_223, %dma_wait3A_224] : memref<10112x144xf32, #tpu.memory_space<vmem_shared>> -> memref<10112x144xf32, #tpu.memory_space<vmem_shared>>
        tpu.wait_indirect_dma semaphore(%arg14 : memref<!tpu.dma_semaphore, #tpu.memory_space<semaphore_mem>>) src(%dma_wait3A_219 : memref<128x144xf32, #tpu.memory_space<vmem>>) dst(%dma_wait3A_225 : memref<10112x144xf32, #tpu.memory_space<vmem_shared>>)
        %dma_wait3A_226 = arith.constant 1 : i32
        %dma_wait3A_227 = arith.constant 1 : i32
        %dma_wait3A_228 = arith.constant 0 : i32
        %dma_wait3A_229 = arith.constant 0 : i32
        %dma_wait3A_230 = tpu.memref_slice %arg9[%dma_wait3A_226, %dma_wait3A_228, %dma_wait3A_229] : memref<2x128x144xf32, #tpu.memory_space<vmem>> -> memref<1x128x144xf32, #tpu.memory_space<vmem>>
        %dma_wait3A_231 = tpu.memref_squeeze %dma_wait3A_230 : memref<1x128x144xf32, #tpu.memory_space<vmem>> -> memref<128x144xf32, #tpu.memory_space<vmem>>
        %dma_wait3A_232 = arith.constant 0 : i32
        %dma_wait3A_233 = tpu.memref_slice %arg8[%dma_wait3A_227, %dma_wait3A_232] : memref<2x128xi32, #tpu.memory_space<vmem>> -> memref<1x128xi32, #tpu.memory_space<vmem>>
        %dma_wait3A_234 = tpu.memref_squeeze %dma_wait3A_233 : memref<1x128xi32, #tpu.memory_space<vmem>> -> memref<128xi32, #tpu.memory_space<vmem>>
        %dma_wait3A_235 = arith.constant 0 : i32
        %dma_wait3A_236 = arith.constant 0 : i32
        %dma_wait3A_237 = tpu.memref_slice %arg10[%dma_wait3A_235, %dma_wait3A_236] : memref<10112x144xf32, #tpu.memory_space<vmem_shared>> -> memref<10112x144xf32, #tpu.memory_space<vmem_shared>>
        tpu.wait_indirect_dma semaphore(%arg14 : memref<!tpu.dma_semaphore, #tpu.memory_space<semaphore_mem>>) src(%dma_wait3A_231 : memref<128x144xf32, #tpu.memory_space<vmem>>) dst(%dma_wait3A_237 : memref<10112x144xf32, #tpu.memory_space<vmem_shared>>)
      }
      %scan3A_23 = arith.constant 59 : i32
    } else {
    }
    %eq3A_3 = arith.constant 1 : i32
    %eq3A_4 = arith.cmpi eq, %arg0, %eq3A_3 : i32
    %convert_element_type3A_5 = arith.extui %eq3A_4 : i1 to i32
    %cond3A_6 = arith.constant 0 : i32
    %cond3A_7 = arith.cmpi ne, %convert_element_type3A_5, %cond3A_6 : i32
    scf.if %cond3A_7 {
      %mul3A_18 = arith.constant 40 : i32
      %mul3A_19 = arith.muli %arg1, %mul3A_18 : i32
      %add3A = arith.constant 1888 : i32
      %add3A_20 = arith.addi %add3A, %mul3A_19 : i32
      %scan3A = arith.constant 0 : i32
      %scan3A_21 = arith.constant 20 : i32
      %scan3A_22 = arith.addi %scan3A, %scan3A_21 : i32
      %scan3A_23 = arith.constant 1 : i32
      scf.for %scan3A_25 = %scan3A to %scan3A_22 step %scan3A_23  : i32 {
        %mul3A_26 = arith.constant 2 : i32
        %mul3A_27 = arith.muli %scan3A_25, %mul3A_26 : i32
        %add3A_28 = arith.constant 0 : i32
        %add3A_29 = arith.addi %add3A_28, %mul3A_27 : i32
        %add3A_30 = arith.addi %add3A_20, %add3A_29 : i32
        %add3A_31 = arith.constant 0 : i32
        %add3A_32 = arith.addi %add3A_30, %add3A_31 : i32
        %dma_start3A = arith.constant 0 : i32
        %dma_start3A_33 = arith.constant 0 : i32
        %dma_start3A_34 = tpu.memref_slice %arg7[%dma_start3A, %dma_start3A_33] : memref<2x128xi32, #tpu.memory_space<vmem>> -> memref<1x128xi32, #tpu.memory_space<vmem>>
        %dma_start3A_35 = tpu.memref_squeeze %dma_start3A_34 : memref<1x128xi32, #tpu.memory_space<vmem>> -> memref<128xi32, #tpu.memory_space<vmem>>
        %dma_start3A_36 = arith.constant 0 : i32
        %dma_start3A_37 = tpu.memref_slice %arg3[%add3A_32, %dma_start3A_36] : memref<2528x128xi32, #tpu.memory_space<hbm>> -> memref<1x128xi32, #tpu.memory_space<hbm>>
        %dma_start3A_38 = tpu.memref_squeeze %dma_start3A_37 : memref<1x128xi32, #tpu.memory_space<hbm>> -> memref<128xi32, #tpu.memory_space<hbm>>
        %dma_start3A_39 = arith.constant 0 : i32
        %dma_start3A_40 = tpu.memref_slice %arg7[%dma_start3A, %dma_start3A_39] : memref<2x128xi32, #tpu.memory_space<vmem>> -> memref<1x128xi32, #tpu.memory_space<vmem>>
        %dma_start3A_41 = tpu.memref_squeeze %dma_start3A_40 : memref<1x128xi32, #tpu.memory_space<vmem>> -> memref<128xi32, #tpu.memory_space<vmem>>
        %dma_start3A_42 = arith.constant 0 : i32
        %dma_start3A_43 = tpu.memref_slice %arg3[%add3A_32, %dma_start3A_42] : memref<2528x128xi32, #tpu.memory_space<hbm>> -> memref<1x128xi32, #tpu.memory_space<hbm>>
        %dma_start3A_44 = tpu.memref_squeeze %dma_start3A_43 : memref<1x128xi32, #tpu.memory_space<hbm>> -> memref<128xi32, #tpu.memory_space<hbm>>
        tpu.enqueue_dma source(%dma_start3A_44 : memref<128xi32, #tpu.memory_space<hbm>>) target(%dma_start3A_41 : memref<128xi32, #tpu.memory_space<vmem>>) target_semaphore(%arg11 : memref<!tpu.dma_semaphore, #tpu.memory_space<semaphore_mem>>)
        %add3A_45 = arith.addi %add3A_20, %add3A_29 : i32
        %add3A_46 = arith.constant 0 : i32
        %add3A_47 = arith.addi %add3A_45, %add3A_46 : i32
        %dma_start3A_48 = arith.constant 0 : i32
        %dma_start3A_49 = arith.constant 0 : i32
        %dma_start3A_50 = tpu.memref_slice %arg8[%dma_start3A_48, %dma_start3A_49] : memref<2x128xi32, #tpu.memory_space<vmem>> -> memref<1x128xi32, #tpu.memory_space<vmem>>
        %dma_start3A_51 = tpu.memref_squeeze %dma_start3A_50 : memref<1x128xi32, #tpu.memory_space<vmem>> -> memref<128xi32, #tpu.memory_space<vmem>>
        %dma_start3A_52 = arith.constant 0 : i32
        %dma_start3A_53 = tpu.memref_slice %arg4[%add3A_47, %dma_start3A_52] : memref<2528x128xi32, #tpu.memory_space<hbm>> -> memref<1x128xi32, #tpu.memory_space<hbm>>
        %dma_start3A_54 = tpu.memref_squeeze %dma_start3A_53 : memref<1x128xi32, #tpu.memory_space<hbm>> -> memref<128xi32, #tpu.memory_space<hbm>>
        %dma_start3A_55 = arith.constant 0 : i32
        %dma_start3A_56 = tpu.memref_slice %arg8[%dma_start3A_48, %dma_start3A_55] : memref<2x128xi32, #tpu.memory_space<vmem>> -> memref<1x128xi32, #tpu.memory_space<vmem>>
        %dma_start3A_57 = tpu.memref_squeeze %dma_start3A_56 : memref<1x128xi32, #tpu.memory_space<vmem>> -> memref<128xi32, #tpu.memory_space<vmem>>
        %dma_start3A_58 = arith.constant 0 : i32
        %dma_start3A_59 = tpu.memref_slice %arg4[%add3A_47, %dma_start3A_58] : memref<2528x128xi32, #tpu.memory_space<hbm>> -> memref<1x128xi32, #tpu.memory_space<hbm>>
        %dma_start3A_60 = tpu.memref_squeeze %dma_start3A_59 : memref<1x128xi32, #tpu.memory_space<hbm>> -> memref<128xi32, #tpu.memory_space<hbm>>
        tpu.enqueue_dma source(%dma_start3A_60 : memref<128xi32, #tpu.memory_space<hbm>>) target(%dma_start3A_57 : memref<128xi32, #tpu.memory_space<vmem>>) target_semaphore(%arg11 : memref<!tpu.dma_semaphore, #tpu.memory_space<semaphore_mem>>)
        %add3A_61 = arith.addi %add3A_20, %add3A_29 : i32
        %add3A_62 = arith.constant 1 : i32
        %add3A_63 = arith.addi %add3A_61, %add3A_62 : i32
        %dma_start3A_64 = arith.constant 1 : i32
        %dma_start3A_65 = arith.constant 0 : i32
        %dma_start3A_66 = tpu.memref_slice %arg7[%dma_start3A_64, %dma_start3A_65] : memref<2x128xi32, #tpu.memory_space<vmem>> -> memref<1x128xi32, #tpu.memory_space<vmem>>
        %dma_start3A_67 = tpu.memref_squeeze %dma_start3A_66 : memref<1x128xi32, #tpu.memory_space<vmem>> -> memref<128xi32, #tpu.memory_space<vmem>>
        %dma_start3A_68 = arith.constant 0 : i32
        %dma_start3A_69 = tpu.memref_slice %arg3[%add3A_63, %dma_start3A_68] : memref<2528x128xi32, #tpu.memory_space<hbm>> -> memref<1x128xi32, #tpu.memory_space<hbm>>
        %dma_start3A_70 = tpu.memref_squeeze %dma_start3A_69 : memref<1x128xi32, #tpu.memory_space<hbm>> -> memref<128xi32, #tpu.memory_space<hbm>>
        %dma_start3A_71 = arith.constant 0 : i32
        %dma_start3A_72 = tpu.memref_slice %arg7[%dma_start3A_64, %dma_start3A_71] : memref<2x128xi32, #tpu.memory_space<vmem>> -> memref<1x128xi32, #tpu.memory_space<vmem>>
        %dma_start3A_73 = tpu.memref_squeeze %dma_start3A_72 : memref<1x128xi32, #tpu.memory_space<vmem>> -> memref<128xi32, #tpu.memory_space<vmem>>
        %dma_start3A_74 = arith.constant 0 : i32
        %dma_start3A_75 = tpu.memref_slice %arg3[%add3A_63, %dma_start3A_74] : memref<2528x128xi32, #tpu.memory_space<hbm>> -> memref<1x128xi32, #tpu.memory_space<hbm>>
        %dma_start3A_76 = tpu.memref_squeeze %dma_start3A_75 : memref<1x128xi32, #tpu.memory_space<hbm>> -> memref<128xi32, #tpu.memory_space<hbm>>
        tpu.enqueue_dma source(%dma_start3A_76 : memref<128xi32, #tpu.memory_space<hbm>>) target(%dma_start3A_73 : memref<128xi32, #tpu.memory_space<vmem>>) target_semaphore(%arg11 : memref<!tpu.dma_semaphore, #tpu.memory_space<semaphore_mem>>)
        %add3A_77 = arith.addi %add3A_20, %add3A_29 : i32
        %add3A_78 = arith.constant 1 : i32
        %add3A_79 = arith.addi %add3A_77, %add3A_78 : i32
        %dma_start3A_80 = arith.constant 1 : i32
        %dma_start3A_81 = arith.constant 0 : i32
        %dma_start3A_82 = tpu.memref_slice %arg8[%dma_start3A_80, %dma_start3A_81] : memref<2x128xi32, #tpu.memory_space<vmem>> -> memref<1x128xi32, #tpu.memory_space<vmem>>
        %dma_start3A_83 = tpu.memref_squeeze %dma_start3A_82 : memref<1x128xi32, #tpu.memory_space<vmem>> -> memref<128xi32, #tpu.memory_space<vmem>>
        %dma_start3A_84 = arith.constant 0 : i32
        %dma_start3A_85 = tpu.memref_slice %arg4[%add3A_79, %dma_start3A_84] : memref<2528x128xi32, #tpu.memory_space<hbm>> -> memref<1x128xi32, #tpu.memory_space<hbm>>
        %dma_start3A_86 = tpu.memref_squeeze %dma_start3A_85 : memref<1x128xi32, #tpu.memory_space<hbm>> -> memref<128xi32, #tpu.memory_space<hbm>>
        %dma_start3A_87 = arith.constant 0 : i32
        %dma_start3A_88 = tpu.memref_slice %arg8[%dma_start3A_80, %dma_start3A_87] : memref<2x128xi32, #tpu.memory_space<vmem>> -> memref<1x128xi32, #tpu.memory_space<vmem>>
        %dma_start3A_89 = tpu.memref_squeeze %dma_start3A_88 : memref<1x128xi32, #tpu.memory_space<vmem>> -> memref<128xi32, #tpu.memory_space<vmem>>
        %dma_start3A_90 = arith.constant 0 : i32
        %dma_start3A_91 = tpu.memref_slice %arg4[%add3A_79, %dma_start3A_90] : memref<2528x128xi32, #tpu.memory_space<hbm>> -> memref<1x128xi32, #tpu.memory_space<hbm>>
        %dma_start3A_92 = tpu.memref_squeeze %dma_start3A_91 : memref<1x128xi32, #tpu.memory_space<hbm>> -> memref<128xi32, #tpu.memory_space<hbm>>
        tpu.enqueue_dma source(%dma_start3A_92 : memref<128xi32, #tpu.memory_space<hbm>>) target(%dma_start3A_89 : memref<128xi32, #tpu.memory_space<vmem>>) target_semaphore(%arg11 : memref<!tpu.dma_semaphore, #tpu.memory_space<semaphore_mem>>)
        %dma_wait3A = arith.constant 0 : i32
        %dma_wait3A_93 = arith.constant 0 : i32
        %dma_wait3A_94 = tpu.memref_slice %arg7[%dma_wait3A, %dma_wait3A_93] : memref<2x128xi32, #tpu.memory_space<vmem>> -> memref<1x128xi32, #tpu.memory_space<vmem>>
        %dma_wait3A_95 = tpu.memref_squeeze %dma_wait3A_94 : memref<1x128xi32, #tpu.memory_space<vmem>> -> memref<128xi32, #tpu.memory_space<vmem>>
        %dma_wait3A_96 = arith.constant 0 : i32
        %dma_wait3A_97 = tpu.memref_slice %arg3[%add3A_32, %dma_wait3A_96] : memref<2528x128xi32, #tpu.memory_space<hbm>> -> memref<1x128xi32, #tpu.memory_space<hbm>>
        %dma_wait3A_98 = tpu.memref_squeeze %dma_wait3A_97 : memref<1x128xi32, #tpu.memory_space<hbm>> -> memref<128xi32, #tpu.memory_space<hbm>>
        %dma_wait3A_99 = arith.constant 0 : i32
        %dma_wait3A_100 = tpu.memref_slice %arg7[%dma_wait3A, %dma_wait3A_99] : memref<2x128xi32, #tpu.memory_space<vmem>> -> memref<1x128xi32, #tpu.memory_space<vmem>>
        %dma_wait3A_101 = tpu.memref_squeeze %dma_wait3A_100 : memref<1x128xi32, #tpu.memory_space<vmem>> -> memref<128xi32, #tpu.memory_space<vmem>>
        %dma_wait3A_102 = arith.constant 0 : i32
        %dma_wait3A_103 = tpu.memref_slice %arg3[%add3A_32, %dma_wait3A_102] : memref<2528x128xi32, #tpu.memory_space<hbm>> -> memref<1x128xi32, #tpu.memory_space<hbm>>
        %dma_wait3A_104 = tpu.memref_squeeze %dma_wait3A_103 : memref<1x128xi32, #tpu.memory_space<hbm>> -> memref<128xi32, #tpu.memory_space<hbm>>
        tpu.wait_dma2 semaphore(%arg11 : memref<!tpu.dma_semaphore, #tpu.memory_space<semaphore_mem>>) src(%dma_wait3A_104 : memref<128xi32, #tpu.memory_space<hbm>>) dst(%dma_wait3A_101 : memref<128xi32, #tpu.memory_space<vmem>>)
        %dma_wait3A_105 = arith.constant 0 : i32
        %dma_wait3A_106 = arith.constant 0 : i32
        %dma_wait3A_107 = tpu.memref_slice %arg8[%dma_wait3A_105, %dma_wait3A_106] : memref<2x128xi32, #tpu.memory_space<vmem>> -> memref<1x128xi32, #tpu.memory_space<vmem>>
        %dma_wait3A_108 = tpu.memref_squeeze %dma_wait3A_107 : memref<1x128xi32, #tpu.memory_space<vmem>> -> memref<128xi32, #tpu.memory_space<vmem>>
        %dma_wait3A_109 = arith.constant 0 : i32
        %dma_wait3A_110 = tpu.memref_slice %arg4[%add3A_47, %dma_wait3A_109] : memref<2528x128xi32, #tpu.memory_space<hbm>> -> memref<1x128xi32, #tpu.memory_space<hbm>>
        %dma_wait3A_111 = tpu.memref_squeeze %dma_wait3A_110 : memref<1x128xi32, #tpu.memory_space<hbm>> -> memref<128xi32, #tpu.memory_space<hbm>>
        %dma_wait3A_112 = arith.constant 0 : i32
        %dma_wait3A_113 = tpu.memref_slice %arg8[%dma_wait3A_105, %dma_wait3A_112] : memref<2x128xi32, #tpu.memory_space<vmem>> -> memref<1x128xi32, #tpu.memory_space<vmem>>
        %dma_wait3A_114 = tpu.memref_squeeze %dma_wait3A_113 : memref<1x128xi32, #tpu.memory_space<vmem>> -> memref<128xi32, #tpu.memory_space<vmem>>
        %dma_wait3A_115 = arith.constant 0 : i32
        %dma_wait3A_116 = tpu.memref_slice %arg4[%add3A_47, %dma_wait3A_115] : memref<2528x128xi32, #tpu.memory_space<hbm>> -> memref<1x128xi32, #tpu.memory_space<hbm>>
        %dma_wait3A_117 = tpu.memref_squeeze %dma_wait3A_116 : memref<1x128xi32, #tpu.memory_space<hbm>> -> memref<128xi32, #tpu.memory_space<hbm>>
        tpu.wait_dma2 semaphore(%arg11 : memref<!tpu.dma_semaphore, #tpu.memory_space<semaphore_mem>>) src(%dma_wait3A_117 : memref<128xi32, #tpu.memory_space<hbm>>) dst(%dma_wait3A_114 : memref<128xi32, #tpu.memory_space<vmem>>)
        %dma_wait3A_118 = arith.constant 1 : i32
        %dma_wait3A_119 = arith.constant 0 : i32
        %dma_wait3A_120 = tpu.memref_slice %arg7[%dma_wait3A_118, %dma_wait3A_119] : memref<2x128xi32, #tpu.memory_space<vmem>> -> memref<1x128xi32, #tpu.memory_space<vmem>>
        %dma_wait3A_121 = tpu.memref_squeeze %dma_wait3A_120 : memref<1x128xi32, #tpu.memory_space<vmem>> -> memref<128xi32, #tpu.memory_space<vmem>>
        %dma_wait3A_122 = arith.constant 0 : i32
        %dma_wait3A_123 = tpu.memref_slice %arg3[%add3A_63, %dma_wait3A_122] : memref<2528x128xi32, #tpu.memory_space<hbm>> -> memref<1x128xi32, #tpu.memory_space<hbm>>
        %dma_wait3A_124 = tpu.memref_squeeze %dma_wait3A_123 : memref<1x128xi32, #tpu.memory_space<hbm>> -> memref<128xi32, #tpu.memory_space<hbm>>
        %dma_wait3A_125 = arith.constant 0 : i32
        %dma_wait3A_126 = tpu.memref_slice %arg7[%dma_wait3A_118, %dma_wait3A_125] : memref<2x128xi32, #tpu.memory_space<vmem>> -> memref<1x128xi32, #tpu.memory_space<vmem>>
        %dma_wait3A_127 = tpu.memref_squeeze %dma_wait3A_126 : memref<1x128xi32, #tpu.memory_space<vmem>> -> memref<128xi32, #tpu.memory_space<vmem>>
        %dma_wait3A_128 = arith.constant 0 : i32
        %dma_wait3A_129 = tpu.memref_slice %arg3[%add3A_63, %dma_wait3A_128] : memref<2528x128xi32, #tpu.memory_space<hbm>> -> memref<1x128xi32, #tpu.memory_space<hbm>>
        %dma_wait3A_130 = tpu.memref_squeeze %dma_wait3A_129 : memref<1x128xi32, #tpu.memory_space<hbm>> -> memref<128xi32, #tpu.memory_space<hbm>>
        tpu.wait_dma2 semaphore(%arg11 : memref<!tpu.dma_semaphore, #tpu.memory_space<semaphore_mem>>) src(%dma_wait3A_130 : memref<128xi32, #tpu.memory_space<hbm>>) dst(%dma_wait3A_127 : memref<128xi32, #tpu.memory_space<vmem>>)
        %dma_wait3A_131 = arith.constant 1 : i32
        %dma_wait3A_132 = arith.constant 0 : i32
        %dma_wait3A_133 = tpu.memref_slice %arg8[%dma_wait3A_131, %dma_wait3A_132] : memref<2x128xi32, #tpu.memory_space<vmem>> -> memref<1x128xi32, #tpu.memory_space<vmem>>
        %dma_wait3A_134 = tpu.memref_squeeze %dma_wait3A_133 : memref<1x128xi32, #tpu.memory_space<vmem>> -> memref<128xi32, #tpu.memory_space<vmem>>
        %dma_wait3A_135 = arith.constant 0 : i32
        %dma_wait3A_136 = tpu.memref_slice %arg4[%add3A_79, %dma_wait3A_135] : memref<2528x128xi32, #tpu.memory_space<hbm>> -> memref<1x128xi32, #tpu.memory_space<hbm>>
        %dma_wait3A_137 = tpu.memref_squeeze %dma_wait3A_136 : memref<1x128xi32, #tpu.memory_space<hbm>> -> memref<128xi32, #tpu.memory_space<hbm>>
        %dma_wait3A_138 = arith.constant 0 : i32
        %dma_wait3A_139 = tpu.memref_slice %arg8[%dma_wait3A_131, %dma_wait3A_138] : memref<2x128xi32, #tpu.memory_space<vmem>> -> memref<1x128xi32, #tpu.memory_space<vmem>>
        %dma_wait3A_140 = tpu.memref_squeeze %dma_wait3A_139 : memref<1x128xi32, #tpu.memory_space<vmem>> -> memref<128xi32, #tpu.memory_space<vmem>>
        %dma_wait3A_141 = arith.constant 0 : i32
        %dma_wait3A_142 = tpu.memref_slice %arg4[%add3A_79, %dma_wait3A_141] : memref<2528x128xi32, #tpu.memory_space<hbm>> -> memref<1x128xi32, #tpu.memory_space<hbm>>
        %dma_wait3A_143 = tpu.memref_squeeze %dma_wait3A_142 : memref<1x128xi32, #tpu.memory_space<hbm>> -> memref<128xi32, #tpu.memory_space<hbm>>
        tpu.wait_dma2 semaphore(%arg11 : memref<!tpu.dma_semaphore, #tpu.memory_space<semaphore_mem>>) src(%dma_wait3A_143 : memref<128xi32, #tpu.memory_space<hbm>>) dst(%dma_wait3A_140 : memref<128xi32, #tpu.memory_space<vmem>>)
        %dma_start3A_144 = arith.constant 0 : i32
        %dma_start3A_145 = arith.constant 0 : i32
        %dma_start3A_146 = arith.constant 0 : i32
        %dma_start3A_147 = arith.constant 0 : i32
        %dma_start3A_148 = tpu.memref_slice %arg9[%dma_start3A_145, %dma_start3A_146, %dma_start3A_147] : memref<2x128x144xf32, #tpu.memory_space<vmem>> -> memref<1x128x144xf32, #tpu.memory_space<vmem>>
        %dma_start3A_149 = tpu.memref_squeeze %dma_start3A_148 : memref<1x128x144xf32, #tpu.memory_space<vmem>> -> memref<128x144xf32, #tpu.memory_space<vmem>>
        %dma_start3A_150 = arith.constant 0 : i32
        %dma_start3A_151 = tpu.memref_slice %arg7[%dma_start3A_144, %dma_start3A_150] : memref<2x128xi32, #tpu.memory_space<vmem>> -> memref<1x128xi32, #tpu.memory_space<vmem>>
        %dma_start3A_152 = tpu.memref_squeeze %dma_start3A_151 : memref<1x128xi32, #tpu.memory_space<vmem>> -> memref<128xi32, #tpu.memory_space<vmem>>
        %dma_start3A_153 = arith.constant 0 : i32
        %dma_start3A_154 = arith.constant 0 : i32
        %dma_start3A_155 = tpu.memref_slice %arg2[%dma_start3A_153, %dma_start3A_154] : memref<10000x144xf32, #tpu.memory_space<hbm>> -> memref<10000x144xf32, #tpu.memory_space<hbm>>
        tpu.enqueue_indirect_dma source(%dma_start3A_155 : memref<10000x144xf32, #tpu.memory_space<hbm>>) target(%dma_start3A_149 : memref<128x144xf32, #tpu.memory_space<vmem>>) offsets(%dma_start3A_152 : memref<128xi32, #tpu.memory_space<vmem>>) semaphore(%arg12 : memref<!tpu.dma_semaphore, #tpu.memory_space<semaphore_mem>>)
        %dma_start3A_156 = arith.constant 1 : i32
        %dma_start3A_157 = arith.constant 1 : i32
        %dma_start3A_158 = arith.constant 0 : i32
        %dma_start3A_159 = arith.constant 0 : i32
        %dma_start3A_160 = tpu.memref_slice %arg9[%dma_start3A_157, %dma_start3A_158, %dma_start3A_159] : memref<2x128x144xf32, #tpu.memory_space<vmem>> -> memref<1x128x144xf32, #tpu.memory_space<vmem>>
        %dma_start3A_161 = tpu.memref_squeeze %dma_start3A_160 : memref<1x128x144xf32, #tpu.memory_space<vmem>> -> memref<128x144xf32, #tpu.memory_space<vmem>>
        %dma_start3A_162 = arith.constant 0 : i32
        %dma_start3A_163 = tpu.memref_slice %arg7[%dma_start3A_156, %dma_start3A_162] : memref<2x128xi32, #tpu.memory_space<vmem>> -> memref<1x128xi32, #tpu.memory_space<vmem>>
        %dma_start3A_164 = tpu.memref_squeeze %dma_start3A_163 : memref<1x128xi32, #tpu.memory_space<vmem>> -> memref<128xi32, #tpu.memory_space<vmem>>
        %dma_start3A_165 = arith.constant 0 : i32
        %dma_start3A_166 = arith.constant 0 : i32
        %dma_start3A_167 = tpu.memref_slice %arg2[%dma_start3A_165, %dma_start3A_166] : memref<10000x144xf32, #tpu.memory_space<hbm>> -> memref<10000x144xf32, #tpu.memory_space<hbm>>
        tpu.enqueue_indirect_dma source(%dma_start3A_167 : memref<10000x144xf32, #tpu.memory_space<hbm>>) target(%dma_start3A_161 : memref<128x144xf32, #tpu.memory_space<vmem>>) offsets(%dma_start3A_164 : memref<128xi32, #tpu.memory_space<vmem>>) semaphore(%arg13 : memref<!tpu.dma_semaphore, #tpu.memory_space<semaphore_mem>>)
        %dma_wait3A_168 = arith.constant 0 : i32
        %dma_wait3A_169 = arith.constant 0 : i32
        %dma_wait3A_170 = arith.constant 0 : i32
        %dma_wait3A_171 = arith.constant 0 : i32
        %dma_wait3A_172 = tpu.memref_slice %arg9[%dma_wait3A_169, %dma_wait3A_170, %dma_wait3A_171] : memref<2x128x144xf32, #tpu.memory_space<vmem>> -> memref<1x128x144xf32, #tpu.memory_space<vmem>>
        %dma_wait3A_173 = tpu.memref_squeeze %dma_wait3A_172 : memref<1x128x144xf32, #tpu.memory_space<vmem>> -> memref<128x144xf32, #tpu.memory_space<vmem>>
        %dma_wait3A_174 = arith.constant 0 : i32
        %dma_wait3A_175 = tpu.memref_slice %arg7[%dma_wait3A_168, %dma_wait3A_174] : memref<2x128xi32, #tpu.memory_space<vmem>> -> memref<1x128xi32, #tpu.memory_space<vmem>>
        %dma_wait3A_176 = tpu.memref_squeeze %dma_wait3A_175 : memref<1x128xi32, #tpu.memory_space<vmem>> -> memref<128xi32, #tpu.memory_space<vmem>>
        %dma_wait3A_177 = arith.constant 0 : i32
        %dma_wait3A_178 = arith.constant 0 : i32
        %dma_wait3A_179 = tpu.memref_slice %arg2[%dma_wait3A_177, %dma_wait3A_178] : memref<10000x144xf32, #tpu.memory_space<hbm>> -> memref<10000x144xf32, #tpu.memory_space<hbm>>
        tpu.wait_indirect_dma semaphore(%arg12 : memref<!tpu.dma_semaphore, #tpu.memory_space<semaphore_mem>>) src(%dma_wait3A_179 : memref<10000x144xf32, #tpu.memory_space<hbm>>) dst(%dma_wait3A_173 : memref<128x144xf32, #tpu.memory_space<vmem>>)
        %dma_start3A_180 = arith.constant 0 : i32
        %dma_start3A_181 = arith.constant 0 : i32
        %dma_start3A_182 = arith.constant 0 : i32
        %dma_start3A_183 = arith.constant 0 : i32
        %dma_start3A_184 = tpu.memref_slice %arg9[%dma_start3A_180, %dma_start3A_182, %dma_start3A_183] : memref<2x128x144xf32, #tpu.memory_space<vmem>> -> memref<1x128x144xf32, #tpu.memory_space<vmem>>
        %dma_start3A_185 = tpu.memref_squeeze %dma_start3A_184 : memref<1x128x144xf32, #tpu.memory_space<vmem>> -> memref<128x144xf32, #tpu.memory_space<vmem>>
        %dma_start3A_186 = arith.constant 0 : i32
        %dma_start3A_187 = tpu.memref_slice %arg8[%dma_start3A_181, %dma_start3A_186] : memref<2x128xi32, #tpu.memory_space<vmem>> -> memref<1x128xi32, #tpu.memory_space<vmem>>
        %dma_start3A_188 = tpu.memref_squeeze %dma_start3A_187 : memref<1x128xi32, #tpu.memory_space<vmem>> -> memref<128xi32, #tpu.memory_space<vmem>>
        %dma_start3A_189 = arith.constant 0 : i32
        %dma_start3A_190 = arith.constant 0 : i32
        %dma_start3A_191 = tpu.memref_slice %arg10[%dma_start3A_189, %dma_start3A_190] : memref<10112x144xf32, #tpu.memory_space<vmem_shared>> -> memref<10112x144xf32, #tpu.memory_space<vmem_shared>>
        tpu.enqueue_indirect_dma source(%dma_start3A_185 : memref<128x144xf32, #tpu.memory_space<vmem>>) target(%dma_start3A_191 : memref<10112x144xf32, #tpu.memory_space<vmem_shared>>) offsets(%dma_start3A_188 : memref<128xi32, #tpu.memory_space<vmem>>) semaphore(%arg14 : memref<!tpu.dma_semaphore, #tpu.memory_space<semaphore_mem>>) {add = true}
        %dma_wait3A_192 = arith.constant 1 : i32
        %dma_wait3A_193 = arith.constant 1 : i32
        %dma_wait3A_194 = arith.constant 0 : i32
        %dma_wait3A_195 = arith.constant 0 : i32
        %dma_wait3A_196 = tpu.memref_slice %arg9[%dma_wait3A_193, %dma_wait3A_194, %dma_wait3A_195] : memref<2x128x144xf32, #tpu.memory_space<vmem>> -> memref<1x128x144xf32, #tpu.memory_space<vmem>>
        %dma_wait3A_197 = tpu.memref_squeeze %dma_wait3A_196 : memref<1x128x144xf32, #tpu.memory_space<vmem>> -> memref<128x144xf32, #tpu.memory_space<vmem>>
        %dma_wait3A_198 = arith.constant 0 : i32
        %dma_wait3A_199 = tpu.memref_slice %arg7[%dma_wait3A_192, %dma_wait3A_198] : memref<2x128xi32, #tpu.memory_space<vmem>> -> memref<1x128xi32, #tpu.memory_space<vmem>>
        %dma_wait3A_200 = tpu.memref_squeeze %dma_wait3A_199 : memref<1x128xi32, #tpu.memory_space<vmem>> -> memref<128xi32, #tpu.memory_space<vmem>>
        %dma_wait3A_201 = arith.constant 0 : i32
        %dma_wait3A_202 = arith.constant 0 : i32
        %dma_wait3A_203 = tpu.memref_slice %arg2[%dma_wait3A_201, %dma_wait3A_202] : memref<10000x144xf32, #tpu.memory_space<hbm>> -> memref<10000x144xf32, #tpu.memory_space<hbm>>
        tpu.wait_indirect_dma semaphore(%arg13 : memref<!tpu.dma_semaphore, #tpu.memory_space<semaphore_mem>>) src(%dma_wait3A_203 : memref<10000x144xf32, #tpu.memory_space<hbm>>) dst(%dma_wait3A_197 : memref<128x144xf32, #tpu.memory_space<vmem>>)
        %dma_start3A_204 = arith.constant 1 : i32
        %dma_start3A_205 = arith.constant 1 : i32
        %dma_start3A_206 = arith.constant 0 : i32
        %dma_start3A_207 = arith.constant 0 : i32
        %dma_start3A_208 = tpu.memref_slice %arg9[%dma_start3A_204, %dma_start3A_206, %dma_start3A_207] : memref<2x128x144xf32, #tpu.memory_space<vmem>> -> memref<1x128x144xf32, #tpu.memory_space<vmem>>
        %dma_start3A_209 = tpu.memref_squeeze %dma_start3A_208 : memref<1x128x144xf32, #tpu.memory_space<vmem>> -> memref<128x144xf32, #tpu.memory_space<vmem>>
        %dma_start3A_210 = arith.constant 0 : i32
        %dma_start3A_211 = tpu.memref_slice %arg8[%dma_start3A_205, %dma_start3A_210] : memref<2x128xi32, #tpu.memory_space<vmem>> -> memref<1x128xi32, #tpu.memory_space<vmem>>
        %dma_start3A_212 = tpu.memref_squeeze %dma_start3A_211 : memref<1x128xi32, #tpu.memory_space<vmem>> -> memref<128xi32, #tpu.memory_space<vmem>>
        %dma_start3A_213 = arith.constant 0 : i32
        %dma_start3A_214 = arith.constant 0 : i32
        %dma_start3A_215 = tpu.memref_slice %arg10[%dma_start3A_213, %dma_start3A_214] : memref<10112x144xf32, #tpu.memory_space<vmem_shared>> -> memref<10112x144xf32, #tpu.memory_space<vmem_shared>>
        tpu.enqueue_indirect_dma source(%dma_start3A_209 : memref<128x144xf32, #tpu.memory_space<vmem>>) target(%dma_start3A_215 : memref<10112x144xf32, #tpu.memory_space<vmem_shared>>) offsets(%dma_start3A_212 : memref<128xi32, #tpu.memory_space<vmem>>) semaphore(%arg14 : memref<!tpu.dma_semaphore, #tpu.memory_space<semaphore_mem>>) {add = true}
        %dma_wait3A_216 = arith.constant 0 : i32
        %dma_wait3A_217 = arith.constant 0 : i32
        %dma_wait3A_218 = arith.constant 0 : i32
        %dma_wait3A_219 = arith.constant 0 : i32
        %dma_wait3A_220 = tpu.memref_slice %arg9[%dma_wait3A_216, %dma_wait3A_218, %dma_wait3A_219] : memref<2x128x144xf32, #tpu.memory_space<vmem>> -> memref<1x128x144xf32, #tpu.memory_space<vmem>>
        %dma_wait3A_221 = tpu.memref_squeeze %dma_wait3A_220 : memref<1x128x144xf32, #tpu.memory_space<vmem>> -> memref<128x144xf32, #tpu.memory_space<vmem>>
        %dma_wait3A_222 = arith.constant 0 : i32
        %dma_wait3A_223 = tpu.memref_slice %arg8[%dma_wait3A_217, %dma_wait3A_222] : memref<2x128xi32, #tpu.memory_space<vmem>> -> memref<1x128xi32, #tpu.memory_space<vmem>>
        %dma_wait3A_224 = tpu.memref_squeeze %dma_wait3A_223 : memref<1x128xi32, #tpu.memory_space<vmem>> -> memref<128xi32, #tpu.memory_space<vmem>>
        %dma_wait3A_225 = arith.constant 0 : i32
        %dma_wait3A_226 = arith.constant 0 : i32
        %dma_wait3A_227 = tpu.memref_slice %arg10[%dma_wait3A_225, %dma_wait3A_226] : memref<10112x144xf32, #tpu.memory_space<vmem_shared>> -> memref<10112x144xf32, #tpu.memory_space<vmem_shared>>
        tpu.wait_indirect_dma semaphore(%arg14 : memref<!tpu.dma_semaphore, #tpu.memory_space<semaphore_mem>>) src(%dma_wait3A_221 : memref<128x144xf32, #tpu.memory_space<vmem>>) dst(%dma_wait3A_227 : memref<10112x144xf32, #tpu.memory_space<vmem_shared>>)
        %dma_wait3A_228 = arith.constant 1 : i32
        %dma_wait3A_229 = arith.constant 1 : i32
        %dma_wait3A_230 = arith.constant 0 : i32
        %dma_wait3A_231 = arith.constant 0 : i32
        %dma_wait3A_232 = tpu.memref_slice %arg9[%dma_wait3A_228, %dma_wait3A_230, %dma_wait3A_231] : memref<2x128x144xf32, #tpu.memory_space<vmem>> -> memref<1x128x144xf32, #tpu.memory_space<vmem>>
        %dma_wait3A_233 = tpu.memref_squeeze %dma_wait3A_232 : memref<1x128x144xf32, #tpu.memory_space<vmem>> -> memref<128x144xf32, #tpu.memory_space<vmem>>
        %dma_wait3A_234 = arith.constant 0 : i32
        %dma_wait3A_235 = tpu.memref_slice %arg8[%dma_wait3A_229, %dma_wait3A_234] : memref<2x128xi32, #tpu.memory_space<vmem>> -> memref<1x128xi32, #tpu.memory_space<vmem>>
        %dma_wait3A_236 = tpu.memref_squeeze %dma_wait3A_235 : memref<1x128xi32, #tpu.memory_space<vmem>> -> memref<128xi32, #tpu.memory_space<vmem>>
        %dma_wait3A_237 = arith.constant 0 : i32
        %dma_wait3A_238 = arith.constant 0 : i32
        %dma_wait3A_239 = tpu.memref_slice %arg10[%dma_wait3A_237, %dma_wait3A_238] : memref<10112x144xf32, #tpu.memory_space<vmem_shared>> -> memref<10112x144xf32, #tpu.memory_space<vmem_shared>>
        tpu.wait_indirect_dma semaphore(%arg14 : memref<!tpu.dma_semaphore, #tpu.memory_space<semaphore_mem>>) src(%dma_wait3A_233 : memref<128x144xf32, #tpu.memory_space<vmem>>) dst(%dma_wait3A_239 : memref<10112x144xf32, #tpu.memory_space<vmem_shared>>)
      }
      %scan3A_24 = arith.constant 20 : i32
    } else {
    }
    %barrier3A_8 = arith.constant 0 : index
    tpu.barrier barrier_id(%barrier3A_8)
    %lt3A = arith.constant 15 : i32
    %lt3A_9 = arith.cmpi slt, %arg1, %lt3A : i32
    %convert_element_type3A_10 = arith.extui %lt3A_9 : i1 to i32
    %cond3A_11 = arith.constant 0 : i32
    %cond3A_12 = arith.cmpi ne, %convert_element_type3A_10, %cond3A_11 : i32
    scf.if %cond3A_12 {
      %mul3A_18 = arith.constant 632 : i32
      %mul3A_19 = arith.muli %arg1, %mul3A_18 : i32
      %mul3A_20 = arith.constant 632 : i32
      %mul3A_21 = arith.muli %arg1, %mul3A_20 : i32
      "tpu.region"() ({
        %run_scoped3A = tpu.sem_alloc : memref<!tpu.dma_semaphore, #tpu.memory_space<semaphore_mem>>
        %dma_start3A = arith.constant 0 : i32
        %dma_start3A_22 = tpu.memref_slice %arg6[%arg0, %mul3A_21, %dma_start3A] : memref<2x10000x144xf32, #tpu.memory_space<hbm>> -> memref<1x632x144xf32, #tpu.memory_space<hbm>>
        %dma_start3A_23 = tpu.memref_squeeze %dma_start3A_22 : memref<1x632x144xf32, #tpu.memory_space<hbm>> -> memref<632x144xf32, #tpu.memory_space<hbm>>
        %dma_start3A_24 = arith.constant 0 : i32
        %dma_start3A_25 = tpu.memref_slice %arg10[%mul3A_19, %dma_start3A_24] : memref<10112x144xf32, #tpu.memory_space<vmem_shared>> -> memref<632x144xf32, #tpu.memory_space<vmem_shared>>
        tpu.enqueue_dma source(%dma_start3A_25 : memref<632x144xf32, #tpu.memory_space<vmem_shared>>) target(%dma_start3A_23 : memref<632x144xf32, #tpu.memory_space<hbm>>) target_semaphore(%run_scoped3A : memref<!tpu.dma_semaphore, #tpu.memory_space<semaphore_mem>>)
        %dma_wait3A = arith.constant 0 : i32
        %dma_wait3A_26 = tpu.memref_slice %arg6[%arg0, %mul3A_21, %dma_wait3A] : memref<2x10000x144xf32, #tpu.memory_space<hbm>> -> memref<1x632x144xf32, #tpu.memory_space<hbm>>
        %dma_wait3A_27 = tpu.memref_squeeze %dma_wait3A_26 : memref<1x632x144xf32, #tpu.memory_space<hbm>> -> memref<632x144xf32, #tpu.memory_space<hbm>>
        %dma_wait3A_28 = arith.constant 0 : i32
        %dma_wait3A_29 = tpu.memref_slice %arg10[%mul3A_19, %dma_wait3A_28] : memref<10112x144xf32, #tpu.memory_space<vmem_shared>> -> memref<632x144xf32, #tpu.memory_space<vmem_shared>>
        tpu.wait_dma2 semaphore(%run_scoped3A : memref<!tpu.dma_semaphore, #tpu.memory_space<semaphore_mem>>) src(%dma_wait3A_29 : memref<632x144xf32, #tpu.memory_space<vmem_shared>>) dst(%dma_wait3A_27 : memref<632x144xf32, #tpu.memory_space<hbm>>)
        tpu.yield
      }) : () -> ()
    } else {
    }
    %eq3A_13 = arith.constant 15 : i32
    %eq3A_14 = arith.cmpi eq, %arg1, %eq3A_13 : i32
    %convert_element_type3A_15 = arith.extui %eq3A_14 : i1 to i32
    %cond3A_16 = arith.constant 0 : i32
    %cond3A_17 = arith.cmpi ne, %convert_element_type3A_15, %cond3A_16 : i32
    scf.if %cond3A_17 {
      "tpu.region"() ({
        %run_scoped3A = tpu.sem_alloc : memref<!tpu.dma_semaphore, #tpu.memory_space<semaphore_mem>>
        %dma_start3A = arith.constant 9480 : i32
        %dma_start3A_18 = arith.constant 0 : i32
        %dma_start3A_19 = tpu.memref_slice %arg6[%arg0, %dma_start3A, %dma_start3A_18] : memref<2x10000x144xf32, #tpu.memory_space<hbm>> -> memref<1x520x144xf32, #tpu.memory_space<hbm>>
        %dma_start3A_20 = tpu.memref_squeeze %dma_start3A_19 : memref<1x520x144xf32, #tpu.memory_space<hbm>> -> memref<520x144xf32, #tpu.memory_space<hbm>>
        %dma_start3A_21 = arith.constant 9480 : i32
        %dma_start3A_22 = arith.constant 0 : i32
        %dma_start3A_23 = tpu.memref_slice %arg10[%dma_start3A_21, %dma_start3A_22] : memref<10112x144xf32, #tpu.memory_space<vmem_shared>> -> memref<520x144xf32, #tpu.memory_space<vmem_shared>>
        tpu.enqueue_dma source(%dma_start3A_23 : memref<520x144xf32, #tpu.memory_space<vmem_shared>>) target(%dma_start3A_20 : memref<520x144xf32, #tpu.memory_space<hbm>>) target_semaphore(%run_scoped3A : memref<!tpu.dma_semaphore, #tpu.memory_space<semaphore_mem>>)
        %dma_wait3A = arith.constant 9480 : i32
        %dma_wait3A_24 = arith.constant 0 : i32
        %dma_wait3A_25 = tpu.memref_slice %arg6[%arg0, %dma_wait3A, %dma_wait3A_24] : memref<2x10000x144xf32, #tpu.memory_space<hbm>> -> memref<1x520x144xf32, #tpu.memory_space<hbm>>
        %dma_wait3A_26 = tpu.memref_squeeze %dma_wait3A_25 : memref<1x520x144xf32, #tpu.memory_space<hbm>> -> memref<520x144xf32, #tpu.memory_space<hbm>>
        %dma_wait3A_27 = arith.constant 9480 : i32
        %dma_wait3A_28 = arith.constant 0 : i32
        %dma_wait3A_29 = tpu.memref_slice %arg10[%dma_wait3A_27, %dma_wait3A_28] : memref<10112x144xf32, #tpu.memory_space<vmem_shared>> -> memref<520x144xf32, #tpu.memory_space<vmem_shared>>
        tpu.wait_dma2 semaphore(%run_scoped3A : memref<!tpu.dma_semaphore, #tpu.memory_space<semaphore_mem>>) src(%dma_wait3A_29 : memref<520x144xf32, #tpu.memory_space<vmem_shared>>) dst(%dma_wait3A_26 : memref<520x144xf32, #tpu.memory_space<hbm>>)
        tpu.yield
      }) : () -> ()
    } else {
    }
    return
  }
}

#map = affine_map<(d0, d1) -> (0, 0)>
#map1 = affine_map<(d0, d1) -> (0, 0, 0)>
module attributes {stable_mosaic.version = 14 : i64} {
  func.func @sc_scatter(%arg0: i32, %arg1: i32, %arg2: memref<10000x144xf32, #tpu.memory_space<hbm>>, %arg3: memref<2528x128xi32, #tpu.memory_space<hbm>>, %arg4: memref<2528x128xi32, #tpu.memory_space<hbm>>, %arg5: memref<632x144xf32, #tpu.memory_space<hbm>>, %arg6: memref<2x10000x144xf32, #tpu.memory_space<hbm>>, %arg7: memref<2x128xi32, #tpu.memory_space<vmem>>, %arg8: memref<2x128xi32, #tpu.memory_space<vmem>>, %arg9: memref<2x128x144xf32, #tpu.memory_space<vmem>>, %arg10: memref<10112x144xf32, #tpu.memory_space<vmem_shared>>, %arg11: memref<!tpu.dma_semaphore, #tpu.memory_space<semaphore_mem>>, %arg12: memref<!tpu.dma_semaphore, #tpu.memory_space<semaphore_mem>>, %arg13: memref<!tpu.dma_semaphore, #tpu.memory_space<semaphore_mem>>, %arg14: memref<!tpu.dma_semaphore, #tpu.memory_space<semaphore_mem>>) attributes {dimension_semantics = [#tpu.dimension_semantics<core_parallel>, #tpu.dimension_semantics<subcore_parallel>], iteration_bounds = array<i64: 2, 16>, scalar_prefetch = 0 : i64, scratch_operands = 8 : i64, tpu.core_type = #tpu.core_type<sc_vector_subcore>, window_params = [{transform_indices = #map}, {transform_indices = #map}, {transform_indices = #map}, {transform_indices = #map}, {transform_indices = #map1}]} {
    %mul3A = arith.constant 632 : i32
    %mul3A_0 = arith.muli %arg1, %mul3A : i32
    "tpu.region"() ({
      %run_scoped3A = tpu.sem_alloc : memref<!tpu.dma_semaphore, #tpu.memory_space<semaphore_mem>>
      %dma_start3A = arith.constant 0 : i32
      %dma_start3A_18 = tpu.memref_slice %arg10[%mul3A_0, %dma_start3A] : memref<10112x144xf32, #tpu.memory_space<vmem_shared>> -> memref<632x144xf32, #tpu.memory_space<vmem_shared>>
      tpu.enqueue_dma source(%arg5 : memref<632x144xf32, #tpu.memory_space<hbm>>) target(%dma_start3A_18 : memref<632x144xf32, #tpu.memory_space<vmem_shared>>) target_semaphore(%run_scoped3A : memref<!tpu.dma_semaphore, #tpu.memory_space<semaphore_mem>>)
      %dma_wait3A = arith.constant 0 : i32
      %dma_wait3A_19 = tpu.memref_slice %arg10[%mul3A_0, %dma_wait3A] : memref<10112x144xf32, #tpu.memory_space<vmem_shared>> -> memref<632x144xf32, #tpu.memory_space<vmem_shared>>
      tpu.wait_dma2 semaphore(%run_scoped3A : memref<!tpu.dma_semaphore, #tpu.memory_space<semaphore_mem>>) src(%arg5 : memref<632x144xf32, #tpu.memory_space<hbm>>) dst(%dma_wait3A_19 : memref<632x144xf32, #tpu.memory_space<vmem_shared>>)
      tpu.yield
    }) : () -> ()
    %barrier3A = arith.constant 0 : index
    tpu.barrier barrier_id(%barrier3A)
    %eq3A = arith.constant 0 : i32
    %eq3A_1 = arith.cmpi eq, %arg0, %eq3A : i32
    %convert_element_type3A = arith.extui %eq3A_1 : i1 to i32
    %cond3A = arith.constant 0 : i32
    %cond3A_2 = arith.cmpi ne, %convert_element_type3A, %cond3A : i32
    scf.if %cond3A_2 {
      %mul3A_18 = arith.constant 118 : i32
      %mul3A_19 = arith.muli %arg1, %mul3A_18 : i32
      %scan3A = arith.constant 0 : i32
      %scan3A_20 = arith.constant 59 : i32
      %scan3A_21 = arith.addi %scan3A, %scan3A_20 : i32
      %scan3A_22 = arith.constant 1 : i32
      scf.for %scan3A_24 = %scan3A to %scan3A_21 step %scan3A_22  : i32 {
        %mul3A_25 = arith.constant 2 : i32
        %mul3A_26 = arith.muli %scan3A_24, %mul3A_25 : i32
        %add3A = arith.constant 0 : i32
        %add3A_27 = arith.addi %add3A, %mul3A_26 : i32
        %add3A_28 = arith.addi %mul3A_19, %add3A_27 : i32
        %add3A_29 = arith.constant 0 : i32
        %add3A_30 = arith.addi %add3A_28, %add3A_29 : i32
        %dma_start3A = arith.constant 0 : i32
        %dma_start3A_31 = arith.constant 0 : i32
        %dma_start3A_32 = tpu.memref_slice %arg7[%dma_start3A, %dma_start3A_31] : memref<2x128xi32, #tpu.memory_space<vmem>> -> memref<1x128xi32, #tpu.memory_space<vmem>>
        %dma_start3A_33 = tpu.memref_squeeze %dma_start3A_32 : memref<1x128xi32, #tpu.memory_space<vmem>> -> memref<128xi32, #tpu.memory_space<vmem>>
        %dma_start3A_34 = arith.constant 0 : i32
        %dma_start3A_35 = tpu.memref_slice %arg3[%add3A_30, %dma_start3A_34] : memref<2528x128xi32, #tpu.memory_space<hbm>> -> memref<1x128xi32, #tpu.memory_space<hbm>>
        %dma_start3A_36 = tpu.memref_squeeze %dma_start3A_35 : memref<1x128xi32, #tpu.memory_space<hbm>> -> memref<128xi32, #tpu.memory_space<hbm>>
        %dma_start3A_37 = arith.constant 0 : i32
        %dma_start3A_38 = tpu.memref_slice %arg7[%dma_start3A, %dma_start3A_37] : memref<2x128xi32, #tpu.memory_space<vmem>> -> memref<1x128xi32, #tpu.memory_space<vmem>>
        %dma_start3A_39 = tpu.memref_squeeze %dma_start3A_38 : memref<1x128xi32, #tpu.memory_space<vmem>> -> memref<128xi32, #tpu.memory_space<vmem>>
        %dma_start3A_40 = arith.constant 0 : i32
        %dma_start3A_41 = tpu.memref_slice %arg3[%add3A_30, %dma_start3A_40] : memref<2528x128xi32, #tpu.memory_space<hbm>> -> memref<1x128xi32, #tpu.memory_space<hbm>>
        %dma_start3A_42 = tpu.memref_squeeze %dma_start3A_41 : memref<1x128xi32, #tpu.memory_space<hbm>> -> memref<128xi32, #tpu.memory_space<hbm>>
        tpu.enqueue_dma source(%dma_start3A_42 : memref<128xi32, #tpu.memory_space<hbm>>) target(%dma_start3A_39 : memref<128xi32, #tpu.memory_space<vmem>>) target_semaphore(%arg11 : memref<!tpu.dma_semaphore, #tpu.memory_space<semaphore_mem>>)
        %add3A_43 = arith.addi %mul3A_19, %add3A_27 : i32
        %add3A_44 = arith.constant 0 : i32
        %add3A_45 = arith.addi %add3A_43, %add3A_44 : i32
        %dma_start3A_46 = arith.constant 0 : i32
        %dma_start3A_47 = arith.constant 0 : i32
        %dma_start3A_48 = tpu.memref_slice %arg8[%dma_start3A_46, %dma_start3A_47] : memref<2x128xi32, #tpu.memory_space<vmem>> -> memref<1x128xi32, #tpu.memory_space<vmem>>
        %dma_start3A_49 = tpu.memref_squeeze %dma_start3A_48 : memref<1x128xi32, #tpu.memory_space<vmem>> -> memref<128xi32, #tpu.memory_space<vmem>>
        %dma_start3A_50 = arith.constant 0 : i32
        %dma_start3A_51 = tpu.memref_slice %arg4[%add3A_45, %dma_start3A_50] : memref<2528x128xi32, #tpu.memory_space<hbm>> -> memref<1x128xi32, #tpu.memory_space<hbm>>
        %dma_start3A_52 = tpu.memref_squeeze %dma_start3A_51 : memref<1x128xi32, #tpu.memory_space<hbm>> -> memref<128xi32, #tpu.memory_space<hbm>>
        %dma_start3A_53 = arith.constant 0 : i32
        %dma_start3A_54 = tpu.memref_slice %arg8[%dma_start3A_46, %dma_start3A_53] : memref<2x128xi32, #tpu.memory_space<vmem>> -> memref<1x128xi32, #tpu.memory_space<vmem>>
        %dma_start3A_55 = tpu.memref_squeeze %dma_start3A_54 : memref<1x128xi32, #tpu.memory_space<vmem>> -> memref<128xi32, #tpu.memory_space<vmem>>
        %dma_start3A_56 = arith.constant 0 : i32
        %dma_start3A_57 = tpu.memref_slice %arg4[%add3A_45, %dma_start3A_56] : memref<2528x128xi32, #tpu.memory_space<hbm>> -> memref<1x128xi32, #tpu.memory_space<hbm>>
        %dma_start3A_58 = tpu.memref_squeeze %dma_start3A_57 : memref<1x128xi32, #tpu.memory_space<hbm>> -> memref<128xi32, #tpu.memory_space<hbm>>
        tpu.enqueue_dma source(%dma_start3A_58 : memref<128xi32, #tpu.memory_space<hbm>>) target(%dma_start3A_55 : memref<128xi32, #tpu.memory_space<vmem>>) target_semaphore(%arg11 : memref<!tpu.dma_semaphore, #tpu.memory_space<semaphore_mem>>)
        %add3A_59 = arith.addi %mul3A_19, %add3A_27 : i32
        %add3A_60 = arith.constant 1 : i32
        %add3A_61 = arith.addi %add3A_59, %add3A_60 : i32
        %dma_start3A_62 = arith.constant 1 : i32
        %dma_start3A_63 = arith.constant 0 : i32
        %dma_start3A_64 = tpu.memref_slice %arg7[%dma_start3A_62, %dma_start3A_63] : memref<2x128xi32, #tpu.memory_space<vmem>> -> memref<1x128xi32, #tpu.memory_space<vmem>>
        %dma_start3A_65 = tpu.memref_squeeze %dma_start3A_64 : memref<1x128xi32, #tpu.memory_space<vmem>> -> memref<128xi32, #tpu.memory_space<vmem>>
        %dma_start3A_66 = arith.constant 0 : i32
        %dma_start3A_67 = tpu.memref_slice %arg3[%add3A_61, %dma_start3A_66] : memref<2528x128xi32, #tpu.memory_space<hbm>> -> memref<1x128xi32, #tpu.memory_space<hbm>>
        %dma_start3A_68 = tpu.memref_squeeze %dma_start3A_67 : memref<1x128xi32, #tpu.memory_space<hbm>> -> memref<128xi32, #tpu.memory_space<hbm>>
        %dma_start3A_69 = arith.constant 0 : i32
        %dma_start3A_70 = tpu.memref_slice %arg7[%dma_start3A_62, %dma_start3A_69] : memref<2x128xi32, #tpu.memory_space<vmem>> -> memref<1x128xi32, #tpu.memory_space<vmem>>
        %dma_start3A_71 = tpu.memref_squeeze %dma_start3A_70 : memref<1x128xi32, #tpu.memory_space<vmem>> -> memref<128xi32, #tpu.memory_space<vmem>>
        %dma_start3A_72 = arith.constant 0 : i32
        %dma_start3A_73 = tpu.memref_slice %arg3[%add3A_61, %dma_start3A_72] : memref<2528x128xi32, #tpu.memory_space<hbm>> -> memref<1x128xi32, #tpu.memory_space<hbm>>
        %dma_start3A_74 = tpu.memref_squeeze %dma_start3A_73 : memref<1x128xi32, #tpu.memory_space<hbm>> -> memref<128xi32, #tpu.memory_space<hbm>>
        tpu.enqueue_dma source(%dma_start3A_74 : memref<128xi32, #tpu.memory_space<hbm>>) target(%dma_start3A_71 : memref<128xi32, #tpu.memory_space<vmem>>) target_semaphore(%arg11 : memref<!tpu.dma_semaphore, #tpu.memory_space<semaphore_mem>>)
        %add3A_75 = arith.addi %mul3A_19, %add3A_27 : i32
        %add3A_76 = arith.constant 1 : i32
        %add3A_77 = arith.addi %add3A_75, %add3A_76 : i32
        %dma_start3A_78 = arith.constant 1 : i32
        %dma_start3A_79 = arith.constant 0 : i32
        %dma_start3A_80 = tpu.memref_slice %arg8[%dma_start3A_78, %dma_start3A_79] : memref<2x128xi32, #tpu.memory_space<vmem>> -> memref<1x128xi32, #tpu.memory_space<vmem>>
        %dma_start3A_81 = tpu.memref_squeeze %dma_start3A_80 : memref<1x128xi32, #tpu.memory_space<vmem>> -> memref<128xi32, #tpu.memory_space<vmem>>
        %dma_start3A_82 = arith.constant 0 : i32
        %dma_start3A_83 = tpu.memref_slice %arg4[%add3A_77, %dma_start3A_82] : memref<2528x128xi32, #tpu.memory_space<hbm>> -> memref<1x128xi32, #tpu.memory_space<hbm>>
        %dma_start3A_84 = tpu.memref_squeeze %dma_start3A_83 : memref<1x128xi32, #tpu.memory_space<hbm>> -> memref<128xi32, #tpu.memory_space<hbm>>
        %dma_start3A_85 = arith.constant 0 : i32
        %dma_start3A_86 = tpu.memref_slice %arg8[%dma_start3A_78, %dma_start3A_85] : memref<2x128xi32, #tpu.memory_space<vmem>> -> memref<1x128xi32, #tpu.memory_space<vmem>>
        %dma_start3A_87 = tpu.memref_squeeze %dma_start3A_86 : memref<1x128xi32, #tpu.memory_space<vmem>> -> memref<128xi32, #tpu.memory_space<vmem>>
        %dma_start3A_88 = arith.constant 0 : i32
        %dma_start3A_89 = tpu.memref_slice %arg4[%add3A_77, %dma_start3A_88] : memref<2528x128xi32, #tpu.memory_space<hbm>> -> memref<1x128xi32, #tpu.memory_space<hbm>>
        %dma_start3A_90 = tpu.memref_squeeze %dma_start3A_89 : memref<1x128xi32, #tpu.memory_space<hbm>> -> memref<128xi32, #tpu.memory_space<hbm>>
        tpu.enqueue_dma source(%dma_start3A_90 : memref<128xi32, #tpu.memory_space<hbm>>) target(%dma_start3A_87 : memref<128xi32, #tpu.memory_space<vmem>>) target_semaphore(%arg11 : memref<!tpu.dma_semaphore, #tpu.memory_space<semaphore_mem>>)
        %dma_wait3A = arith.constant 0 : i32
        %dma_wait3A_91 = arith.constant 0 : i32
        %dma_wait3A_92 = tpu.memref_slice %arg7[%dma_wait3A, %dma_wait3A_91] : memref<2x128xi32, #tpu.memory_space<vmem>> -> memref<1x128xi32, #tpu.memory_space<vmem>>
        %dma_wait3A_93 = tpu.memref_squeeze %dma_wait3A_92 : memref<1x128xi32, #tpu.memory_space<vmem>> -> memref<128xi32, #tpu.memory_space<vmem>>
        %dma_wait3A_94 = arith.constant 0 : i32
        %dma_wait3A_95 = tpu.memref_slice %arg3[%add3A_30, %dma_wait3A_94] : memref<2528x128xi32, #tpu.memory_space<hbm>> -> memref<1x128xi32, #tpu.memory_space<hbm>>
        %dma_wait3A_96 = tpu.memref_squeeze %dma_wait3A_95 : memref<1x128xi32, #tpu.memory_space<hbm>> -> memref<128xi32, #tpu.memory_space<hbm>>
        %dma_wait3A_97 = arith.constant 0 : i32
        %dma_wait3A_98 = tpu.memref_slice %arg7[%dma_wait3A, %dma_wait3A_97] : memref<2x128xi32, #tpu.memory_space<vmem>> -> memref<1x128xi32, #tpu.memory_space<vmem>>
        %dma_wait3A_99 = tpu.memref_squeeze %dma_wait3A_98 : memref<1x128xi32, #tpu.memory_space<vmem>> -> memref<128xi32, #tpu.memory_space<vmem>>
        %dma_wait3A_100 = arith.constant 0 : i32
        %dma_wait3A_101 = tpu.memref_slice %arg3[%add3A_30, %dma_wait3A_100] : memref<2528x128xi32, #tpu.memory_space<hbm>> -> memref<1x128xi32, #tpu.memory_space<hbm>>
        %dma_wait3A_102 = tpu.memref_squeeze %dma_wait3A_101 : memref<1x128xi32, #tpu.memory_space<hbm>> -> memref<128xi32, #tpu.memory_space<hbm>>
        tpu.wait_dma2 semaphore(%arg11 : memref<!tpu.dma_semaphore, #tpu.memory_space<semaphore_mem>>) src(%dma_wait3A_102 : memref<128xi32, #tpu.memory_space<hbm>>) dst(%dma_wait3A_99 : memref<128xi32, #tpu.memory_space<vmem>>)
        %dma_wait3A_103 = arith.constant 0 : i32
        %dma_wait3A_104 = arith.constant 0 : i32
        %dma_wait3A_105 = tpu.memref_slice %arg8[%dma_wait3A_103, %dma_wait3A_104] : memref<2x128xi32, #tpu.memory_space<vmem>> -> memref<1x128xi32, #tpu.memory_space<vmem>>
        %dma_wait3A_106 = tpu.memref_squeeze %dma_wait3A_105 : memref<1x128xi32, #tpu.memory_space<vmem>> -> memref<128xi32, #tpu.memory_space<vmem>>
        %dma_wait3A_107 = arith.constant 0 : i32
        %dma_wait3A_108 = tpu.memref_slice %arg4[%add3A_45, %dma_wait3A_107] : memref<2528x128xi32, #tpu.memory_space<hbm>> -> memref<1x128xi32, #tpu.memory_space<hbm>>
        %dma_wait3A_109 = tpu.memref_squeeze %dma_wait3A_108 : memref<1x128xi32, #tpu.memory_space<hbm>> -> memref<128xi32, #tpu.memory_space<hbm>>
        %dma_wait3A_110 = arith.constant 0 : i32
        %dma_wait3A_111 = tpu.memref_slice %arg8[%dma_wait3A_103, %dma_wait3A_110] : memref<2x128xi32, #tpu.memory_space<vmem>> -> memref<1x128xi32, #tpu.memory_space<vmem>>
        %dma_wait3A_112 = tpu.memref_squeeze %dma_wait3A_111 : memref<1x128xi32, #tpu.memory_space<vmem>> -> memref<128xi32, #tpu.memory_space<vmem>>
        %dma_wait3A_113 = arith.constant 0 : i32
        %dma_wait3A_114 = tpu.memref_slice %arg4[%add3A_45, %dma_wait3A_113] : memref<2528x128xi32, #tpu.memory_space<hbm>> -> memref<1x128xi32, #tpu.memory_space<hbm>>
        %dma_wait3A_115 = tpu.memref_squeeze %dma_wait3A_114 : memref<1x128xi32, #tpu.memory_space<hbm>> -> memref<128xi32, #tpu.memory_space<hbm>>
        tpu.wait_dma2 semaphore(%arg11 : memref<!tpu.dma_semaphore, #tpu.memory_space<semaphore_mem>>) src(%dma_wait3A_115 : memref<128xi32, #tpu.memory_space<hbm>>) dst(%dma_wait3A_112 : memref<128xi32, #tpu.memory_space<vmem>>)
        %dma_wait3A_116 = arith.constant 1 : i32
        %dma_wait3A_117 = arith.constant 0 : i32
        %dma_wait3A_118 = tpu.memref_slice %arg7[%dma_wait3A_116, %dma_wait3A_117] : memref<2x128xi32, #tpu.memory_space<vmem>> -> memref<1x128xi32, #tpu.memory_space<vmem>>
        %dma_wait3A_119 = tpu.memref_squeeze %dma_wait3A_118 : memref<1x128xi32, #tpu.memory_space<vmem>> -> memref<128xi32, #tpu.memory_space<vmem>>
        %dma_wait3A_120 = arith.constant 0 : i32
        %dma_wait3A_121 = tpu.memref_slice %arg3[%add3A_61, %dma_wait3A_120] : memref<2528x128xi32, #tpu.memory_space<hbm>> -> memref<1x128xi32, #tpu.memory_space<hbm>>
        %dma_wait3A_122 = tpu.memref_squeeze %dma_wait3A_121 : memref<1x128xi32, #tpu.memory_space<hbm>> -> memref<128xi32, #tpu.memory_space<hbm>>
        %dma_wait3A_123 = arith.constant 0 : i32
        %dma_wait3A_124 = tpu.memref_slice %arg7[%dma_wait3A_116, %dma_wait3A_123] : memref<2x128xi32, #tpu.memory_space<vmem>> -> memref<1x128xi32, #tpu.memory_space<vmem>>
        %dma_wait3A_125 = tpu.memref_squeeze %dma_wait3A_124 : memref<1x128xi32, #tpu.memory_space<vmem>> -> memref<128xi32, #tpu.memory_space<vmem>>
        %dma_wait3A_126 = arith.constant 0 : i32
        %dma_wait3A_127 = tpu.memref_slice %arg3[%add3A_61, %dma_wait3A_126] : memref<2528x128xi32, #tpu.memory_space<hbm>> -> memref<1x128xi32, #tpu.memory_space<hbm>>
        %dma_wait3A_128 = tpu.memref_squeeze %dma_wait3A_127 : memref<1x128xi32, #tpu.memory_space<hbm>> -> memref<128xi32, #tpu.memory_space<hbm>>
        tpu.wait_dma2 semaphore(%arg11 : memref<!tpu.dma_semaphore, #tpu.memory_space<semaphore_mem>>) src(%dma_wait3A_128 : memref<128xi32, #tpu.memory_space<hbm>>) dst(%dma_wait3A_125 : memref<128xi32, #tpu.memory_space<vmem>>)
        %dma_wait3A_129 = arith.constant 1 : i32
        %dma_wait3A_130 = arith.constant 0 : i32
        %dma_wait3A_131 = tpu.memref_slice %arg8[%dma_wait3A_129, %dma_wait3A_130] : memref<2x128xi32, #tpu.memory_space<vmem>> -> memref<1x128xi32, #tpu.memory_space<vmem>>
        %dma_wait3A_132 = tpu.memref_squeeze %dma_wait3A_131 : memref<1x128xi32, #tpu.memory_space<vmem>> -> memref<128xi32, #tpu.memory_space<vmem>>
        %dma_wait3A_133 = arith.constant 0 : i32
        %dma_wait3A_134 = tpu.memref_slice %arg4[%add3A_77, %dma_wait3A_133] : memref<2528x128xi32, #tpu.memory_space<hbm>> -> memref<1x128xi32, #tpu.memory_space<hbm>>
        %dma_wait3A_135 = tpu.memref_squeeze %dma_wait3A_134 : memref<1x128xi32, #tpu.memory_space<hbm>> -> memref<128xi32, #tpu.memory_space<hbm>>
        %dma_wait3A_136 = arith.constant 0 : i32
        %dma_wait3A_137 = tpu.memref_slice %arg8[%dma_wait3A_129, %dma_wait3A_136] : memref<2x128xi32, #tpu.memory_space<vmem>> -> memref<1x128xi32, #tpu.memory_space<vmem>>
        %dma_wait3A_138 = tpu.memref_squeeze %dma_wait3A_137 : memref<1x128xi32, #tpu.memory_space<vmem>> -> memref<128xi32, #tpu.memory_space<vmem>>
        %dma_wait3A_139 = arith.constant 0 : i32
        %dma_wait3A_140 = tpu.memref_slice %arg4[%add3A_77, %dma_wait3A_139] : memref<2528x128xi32, #tpu.memory_space<hbm>> -> memref<1x128xi32, #tpu.memory_space<hbm>>
        %dma_wait3A_141 = tpu.memref_squeeze %dma_wait3A_140 : memref<1x128xi32, #tpu.memory_space<hbm>> -> memref<128xi32, #tpu.memory_space<hbm>>
        tpu.wait_dma2 semaphore(%arg11 : memref<!tpu.dma_semaphore, #tpu.memory_space<semaphore_mem>>) src(%dma_wait3A_141 : memref<128xi32, #tpu.memory_space<hbm>>) dst(%dma_wait3A_138 : memref<128xi32, #tpu.memory_space<vmem>>)
        %dma_start3A_142 = arith.constant 0 : i32
        %dma_start3A_143 = arith.constant 0 : i32
        %dma_start3A_144 = arith.constant 0 : i32
        %dma_start3A_145 = arith.constant 0 : i32
        %dma_start3A_146 = tpu.memref_slice %arg9[%dma_start3A_143, %dma_start3A_144, %dma_start3A_145] : memref<2x128x144xf32, #tpu.memory_space<vmem>> -> memref<1x128x144xf32, #tpu.memory_space<vmem>>
        %dma_start3A_147 = tpu.memref_squeeze %dma_start3A_146 : memref<1x128x144xf32, #tpu.memory_space<vmem>> -> memref<128x144xf32, #tpu.memory_space<vmem>>
        %dma_start3A_148 = arith.constant 0 : i32
        %dma_start3A_149 = tpu.memref_slice %arg7[%dma_start3A_142, %dma_start3A_148] : memref<2x128xi32, #tpu.memory_space<vmem>> -> memref<1x128xi32, #tpu.memory_space<vmem>>
        %dma_start3A_150 = tpu.memref_squeeze %dma_start3A_149 : memref<1x128xi32, #tpu.memory_space<vmem>> -> memref<128xi32, #tpu.memory_space<vmem>>
        %dma_start3A_151 = arith.constant 0 : i32
        %dma_start3A_152 = arith.constant 0 : i32
        %dma_start3A_153 = tpu.memref_slice %arg2[%dma_start3A_151, %dma_start3A_152] : memref<10000x144xf32, #tpu.memory_space<hbm>> -> memref<10000x144xf32, #tpu.memory_space<hbm>>
        tpu.enqueue_indirect_dma source(%dma_start3A_153 : memref<10000x144xf32, #tpu.memory_space<hbm>>) target(%dma_start3A_147 : memref<128x144xf32, #tpu.memory_space<vmem>>) offsets(%dma_start3A_150 : memref<128xi32, #tpu.memory_space<vmem>>) semaphore(%arg12 : memref<!tpu.dma_semaphore, #tpu.memory_space<semaphore_mem>>)
        %dma_start3A_154 = arith.constant 1 : i32
        %dma_start3A_155 = arith.constant 1 : i32
        %dma_start3A_156 = arith.constant 0 : i32
        %dma_start3A_157 = arith.constant 0 : i32
        %dma_start3A_158 = tpu.memref_slice %arg9[%dma_start3A_155, %dma_start3A_156, %dma_start3A_157] : memref<2x128x144xf32, #tpu.memory_space<vmem>> -> memref<1x128x144xf32, #tpu.memory_space<vmem>>
        %dma_start3A_159 = tpu.memref_squeeze %dma_start3A_158 : memref<1x128x144xf32, #tpu.memory_space<vmem>> -> memref<128x144xf32, #tpu.memory_space<vmem>>
        %dma_start3A_160 = arith.constant 0 : i32
        %dma_start3A_161 = tpu.memref_slice %arg7[%dma_start3A_154, %dma_start3A_160] : memref<2x128xi32, #tpu.memory_space<vmem>> -> memref<1x128xi32, #tpu.memory_space<vmem>>
        %dma_start3A_162 = tpu.memref_squeeze %dma_start3A_161 : memref<1x128xi32, #tpu.memory_space<vmem>> -> memref<128xi32, #tpu.memory_space<vmem>>
        %dma_start3A_163 = arith.constant 0 : i32
        %dma_start3A_164 = arith.constant 0 : i32
        %dma_start3A_165 = tpu.memref_slice %arg2[%dma_start3A_163, %dma_start3A_164] : memref<10000x144xf32, #tpu.memory_space<hbm>> -> memref<10000x144xf32, #tpu.memory_space<hbm>>
        tpu.enqueue_indirect_dma source(%dma_start3A_165 : memref<10000x144xf32, #tpu.memory_space<hbm>>) target(%dma_start3A_159 : memref<128x144xf32, #tpu.memory_space<vmem>>) offsets(%dma_start3A_162 : memref<128xi32, #tpu.memory_space<vmem>>) semaphore(%arg13 : memref<!tpu.dma_semaphore, #tpu.memory_space<semaphore_mem>>)
        %dma_wait3A_166 = arith.constant 0 : i32
        %dma_wait3A_167 = arith.constant 0 : i32
        %dma_wait3A_168 = arith.constant 0 : i32
        %dma_wait3A_169 = arith.constant 0 : i32
        %dma_wait3A_170 = tpu.memref_slice %arg9[%dma_wait3A_167, %dma_wait3A_168, %dma_wait3A_169] : memref<2x128x144xf32, #tpu.memory_space<vmem>> -> memref<1x128x144xf32, #tpu.memory_space<vmem>>
        %dma_wait3A_171 = tpu.memref_squeeze %dma_wait3A_170 : memref<1x128x144xf32, #tpu.memory_space<vmem>> -> memref<128x144xf32, #tpu.memory_space<vmem>>
        %dma_wait3A_172 = arith.constant 0 : i32
        %dma_wait3A_173 = tpu.memref_slice %arg7[%dma_wait3A_166, %dma_wait3A_172] : memref<2x128xi32, #tpu.memory_space<vmem>> -> memref<1x128xi32, #tpu.memory_space<vmem>>
        %dma_wait3A_174 = tpu.memref_squeeze %dma_wait3A_173 : memref<1x128xi32, #tpu.memory_space<vmem>> -> memref<128xi32, #tpu.memory_space<vmem>>
        %dma_wait3A_175 = arith.constant 0 : i32
        %dma_wait3A_176 = arith.constant 0 : i32
        %dma_wait3A_177 = tpu.memref_slice %arg2[%dma_wait3A_175, %dma_wait3A_176] : memref<10000x144xf32, #tpu.memory_space<hbm>> -> memref<10000x144xf32, #tpu.memory_space<hbm>>
        tpu.wait_indirect_dma semaphore(%arg12 : memref<!tpu.dma_semaphore, #tpu.memory_space<semaphore_mem>>) src(%dma_wait3A_177 : memref<10000x144xf32, #tpu.memory_space<hbm>>) dst(%dma_wait3A_171 : memref<128x144xf32, #tpu.memory_space<vmem>>)
        %dma_start3A_178 = arith.constant 0 : i32
        %dma_start3A_179 = arith.constant 0 : i32
        %dma_start3A_180 = arith.constant 0 : i32
        %dma_start3A_181 = arith.constant 0 : i32
        %dma_start3A_182 = tpu.memref_slice %arg9[%dma_start3A_178, %dma_start3A_180, %dma_start3A_181] : memref<2x128x144xf32, #tpu.memory_space<vmem>> -> memref<1x128x144xf32, #tpu.memory_space<vmem>>
        %dma_start3A_183 = tpu.memref_squeeze %dma_start3A_182 : memref<1x128x144xf32, #tpu.memory_space<vmem>> -> memref<128x144xf32, #tpu.memory_space<vmem>>
        %dma_start3A_184 = arith.constant 0 : i32
        %dma_start3A_185 = tpu.memref_slice %arg8[%dma_start3A_179, %dma_start3A_184] : memref<2x128xi32, #tpu.memory_space<vmem>> -> memref<1x128xi32, #tpu.memory_space<vmem>>
        %dma_start3A_186 = tpu.memref_squeeze %dma_start3A_185 : memref<1x128xi32, #tpu.memory_space<vmem>> -> memref<128xi32, #tpu.memory_space<vmem>>
        %dma_start3A_187 = arith.constant 0 : i32
        %dma_start3A_188 = arith.constant 0 : i32
        %dma_start3A_189 = tpu.memref_slice %arg10[%dma_start3A_187, %dma_start3A_188] : memref<10112x144xf32, #tpu.memory_space<vmem_shared>> -> memref<10112x144xf32, #tpu.memory_space<vmem_shared>>
        tpu.enqueue_indirect_dma source(%dma_start3A_183 : memref<128x144xf32, #tpu.memory_space<vmem>>) target(%dma_start3A_189 : memref<10112x144xf32, #tpu.memory_space<vmem_shared>>) offsets(%dma_start3A_186 : memref<128xi32, #tpu.memory_space<vmem>>) semaphore(%arg14 : memref<!tpu.dma_semaphore, #tpu.memory_space<semaphore_mem>>) {add = true}
        %dma_wait3A_190 = arith.constant 1 : i32
        %dma_wait3A_191 = arith.constant 1 : i32
        %dma_wait3A_192 = arith.constant 0 : i32
        %dma_wait3A_193 = arith.constant 0 : i32
        %dma_wait3A_194 = tpu.memref_slice %arg9[%dma_wait3A_191, %dma_wait3A_192, %dma_wait3A_193] : memref<2x128x144xf32, #tpu.memory_space<vmem>> -> memref<1x128x144xf32, #tpu.memory_space<vmem>>
        %dma_wait3A_195 = tpu.memref_squeeze %dma_wait3A_194 : memref<1x128x144xf32, #tpu.memory_space<vmem>> -> memref<128x144xf32, #tpu.memory_space<vmem>>
        %dma_wait3A_196 = arith.constant 0 : i32
        %dma_wait3A_197 = tpu.memref_slice %arg7[%dma_wait3A_190, %dma_wait3A_196] : memref<2x128xi32, #tpu.memory_space<vmem>> -> memref<1x128xi32, #tpu.memory_space<vmem>>
        %dma_wait3A_198 = tpu.memref_squeeze %dma_wait3A_197 : memref<1x128xi32, #tpu.memory_space<vmem>> -> memref<128xi32, #tpu.memory_space<vmem>>
        %dma_wait3A_199 = arith.constant 0 : i32
        %dma_wait3A_200 = arith.constant 0 : i32
        %dma_wait3A_201 = tpu.memref_slice %arg2[%dma_wait3A_199, %dma_wait3A_200] : memref<10000x144xf32, #tpu.memory_space<hbm>> -> memref<10000x144xf32, #tpu.memory_space<hbm>>
        tpu.wait_indirect_dma semaphore(%arg13 : memref<!tpu.dma_semaphore, #tpu.memory_space<semaphore_mem>>) src(%dma_wait3A_201 : memref<10000x144xf32, #tpu.memory_space<hbm>>) dst(%dma_wait3A_195 : memref<128x144xf32, #tpu.memory_space<vmem>>)
        %dma_start3A_202 = arith.constant 1 : i32
        %dma_start3A_203 = arith.constant 1 : i32
        %dma_start3A_204 = arith.constant 0 : i32
        %dma_start3A_205 = arith.constant 0 : i32
        %dma_start3A_206 = tpu.memref_slice %arg9[%dma_start3A_202, %dma_start3A_204, %dma_start3A_205] : memref<2x128x144xf32, #tpu.memory_space<vmem>> -> memref<1x128x144xf32, #tpu.memory_space<vmem>>
        %dma_start3A_207 = tpu.memref_squeeze %dma_start3A_206 : memref<1x128x144xf32, #tpu.memory_space<vmem>> -> memref<128x144xf32, #tpu.memory_space<vmem>>
        %dma_start3A_208 = arith.constant 0 : i32
        %dma_start3A_209 = tpu.memref_slice %arg8[%dma_start3A_203, %dma_start3A_208] : memref<2x128xi32, #tpu.memory_space<vmem>> -> memref<1x128xi32, #tpu.memory_space<vmem>>
        %dma_start3A_210 = tpu.memref_squeeze %dma_start3A_209 : memref<1x128xi32, #tpu.memory_space<vmem>> -> memref<128xi32, #tpu.memory_space<vmem>>
        %dma_start3A_211 = arith.constant 0 : i32
        %dma_start3A_212 = arith.constant 0 : i32
        %dma_start3A_213 = tpu.memref_slice %arg10[%dma_start3A_211, %dma_start3A_212] : memref<10112x144xf32, #tpu.memory_space<vmem_shared>> -> memref<10112x144xf32, #tpu.memory_space<vmem_shared>>
        tpu.enqueue_indirect_dma source(%dma_start3A_207 : memref<128x144xf32, #tpu.memory_space<vmem>>) target(%dma_start3A_213 : memref<10112x144xf32, #tpu.memory_space<vmem_shared>>) offsets(%dma_start3A_210 : memref<128xi32, #tpu.memory_space<vmem>>) semaphore(%arg14 : memref<!tpu.dma_semaphore, #tpu.memory_space<semaphore_mem>>) {add = true}
        %dma_wait3A_214 = arith.constant 0 : i32
        %dma_wait3A_215 = arith.constant 0 : i32
        %dma_wait3A_216 = arith.constant 0 : i32
        %dma_wait3A_217 = arith.constant 0 : i32
        %dma_wait3A_218 = tpu.memref_slice %arg9[%dma_wait3A_214, %dma_wait3A_216, %dma_wait3A_217] : memref<2x128x144xf32, #tpu.memory_space<vmem>> -> memref<1x128x144xf32, #tpu.memory_space<vmem>>
        %dma_wait3A_219 = tpu.memref_squeeze %dma_wait3A_218 : memref<1x128x144xf32, #tpu.memory_space<vmem>> -> memref<128x144xf32, #tpu.memory_space<vmem>>
        %dma_wait3A_220 = arith.constant 0 : i32
        %dma_wait3A_221 = tpu.memref_slice %arg8[%dma_wait3A_215, %dma_wait3A_220] : memref<2x128xi32, #tpu.memory_space<vmem>> -> memref<1x128xi32, #tpu.memory_space<vmem>>
        %dma_wait3A_222 = tpu.memref_squeeze %dma_wait3A_221 : memref<1x128xi32, #tpu.memory_space<vmem>> -> memref<128xi32, #tpu.memory_space<vmem>>
        %dma_wait3A_223 = arith.constant 0 : i32
        %dma_wait3A_224 = arith.constant 0 : i32
        %dma_wait3A_225 = tpu.memref_slice %arg10[%dma_wait3A_223, %dma_wait3A_224] : memref<10112x144xf32, #tpu.memory_space<vmem_shared>> -> memref<10112x144xf32, #tpu.memory_space<vmem_shared>>
        tpu.wait_indirect_dma semaphore(%arg14 : memref<!tpu.dma_semaphore, #tpu.memory_space<semaphore_mem>>) src(%dma_wait3A_219 : memref<128x144xf32, #tpu.memory_space<vmem>>) dst(%dma_wait3A_225 : memref<10112x144xf32, #tpu.memory_space<vmem_shared>>)
        %dma_wait3A_226 = arith.constant 1 : i32
        %dma_wait3A_227 = arith.constant 1 : i32
        %dma_wait3A_228 = arith.constant 0 : i32
        %dma_wait3A_229 = arith.constant 0 : i32
        %dma_wait3A_230 = tpu.memref_slice %arg9[%dma_wait3A_226, %dma_wait3A_228, %dma_wait3A_229] : memref<2x128x144xf32, #tpu.memory_space<vmem>> -> memref<1x128x144xf32, #tpu.memory_space<vmem>>
        %dma_wait3A_231 = tpu.memref_squeeze %dma_wait3A_230 : memref<1x128x144xf32, #tpu.memory_space<vmem>> -> memref<128x144xf32, #tpu.memory_space<vmem>>
        %dma_wait3A_232 = arith.constant 0 : i32
        %dma_wait3A_233 = tpu.memref_slice %arg8[%dma_wait3A_227, %dma_wait3A_232] : memref<2x128xi32, #tpu.memory_space<vmem>> -> memref<1x128xi32, #tpu.memory_space<vmem>>
        %dma_wait3A_234 = tpu.memref_squeeze %dma_wait3A_233 : memref<1x128xi32, #tpu.memory_space<vmem>> -> memref<128xi32, #tpu.memory_space<vmem>>
        %dma_wait3A_235 = arith.constant 0 : i32
        %dma_wait3A_236 = arith.constant 0 : i32
        %dma_wait3A_237 = tpu.memref_slice %arg10[%dma_wait3A_235, %dma_wait3A_236] : memref<10112x144xf32, #tpu.memory_space<vmem_shared>> -> memref<10112x144xf32, #tpu.memory_space<vmem_shared>>
        tpu.wait_indirect_dma semaphore(%arg14 : memref<!tpu.dma_semaphore, #tpu.memory_space<semaphore_mem>>) src(%dma_wait3A_231 : memref<128x144xf32, #tpu.memory_space<vmem>>) dst(%dma_wait3A_237 : memref<10112x144xf32, #tpu.memory_space<vmem_shared>>)
      }
      %scan3A_23 = arith.constant 59 : i32
    } else {
    }
    %eq3A_3 = arith.constant 1 : i32
    %eq3A_4 = arith.cmpi eq, %arg0, %eq3A_3 : i32
    %convert_element_type3A_5 = arith.extui %eq3A_4 : i1 to i32
    %cond3A_6 = arith.constant 0 : i32
    %cond3A_7 = arith.cmpi ne, %convert_element_type3A_5, %cond3A_6 : i32
    scf.if %cond3A_7 {
      %mul3A_18 = arith.constant 40 : i32
      %mul3A_19 = arith.muli %arg1, %mul3A_18 : i32
      %add3A = arith.constant 1888 : i32
      %add3A_20 = arith.addi %add3A, %mul3A_19 : i32
      %scan3A = arith.constant 0 : i32
      %scan3A_21 = arith.constant 20 : i32
      %scan3A_22 = arith.addi %scan3A, %scan3A_21 : i32
      %scan3A_23 = arith.constant 1 : i32
      scf.for %scan3A_25 = %scan3A to %scan3A_22 step %scan3A_23  : i32 {
        %mul3A_26 = arith.constant 2 : i32
        %mul3A_27 = arith.muli %scan3A_25, %mul3A_26 : i32
        %add3A_28 = arith.constant 0 : i32
        %add3A_29 = arith.addi %add3A_28, %mul3A_27 : i32
        %add3A_30 = arith.addi %add3A_20, %add3A_29 : i32
        %add3A_31 = arith.constant 0 : i32
        %add3A_32 = arith.addi %add3A_30, %add3A_31 : i32
        %dma_start3A = arith.constant 0 : i32
        %dma_start3A_33 = arith.constant 0 : i32
        %dma_start3A_34 = tpu.memref_slice %arg7[%dma_start3A, %dma_start3A_33] : memref<2x128xi32, #tpu.memory_space<vmem>> -> memref<1x128xi32, #tpu.memory_space<vmem>>
        %dma_start3A_35 = tpu.memref_squeeze %dma_start3A_34 : memref<1x128xi32, #tpu.memory_space<vmem>> -> memref<128xi32, #tpu.memory_space<vmem>>
        %dma_start3A_36 = arith.constant 0 : i32
        %dma_start3A_37 = tpu.memref_slice %arg3[%add3A_32, %dma_start3A_36] : memref<2528x128xi32, #tpu.memory_space<hbm>> -> memref<1x128xi32, #tpu.memory_space<hbm>>
        %dma_start3A_38 = tpu.memref_squeeze %dma_start3A_37 : memref<1x128xi32, #tpu.memory_space<hbm>> -> memref<128xi32, #tpu.memory_space<hbm>>
        %dma_start3A_39 = arith.constant 0 : i32
        %dma_start3A_40 = tpu.memref_slice %arg7[%dma_start3A, %dma_start3A_39] : memref<2x128xi32, #tpu.memory_space<vmem>> -> memref<1x128xi32, #tpu.memory_space<vmem>>
        %dma_start3A_41 = tpu.memref_squeeze %dma_start3A_40 : memref<1x128xi32, #tpu.memory_space<vmem>> -> memref<128xi32, #tpu.memory_space<vmem>>
        %dma_start3A_42 = arith.constant 0 : i32
        %dma_start3A_43 = tpu.memref_slice %arg3[%add3A_32, %dma_start3A_42] : memref<2528x128xi32, #tpu.memory_space<hbm>> -> memref<1x128xi32, #tpu.memory_space<hbm>>
        %dma_start3A_44 = tpu.memref_squeeze %dma_start3A_43 : memref<1x128xi32, #tpu.memory_space<hbm>> -> memref<128xi32, #tpu.memory_space<hbm>>
        tpu.enqueue_dma source(%dma_start3A_44 : memref<128xi32, #tpu.memory_space<hbm>>) target(%dma_start3A_41 : memref<128xi32, #tpu.memory_space<vmem>>) target_semaphore(%arg11 : memref<!tpu.dma_semaphore, #tpu.memory_space<semaphore_mem>>)
        %add3A_45 = arith.addi %add3A_20, %add3A_29 : i32
        %add3A_46 = arith.constant 0 : i32
        %add3A_47 = arith.addi %add3A_45, %add3A_46 : i32
        %dma_start3A_48 = arith.constant 0 : i32
        %dma_start3A_49 = arith.constant 0 : i32
        %dma_start3A_50 = tpu.memref_slice %arg8[%dma_start3A_48, %dma_start3A_49] : memref<2x128xi32, #tpu.memory_space<vmem>> -> memref<1x128xi32, #tpu.memory_space<vmem>>
        %dma_start3A_51 = tpu.memref_squeeze %dma_start3A_50 : memref<1x128xi32, #tpu.memory_space<vmem>> -> memref<128xi32, #tpu.memory_space<vmem>>
        %dma_start3A_52 = arith.constant 0 : i32
        %dma_start3A_53 = tpu.memref_slice %arg4[%add3A_47, %dma_start3A_52] : memref<2528x128xi32, #tpu.memory_space<hbm>> -> memref<1x128xi32, #tpu.memory_space<hbm>>
        %dma_start3A_54 = tpu.memref_squeeze %dma_start3A_53 : memref<1x128xi32, #tpu.memory_space<hbm>> -> memref<128xi32, #tpu.memory_space<hbm>>
        %dma_start3A_55 = arith.constant 0 : i32
        %dma_start3A_56 = tpu.memref_slice %arg8[%dma_start3A_48, %dma_start3A_55] : memref<2x128xi32, #tpu.memory_space<vmem>> -> memref<1x128xi32, #tpu.memory_space<vmem>>
        %dma_start3A_57 = tpu.memref_squeeze %dma_start3A_56 : memref<1x128xi32, #tpu.memory_space<vmem>> -> memref<128xi32, #tpu.memory_space<vmem>>
        %dma_start3A_58 = arith.constant 0 : i32
        %dma_start3A_59 = tpu.memref_slice %arg4[%add3A_47, %dma_start3A_58] : memref<2528x128xi32, #tpu.memory_space<hbm>> -> memref<1x128xi32, #tpu.memory_space<hbm>>
        %dma_start3A_60 = tpu.memref_squeeze %dma_start3A_59 : memref<1x128xi32, #tpu.memory_space<hbm>> -> memref<128xi32, #tpu.memory_space<hbm>>
        tpu.enqueue_dma source(%dma_start3A_60 : memref<128xi32, #tpu.memory_space<hbm>>) target(%dma_start3A_57 : memref<128xi32, #tpu.memory_space<vmem>>) target_semaphore(%arg11 : memref<!tpu.dma_semaphore, #tpu.memory_space<semaphore_mem>>)
        %add3A_61 = arith.addi %add3A_20, %add3A_29 : i32
        %add3A_62 = arith.constant 1 : i32
        %add3A_63 = arith.addi %add3A_61, %add3A_62 : i32
        %dma_start3A_64 = arith.constant 1 : i32
        %dma_start3A_65 = arith.constant 0 : i32
        %dma_start3A_66 = tpu.memref_slice %arg7[%dma_start3A_64, %dma_start3A_65] : memref<2x128xi32, #tpu.memory_space<vmem>> -> memref<1x128xi32, #tpu.memory_space<vmem>>
        %dma_start3A_67 = tpu.memref_squeeze %dma_start3A_66 : memref<1x128xi32, #tpu.memory_space<vmem>> -> memref<128xi32, #tpu.memory_space<vmem>>
        %dma_start3A_68 = arith.constant 0 : i32
        %dma_start3A_69 = tpu.memref_slice %arg3[%add3A_63, %dma_start3A_68] : memref<2528x128xi32, #tpu.memory_space<hbm>> -> memref<1x128xi32, #tpu.memory_space<hbm>>
        %dma_start3A_70 = tpu.memref_squeeze %dma_start3A_69 : memref<1x128xi32, #tpu.memory_space<hbm>> -> memref<128xi32, #tpu.memory_space<hbm>>
        %dma_start3A_71 = arith.constant 0 : i32
        %dma_start3A_72 = tpu.memref_slice %arg7[%dma_start3A_64, %dma_start3A_71] : memref<2x128xi32, #tpu.memory_space<vmem>> -> memref<1x128xi32, #tpu.memory_space<vmem>>
        %dma_start3A_73 = tpu.memref_squeeze %dma_start3A_72 : memref<1x128xi32, #tpu.memory_space<vmem>> -> memref<128xi32, #tpu.memory_space<vmem>>
        %dma_start3A_74 = arith.constant 0 : i32
        %dma_start3A_75 = tpu.memref_slice %arg3[%add3A_63, %dma_start3A_74] : memref<2528x128xi32, #tpu.memory_space<hbm>> -> memref<1x128xi32, #tpu.memory_space<hbm>>
        %dma_start3A_76 = tpu.memref_squeeze %dma_start3A_75 : memref<1x128xi32, #tpu.memory_space<hbm>> -> memref<128xi32, #tpu.memory_space<hbm>>
        tpu.enqueue_dma source(%dma_start3A_76 : memref<128xi32, #tpu.memory_space<hbm>>) target(%dma_start3A_73 : memref<128xi32, #tpu.memory_space<vmem>>) target_semaphore(%arg11 : memref<!tpu.dma_semaphore, #tpu.memory_space<semaphore_mem>>)
        %add3A_77 = arith.addi %add3A_20, %add3A_29 : i32
        %add3A_78 = arith.constant 1 : i32
        %add3A_79 = arith.addi %add3A_77, %add3A_78 : i32
        %dma_start3A_80 = arith.constant 1 : i32
        %dma_start3A_81 = arith.constant 0 : i32
        %dma_start3A_82 = tpu.memref_slice %arg8[%dma_start3A_80, %dma_start3A_81] : memref<2x128xi32, #tpu.memory_space<vmem>> -> memref<1x128xi32, #tpu.memory_space<vmem>>
        %dma_start3A_83 = tpu.memref_squeeze %dma_start3A_82 : memref<1x128xi32, #tpu.memory_space<vmem>> -> memref<128xi32, #tpu.memory_space<vmem>>
        %dma_start3A_84 = arith.constant 0 : i32
        %dma_start3A_85 = tpu.memref_slice %arg4[%add3A_79, %dma_start3A_84] : memref<2528x128xi32, #tpu.memory_space<hbm>> -> memref<1x128xi32, #tpu.memory_space<hbm>>
        %dma_start3A_86 = tpu.memref_squeeze %dma_start3A_85 : memref<1x128xi32, #tpu.memory_space<hbm>> -> memref<128xi32, #tpu.memory_space<hbm>>
        %dma_start3A_87 = arith.constant 0 : i32
        %dma_start3A_88 = tpu.memref_slice %arg8[%dma_start3A_80, %dma_start3A_87] : memref<2x128xi32, #tpu.memory_space<vmem>> -> memref<1x128xi32, #tpu.memory_space<vmem>>
        %dma_start3A_89 = tpu.memref_squeeze %dma_start3A_88 : memref<1x128xi32, #tpu.memory_space<vmem>> -> memref<128xi32, #tpu.memory_space<vmem>>
        %dma_start3A_90 = arith.constant 0 : i32
        %dma_start3A_91 = tpu.memref_slice %arg4[%add3A_79, %dma_start3A_90] : memref<2528x128xi32, #tpu.memory_space<hbm>> -> memref<1x128xi32, #tpu.memory_space<hbm>>
        %dma_start3A_92 = tpu.memref_squeeze %dma_start3A_91 : memref<1x128xi32, #tpu.memory_space<hbm>> -> memref<128xi32, #tpu.memory_space<hbm>>
        tpu.enqueue_dma source(%dma_start3A_92 : memref<128xi32, #tpu.memory_space<hbm>>) target(%dma_start3A_89 : memref<128xi32, #tpu.memory_space<vmem>>) target_semaphore(%arg11 : memref<!tpu.dma_semaphore, #tpu.memory_space<semaphore_mem>>)
        %dma_wait3A = arith.constant 0 : i32
        %dma_wait3A_93 = arith.constant 0 : i32
        %dma_wait3A_94 = tpu.memref_slice %arg7[%dma_wait3A, %dma_wait3A_93] : memref<2x128xi32, #tpu.memory_space<vmem>> -> memref<1x128xi32, #tpu.memory_space<vmem>>
        %dma_wait3A_95 = tpu.memref_squeeze %dma_wait3A_94 : memref<1x128xi32, #tpu.memory_space<vmem>> -> memref<128xi32, #tpu.memory_space<vmem>>
        %dma_wait3A_96 = arith.constant 0 : i32
        %dma_wait3A_97 = tpu.memref_slice %arg3[%add3A_32, %dma_wait3A_96] : memref<2528x128xi32, #tpu.memory_space<hbm>> -> memref<1x128xi32, #tpu.memory_space<hbm>>
        %dma_wait3A_98 = tpu.memref_squeeze %dma_wait3A_97 : memref<1x128xi32, #tpu.memory_space<hbm>> -> memref<128xi32, #tpu.memory_space<hbm>>
        %dma_wait3A_99 = arith.constant 0 : i32
        %dma_wait3A_100 = tpu.memref_slice %arg7[%dma_wait3A, %dma_wait3A_99] : memref<2x128xi32, #tpu.memory_space<vmem>> -> memref<1x128xi32, #tpu.memory_space<vmem>>
        %dma_wait3A_101 = tpu.memref_squeeze %dma_wait3A_100 : memref<1x128xi32, #tpu.memory_space<vmem>> -> memref<128xi32, #tpu.memory_space<vmem>>
        %dma_wait3A_102 = arith.constant 0 : i32
        %dma_wait3A_103 = tpu.memref_slice %arg3[%add3A_32, %dma_wait3A_102] : memref<2528x128xi32, #tpu.memory_space<hbm>> -> memref<1x128xi32, #tpu.memory_space<hbm>>
        %dma_wait3A_104 = tpu.memref_squeeze %dma_wait3A_103 : memref<1x128xi32, #tpu.memory_space<hbm>> -> memref<128xi32, #tpu.memory_space<hbm>>
        tpu.wait_dma2 semaphore(%arg11 : memref<!tpu.dma_semaphore, #tpu.memory_space<semaphore_mem>>) src(%dma_wait3A_104 : memref<128xi32, #tpu.memory_space<hbm>>) dst(%dma_wait3A_101 : memref<128xi32, #tpu.memory_space<vmem>>)
        %dma_wait3A_105 = arith.constant 0 : i32
        %dma_wait3A_106 = arith.constant 0 : i32
        %dma_wait3A_107 = tpu.memref_slice %arg8[%dma_wait3A_105, %dma_wait3A_106] : memref<2x128xi32, #tpu.memory_space<vmem>> -> memref<1x128xi32, #tpu.memory_space<vmem>>
        %dma_wait3A_108 = tpu.memref_squeeze %dma_wait3A_107 : memref<1x128xi32, #tpu.memory_space<vmem>> -> memref<128xi32, #tpu.memory_space<vmem>>
        %dma_wait3A_109 = arith.constant 0 : i32
        %dma_wait3A_110 = tpu.memref_slice %arg4[%add3A_47, %dma_wait3A_109] : memref<2528x128xi32, #tpu.memory_space<hbm>> -> memref<1x128xi32, #tpu.memory_space<hbm>>
        %dma_wait3A_111 = tpu.memref_squeeze %dma_wait3A_110 : memref<1x128xi32, #tpu.memory_space<hbm>> -> memref<128xi32, #tpu.memory_space<hbm>>
        %dma_wait3A_112 = arith.constant 0 : i32
        %dma_wait3A_113 = tpu.memref_slice %arg8[%dma_wait3A_105, %dma_wait3A_112] : memref<2x128xi32, #tpu.memory_space<vmem>> -> memref<1x128xi32, #tpu.memory_space<vmem>>
        %dma_wait3A_114 = tpu.memref_squeeze %dma_wait3A_113 : memref<1x128xi32, #tpu.memory_space<vmem>> -> memref<128xi32, #tpu.memory_space<vmem>>
        %dma_wait3A_115 = arith.constant 0 : i32
        %dma_wait3A_116 = tpu.memref_slice %arg4[%add3A_47, %dma_wait3A_115] : memref<2528x128xi32, #tpu.memory_space<hbm>> -> memref<1x128xi32, #tpu.memory_space<hbm>>
        %dma_wait3A_117 = tpu.memref_squeeze %dma_wait3A_116 : memref<1x128xi32, #tpu.memory_space<hbm>> -> memref<128xi32, #tpu.memory_space<hbm>>
        tpu.wait_dma2 semaphore(%arg11 : memref<!tpu.dma_semaphore, #tpu.memory_space<semaphore_mem>>) src(%dma_wait3A_117 : memref<128xi32, #tpu.memory_space<hbm>>) dst(%dma_wait3A_114 : memref<128xi32, #tpu.memory_space<vmem>>)
        %dma_wait3A_118 = arith.constant 1 : i32
        %dma_wait3A_119 = arith.constant 0 : i32
        %dma_wait3A_120 = tpu.memref_slice %arg7[%dma_wait3A_118, %dma_wait3A_119] : memref<2x128xi32, #tpu.memory_space<vmem>> -> memref<1x128xi32, #tpu.memory_space<vmem>>
        %dma_wait3A_121 = tpu.memref_squeeze %dma_wait3A_120 : memref<1x128xi32, #tpu.memory_space<vmem>> -> memref<128xi32, #tpu.memory_space<vmem>>
        %dma_wait3A_122 = arith.constant 0 : i32
        %dma_wait3A_123 = tpu.memref_slice %arg3[%add3A_63, %dma_wait3A_122] : memref<2528x128xi32, #tpu.memory_space<hbm>> -> memref<1x128xi32, #tpu.memory_space<hbm>>
        %dma_wait3A_124 = tpu.memref_squeeze %dma_wait3A_123 : memref<1x128xi32, #tpu.memory_space<hbm>> -> memref<128xi32, #tpu.memory_space<hbm>>
        %dma_wait3A_125 = arith.constant 0 : i32
        %dma_wait3A_126 = tpu.memref_slice %arg7[%dma_wait3A_118, %dma_wait3A_125] : memref<2x128xi32, #tpu.memory_space<vmem>> -> memref<1x128xi32, #tpu.memory_space<vmem>>
        %dma_wait3A_127 = tpu.memref_squeeze %dma_wait3A_126 : memref<1x128xi32, #tpu.memory_space<vmem>> -> memref<128xi32, #tpu.memory_space<vmem>>
        %dma_wait3A_128 = arith.constant 0 : i32
        %dma_wait3A_129 = tpu.memref_slice %arg3[%add3A_63, %dma_wait3A_128] : memref<2528x128xi32, #tpu.memory_space<hbm>> -> memref<1x128xi32, #tpu.memory_space<hbm>>
        %dma_wait3A_130 = tpu.memref_squeeze %dma_wait3A_129 : memref<1x128xi32, #tpu.memory_space<hbm>> -> memref<128xi32, #tpu.memory_space<hbm>>
        tpu.wait_dma2 semaphore(%arg11 : memref<!tpu.dma_semaphore, #tpu.memory_space<semaphore_mem>>) src(%dma_wait3A_130 : memref<128xi32, #tpu.memory_space<hbm>>) dst(%dma_wait3A_127 : memref<128xi32, #tpu.memory_space<vmem>>)
        %dma_wait3A_131 = arith.constant 1 : i32
        %dma_wait3A_132 = arith.constant 0 : i32
        %dma_wait3A_133 = tpu.memref_slice %arg8[%dma_wait3A_131, %dma_wait3A_132] : memref<2x128xi32, #tpu.memory_space<vmem>> -> memref<1x128xi32, #tpu.memory_space<vmem>>
        %dma_wait3A_134 = tpu.memref_squeeze %dma_wait3A_133 : memref<1x128xi32, #tpu.memory_space<vmem>> -> memref<128xi32, #tpu.memory_space<vmem>>
        %dma_wait3A_135 = arith.constant 0 : i32
        %dma_wait3A_136 = tpu.memref_slice %arg4[%add3A_79, %dma_wait3A_135] : memref<2528x128xi32, #tpu.memory_space<hbm>> -> memref<1x128xi32, #tpu.memory_space<hbm>>
        %dma_wait3A_137 = tpu.memref_squeeze %dma_wait3A_136 : memref<1x128xi32, #tpu.memory_space<hbm>> -> memref<128xi32, #tpu.memory_space<hbm>>
        %dma_wait3A_138 = arith.constant 0 : i32
        %dma_wait3A_139 = tpu.memref_slice %arg8[%dma_wait3A_131, %dma_wait3A_138] : memref<2x128xi32, #tpu.memory_space<vmem>> -> memref<1x128xi32, #tpu.memory_space<vmem>>
        %dma_wait3A_140 = tpu.memref_squeeze %dma_wait3A_139 : memref<1x128xi32, #tpu.memory_space<vmem>> -> memref<128xi32, #tpu.memory_space<vmem>>
        %dma_wait3A_141 = arith.constant 0 : i32
        %dma_wait3A_142 = tpu.memref_slice %arg4[%add3A_79, %dma_wait3A_141] : memref<2528x128xi32, #tpu.memory_space<hbm>> -> memref<1x128xi32, #tpu.memory_space<hbm>>
        %dma_wait3A_143 = tpu.memref_squeeze %dma_wait3A_142 : memref<1x128xi32, #tpu.memory_space<hbm>> -> memref<128xi32, #tpu.memory_space<hbm>>
        tpu.wait_dma2 semaphore(%arg11 : memref<!tpu.dma_semaphore, #tpu.memory_space<semaphore_mem>>) src(%dma_wait3A_143 : memref<128xi32, #tpu.memory_space<hbm>>) dst(%dma_wait3A_140 : memref<128xi32, #tpu.memory_space<vmem>>)
        %dma_start3A_144 = arith.constant 0 : i32
        %dma_start3A_145 = arith.constant 0 : i32
        %dma_start3A_146 = arith.constant 0 : i32
        %dma_start3A_147 = arith.constant 0 : i32
        %dma_start3A_148 = tpu.memref_slice %arg9[%dma_start3A_145, %dma_start3A_146, %dma_start3A_147] : memref<2x128x144xf32, #tpu.memory_space<vmem>> -> memref<1x128x144xf32, #tpu.memory_space<vmem>>
        %dma_start3A_149 = tpu.memref_squeeze %dma_start3A_148 : memref<1x128x144xf32, #tpu.memory_space<vmem>> -> memref<128x144xf32, #tpu.memory_space<vmem>>
        %dma_start3A_150 = arith.constant 0 : i32
        %dma_start3A_151 = tpu.memref_slice %arg7[%dma_start3A_144, %dma_start3A_150] : memref<2x128xi32, #tpu.memory_space<vmem>> -> memref<1x128xi32, #tpu.memory_space<vmem>>
        %dma_start3A_152 = tpu.memref_squeeze %dma_start3A_151 : memref<1x128xi32, #tpu.memory_space<vmem>> -> memref<128xi32, #tpu.memory_space<vmem>>
        %dma_start3A_153 = arith.constant 0 : i32
        %dma_start3A_154 = arith.constant 0 : i32
        %dma_start3A_155 = tpu.memref_slice %arg2[%dma_start3A_153, %dma_start3A_154] : memref<10000x144xf32, #tpu.memory_space<hbm>> -> memref<10000x144xf32, #tpu.memory_space<hbm>>
        tpu.enqueue_indirect_dma source(%dma_start3A_155 : memref<10000x144xf32, #tpu.memory_space<hbm>>) target(%dma_start3A_149 : memref<128x144xf32, #tpu.memory_space<vmem>>) offsets(%dma_start3A_152 : memref<128xi32, #tpu.memory_space<vmem>>) semaphore(%arg12 : memref<!tpu.dma_semaphore, #tpu.memory_space<semaphore_mem>>)
        %dma_start3A_156 = arith.constant 1 : i32
        %dma_start3A_157 = arith.constant 1 : i32
        %dma_start3A_158 = arith.constant 0 : i32
        %dma_start3A_159 = arith.constant 0 : i32
        %dma_start3A_160 = tpu.memref_slice %arg9[%dma_start3A_157, %dma_start3A_158, %dma_start3A_159] : memref<2x128x144xf32, #tpu.memory_space<vmem>> -> memref<1x128x144xf32, #tpu.memory_space<vmem>>
        %dma_start3A_161 = tpu.memref_squeeze %dma_start3A_160 : memref<1x128x144xf32, #tpu.memory_space<vmem>> -> memref<128x144xf32, #tpu.memory_space<vmem>>
        %dma_start3A_162 = arith.constant 0 : i32
        %dma_start3A_163 = tpu.memref_slice %arg7[%dma_start3A_156, %dma_start3A_162] : memref<2x128xi32, #tpu.memory_space<vmem>> -> memref<1x128xi32, #tpu.memory_space<vmem>>
        %dma_start3A_164 = tpu.memref_squeeze %dma_start3A_163 : memref<1x128xi32, #tpu.memory_space<vmem>> -> memref<128xi32, #tpu.memory_space<vmem>>
        %dma_start3A_165 = arith.constant 0 : i32
        %dma_start3A_166 = arith.constant 0 : i32
        %dma_start3A_167 = tpu.memref_slice %arg2[%dma_start3A_165, %dma_start3A_166] : memref<10000x144xf32, #tpu.memory_space<hbm>> -> memref<10000x144xf32, #tpu.memory_space<hbm>>
        tpu.enqueue_indirect_dma source(%dma_start3A_167 : memref<10000x144xf32, #tpu.memory_space<hbm>>) target(%dma_start3A_161 : memref<128x144xf32, #tpu.memory_space<vmem>>) offsets(%dma_start3A_164 : memref<128xi32, #tpu.memory_space<vmem>>) semaphore(%arg13 : memref<!tpu.dma_semaphore, #tpu.memory_space<semaphore_mem>>)
        %dma_wait3A_168 = arith.constant 0 : i32
        %dma_wait3A_169 = arith.constant 0 : i32
        %dma_wait3A_170 = arith.constant 0 : i32
        %dma_wait3A_171 = arith.constant 0 : i32
        %dma_wait3A_172 = tpu.memref_slice %arg9[%dma_wait3A_169, %dma_wait3A_170, %dma_wait3A_171] : memref<2x128x144xf32, #tpu.memory_space<vmem>> -> memref<1x128x144xf32, #tpu.memory_space<vmem>>
        %dma_wait3A_173 = tpu.memref_squeeze %dma_wait3A_172 : memref<1x128x144xf32, #tpu.memory_space<vmem>> -> memref<128x144xf32, #tpu.memory_space<vmem>>
        %dma_wait3A_174 = arith.constant 0 : i32
        %dma_wait3A_175 = tpu.memref_slice %arg7[%dma_wait3A_168, %dma_wait3A_174] : memref<2x128xi32, #tpu.memory_space<vmem>> -> memref<1x128xi32, #tpu.memory_space<vmem>>
        %dma_wait3A_176 = tpu.memref_squeeze %dma_wait3A_175 : memref<1x128xi32, #tpu.memory_space<vmem>> -> memref<128xi32, #tpu.memory_space<vmem>>
        %dma_wait3A_177 = arith.constant 0 : i32
        %dma_wait3A_178 = arith.constant 0 : i32
        %dma_wait3A_179 = tpu.memref_slice %arg2[%dma_wait3A_177, %dma_wait3A_178] : memref<10000x144xf32, #tpu.memory_space<hbm>> -> memref<10000x144xf32, #tpu.memory_space<hbm>>
        tpu.wait_indirect_dma semaphore(%arg12 : memref<!tpu.dma_semaphore, #tpu.memory_space<semaphore_mem>>) src(%dma_wait3A_179 : memref<10000x144xf32, #tpu.memory_space<hbm>>) dst(%dma_wait3A_173 : memref<128x144xf32, #tpu.memory_space<vmem>>)
        %dma_start3A_180 = arith.constant 0 : i32
        %dma_start3A_181 = arith.constant 0 : i32
        %dma_start3A_182 = arith.constant 0 : i32
        %dma_start3A_183 = arith.constant 0 : i32
        %dma_start3A_184 = tpu.memref_slice %arg9[%dma_start3A_180, %dma_start3A_182, %dma_start3A_183] : memref<2x128x144xf32, #tpu.memory_space<vmem>> -> memref<1x128x144xf32, #tpu.memory_space<vmem>>
        %dma_start3A_185 = tpu.memref_squeeze %dma_start3A_184 : memref<1x128x144xf32, #tpu.memory_space<vmem>> -> memref<128x144xf32, #tpu.memory_space<vmem>>
        %dma_start3A_186 = arith.constant 0 : i32
        %dma_start3A_187 = tpu.memref_slice %arg8[%dma_start3A_181, %dma_start3A_186] : memref<2x128xi32, #tpu.memory_space<vmem>> -> memref<1x128xi32, #tpu.memory_space<vmem>>
        %dma_start3A_188 = tpu.memref_squeeze %dma_start3A_187 : memref<1x128xi32, #tpu.memory_space<vmem>> -> memref<128xi32, #tpu.memory_space<vmem>>
        %dma_start3A_189 = arith.constant 0 : i32
        %dma_start3A_190 = arith.constant 0 : i32
        %dma_start3A_191 = tpu.memref_slice %arg10[%dma_start3A_189, %dma_start3A_190] : memref<10112x144xf32, #tpu.memory_space<vmem_shared>> -> memref<10112x144xf32, #tpu.memory_space<vmem_shared>>
        tpu.enqueue_indirect_dma source(%dma_start3A_185 : memref<128x144xf32, #tpu.memory_space<vmem>>) target(%dma_start3A_191 : memref<10112x144xf32, #tpu.memory_space<vmem_shared>>) offsets(%dma_start3A_188 : memref<128xi32, #tpu.memory_space<vmem>>) semaphore(%arg14 : memref<!tpu.dma_semaphore, #tpu.memory_space<semaphore_mem>>) {add = true}
        %dma_wait3A_192 = arith.constant 1 : i32
        %dma_wait3A_193 = arith.constant 1 : i32
        %dma_wait3A_194 = arith.constant 0 : i32
        %dma_wait3A_195 = arith.constant 0 : i32
        %dma_wait3A_196 = tpu.memref_slice %arg9[%dma_wait3A_193, %dma_wait3A_194, %dma_wait3A_195] : memref<2x128x144xf32, #tpu.memory_space<vmem>> -> memref<1x128x144xf32, #tpu.memory_space<vmem>>
        %dma_wait3A_197 = tpu.memref_squeeze %dma_wait3A_196 : memref<1x128x144xf32, #tpu.memory_space<vmem>> -> memref<128x144xf32, #tpu.memory_space<vmem>>
        %dma_wait3A_198 = arith.constant 0 : i32
        %dma_wait3A_199 = tpu.memref_slice %arg7[%dma_wait3A_192, %dma_wait3A_198] : memref<2x128xi32, #tpu.memory_space<vmem>> -> memref<1x128xi32, #tpu.memory_space<vmem>>
        %dma_wait3A_200 = tpu.memref_squeeze %dma_wait3A_199 : memref<1x128xi32, #tpu.memory_space<vmem>> -> memref<128xi32, #tpu.memory_space<vmem>>
        %dma_wait3A_201 = arith.constant 0 : i32
        %dma_wait3A_202 = arith.constant 0 : i32
        %dma_wait3A_203 = tpu.memref_slice %arg2[%dma_wait3A_201, %dma_wait3A_202] : memref<10000x144xf32, #tpu.memory_space<hbm>> -> memref<10000x144xf32, #tpu.memory_space<hbm>>
        tpu.wait_indirect_dma semaphore(%arg13 : memref<!tpu.dma_semaphore, #tpu.memory_space<semaphore_mem>>) src(%dma_wait3A_203 : memref<10000x144xf32, #tpu.memory_space<hbm>>) dst(%dma_wait3A_197 : memref<128x144xf32, #tpu.memory_space<vmem>>)
        %dma_start3A_204 = arith.constant 1 : i32
        %dma_start3A_205 = arith.constant 1 : i32
        %dma_start3A_206 = arith.constant 0 : i32
        %dma_start3A_207 = arith.constant 0 : i32
        %dma_start3A_208 = tpu.memref_slice %arg9[%dma_start3A_204, %dma_start3A_206, %dma_start3A_207] : memref<2x128x144xf32, #tpu.memory_space<vmem>> -> memref<1x128x144xf32, #tpu.memory_space<vmem>>
        %dma_start3A_209 = tpu.memref_squeeze %dma_start3A_208 : memref<1x128x144xf32, #tpu.memory_space<vmem>> -> memref<128x144xf32, #tpu.memory_space<vmem>>
        %dma_start3A_210 = arith.constant 0 : i32
        %dma_start3A_211 = tpu.memref_slice %arg8[%dma_start3A_205, %dma_start3A_210] : memref<2x128xi32, #tpu.memory_space<vmem>> -> memref<1x128xi32, #tpu.memory_space<vmem>>
        %dma_start3A_212 = tpu.memref_squeeze %dma_start3A_211 : memref<1x128xi32, #tpu.memory_space<vmem>> -> memref<128xi32, #tpu.memory_space<vmem>>
        %dma_start3A_213 = arith.constant 0 : i32
        %dma_start3A_214 = arith.constant 0 : i32
        %dma_start3A_215 = tpu.memref_slice %arg10[%dma_start3A_213, %dma_start3A_214] : memref<10112x144xf32, #tpu.memory_space<vmem_shared>> -> memref<10112x144xf32, #tpu.memory_space<vmem_shared>>
        tpu.enqueue_indirect_dma source(%dma_start3A_209 : memref<128x144xf32, #tpu.memory_space<vmem>>) target(%dma_start3A_215 : memref<10112x144xf32, #tpu.memory_space<vmem_shared>>) offsets(%dma_start3A_212 : memref<128xi32, #tpu.memory_space<vmem>>) semaphore(%arg14 : memref<!tpu.dma_semaphore, #tpu.memory_space<semaphore_mem>>) {add = true}
        %dma_wait3A_216 = arith.constant 0 : i32
        %dma_wait3A_217 = arith.constant 0 : i32
        %dma_wait3A_218 = arith.constant 0 : i32
        %dma_wait3A_219 = arith.constant 0 : i32
        %dma_wait3A_220 = tpu.memref_slice %arg9[%dma_wait3A_216, %dma_wait3A_218, %dma_wait3A_219] : memref<2x128x144xf32, #tpu.memory_space<vmem>> -> memref<1x128x144xf32, #tpu.memory_space<vmem>>
        %dma_wait3A_221 = tpu.memref_squeeze %dma_wait3A_220 : memref<1x128x144xf32, #tpu.memory_space<vmem>> -> memref<128x144xf32, #tpu.memory_space<vmem>>
        %dma_wait3A_222 = arith.constant 0 : i32
        %dma_wait3A_223 = tpu.memref_slice %arg8[%dma_wait3A_217, %dma_wait3A_222] : memref<2x128xi32, #tpu.memory_space<vmem>> -> memref<1x128xi32, #tpu.memory_space<vmem>>
        %dma_wait3A_224 = tpu.memref_squeeze %dma_wait3A_223 : memref<1x128xi32, #tpu.memory_space<vmem>> -> memref<128xi32, #tpu.memory_space<vmem>>
        %dma_wait3A_225 = arith.constant 0 : i32
        %dma_wait3A_226 = arith.constant 0 : i32
        %dma_wait3A_227 = tpu.memref_slice %arg10[%dma_wait3A_225, %dma_wait3A_226] : memref<10112x144xf32, #tpu.memory_space<vmem_shared>> -> memref<10112x144xf32, #tpu.memory_space<vmem_shared>>
        tpu.wait_indirect_dma semaphore(%arg14 : memref<!tpu.dma_semaphore, #tpu.memory_space<semaphore_mem>>) src(%dma_wait3A_221 : memref<128x144xf32, #tpu.memory_space<vmem>>) dst(%dma_wait3A_227 : memref<10112x144xf32, #tpu.memory_space<vmem_shared>>)
        %dma_wait3A_228 = arith.constant 1 : i32
        %dma_wait3A_229 = arith.constant 1 : i32
        %dma_wait3A_230 = arith.constant 0 : i32
        %dma_wait3A_231 = arith.constant 0 : i32
        %dma_wait3A_232 = tpu.memref_slice %arg9[%dma_wait3A_228, %dma_wait3A_230, %dma_wait3A_231] : memref<2x128x144xf32, #tpu.memory_space<vmem>> -> memref<1x128x144xf32, #tpu.memory_space<vmem>>
        %dma_wait3A_233 = tpu.memref_squeeze %dma_wait3A_232 : memref<1x128x144xf32, #tpu.memory_space<vmem>> -> memref<128x144xf32, #tpu.memory_space<vmem>>
        %dma_wait3A_234 = arith.constant 0 : i32
        %dma_wait3A_235 = tpu.memref_slice %arg8[%dma_wait3A_229, %dma_wait3A_234] : memref<2x128xi32, #tpu.memory_space<vmem>> -> memref<1x128xi32, #tpu.memory_space<vmem>>
        %dma_wait3A_236 = tpu.memref_squeeze %dma_wait3A_235 : memref<1x128xi32, #tpu.memory_space<vmem>> -> memref<128xi32, #tpu.memory_space<vmem>>
        %dma_wait3A_237 = arith.constant 0 : i32
        %dma_wait3A_238 = arith.constant 0 : i32
        %dma_wait3A_239 = tpu.memref_slice %arg10[%dma_wait3A_237, %dma_wait3A_238] : memref<10112x144xf32, #tpu.memory_space<vmem_shared>> -> memref<10112x144xf32, #tpu.memory_space<vmem_shared>>
        tpu.wait_indirect_dma semaphore(%arg14 : memref<!tpu.dma_semaphore, #tpu.memory_space<semaphore_mem>>) src(%dma_wait3A_233 : memref<128x144xf32, #tpu.memory_space<vmem>>) dst(%dma_wait3A_239 : memref<10112x144xf32, #tpu.memory_space<vmem_shared>>)
      }
      %scan3A_24 = arith.constant 20 : i32
    } else {
    }
    %barrier3A_8 = arith.constant 0 : index
    tpu.barrier barrier_id(%barrier3A_8)
    %lt3A = arith.constant 15 : i32
    %lt3A_9 = arith.cmpi slt, %arg1, %lt3A : i32
    %convert_element_type3A_10 = arith.extui %lt3A_9 : i1 to i32
    %cond3A_11 = arith.constant 0 : i32
    %cond3A_12 = arith.cmpi ne, %convert_element_type3A_10, %cond3A_11 : i32
    scf.if %cond3A_12 {
      %mul3A_18 = arith.constant 632 : i32
      %mul3A_19 = arith.muli %arg1, %mul3A_18 : i32
      %mul3A_20 = arith.constant 632 : i32
      %mul3A_21 = arith.muli %arg1, %mul3A_20 : i32
      "tpu.region"() ({
        %run_scoped3A = tpu.sem_alloc : memref<!tpu.dma_semaphore, #tpu.memory_space<semaphore_mem>>
        %dma_start3A = arith.constant 0 : i32
        %dma_start3A_22 = tpu.memref_slice %arg6[%arg0, %mul3A_21, %dma_start3A] : memref<2x10000x144xf32, #tpu.memory_space<hbm>> -> memref<1x632x144xf32, #tpu.memory_space<hbm>>
        %dma_start3A_23 = tpu.memref_squeeze %dma_start3A_22 : memref<1x632x144xf32, #tpu.memory_space<hbm>> -> memref<632x144xf32, #tpu.memory_space<hbm>>
        %dma_start3A_24 = arith.constant 0 : i32
        %dma_start3A_25 = tpu.memref_slice %arg10[%mul3A_19, %dma_start3A_24] : memref<10112x144xf32, #tpu.memory_space<vmem_shared>> -> memref<632x144xf32, #tpu.memory_space<vmem_shared>>
        tpu.enqueue_dma source(%dma_start3A_25 : memref<632x144xf32, #tpu.memory_space<vmem_shared>>) target(%dma_start3A_23 : memref<632x144xf32, #tpu.memory_space<hbm>>) target_semaphore(%run_scoped3A : memref<!tpu.dma_semaphore, #tpu.memory_space<semaphore_mem>>)
        %dma_wait3A = arith.constant 0 : i32
        %dma_wait3A_26 = tpu.memref_slice %arg6[%arg0, %mul3A_21, %dma_wait3A] : memref<2x10000x144xf32, #tpu.memory_space<hbm>> -> memref<1x632x144xf32, #tpu.memory_space<hbm>>
        %dma_wait3A_27 = tpu.memref_squeeze %dma_wait3A_26 : memref<1x632x144xf32, #tpu.memory_space<hbm>> -> memref<632x144xf32, #tpu.memory_space<hbm>>
        %dma_wait3A_28 = arith.constant 0 : i32
        %dma_wait3A_29 = tpu.memref_slice %arg10[%mul3A_19, %dma_wait3A_28] : memref<10112x144xf32, #tpu.memory_space<vmem_shared>> -> memref<632x144xf32, #tpu.memory_space<vmem_shared>>
        tpu.wait_dma2 semaphore(%run_scoped3A : memref<!tpu.dma_semaphore, #tpu.memory_space<semaphore_mem>>) src(%dma_wait3A_29 : memref<632x144xf32, #tpu.memory_space<vmem_shared>>) dst(%dma_wait3A_27 : memref<632x144xf32, #tpu.memory_space<hbm>>)
        tpu.yield
      }) : () -> ()
    } else {
    }
    %eq3A_13 = arith.constant 15 : i32
    %eq3A_14 = arith.cmpi eq, %arg1, %eq3A_13 : i32
    %convert_element_type3A_15 = arith.extui %eq3A_14 : i1 to i32
    %cond3A_16 = arith.constant 0 : i32
    %cond3A_17 = arith.cmpi ne, %convert_element_type3A_15, %cond3A_16 : i32
    scf.if %cond3A_17 {
      "tpu.region"() ({
        %run_scoped3A = tpu.sem_alloc : memref<!tpu.dma_semaphore, #tpu.memory_space<semaphore_mem>>
        %dma_start3A = arith.constant 9480 : i32
        %dma_start3A_18 = arith.constant 0 : i32
        %dma_start3A_19 = tpu.memref_slice %arg6[%arg0, %dma_start3A, %dma_start3A_18] : memref<2x10000x144xf32, #tpu.memory_space<hbm>> -> memref<1x520x144xf32, #tpu.memory_space<hbm>>
        %dma_start3A_20 = tpu.memref_squeeze %dma_start3A_19 : memref<1x520x144xf32, #tpu.memory_space<hbm>> -> memref<520x144xf32, #tpu.memory_space<hbm>>
        %dma_start3A_21 = arith.constant 9480 : i32
        %dma_start3A_22 = arith.constant 0 : i32
        %dma_start3A_23 = tpu.memref_slice %arg10[%dma_start3A_21, %dma_start3A_22] : memref<10112x144xf32, #tpu.memory_space<vmem_shared>> -> memref<520x144xf32, #tpu.memory_space<vmem_shared>>
        tpu.enqueue_dma source(%dma_start3A_23 : memref<520x144xf32, #tpu.memory_space<vmem_shared>>) target(%dma_start3A_20 : memref<520x144xf32, #tpu.memory_space<hbm>>) target_semaphore(%run_scoped3A : memref<!tpu.dma_semaphore, #tpu.memory_space<semaphore_mem>>)
        %dma_wait3A = arith.constant 9480 : i32
        %dma_wait3A_24 = arith.constant 0 : i32
        %dma_wait3A_25 = tpu.memref_slice %arg6[%arg0, %dma_wait3A, %dma_wait3A_24] : memref<2x10000x144xf32, #tpu.memory_space<hbm>> -> memref<1x520x144xf32, #tpu.memory_space<hbm>>
        %dma_wait3A_26 = tpu.memref_squeeze %dma_wait3A_25 : memref<1x520x144xf32, #tpu.memory_space<hbm>> -> memref<520x144xf32, #tpu.memory_space<hbm>>
        %dma_wait3A_27 = arith.constant 9480 : i32
        %dma_wait3A_28 = arith.constant 0 : i32
        %dma_wait3A_29 = tpu.memref_slice %arg10[%dma_wait3A_27, %dma_wait3A_28] : memref<10112x144xf32, #tpu.memory_space<vmem_shared>> -> memref<520x144xf32, #tpu.memory_space<vmem_shared>>
        tpu.wait_dma2 semaphore(%run_scoped3A : memref<!tpu.dma_semaphore, #tpu.memory_space<semaphore_mem>>) src(%dma_wait3A_29 : memref<520x144xf32, #tpu.memory_space<vmem_shared>>) dst(%dma_wait3A_26 : memref<520x144xf32, #tpu.memory_space<hbm>>)
        tpu.yield
      }) : () -> ()
    } else {
    }
    return
  }
}

module attributes {stable_mosaic.version = 14 : i64} {
  func.func @_enc_kernel(%arg0: i32, %arg1: memref<1000x19xf32, #tpu.memory_space<vmem>>, %arg2: memref<128x19xf32, #tpu.memory_space<vmem>>, %arg3: memref<1x128xf32, #tpu.memory_space<vmem>>, %arg4: memref<128x128xf32, #tpu.memory_space<vmem>>, %arg5: memref<1x128xf32, #tpu.memory_space<vmem>>, %arg6: memref<1000x144xf32, #tpu.memory_space<vmem>>) attributes {dimension_semantics = [#tpu.dimension_semantics<arbitrary>], iteration_bounds = array<i64: 10>, scalar_prefetch = 0 : i64, scratch_operands = 0 : i64, tpu.core_type = #tpu.core_type<tc>, window_params = [{transform_indices = @transform_0, window_bounds = array<i64: 1000, 19>}, {pipeline_mode = #tpu.pipeline_mode<synchronous>, transform_indices = @transform_1, window_bounds = array<i64: 128, 19>}, {pipeline_mode = #tpu.pipeline_mode<synchronous>, transform_indices = @transform_2, window_bounds = array<i64: 1, 128>}, {pipeline_mode = #tpu.pipeline_mode<synchronous>, transform_indices = @transform_3, window_bounds = array<i64: 128, 128>}, {pipeline_mode = #tpu.pipeline_mode<synchronous>, transform_indices = @transform_4, window_bounds = array<i64: 1, 128>}, {transform_indices = @transform_5, window_bounds = array<i64: 1000, 144>}]} {
    %get3A = arith.constant 0 : index
    %get3A_0 = arith.constant 0 : index
    %get3A_1 = vector.load %arg1[%get3A, %get3A_0] : memref<1000x19xf32, #tpu.memory_space<vmem>>, vector<1000x19xf32>
    %get3A_2 = arith.constant 0 : index
    %get3A_3 = arith.constant 0 : index
    %get3A_4 = vector.load %arg2[%get3A_2, %get3A_3] : memref<128x19xf32, #tpu.memory_space<vmem>>, vector<128x19xf32>
    %dot_general3A = arith.constant dense<0.000000e+00> : vector<1000x128xf32>
    %dot_general3A_5 = tpu.matmul %get3A_1, %get3A_4, %dot_general3A {dimension_numbers = #tpu.dot_dimension_numbers<[1], [1], [0], [0], [0, 0, 1, 0], [], []>, transpose_lhs_hint = false} : vector<1000x19xf32>, vector<128x19xf32>, vector<1000x128xf32> -> vector<1000x128xf32>
    %get3A_6 = arith.constant 0 : index
    %get3A_7 = arith.constant 0 : index
    %get3A_8 = vector.load %arg3[%get3A_6, %get3A_7] : memref<1x128xf32, #tpu.memory_space<vmem>>, vector<1x128xf32>
    %add3A = vector.broadcast %get3A_8 : vector<1x128xf32> to vector<1000x128xf32>
    %add3A_9 = arith.addf %dot_general3A_5, %add3A : vector<1000x128xf32>
    %max3A = arith.constant 0.000000e+00 : f32
    %max3A_10 = vector.broadcast %max3A : f32 to vector<1000x128xf32>
    %max3A_11 = arith.maximumf %add3A_9, %max3A_10 : vector<1000x128xf32>
    %get3A_12 = arith.constant 0 : index
    %get3A_13 = arith.constant 0 : index
    %get3A_14 = vector.load %arg4[%get3A_12, %get3A_13] : memref<128x128xf32, #tpu.memory_space<vmem>>, vector<128x128xf32>
    %dot_general3A_15 = arith.constant dense<0.000000e+00> : vector<1000x128xf32>
    %dot_general3A_16 = tpu.matmul %max3A_11, %get3A_14, %dot_general3A_15 {dimension_numbers = #tpu.dot_dimension_numbers<[1], [1], [0], [0], [0, 0, 1, 0], [], []>, transpose_lhs_hint = false} : vector<1000x128xf32>, vector<128x128xf32>, vector<1000x128xf32> -> vector<1000x128xf32>
    %get3A_17 = arith.constant 0 : index
    %get3A_18 = arith.constant 0 : index
    %get3A_19 = vector.load %arg5[%get3A_17, %get3A_18] : memref<1x128xf32, #tpu.memory_space<vmem>>, vector<1x128xf32>
    %add3A_20 = vector.broadcast %get3A_19 : vector<1x128xf32> to vector<1000x128xf32>
    %add3A_21 = arith.addf %dot_general3A_16, %add3A_20 : vector<1000x128xf32>
    %swap3A = arith.constant 0 : index
    %swap3A_22 = arith.constant 0 : index
    %swap3A_23 = vector.load %arg6[%swap3A, %swap3A_22] : memref<1000x144xf32, #tpu.memory_space<vmem>>, vector<1000x128xf32>
    tpu.vector_store %arg6[%swap3A, %swap3A_22], %add3A_21 {strides = array<i32>} : memref<1000x144xf32, #tpu.memory_space<vmem>>, vector<1000x128xf32>,
    %broadcast_in_dim3A = arith.constant 1.000000e+00 : f32
    %broadcast_in_dim3A_24 = vector.broadcast %broadcast_in_dim3A : f32 to vector<1000x16xf32>
    %swap3A_25 = arith.constant 0 : index
    %swap3A_26 = arith.constant 128 : index
    %swap3A_27 = vector.load %arg6[%swap3A_25, %swap3A_26] : memref<1000x144xf32, #tpu.memory_space<vmem>>, vector<1000x16xf32>
    tpu.vector_store %arg6[%swap3A_25, %swap3A_26], %broadcast_in_dim3A_24 {strides = array<i32>} : memref<1000x144xf32, #tpu.memory_space<vmem>>, vector<1000x16xf32>,
    return
  }
  func.func @transform_0(%arg0: i32) -> (i32, i32) {
    %c0_i32 = arith.constant 0 : i32
    %c0_i32_0 = arith.constant 0 : i32
    return %arg0, %c0_i32 : i32, i32
  }
  func.func @transform_1(%arg0: i32) -> (i32, i32) {
    %c0_i32 = arith.constant 0 : i32
    %c0_i32_0 = arith.constant 0 : i32
    %c0_i32_1 = arith.constant 0 : i32
    return %c0_i32, %c0_i32_0 : i32, i32
  }
  func.func @transform_2(%arg0: i32) -> (i32, i32) {
    %c0_i32 = arith.constant 0 : i32
    %c0_i32_0 = arith.constant 0 : i32
    %c0_i32_1 = arith.constant 0 : i32
    return %c0_i32, %c0_i32_0 : i32, i32
  }
  func.func @transform_3(%arg0: i32) -> (i32, i32) {
    %c0_i32 = arith.constant 0 : i32
    %c0_i32_0 = arith.constant 0 : i32
    %c0_i32_1 = arith.constant 0 : i32
    return %c0_i32, %c0_i32_0 : i32, i32
  }
  func.func @transform_4(%arg0: i32) -> (i32, i32) {
    %c0_i32 = arith.constant 0 : i32
    %c0_i32_0 = arith.constant 0 : i32
    %c0_i32_1 = arith.constant 0 : i32
    return %c0_i32, %c0_i32_0 : i32, i32
  }
  func.func @transform_5(%arg0: i32) -> (i32, i32) {
    %c0_i32 = arith.constant 0 : i32
    %c0_i32_0 = arith.constant 0 : i32
    return %arg0, %c0_i32 : i32, i32
  }
}

module attributes {stable_mosaic.version = 14 : i64} {
  func.func @_sage_dense_kernel(%arg0: i32, %arg1: i32, %arg2: memref<2x1000x144xf32, #tpu.memory_space<vmem>>, %arg3: memref<1000x144xf32, #tpu.memory_space<vmem>>, %arg4: memref<128x128xf32, #tpu.memory_space<vmem>>, %arg5: memref<128x128xf32, #tpu.memory_space<vmem>>, %arg6: memref<1000x144xf32, #tpu.memory_space<vmem>>, %arg7: memref<1x128xf32, #tpu.memory_space<vmem>>, %arg8: memref<1x128xf32, #tpu.memory_space<vmem>>, %arg9: memref<10000x128xf32, #tpu.memory_space<vmem>>) attributes {dimension_semantics = [#tpu.dimension_semantics<arbitrary>, #tpu.dimension_semantics<arbitrary>], iteration_bounds = array<i64: 3, 10>, scalar_prefetch = 0 : i64, scratch_operands = 3 : i64, tpu.core_type = #tpu.core_type<tc>, window_params = [{transform_indices = @transform_0, window_bounds = array<i64: 2, 1000, 144>}, {transform_indices = @transform_1, window_bounds = array<i64: 1000, 144>}, {pipeline_mode = #tpu.pipeline_mode<synchronous>, transform_indices = @transform_2, window_bounds = array<i64: 128, 128>}, {pipeline_mode = #tpu.pipeline_mode<synchronous>, transform_indices = @transform_3, window_bounds = array<i64: 128, 128>}, {transform_indices = @transform_4, window_bounds = array<i64: 1000, 144>}]} {
    %eq3A = arith.constant 0 : i32
    %eq3A_0 = arith.cmpi eq, %arg0, %eq3A : i32
    %eq3A_1 = arith.constant 0 : i32
    %eq3A_2 = arith.cmpi eq, %arg1, %eq3A_1 : i32
    %and3A = arith.andi %eq3A_0, %eq3A_2 : i1
    %convert_element_type3A = arith.extui %and3A : i1 to i32
    %cond3A = arith.constant 0 : i32
    %cond3A_3 = arith.cmpi ne, %convert_element_type3A, %cond3A : i32
    scf.if %cond3A_3 {
      %broadcast_in_dim3A = arith.constant 0.000000e+00 : f32
      %broadcast_in_dim3A_19 = vector.broadcast %broadcast_in_dim3A : f32 to vector<1x128xf32>
      %swap3A = arith.constant 0 : index
      %swap3A_20 = arith.constant 0 : index
      %swap3A_21 = vector.load %arg7[%swap3A, %swap3A_20] : memref<1x128xf32, #tpu.memory_space<vmem>>, vector<1x128xf32>
      tpu.vector_store %arg7[%swap3A, %swap3A_20], %broadcast_in_dim3A_19 {strides = array<i32>} : memref<1x128xf32, #tpu.memory_space<vmem>>, vector<1x128xf32>,
      %broadcast_in_dim3A_22 = arith.constant 0.000000e+00 : f32
      %broadcast_in_dim3A_23 = vector.broadcast %broadcast_in_dim3A_22 : f32 to vector<1x128xf32>
      %swap3A_24 = arith.constant 0 : index
      %swap3A_25 = arith.constant 0 : index
      %swap3A_26 = vector.load %arg8[%swap3A_24, %swap3A_25] : memref<1x128xf32, #tpu.memory_space<vmem>>, vector<1x128xf32>
      tpu.vector_store %arg8[%swap3A_24, %swap3A_25], %broadcast_in_dim3A_23 {strides = array<i32>} : memref<1x128xf32, #tpu.memory_space<vmem>>, vector<1x128xf32>,
    } else {
    }
    %eq3A_4 = arith.constant 0 : i32
    %eq3A_5 = arith.cmpi eq, %arg0, %eq3A_4 : i32
    %convert_element_type3A_6 = arith.extui %eq3A_5 : i1 to i32
    %cond3A_7 = arith.constant 0 : i32
    %cond3A_8 = arith.cmpi ne, %convert_element_type3A_6, %cond3A_7 : i32
    scf.if %cond3A_8 {
      %get3A = arith.constant 0 : index
      %get3A_19 = arith.constant 0 : index
      %get3A_20 = vector.load %arg7[%get3A, %get3A_19] : memref<1x128xf32, #tpu.memory_space<vmem>>, vector<1x128xf32>
      %get3A_21 = arith.constant 0 : index
      %get3A_22 = arith.constant 0 : index
      %get3A_23 = arith.constant 0 : index
      %get3A_24 = vector.load %arg2[%get3A_21, %get3A_22, %get3A_23] : memref<2x1000x144xf32, #tpu.memory_space<vmem>>, vector<1x1000x128xf32>
      %get3A_25 = vector.shape_cast %get3A_24 : vector<1x1000x128xf32> to vector<1000x128xf32>
      %get3A_26 = arith.constant 1 : index
      %get3A_27 = arith.constant 0 : index
      %get3A_28 = arith.constant 0 : index
      %get3A_29 = vector.load %arg2[%get3A_26, %get3A_27, %get3A_28] : memref<2x1000x144xf32, #tpu.memory_space<vmem>>, vector<1x1000x128xf32>
      %get3A_30 = vector.shape_cast %get3A_29 : vector<1x1000x128xf32> to vector<1000x128xf32>
      %add3A = arith.addf %get3A_25, %get3A_30 : vector<1000x128xf32>
      %get3A_31 = arith.constant 0 : index
      %get3A_32 = arith.constant 0 : index
      %get3A_33 = arith.constant 128 : index
      %get3A_34 = vector.load %arg2[%get3A_31, %get3A_32, %get3A_33] : memref<2x1000x144xf32, #tpu.memory_space<vmem>>, vector<1x1000x1xf32>
      %get3A_35 = vector.shape_cast %get3A_34 : vector<1x1000x1xf32> to vector<1000x1xf32>
      %get3A_36 = arith.constant 1 : index
      %get3A_37 = arith.constant 0 : index
      %get3A_38 = arith.constant 128 : index
      %get3A_39 = vector.load %arg2[%get3A_36, %get3A_37, %get3A_38] : memref<2x1000x144xf32, #tpu.memory_space<vmem>>, vector<1x1000x1xf32>
      %get3A_40 = vector.shape_cast %get3A_39 : vector<1x1000x1xf32> to vector<1000x1xf32>
      %add3A_41 = arith.addf %get3A_35, %get3A_40 : vector<1000x1xf32>
      %jit3A = arith.constant 1.000000e+00 : f32
      %max3A = vector.broadcast %jit3A : f32 to vector<1000x1xf32>
      %max3A_42 = arith.maximumf %max3A, %add3A_41 : vector<1000x1xf32>
      %div3A = vector.broadcast %max3A_42 : vector<1000x1xf32> to vector<1000x128xf32>
      %div3A_43 = arith.divf %add3A, %div3A : vector<1000x128xf32>
      %reduce_sum3A = arith.constant dense<0.000000e+00> : vector<128xf32>
      %reduce_sum3A_44 = vector.multi_reduction <add>, %div3A_43, %reduce_sum3A [0] : vector<1000x128xf32> to vector<128xf32>
      %broadcast_in_dim3A = vector.shape_cast %reduce_sum3A_44 : vector<128xf32> to vector<1x128xf32>
      %add3A_45 = arith.addf %get3A_20, %broadcast_in_dim3A : vector<1x128xf32>
      %swap3A = arith.constant 0 : index
      %swap3A_46 = arith.constant 0 : index
      %swap3A_47 = vector.load %arg7[%swap3A, %swap3A_46] : memref<1x128xf32, #tpu.memory_space<vmem>>, vector<1x128xf32>
      tpu.vector_store %arg7[%swap3A, %swap3A_46], %add3A_45 {strides = array<i32>} : memref<1x128xf32, #tpu.memory_space<vmem>>, vector<1x128xf32>,
    } else {
    }
    %eq3A_9 = arith.constant 1 : i32
    %eq3A_10 = arith.cmpi eq, %arg0, %eq3A_9 : i32
    %convert_element_type3A_11 = arith.extui %eq3A_10 : i1 to i32
    %cond3A_12 = arith.constant 0 : i32
    %cond3A_13 = arith.cmpi ne, %convert_element_type3A_11, %cond3A_12 : i32
    scf.if %cond3A_13 {
      %get3A = arith.constant 0 : index
      %get3A_19 = arith.constant 0 : index
      %get3A_20 = arith.constant 0 : index
      %get3A_21 = vector.load %arg2[%get3A, %get3A_19, %get3A_20] : memref<2x1000x144xf32, #tpu.memory_space<vmem>>, vector<1x1000x128xf32>
      %get3A_22 = vector.shape_cast %get3A_21 : vector<1x1000x128xf32> to vector<1000x128xf32>
      %get3A_23 = arith.constant 1 : index
      %get3A_24 = arith.constant 0 : index
      %get3A_25 = arith.constant 0 : index
      %get3A_26 = vector.load %arg2[%get3A_23, %get3A_24, %get3A_25] : memref<2x1000x144xf32, #tpu.memory_space<vmem>>, vector<1x1000x128xf32>
      %get3A_27 = vector.shape_cast %get3A_26 : vector<1x1000x128xf32> to vector<1000x128xf32>
      %add3A = arith.addf %get3A_22, %get3A_27 : vector<1000x128xf32>
      %get3A_28 = arith.constant 0 : index
      %get3A_29 = arith.constant 0 : index
      %get3A_30 = arith.constant 128 : index
      %get3A_31 = vector.load %arg2[%get3A_28, %get3A_29, %get3A_30] : memref<2x1000x144xf32, #tpu.memory_space<vmem>>, vector<1x1000x1xf32>
      %get3A_32 = vector.shape_cast %get3A_31 : vector<1x1000x1xf32> to vector<1000x1xf32>
      %get3A_33 = arith.constant 1 : index
      %get3A_34 = arith.constant 0 : index
      %get3A_35 = arith.constant 128 : index
      %get3A_36 = vector.load %arg2[%get3A_33, %get3A_34, %get3A_35] : memref<2x1000x144xf32, #tpu.memory_space<vmem>>, vector<1x1000x1xf32>
      %get3A_37 = vector.shape_cast %get3A_36 : vector<1x1000x1xf32> to vector<1000x1xf32>
      %add3A_38 = arith.addf %get3A_32, %get3A_37 : vector<1000x1xf32>
      %jit3A = arith.constant 1.000000e+00 : f32
      %max3A = vector.broadcast %jit3A : f32 to vector<1000x1xf32>
      %max3A_39 = arith.maximumf %max3A, %add3A_38 : vector<1000x1xf32>
      %div3A = vector.broadcast %max3A_39 : vector<1000x1xf32> to vector<1000x128xf32>
      %div3A_40 = arith.divf %add3A, %div3A : vector<1000x128xf32>
      %get3A_41 = arith.constant 0 : index
      %get3A_42 = arith.constant 0 : index
      %get3A_43 = vector.load %arg7[%get3A_41, %get3A_42] : memref<1x128xf32, #tpu.memory_space<vmem>>, vector<1x128xf32>
      %div3A_44 = arith.constant 1.000000e+04 : f32
      %div3A_45 = vector.broadcast %div3A_44 : f32 to vector<1x128xf32>
      %div3A_46 = arith.divf %get3A_43, %div3A_45 : vector<1x128xf32>
      %sub3A = vector.broadcast %div3A_46 : vector<1x128xf32> to vector<1000x128xf32>
      %sub3A_47 = arith.subf %div3A_40, %sub3A : vector<1000x128xf32>
      %get3A_48 = arith.constant 0 : index
      %get3A_49 = arith.constant 0 : index
      %get3A_50 = vector.load %arg3[%get3A_48, %get3A_49] : memref<1000x144xf32, #tpu.memory_space<vmem>>, vector<1000x128xf32>
      %get3A_51 = arith.constant 0 : index
      %get3A_52 = arith.constant 0 : index
      %get3A_53 = vector.load %arg4[%get3A_51, %get3A_52] : memref<128x128xf32, #tpu.memory_space<vmem>>, vector<128x128xf32>
      %dot_general3A = arith.constant dense<0.000000e+00> : vector<1000x128xf32>
      %dot_general3A_54 = tpu.matmul %sub3A_47, %get3A_53, %dot_general3A {dimension_numbers = #tpu.dot_dimension_numbers<[1], [1], [0], [0], [0, 0, 1, 0], [], []>, transpose_lhs_hint = false} : vector<1000x128xf32>, vector<128x128xf32>, vector<1000x128xf32> -> vector<1000x128xf32>
      %get3A_55 = arith.constant 0 : index
      %get3A_56 = arith.constant 0 : index
      %get3A_57 = vector.load %arg5[%get3A_55, %get3A_56] : memref<128x128xf32, #tpu.memory_space<vmem>>, vector<128x128xf32>
      %dot_general3A_58 = arith.constant dense<0.000000e+00> : vector<1000x128xf32>
      %dot_general3A_59 = tpu.matmul %get3A_50, %get3A_57, %dot_general3A_58 {dimension_numbers = #tpu.dot_dimension_numbers<[1], [1], [0], [0], [0, 0, 1, 0], [], []>, transpose_lhs_hint = false} : vector<1000x128xf32>, vector<128x128xf32>, vector<1000x128xf32> -> vector<1000x128xf32>
      %add3A_60 = arith.addf %dot_general3A_54, %dot_general3A_59 : vector<1000x128xf32>
      %max3A_61 = arith.constant 0.000000e+00 : f32
      %max3A_62 = vector.broadcast %max3A_61 : f32 to vector<1000x128xf32>
      %max3A_63 = arith.maximumf %add3A_60, %max3A_62 : vector<1000x128xf32>
      %add3A_64 = arith.addf %get3A_50, %max3A_63 : vector<1000x128xf32>
      %get3A_65 = arith.constant 0 : index
      %get3A_66 = arith.constant 0 : index
      %get3A_67 = vector.load %arg8[%get3A_65, %get3A_66] : memref<1x128xf32, #tpu.memory_space<vmem>>, vector<1x128xf32>
      %reduce_sum3A = arith.constant dense<0.000000e+00> : vector<128xf32>
      %reduce_sum3A_68 = vector.multi_reduction <add>, %add3A_64, %reduce_sum3A [0] : vector<1000x128xf32> to vector<128xf32>
      %broadcast_in_dim3A = vector.shape_cast %reduce_sum3A_68 : vector<128xf32> to vector<1x128xf32>
      %add3A_69 = arith.addf %get3A_67, %broadcast_in_dim3A : vector<1x128xf32>
      %swap3A = arith.constant 0 : index
      %swap3A_70 = arith.constant 0 : index
      %swap3A_71 = vector.load %arg8[%swap3A, %swap3A_70] : memref<1x128xf32, #tpu.memory_space<vmem>>, vector<1x128xf32>
      tpu.vector_store %arg8[%swap3A, %swap3A_70], %add3A_69 {strides = array<i32>} : memref<1x128xf32, #tpu.memory_space<vmem>>, vector<1x128xf32>,
      %mul3A = arith.constant 1000 : i32
      %mul3A_72 = arith.muli %arg1, %mul3A : i32
      %swap3A_73 = arith.index_cast %mul3A_72 : i32 to index
      %swap3A_74 = arith.constant 0 : index
      %swap3A_75 = vector.load %arg9[%swap3A_73, %swap3A_74] : memref<10000x128xf32, #tpu.memory_space<vmem>>, vector<1000x128xf32>
      tpu.vector_store %arg9[%swap3A_73, %swap3A_74], %add3A_64 {strides = array<i32>} : memref<10000x128xf32, #tpu.memory_space<vmem>>, vector<1000x128xf32>,
    } else {
    }
    %eq3A_14 = arith.constant 2 : i32
    %eq3A_15 = arith.cmpi eq, %arg0, %eq3A_14 : i32
    %convert_element_type3A_16 = arith.extui %eq3A_15 : i1 to i32
    %cond3A_17 = arith.constant 0 : i32
    %cond3A_18 = arith.cmpi ne, %convert_element_type3A_16, %cond3A_17 : i32
    scf.if %cond3A_18 {
      %mul3A = arith.constant 1000 : i32
      %mul3A_19 = arith.muli %arg1, %mul3A : i32
      %get3A = arith.index_cast %mul3A_19 : i32 to index
      %get3A_20 = arith.constant 0 : index
      %get3A_21 = vector.load %arg9[%get3A, %get3A_20] : memref<10000x128xf32, #tpu.memory_space<vmem>>, vector<1000x128xf32>
      %get3A_22 = arith.constant 0 : index
      %get3A_23 = arith.constant 0 : index
      %get3A_24 = vector.load %arg8[%get3A_22, %get3A_23] : memref<1x128xf32, #tpu.memory_space<vmem>>, vector<1x128xf32>
      %div3A = arith.constant 1.000000e+04 : f32
      %div3A_25 = vector.broadcast %div3A : f32 to vector<1x128xf32>
      %div3A_26 = arith.divf %get3A_24, %div3A_25 : vector<1x128xf32>
      %sub3A = vector.broadcast %div3A_26 : vector<1x128xf32> to vector<1000x128xf32>
      %sub3A_27 = arith.subf %get3A_21, %sub3A : vector<1000x128xf32>
      %swap3A = arith.constant 0 : index
      %swap3A_28 = arith.constant 0 : index
      %swap3A_29 = vector.load %arg6[%swap3A, %swap3A_28] : memref<1000x144xf32, #tpu.memory_space<vmem>>, vector<1000x128xf32>
      tpu.vector_store %arg6[%swap3A, %swap3A_28], %sub3A_27 {strides = array<i32>} : memref<1000x144xf32, #tpu.memory_space<vmem>>, vector<1000x128xf32>,
      %broadcast_in_dim3A = arith.constant 1.000000e+00 : f32
      %broadcast_in_dim3A_30 = vector.broadcast %broadcast_in_dim3A : f32 to vector<1000x16xf32>
      %swap3A_31 = arith.constant 0 : index
      %swap3A_32 = arith.constant 128 : index
      %swap3A_33 = vector.load %arg6[%swap3A_31, %swap3A_32] : memref<1000x144xf32, #tpu.memory_space<vmem>>, vector<1000x16xf32>
      tpu.vector_store %arg6[%swap3A_31, %swap3A_32], %broadcast_in_dim3A_30 {strides = array<i32>} : memref<1000x144xf32, #tpu.memory_space<vmem>>, vector<1000x16xf32>,
    } else {
    }
    return
  }
  func.func @transform_0(%arg0: i32, %arg1: i32) -> (i32, i32, i32) {
    %c0_i32 = arith.constant 0 : i32
    %c0_i32_0 = arith.constant 0 : i32
    %c0_i32_1 = arith.constant 0 : i32
    return %c0_i32, %arg1, %c0_i32_0 : i32, i32, i32
  }
  func.func @transform_1(%arg0: i32, %arg1: i32) -> (i32, i32) {
    %c0_i32 = arith.constant 0 : i32
    %c0_i32_0 = arith.constant 0 : i32
    return %arg1, %c0_i32 : i32, i32
  }
  func.func @transform_2(%arg0: i32, %arg1: i32) -> (i32, i32) {
    %c0_i32 = arith.constant 0 : i32
    %c0_i32_0 = arith.constant 0 : i32
    %c0_i32_1 = arith.constant 0 : i32
    return %c0_i32, %c0_i32_0 : i32, i32
  }
  func.func @transform_3(%arg0: i32, %arg1: i32) -> (i32, i32) {
    %c0_i32 = arith.constant 0 : i32
    %c0_i32_0 = arith.constant 0 : i32
    %c0_i32_1 = arith.constant 0 : i32
    return %c0_i32, %c0_i32_0 : i32, i32
  }
  func.func @transform_4(%arg0: i32, %arg1: i32) -> (i32, i32) {
    %c0_i32 = arith.constant 0 : i32
    %c0_i32_0 = arith.constant 0 : i32
    return %arg1, %c0_i32 : i32, i32
  }
}

module attributes {stable_mosaic.version = 14 : i64} {
  func.func @_knn_kernel(%arg0: i32, %arg1: i32, %arg2: memref<400x3xf32, #tpu.memory_space<vmem>>, %arg3: memref<1x3x2000xf32, #tpu.memory_space<vmem>>, %arg4: memref<400x8xf32, #tpu.memory_space<vmem>>, %arg5: memref<400x8xi32, #tpu.memory_space<vmem>>, %arg6: memref<400x16xf32, #tpu.memory_space<vmem>>, %arg7: memref<400x16xi32, #tpu.memory_space<vmem>>) attributes {dimension_semantics = [#tpu.dimension_semantics<arbitrary>, #tpu.dimension_semantics<arbitrary>], iteration_bounds = array<i64: 25, 5>, scalar_prefetch = 0 : i64, scratch_operands = 2 : i64, tpu.core_type = #tpu.core_type<tc>, window_params = [{transform_indices = @transform_0, window_bounds = array<i64: 400, 3>}, {transform_indices = @transform_1, window_bounds = array<i64: 1, 3, 2000>}, {transform_indices = @transform_2, window_bounds = array<i64: 400, 8>}, {transform_indices = @transform_3, window_bounds = array<i64: 400, 8>}]} {
    %eq3A = arith.constant 0 : i32
    %eq3A_0 = arith.cmpi eq, %arg1, %eq3A : i32
    %convert_element_type3A = arith.extui %eq3A_0 : i1 to i32
    %cond3A = arith.constant 0 : i32
    %cond3A_1 = arith.cmpi ne, %convert_element_type3A, %cond3A : i32
    scf.if %cond3A_1 {
      %broadcast_in_dim3A_103 = arith.constant 0x7F800000 : f32
      %broadcast_in_dim3A_104 = vector.broadcast %broadcast_in_dim3A_103 : f32 to vector<400x16xf32>
      %swap3A = arith.constant 0 : index
      %swap3A_105 = arith.constant 0 : index
      %swap3A_106 = vector.load %arg6[%swap3A, %swap3A_105] : memref<400x16xf32, #tpu.memory_space<vmem>>, vector<400x16xf32>
      tpu.vector_store %arg6[%swap3A, %swap3A_105], %broadcast_in_dim3A_104 {strides = array<i32>} : memref<400x16xf32, #tpu.memory_space<vmem>>, vector<400x16xf32>,
      %broadcast_in_dim3A_107 = arith.constant 0 : i32
      %broadcast_in_dim3A_108 = vector.broadcast %broadcast_in_dim3A_107 : i32 to vector<400x16xi32>
      %swap3A_109 = arith.constant 0 : index
      %swap3A_110 = arith.constant 0 : index
      %swap3A_111 = vector.load %arg7[%swap3A_109, %swap3A_110] : memref<400x16xi32, #tpu.memory_space<vmem>>, vector<400x16xi32>
      tpu.vector_store %arg7[%swap3A_109, %swap3A_110], %broadcast_in_dim3A_108 {strides = array<i32>} : memref<400x16xi32, #tpu.memory_space<vmem>>, vector<400x16xi32>,
    } else {
    }
    %get3A = arith.constant 0 : index
    %get3A_2 = arith.constant 0 : index
    %get3A_3 = vector.load %arg2[%get3A, %get3A_2] : memref<400x3xf32, #tpu.memory_space<vmem>>, vector<400x3xf32>
    %get3A_4 = arith.constant 0 : index
    %get3A_5 = arith.constant 0 : index
    %get3A_6 = arith.constant 0 : index
    %get3A_7 = vector.load %arg3[%get3A_4, %get3A_5, %get3A_6] : memref<1x3x2000xf32, #tpu.memory_space<vmem>>, vector<1x3x2000xf32>
    %get3A_8 = vector.shape_cast %get3A_7 : vector<1x3x2000xf32> to vector<3x2000xf32>
    %slice3A = vector.extract_strided_slice %get3A_3 {offsets = [0, 0], sizes = [400, 1], strides = [1, 1]} : vector<400x3xf32> to vector<400x1xf32>
    %slice3A_9 = vector.extract_strided_slice %get3A_8 {offsets = [0, 0], sizes = [1, 2000], strides = [1, 1]} : vector<3x2000xf32> to vector<1x2000xf32>
    %sub3A = vector.broadcast %slice3A : vector<400x1xf32> to vector<400x2000xf32>
    %sub3A_10 = vector.broadcast %slice3A_9 : vector<1x2000xf32> to vector<400x2000xf32>
    %sub3A_11 = arith.subf %sub3A, %sub3A_10 : vector<400x2000xf32>
    %integer_pow3A = arith.mulf %sub3A_11, %sub3A_11 : vector<400x2000xf32>
    %slice3A_12 = vector.extract_strided_slice %get3A_3 {offsets = [0, 1], sizes = [400, 1], strides = [1, 1]} : vector<400x3xf32> to vector<400x1xf32>
    %slice3A_13 = vector.extract_strided_slice %get3A_8 {offsets = [1, 0], sizes = [1, 2000], strides = [1, 1]} : vector<3x2000xf32> to vector<1x2000xf32>
    %sub3A_14 = vector.broadcast %slice3A_12 : vector<400x1xf32> to vector<400x2000xf32>
    %sub3A_15 = vector.broadcast %slice3A_13 : vector<1x2000xf32> to vector<400x2000xf32>
    %sub3A_16 = arith.subf %sub3A_14, %sub3A_15 : vector<400x2000xf32>
    %integer_pow3A_17 = arith.mulf %sub3A_16, %sub3A_16 : vector<400x2000xf32>
    %add3A = arith.addf %integer_pow3A, %integer_pow3A_17 : vector<400x2000xf32>
    %slice3A_18 = vector.extract_strided_slice %get3A_3 {offsets = [0, 2], sizes = [400, 1], strides = [1, 1]} : vector<400x3xf32> to vector<400x1xf32>
    %slice3A_19 = vector.extract_strided_slice %get3A_8 {offsets = [2, 0], sizes = [1, 2000], strides = [1, 1]} : vector<3x2000xf32> to vector<1x2000xf32>
    %sub3A_20 = vector.broadcast %slice3A_18 : vector<400x1xf32> to vector<400x2000xf32>
    %sub3A_21 = vector.broadcast %slice3A_19 : vector<1x2000xf32> to vector<400x2000xf32>
    %sub3A_22 = arith.subf %sub3A_20, %sub3A_21 : vector<400x2000xf32>
    %integer_pow3A_23 = arith.mulf %sub3A_22, %sub3A_22 : vector<400x2000xf32>
    %add3A_24 = arith.addf %add3A, %integer_pow3A_23 : vector<400x2000xf32>
    %mul3A = arith.constant 2000 : i32
    %mul3A_25 = arith.muli %arg1, %mul3A : i32
    %iota3A = tpu.iota {dimensions = array<i32: 1>} : vector<400x2000xi32>
    %reduce_min3A = arith.constant dense<0x7F800000> : vector<400xf32>
    %reduce_min3A_26 = vector.multi_reduction <minimumf>, %add3A_24, %reduce_min3A [1] : vector<400x2000xf32> to vector<400xf32>
    %broadcast_in_dim3A = vector.shape_cast %reduce_min3A_26 : vector<400xf32> to vector<400x1xf32>
    %eq3A_27 = vector.broadcast %broadcast_in_dim3A : vector<400x1xf32> to vector<400x2000xf32>
    %eq3A_28 = arith.cmpf oeq, %add3A_24, %eq3A_27 : vector<400x2000xf32>
    %jit3A = arith.constant 1073741824 : i32
    %broadcast_in_dim3A_29 = vector.broadcast %jit3A : i32 to vector<400x2000xi32>
    %select_n3A = arith.select %eq3A_28, %iota3A, %broadcast_in_dim3A_29 : vector<400x2000xi1>, vector<400x2000xi32>
    %reduce_min3A_30 = arith.constant dense<2147483647> : vector<400xi32>
    %reduce_min3A_31 = vector.multi_reduction <minsi>, %select_n3A, %reduce_min3A_30 [1] : vector<400x2000xi32> to vector<400xi32>
    %broadcast_in_dim3A_32 = vector.shape_cast %reduce_min3A_31 : vector<400xi32> to vector<400x1xi32>
    %add3A_33 = vector.broadcast %mul3A_25 : i32 to vector<400x1xi32>
    %add3A_34 = arith.addi %broadcast_in_dim3A_32, %add3A_33 : vector<400x1xi32>
    %eq3A_35 = vector.broadcast %broadcast_in_dim3A_32 : vector<400x1xi32> to vector<400x2000xi32>
    %eq3A_36 = arith.cmpi eq, %iota3A, %eq3A_35 : vector<400x2000xi32>
    %jit3A_37 = arith.constant 0x7F800000 : f32
    %broadcast_in_dim3A_38 = vector.broadcast %jit3A_37 : f32 to vector<400x2000xf32>
    %select_n3A_39 = arith.select %eq3A_36, %broadcast_in_dim3A_38, %add3A_24 : vector<400x2000xi1>, vector<400x2000xf32>
    %reduce_min3A_40 = arith.constant dense<0x7F800000> : vector<400xf32>
    %reduce_min3A_41 = vector.multi_reduction <minimumf>, %select_n3A_39, %reduce_min3A_40 [1] : vector<400x2000xf32> to vector<400xf32>
    %broadcast_in_dim3A_42 = vector.shape_cast %reduce_min3A_41 : vector<400xf32> to vector<400x1xf32>
    %eq3A_43 = vector.broadcast %broadcast_in_dim3A_42 : vector<400x1xf32> to vector<400x2000xf32>
    %eq3A_44 = arith.cmpf oeq, %select_n3A_39, %eq3A_43 : vector<400x2000xf32>
    %jit3A_45 = arith.constant 1073741824 : i32
    %broadcast_in_dim3A_46 = vector.broadcast %jit3A_45 : i32 to vector<400x2000xi32>
    %select_n3A_47 = arith.select %eq3A_44, %iota3A, %broadcast_in_dim3A_46 : vector<400x2000xi1>, vector<400x2000xi32>
    %reduce_min3A_48 = arith.constant dense<2147483647> : vector<400xi32>
    %reduce_min3A_49 = vector.multi_reduction <minsi>, %select_n3A_47, %reduce_min3A_48 [1] : vector<400x2000xi32> to vector<400xi32>
    %broadcast_in_dim3A_50 = vector.shape_cast %reduce_min3A_49 : vector<400xi32> to vector<400x1xi32>
    %add3A_51 = vector.broadcast %mul3A_25 : i32 to vector<400x1xi32>
    %add3A_52 = arith.addi %broadcast_in_dim3A_50, %add3A_51 : vector<400x1xi32>
    %eq3A_53 = vector.broadcast %broadcast_in_dim3A_50 : vector<400x1xi32> to vector<400x2000xi32>
    %eq3A_54 = arith.cmpi eq, %iota3A, %eq3A_53 : vector<400x2000xi32>
    %jit3A_55 = arith.constant 0x7F800000 : f32
    %broadcast_in_dim3A_56 = vector.broadcast %jit3A_55 : f32 to vector<400x2000xf32>
    %select_n3A_57 = arith.select %eq3A_54, %broadcast_in_dim3A_56, %select_n3A_39 : vector<400x2000xi1>, vector<400x2000xf32>
    %reduce_min3A_58 = arith.constant dense<0x7F800000> : vector<400xf32>
    %reduce_min3A_59 = vector.multi_reduction <minimumf>, %select_n3A_57, %reduce_min3A_58 [1] : vector<400x2000xf32> to vector<400xf32>
    %broadcast_in_dim3A_60 = vector.shape_cast %reduce_min3A_59 : vector<400xf32> to vector<400x1xf32>
    %eq3A_61 = vector.broadcast %broadcast_in_dim3A_60 : vector<400x1xf32> to vector<400x2000xf32>
    %eq3A_62 = arith.cmpf oeq, %select_n3A_57, %eq3A_61 : vector<400x2000xf32>
    %jit3A_63 = arith.constant 1073741824 : i32
    %broadcast_in_dim3A_64 = vector.broadcast %jit3A_63 : i32 to vector<400x2000xi32>
    %select_n3A_65 = arith.select %eq3A_62, %iota3A, %broadcast_in_dim3A_64 : vector<400x2000xi1>, vector<400x2000xi32>
    %reduce_min3A_66 = arith.constant dense<2147483647> : vector<400xi32>
    %reduce_min3A_67 = vector.multi_reduction <minsi>, %select_n3A_65, %reduce_min3A_66 [1] : vector<400x2000xi32> to vector<400xi32>
    %broadcast_in_dim3A_68 = vector.shape_cast %reduce_min3A_67 : vector<400xi32> to vector<400x1xi32>
    %add3A_69 = vector.broadcast %mul3A_25 : i32 to vector<400x1xi32>
    %add3A_70 = arith.addi %broadcast_in_dim3A_68, %add3A_69 : vector<400x1xi32>
    %concatenate3A = tpu.concatenate %broadcast_in_dim3A, %broadcast_in_dim3A_42, %broadcast_in_dim3A_60 in 1 : vector<400x1xf32>, vector<400x1xf32>, vector<400x1xf32> -> vector<400x3xf32>
    %concatenate3A_71 = tpu.concatenate %add3A_34, %add3A_52, %add3A_70 in 1 : vector<400x1xi32>, vector<400x1xi32>, vector<400x1xi32> -> vector<400x3xi32>
    %eq3A_72 = arith.constant 0 : i32
    %eq3A_73 = arith.cmpi eq, %arg1, %eq3A_72 : i32
    %convert_element_type3A_74 = arith.extui %eq3A_73 : i1 to i32
    %cond3A_75 = arith.constant 0 : i32
    %cond3A_76 = arith.cmpi ne, %convert_element_type3A_74, %cond3A_75 : i32
    scf.if %cond3A_76 {
      %swap3A = arith.constant 0 : index
      %swap3A_103 = arith.constant 0 : index
      %swap3A_104 = vector.load %arg6[%swap3A, %swap3A_103] : memref<400x16xf32, #tpu.memory_space<vmem>>, vector<400x3xf32>
      tpu.vector_store %arg6[%swap3A, %swap3A_103], %concatenate3A {strides = array<i32>} : memref<400x16xf32, #tpu.memory_space<vmem>>, vector<400x3xf32>,
      %swap3A_105 = arith.constant 0 : index
      %swap3A_106 = arith.constant 0 : index
      %swap3A_107 = vector.load %arg7[%swap3A_105, %swap3A_106] : memref<400x16xi32, #tpu.memory_space<vmem>>, vector<400x3xi32>
      tpu.vector_store %arg7[%swap3A_105, %swap3A_106], %concatenate3A_71 {strides = array<i32>} : memref<400x16xi32, #tpu.memory_space<vmem>>, vector<400x3xi32>,
    } else {
    }
    %eq3A_77 = arith.constant 1 : i32
    %eq3A_78 = arith.cmpi eq, %arg1, %eq3A_77 : i32
    %convert_element_type3A_79 = arith.extui %eq3A_78 : i1 to i32
    %cond3A_80 = arith.constant 0 : i32
    %cond3A_81 = arith.cmpi ne, %convert_element_type3A_79, %cond3A_80 : i32
    scf.if %cond3A_81 {
      %swap3A = arith.constant 0 : index
      %swap3A_103 = arith.constant 3 : index
      %swap3A_104 = vector.load %arg6[%swap3A, %swap3A_103] : memref<400x16xf32, #tpu.memory_space<vmem>>, vector<400x3xf32>
      tpu.vector_store %arg6[%swap3A, %swap3A_103], %concatenate3A {strides = array<i32>} : memref<400x16xf32, #tpu.memory_space<vmem>>, vector<400x3xf32>,
      %swap3A_105 = arith.constant 0 : index
      %swap3A_106 = arith.constant 3 : index
      %swap3A_107 = vector.load %arg7[%swap3A_105, %swap3A_106] : memref<400x16xi32, #tpu.memory_space<vmem>>, vector<400x3xi32>
      tpu.vector_store %arg7[%swap3A_105, %swap3A_106], %concatenate3A_71 {strides = array<i32>} : memref<400x16xi32, #tpu.memory_space<vmem>>, vector<400x3xi32>,
    } else {
    }
    %eq3A_82 = arith.constant 2 : i32
    %eq3A_83 = arith.cmpi eq, %arg1, %eq3A_82 : i32
    %convert_element_type3A_84 = arith.extui %eq3A_83 : i1 to i32
    %cond3A_85 = arith.constant 0 : i32
    %cond3A_86 = arith.cmpi ne, %convert_element_type3A_84, %cond3A_85 : i32
    scf.if %cond3A_86 {
      %swap3A = arith.constant 0 : index
      %swap3A_103 = arith.constant 6 : index
      %swap3A_104 = vector.load %arg6[%swap3A, %swap3A_103] : memref<400x16xf32, #tpu.memory_space<vmem>>, vector<400x3xf32>
      tpu.vector_store %arg6[%swap3A, %swap3A_103], %concatenate3A {strides = array<i32>} : memref<400x16xf32, #tpu.memory_space<vmem>>, vector<400x3xf32>,
      %swap3A_105 = arith.constant 0 : index
      %swap3A_106 = arith.constant 6 : index
      %swap3A_107 = vector.load %arg7[%swap3A_105, %swap3A_106] : memref<400x16xi32, #tpu.memory_space<vmem>>, vector<400x3xi32>
      tpu.vector_store %arg7[%swap3A_105, %swap3A_106], %concatenate3A_71 {strides = array<i32>} : memref<400x16xi32, #tpu.memory_space<vmem>>, vector<400x3xi32>,
    } else {
    }
    %eq3A_87 = arith.constant 3 : i32
    %eq3A_88 = arith.cmpi eq, %arg1, %eq3A_87 : i32
    %convert_element_type3A_89 = arith.extui %eq3A_88 : i1 to i32
    %cond3A_90 = arith.constant 0 : i32
    %cond3A_91 = arith.cmpi ne, %convert_element_type3A_89, %cond3A_90 : i32
    scf.if %cond3A_91 {
      %swap3A = arith.constant 0 : index
      %swap3A_103 = arith.constant 9 : index
      %swap3A_104 = vector.load %arg6[%swap3A, %swap3A_103] : memref<400x16xf32, #tpu.memory_space<vmem>>, vector<400x3xf32>
      tpu.vector_store %arg6[%swap3A, %swap3A_103], %concatenate3A {strides = array<i32>} : memref<400x16xf32, #tpu.memory_space<vmem>>, vector<400x3xf32>,
      %swap3A_105 = arith.constant 0 : index
      %swap3A_106 = arith.constant 9 : index
      %swap3A_107 = vector.load %arg7[%swap3A_105, %swap3A_106] : memref<400x16xi32, #tpu.memory_space<vmem>>, vector<400x3xi32>
      tpu.vector_store %arg7[%swap3A_105, %swap3A_106], %concatenate3A_71 {strides = array<i32>} : memref<400x16xi32, #tpu.memory_space<vmem>>, vector<400x3xi32>,
    } else {
    }
    %eq3A_92 = arith.constant 4 : i32
    %eq3A_93 = arith.cmpi eq, %arg1, %eq3A_92 : i32
    %convert_element_type3A_94 = arith.extui %eq3A_93 : i1 to i32
    %cond3A_95 = arith.constant 0 : i32
    %cond3A_96 = arith.cmpi ne, %convert_element_type3A_94, %cond3A_95 : i32
    scf.if %cond3A_96 {
      %swap3A = arith.constant 0 : index
      %swap3A_103 = arith.constant 12 : index
      %swap3A_104 = vector.load %arg6[%swap3A, %swap3A_103] : memref<400x16xf32, #tpu.memory_space<vmem>>, vector<400x3xf32>
      tpu.vector_store %arg6[%swap3A, %swap3A_103], %concatenate3A {strides = array<i32>} : memref<400x16xf32, #tpu.memory_space<vmem>>, vector<400x3xf32>,
      %swap3A_105 = arith.constant 0 : index
      %swap3A_106 = arith.constant 12 : index
      %swap3A_107 = vector.load %arg7[%swap3A_105, %swap3A_106] : memref<400x16xi32, #tpu.memory_space<vmem>>, vector<400x3xi32>
      tpu.vector_store %arg7[%swap3A_105, %swap3A_106], %concatenate3A_71 {strides = array<i32>} : memref<400x16xi32, #tpu.memory_space<vmem>>, vector<400x3xi32>,
    } else {
    }
    %eq3A_97 = arith.constant 4 : i32
    %eq3A_98 = arith.cmpi eq, %arg1, %eq3A_97 : i32
    %convert_element_type3A_99 = arith.extui %eq3A_98 : i1 to i32
    %cond3A_100 = arith.constant 1073741824 : i32
    %cond3A_101 = arith.constant 0 : i32
    %cond3A_102 = arith.cmpi ne, %convert_element_type3A_99, %cond3A_101 : i32
    scf.if %cond3A_102 {
      %get3A_103 = arith.constant 0 : index
      %get3A_104 = arith.constant 0 : index
      %get3A_105 = vector.load %arg6[%get3A_103, %get3A_104] : memref<400x16xf32, #tpu.memory_space<vmem>>, vector<400x16xf32>
      %get3A_106 = arith.constant 0 : index
      %get3A_107 = arith.constant 0 : index
      %get3A_108 = vector.load %arg7[%get3A_106, %get3A_107] : memref<400x16xi32, #tpu.memory_space<vmem>>, vector<400x16xi32>
      %iota3A_109 = tpu.iota {dimensions = array<i32: 1>} : vector<400x16xi32>
      %reduce_min3A_110 = arith.constant dense<0x7F800000> : vector<400xf32>
      %reduce_min3A_111 = vector.multi_reduction <minimumf>, %get3A_105, %reduce_min3A_110 [1] : vector<400x16xf32> to vector<400xf32>
      %broadcast_in_dim3A_112 = vector.shape_cast %reduce_min3A_111 : vector<400xf32> to vector<400x1xf32>
      %eq3A_113 = vector.broadcast %broadcast_in_dim3A_112 : vector<400x1xf32> to vector<400x16xf32>
      %eq3A_114 = arith.cmpf oeq, %get3A_105, %eq3A_113 : vector<400x16xf32>
      %broadcast_in_dim3A_115 = vector.broadcast %cond3A_100 : i32 to vector<400x16xi32>
      %select_n3A_116 = arith.select %eq3A_114, %iota3A_109, %broadcast_in_dim3A_115 : vector<400x16xi1>, vector<400x16xi32>
      %reduce_min3A_117 = arith.constant dense<2147483647> : vector<400xi32>
      %reduce_min3A_118 = vector.multi_reduction <minsi>, %select_n3A_116, %reduce_min3A_117 [1] : vector<400x16xi32> to vector<400xi32>
      %broadcast_in_dim3A_119 = vector.shape_cast %reduce_min3A_118 : vector<400xi32> to vector<400x1xi32>
      %eq3A_120 = vector.broadcast %broadcast_in_dim3A_119 : vector<400x1xi32> to vector<400x16xi32>
      %eq3A_121 = arith.cmpi eq, %iota3A_109, %eq3A_120 : vector<400x16xi32>
      %jit3A_122 = arith.constant 0 : i32
      %broadcast_in_dim3A_123 = vector.broadcast %jit3A_122 : i32 to vector<400x16xi32>
      %select_n3A_124 = arith.select %eq3A_121, %get3A_108, %broadcast_in_dim3A_123 : vector<400x16xi1>, vector<400x16xi32>
      %reduce_sum3A = arith.constant dense<0> : vector<400xi32>
      %reduce_sum3A_125 = vector.multi_reduction <add>, %select_n3A_124, %reduce_sum3A [1] : vector<400x16xi32> to vector<400xi32>
      %broadcast_in_dim3A_126 = vector.shape_cast %reduce_sum3A_125 : vector<400xi32> to vector<400x1xi32>
      %jit3A_127 = arith.constant 0x7F800000 : f32
      %broadcast_in_dim3A_128 = vector.broadcast %jit3A_127 : f32 to vector<400x16xf32>
      %select_n3A_129 = arith.select %eq3A_121, %broadcast_in_dim3A_128, %get3A_105 : vector<400x16xi1>, vector<400x16xf32>
      %reduce_min3A_130 = arith.constant dense<0x7F800000> : vector<400xf32>
      %reduce_min3A_131 = vector.multi_reduction <minimumf>, %select_n3A_129, %reduce_min3A_130 [1] : vector<400x16xf32> to vector<400xf32>
      %broadcast_in_dim3A_132 = vector.shape_cast %reduce_min3A_131 : vector<400xf32> to vector<400x1xf32>
      %eq3A_133 = vector.broadcast %broadcast_in_dim3A_132 : vector<400x1xf32> to vector<400x16xf32>
      %eq3A_134 = arith.cmpf oeq, %select_n3A_129, %eq3A_133 : vector<400x16xf32>
      %broadcast_in_dim3A_135 = vector.broadcast %cond3A_100 : i32 to vector<400x16xi32>
      %select_n3A_136 = arith.select %eq3A_134, %iota3A_109, %broadcast_in_dim3A_135 : vector<400x16xi1>, vector<400x16xi32>
      %reduce_min3A_137 = arith.constant dense<2147483647> : vector<400xi32>
      %reduce_min3A_138 = vector.multi_reduction <minsi>, %select_n3A_136, %reduce_min3A_137 [1] : vector<400x16xi32> to vector<400xi32>
      %broadcast_in_dim3A_139 = vector.shape_cast %reduce_min3A_138 : vector<400xi32> to vector<400x1xi32>
      %eq3A_140 = vector.broadcast %broadcast_in_dim3A_139 : vector<400x1xi32> to vector<400x16xi32>
      %eq3A_141 = arith.cmpi eq, %iota3A_109, %eq3A_140 : vector<400x16xi32>
      %jit3A_142 = arith.constant 0 : i32
      %broadcast_in_dim3A_143 = vector.broadcast %jit3A_142 : i32 to vector<400x16xi32>
      %select_n3A_144 = arith.select %eq3A_141, %get3A_108, %broadcast_in_dim3A_143 : vector<400x16xi1>, vector<400x16xi32>
      %reduce_sum3A_145 = arith.constant dense<0> : vector<400xi32>
      %reduce_sum3A_146 = vector.multi_reduction <add>, %select_n3A_144, %reduce_sum3A_145 [1] : vector<400x16xi32> to vector<400xi32>
      %broadcast_in_dim3A_147 = vector.shape_cast %reduce_sum3A_146 : vector<400xi32> to vector<400x1xi32>
      %jit3A_148 = arith.constant 0x7F800000 : f32
      %broadcast_in_dim3A_149 = vector.broadcast %jit3A_148 : f32 to vector<400x16xf32>
      %select_n3A_150 = arith.select %eq3A_141, %broadcast_in_dim3A_149, %select_n3A_129 : vector<400x16xi1>, vector<400x16xf32>
      %reduce_min3A_151 = arith.constant dense<0x7F800000> : vector<400xf32>
      %reduce_min3A_152 = vector.multi_reduction <minimumf>, %select_n3A_150, %reduce_min3A_151 [1] : vector<400x16xf32> to vector<400xf32>
      %broadcast_in_dim3A_153 = vector.shape_cast %reduce_min3A_152 : vector<400xf32> to vector<400x1xf32>
      %eq3A_154 = vector.broadcast %broadcast_in_dim3A_153 : vector<400x1xf32> to vector<400x16xf32>
      %eq3A_155 = arith.cmpf oeq, %select_n3A_150, %eq3A_154 : vector<400x16xf32>
      %broadcast_in_dim3A_156 = vector.broadcast %cond3A_100 : i32 to vector<400x16xi32>
      %select_n3A_157 = arith.select %eq3A_155, %iota3A_109, %broadcast_in_dim3A_156 : vector<400x16xi1>, vector<400x16xi32>
      %reduce_min3A_158 = arith.constant dense<2147483647> : vector<400xi32>
      %reduce_min3A_159 = vector.multi_reduction <minsi>, %select_n3A_157, %reduce_min3A_158 [1] : vector<400x16xi32> to vector<400xi32>
      %broadcast_in_dim3A_160 = vector.shape_cast %reduce_min3A_159 : vector<400xi32> to vector<400x1xi32>
      %eq3A_161 = vector.broadcast %broadcast_in_dim3A_160 : vector<400x1xi32> to vector<400x16xi32>
      %eq3A_162 = arith.cmpi eq, %iota3A_109, %eq3A_161 : vector<400x16xi32>
      %jit3A_163 = arith.constant 0 : i32
      %broadcast_in_dim3A_164 = vector.broadcast %jit3A_163 : i32 to vector<400x16xi32>
      %select_n3A_165 = arith.select %eq3A_162, %get3A_108, %broadcast_in_dim3A_164 : vector<400x16xi1>, vector<400x16xi32>
      %reduce_sum3A_166 = arith.constant dense<0> : vector<400xi32>
      %reduce_sum3A_167 = vector.multi_reduction <add>, %select_n3A_165, %reduce_sum3A_166 [1] : vector<400x16xi32> to vector<400xi32>
      %broadcast_in_dim3A_168 = vector.shape_cast %reduce_sum3A_167 : vector<400xi32> to vector<400x1xi32>
      %concatenate3A_169 = tpu.concatenate %broadcast_in_dim3A_112, %broadcast_in_dim3A_132, %broadcast_in_dim3A_153 in 1 : vector<400x1xf32>, vector<400x1xf32>, vector<400x1xf32> -> vector<400x3xf32>
      %swap3A = arith.constant 0 : index
      %swap3A_170 = arith.constant 0 : index
      %swap3A_171 = vector.load %arg4[%swap3A, %swap3A_170] : memref<400x8xf32, #tpu.memory_space<vmem>>, vector<400x3xf32>
      tpu.vector_store %arg4[%swap3A, %swap3A_170], %concatenate3A_169 {strides = array<i32>} : memref<400x8xf32, #tpu.memory_space<vmem>>, vector<400x3xf32>,
      %broadcast_in_dim3A_172 = arith.constant 1.000000e+00 : f32
      %broadcast_in_dim3A_173 = vector.broadcast %broadcast_in_dim3A_172 : f32 to vector<400x5xf32>
      %swap3A_174 = arith.constant 0 : index
      %swap3A_175 = arith.constant 3 : index
      %swap3A_176 = vector.load %arg4[%swap3A_174, %swap3A_175] : memref<400x8xf32, #tpu.memory_space<vmem>>, vector<400x5xf32>
      tpu.vector_store %arg4[%swap3A_174, %swap3A_175], %broadcast_in_dim3A_173 {strides = array<i32>} : memref<400x8xf32, #tpu.memory_space<vmem>>, vector<400x5xf32>,
      %concatenate3A_177 = tpu.concatenate %broadcast_in_dim3A_126, %broadcast_in_dim3A_147, %broadcast_in_dim3A_168 in 1 : vector<400x1xi32>, vector<400x1xi32>, vector<400x1xi32> -> vector<400x3xi32>
      %swap3A_178 = arith.constant 0 : index
      %swap3A_179 = arith.constant 0 : index
      %swap3A_180 = vector.load %arg5[%swap3A_178, %swap3A_179] : memref<400x8xi32, #tpu.memory_space<vmem>>, vector<400x3xi32>
      tpu.vector_store %arg5[%swap3A_178, %swap3A_179], %concatenate3A_177 {strides = array<i32>} : memref<400x8xi32, #tpu.memory_space<vmem>>, vector<400x3xi32>,
      %broadcast_in_dim3A_181 = arith.constant 0 : i32
      %broadcast_in_dim3A_182 = vector.broadcast %broadcast_in_dim3A_181 : i32 to vector<400x5xi32>
      %swap3A_183 = arith.constant 0 : index
      %swap3A_184 = arith.constant 3 : index
      %swap3A_185 = vector.load %arg5[%swap3A_183, %swap3A_184] : memref<400x8xi32, #tpu.memory_space<vmem>>, vector<400x5xi32>
      tpu.vector_store %arg5[%swap3A_183, %swap3A_184], %broadcast_in_dim3A_182 {strides = array<i32>} : memref<400x8xi32, #tpu.memory_space<vmem>>, vector<400x5xi32>,
    } else {
    }
    return
  }
  func.func @transform_0(%arg0: i32, %arg1: i32) -> (i32, i32) {
    %c0_i32 = arith.constant 0 : i32
    %c0_i32_0 = arith.constant 0 : i32
    return %arg0, %c0_i32 : i32, i32
  }
  func.func @transform_1(%arg0: i32, %arg1: i32) -> (i32, i32, i32) {
    %c0_i32 = arith.constant 0 : i32
    %c0_i32_0 = arith.constant 0 : i32
    %c0_i32_1 = arith.constant 0 : i32
    return %arg1, %c0_i32, %c0_i32_0 : i32, i32, i32
  }
  func.func @transform_2(%arg0: i32, %arg1: i32) -> (i32, i32) {
    %c0_i32 = arith.constant 0 : i32
    %c0_i32_0 = arith.constant 0 : i32
    return %arg0, %c0_i32 : i32, i32
  }
  func.func @transform_3(%arg0: i32, %arg1: i32) -> (i32, i32) {
    %c0_i32 = arith.constant 0 : i32
    %c0_i32_0 = arith.constant 0 : i32
    return %arg0, %c0_i32 : i32, i32
  }
}

module attributes {stable_mosaic.version = 14 : i64} {
  func.func @_interp_kernel(%arg0: i32, %arg1: memref<1000x3x144xf32, #tpu.memory_space<vmem>>, %arg2: memref<1000x8xf32, #tpu.memory_space<vmem>>, %arg3: memref<1000x144xf32, #tpu.memory_space<vmem>>) attributes {dimension_semantics = [#tpu.dimension_semantics<arbitrary>], iteration_bounds = array<i64: 10>, scalar_prefetch = 0 : i64, scratch_operands = 0 : i64, tpu.core_type = #tpu.core_type<tc>, window_params = [{transform_indices = @transform_0, window_bounds = array<i64: 1000, 3, 144>}, {transform_indices = @transform_1, window_bounds = array<i64: 1000, 8>}, {transform_indices = @transform_2, window_bounds = array<i64: 1000, 144>}]} {
    %get3A = arith.constant 0 : index
    %get3A_0 = arith.constant 0 : index
    %get3A_1 = vector.load %arg2[%get3A, %get3A_0] : memref<1000x8xf32, #tpu.memory_space<vmem>>, vector<1000x3xf32>
    %jit3A = arith.constant 1.000000e-16 : f32
    %max3A = vector.broadcast %jit3A : f32 to vector<1000x3xf32>
    %max3A_2 = arith.maximumf %max3A, %get3A_1 : vector<1000x3xf32>
    %div3A = arith.constant 1.000000e+00 : f32
    %div3A_3 = vector.broadcast %div3A : f32 to vector<1000x3xf32>
    %div3A_4 = arith.divf %div3A_3, %max3A_2 : vector<1000x3xf32>
    %slice3A = vector.extract_strided_slice %div3A_4 {offsets = [0, 0], sizes = [1000, 1], strides = [1, 1]} : vector<1000x3xf32> to vector<1000x1xf32>
    %get3A_5 = arith.constant 0 : index
    %get3A_6 = arith.constant 0 : index
    %get3A_7 = arith.constant 0 : index
    %get3A_8 = vector.load %arg1[%get3A_5, %get3A_6, %get3A_7] : memref<1000x3x144xf32, #tpu.memory_space<vmem>>, vector<1000x1x128xf32>
    %get3A_9 = vector.shape_cast %get3A_8 : vector<1000x1x128xf32> to vector<1000x128xf32>
    %mul3A = vector.broadcast %slice3A : vector<1000x1xf32> to vector<1000x128xf32>
    %mul3A_10 = arith.mulf %mul3A, %get3A_9 : vector<1000x128xf32>
    %slice3A_11 = vector.extract_strided_slice %div3A_4 {offsets = [0, 1], sizes = [1000, 1], strides = [1, 1]} : vector<1000x3xf32> to vector<1000x1xf32>
    %get3A_12 = arith.constant 0 : index
    %get3A_13 = arith.constant 1 : index
    %get3A_14 = arith.constant 0 : index
    %get3A_15 = vector.load %arg1[%get3A_12, %get3A_13, %get3A_14] : memref<1000x3x144xf32, #tpu.memory_space<vmem>>, vector<1000x1x128xf32>
    %get3A_16 = vector.shape_cast %get3A_15 : vector<1000x1x128xf32> to vector<1000x128xf32>
    %mul3A_17 = vector.broadcast %slice3A_11 : vector<1000x1xf32> to vector<1000x128xf32>
    %mul3A_18 = arith.mulf %mul3A_17, %get3A_16 : vector<1000x128xf32>
    %add3A = arith.addf %mul3A_10, %mul3A_18 : vector<1000x128xf32>
    %slice3A_19 = vector.extract_strided_slice %div3A_4 {offsets = [0, 2], sizes = [1000, 1], strides = [1, 1]} : vector<1000x3xf32> to vector<1000x1xf32>
    %get3A_20 = arith.constant 0 : index
    %get3A_21 = arith.constant 2 : index
    %get3A_22 = arith.constant 0 : index
    %get3A_23 = vector.load %arg1[%get3A_20, %get3A_21, %get3A_22] : memref<1000x3x144xf32, #tpu.memory_space<vmem>>, vector<1000x1x128xf32>
    %get3A_24 = vector.shape_cast %get3A_23 : vector<1000x1x128xf32> to vector<1000x128xf32>
    %mul3A_25 = vector.broadcast %slice3A_19 : vector<1000x1xf32> to vector<1000x128xf32>
    %mul3A_26 = arith.mulf %mul3A_25, %get3A_24 : vector<1000x128xf32>
    %add3A_27 = arith.addf %add3A, %mul3A_26 : vector<1000x128xf32>
    %slice3A_28 = vector.extract_strided_slice %div3A_4 {offsets = [0, 0], sizes = [1000, 1], strides = [1, 1]} : vector<1000x3xf32> to vector<1000x1xf32>
    %slice3A_29 = vector.extract_strided_slice %div3A_4 {offsets = [0, 1], sizes = [1000, 1], strides = [1, 1]} : vector<1000x3xf32> to vector<1000x1xf32>
    %add3A_30 = arith.addf %slice3A_28, %slice3A_29 : vector<1000x1xf32>
    %slice3A_31 = vector.extract_strided_slice %div3A_4 {offsets = [0, 2], sizes = [1000, 1], strides = [1, 1]} : vector<1000x3xf32> to vector<1000x1xf32>
    %add3A_32 = arith.addf %add3A_30, %slice3A_31 : vector<1000x1xf32>
    %div3A_33 = vector.broadcast %add3A_32 : vector<1000x1xf32> to vector<1000x128xf32>
    %div3A_34 = arith.divf %add3A_27, %div3A_33 : vector<1000x128xf32>
    %swap3A = arith.constant 0 : index
    %swap3A_35 = arith.constant 0 : index
    %swap3A_36 = vector.load %arg3[%swap3A, %swap3A_35] : memref<1000x144xf32, #tpu.memory_space<vmem>>, vector<1000x128xf32>
    tpu.vector_store %arg3[%swap3A, %swap3A_35], %div3A_34 {strides = array<i32>} : memref<1000x144xf32, #tpu.memory_space<vmem>>, vector<1000x128xf32>,
    %broadcast_in_dim3A = arith.constant 1.000000e+00 : f32
    %broadcast_in_dim3A_37 = vector.broadcast %broadcast_in_dim3A : f32 to vector<1000x16xf32>
    %swap3A_38 = arith.constant 0 : index
    %swap3A_39 = arith.constant 128 : index
    %swap3A_40 = vector.load %arg3[%swap3A_38, %swap3A_39] : memref<1000x144xf32, #tpu.memory_space<vmem>>, vector<1000x16xf32>
    tpu.vector_store %arg3[%swap3A_38, %swap3A_39], %broadcast_in_dim3A_37 {strides = array<i32>} : memref<1000x144xf32, #tpu.memory_space<vmem>>, vector<1000x16xf32>,
    return
  }
  func.func @transform_0(%arg0: i32) -> (i32, i32, i32) {
    %c0_i32 = arith.constant 0 : i32
    %c0_i32_0 = arith.constant 0 : i32
    %c0_i32_1 = arith.constant 0 : i32
    return %arg0, %c0_i32, %c0_i32_0 : i32, i32, i32
  }
  func.func @transform_1(%arg0: i32) -> (i32, i32) {
    %c0_i32 = arith.constant 0 : i32
    %c0_i32_0 = arith.constant 0 : i32
    return %arg0, %c0_i32 : i32, i32
  }
  func.func @transform_2(%arg0: i32) -> (i32, i32) {
    %c0_i32 = arith.constant 0 : i32
    %c0_i32_0 = arith.constant 0 : i32
    return %arg0, %c0_i32 : i32, i32
  }
}

</mosaic_0001>

<sc_bundles>
// kernel: kernel.14.cloned.1.call-start
scs
__scs_entry_jumppad:
0x0: {  	(pc) =	sbr.rel $0x88, $3  }
0x1: {  	(tag) =	ssettag $0x0;
	lr =	simm.s32 $0x1  }
0x2: {  	[smem:$0x3F94] =	sst lr;
	_ =	strace $0xD0000000  }
0x3: {  	_ = 	snop  }
0x4: {  	_ = 	snop  }
0x5: {  	_ = 	snop  }
0x6: {  	_ = 	snop  }
0x7: {  	_ = 	snop  }
__scs_overlays_trampoline_lowered:
0x8: {  	[smem:$0x3FA3] =	sst s0  }
0x9: {  	[smem:$0x3FA4] =	sst s1  }
0xa: {  	[smem:$0x3FA5] =	sst s2  }
0xb: {  	[smem:$0x3FA6] =	sst s3  }
0xc: {  	[smem:$0x3FA7] =	sst s4  }
0xd: {  	[smem:$0x3FA8] =	sst s5  }
0xe: {  	[smem:$0x3FA9] =	sst s6  }
0xf: {  	[smem:$0x3FAA] =	sst s7  }
0x10: {  	[smem:$0x3FAB] =	sst s8  }
0x11: {  	[smem:$0x3FAC] =	sst s9;
	s0 =	simm.s32 @!p0 $0x0  }
0x12: {  	s1 =	sld [smem:$0x3F92];
	s0 =	simm.s32 @p0 $0x1  }
0x13: {  	[smem:$0x3FAD] =	sst s0;
	s0 =	simm.s32 @!p1 $0x0  }
0x14: {  	s2 =	sld [smem:$0x3F91];
	s0 =	simm.s32 @p1 $0x1  }
0x15: {  	[smem:$0x3FAE] =	sst s0;
	s0 =	simm.s32 @!p2 $0x0  }
0x16: {  	s3 =	sld [smem:$0x3FDB];
	s0 =	simm.s32 @p2 $0x1  }
0x17: {  	s4 =	simm.s32 $0x1BF5;
	[smem:$0x3FB0] =	sst s0  }
0x18: {  	s0 =	sld [smem:$0x3F93];
	_ =	swait.ge [sflag:s4], $0x0  }
0x19: {  	s7 =	sld [smem:$0x3F94]  }
0x1a: {  	s8 =	sadd.s32 $0xFFFFE003, lr  }
0x1b: {  	s9 =	sadd.s32 $0xFFFFFEF7, lr;
	s5 =	simm.s32 $0xFFFFFFFF;
	p2 =	slt.u32 s8, $0xFFFFF086  }
0x1c: {  	p1 =	slt.u32 s9, $0xF7A;
	s5 =	simm.s32 @!p2 $0x0  }
0x1d: {  	s5 =	simm.s32 @p1 $0x1;
	p0 =	seq.s32 s7, s2  }
0x1e: {  	s7 =	smul.u32 @!p0 $0xF7A, s2;
	p2 =	seq.s32 @!p0 s5, $0x0  }
0x1f: {  	s9 =	smul.u32 $0xF7A, s1;
	s8 =	simm.s32 @!p0 $0x1BF5;
	p2 =	por !p2, p0  }
0x20: {  	[sflag:s8] =	ssyncset.s32 @!p0 $0xFFFFF086;
	s6 =	sadd.s32 @!p0 s3, s7;
	s7 =	simm.s32 @!p0 $0x108  }
0x21: {  	s3 =	sadd.s32 s3, s9;
	s6 =	sadd.s32 @!p0 $0x88, s6;
	s7 =	simm.s32 @p2 $0x1082  }
0x22: {  	[simem:s7], [sflag:s8] =	dma.local @!p0 [hbm:s6], $0xF7A  }
0x23: {  	s9 =	sor.u32 $0xD0000000, s2;
	s6 =	simm.s32 $0x108;
	_ =	swait.ge @!p0 [sflag:s8], $0x0  }
0x24: {  	s3 =	sadd.s32 $0x88, s3;
	s6 =	simm.s32 @!p1 $0x1082;
	[sflag:s4] =	ssyncset.s32 $0xFFFFF086  }
0x25: {  	[simem:s6], [sflag:s4] =	dma.local [hbm:s3], $0xF7A  }
0x26: {  	[smem:$0x3F94] =	sst s1;
	(tag) =	ssettag s2;
	_ =	strace s9  }
0x27: {  	s1 =	sld [smem:$0x3FA4]  }
0x28: {  	s2 =	sld [smem:$0x3FA5]  }
0x29: {  	s4 =	sld [smem:$0x3FA7]  }
0x2a: {  	p0 =	seq.s32 s5, $0x0;
	s5 =	sld [smem:$0x3FA8]  }
0x2b: {  	s6 =	sld [smem:$0x3FA9]  }
0x2c: {  	s7 =	sld [smem:$0x3FAA]  }
0x2d: {  	s3 =	simm.s32 $0x108;
	s8 =	sld [smem:$0x3FAB]  }
0x2e: {  	s3 =	simm.s32 @!p0 $0x1082;
	s9 =	sld [smem:$0x3FAC]  }
0x2f: {  	lr =	sadd.s32 s0, s3;
	s0 =	sld [smem:$0x3FA3]  }
0x30: {  	s3 =	sld [smem:$0x3FA6]  }
0x31: {  	[smem:$0x3FAF] =	sst s10  }
0x32: {  	s10 =	sld [smem:$0x3FAD];
	_ =	sdelay $0x3  }
0x33: {  	p0 =	seq.s32 s10, $0x1;
	s10 =	sld [smem:$0x3FAF];
	_ =	sdelay $0x3  }
0x34: {  	[smem:$0x3FAF] =	sst s10  }
0x35: {  	s10 =	sld [smem:$0x3FAE];
	_ =	sdelay $0x3  }
0x36: {  	p1 =	seq.s32 s10, $0x1;
	s10 =	sld [smem:$0x3FAF];
	_ =	sdelay $0x3  }
0x37: {  	[smem:$0x3FAF] =	sst s10  }
0x38: {  	s10 =	sld [smem:$0x3FB0]  }
0x39: {  	_ = 	snop;
	(pc) =	sbr.ind lr, $3  }
0x3a: {  	_ = 	snop  }
0x3b: {  	_ = 	snop  }
0x3c: {  	p2 =	seq.s32 s10, $0x1;
	s10 =	sld [smem:$0x3FAF]  }
0x3d: {  	_ =	shalt  }
0x3e: {  	_ =	shalt  }
0x3f: {  	_ =	shalt  }
0x40: {  	_ =	shalt  }
0x41: {  	_ =	shalt  }
0x42: {  	_ =	shalt  }
0x43: {  	_ =	shalt  }
0x44: {  	_ =	shalt  }
0x45: {  	_ =	shalt  }
0x46: {  	_ =	shalt  }
0x47: {  	_ =	shalt  }
0x48: {  	_ =	shalt  }
0x49: {  	_ =	shalt  }
0x4a: {  	_ =	shalt  }
0x4b: {  	_ =	shalt  }
0x4c: {  	_ =	shalt  }
0x4d: {  	_ =	shalt  }
0x4e: {  	_ =	shalt  }
0x4f: {  	_ =	shalt  }
0x50: {  	_ =	shalt  }
0x51: {  	_ =	shalt  }
0x52: {  	_ =	shalt  }
0x53: {  	_ =	shalt  }
0x54: {  	_ =	shalt  }
0x55: {  	_ =	shalt  }
0x56: {  	_ =	shalt  }
0x57: {  	_ =	shalt  }
0x58: {  	_ =	shalt  }
0x59: {  	_ =	shalt  }
0x5a: {  	_ =	shalt  }
0x5b: {  	_ =	shalt  }
0x5c: {  	_ =	shalt  }
0x5d: {  	_ =	shalt  }
0x5e: {  	_ =	shalt  }
0x5f: {  	_ =	shalt  }
0x60: {  	_ =	shalt  }
0x61: {  	_ =	shalt  }
0x62: {  	_ =	shalt  }
0x63: {  	_ =	shalt  }
0x64: {  	_ =	shalt  }
0x65: {  	_ =	shalt  }
0x66: {  	_ =	shalt  }
0x67: {  	_ =	shalt  }
0x68: {  	_ =	shalt  }
0x69: {  	_ =	shalt  }
0x6a: {  	_ =	shalt  }
0x6b: {  	_ =	shalt  }
0x6c: {  	_ =	shalt  }
0x6d: {  	_ =	shalt  }
0x6e: {  	_ =	shalt  }
0x6f: {  	_ =	shalt  }
0x70: {  	_ =	shalt  }
0x71: {  	_ =	shalt  }
0x72: {  	_ =	shalt  }
0x73: {  	_ =	shalt  }
0x74: {  	_ =	shalt  }
0x75: {  	_ =	shalt  }
0x76: {  	_ =	shalt  }
0x77: {  	_ =	shalt  }
0x78: {  	_ =	shalt  }
0x79: {  	_ =	shalt  }
0x7a: {  	_ =	shalt  }
0x7b: {  	_ =	shalt  }
0x7c: {  	_ =	shalt  }
0x7d: {  	_ =	shalt  }
0x7e: {  	_ =	shalt  }
0x7f: {  	_ =	shalt  }
0x80: {  	_ =	shalt  }
0x81: {  	_ =	shalt  }
0x82: {  	_ =	shalt  }
0x83: {  	_ =	shalt  }
0x84: {  	_ =	shalt  }
0x85: {  	_ =	shalt  }
0x86: {  	_ =	shalt  }
0x87: {  	_ =	shalt  }
.Lfunc_end0:
.L_simem_size_0:
called_computation_lowered:
.L_overlay_start_0:
0x88: {  	s2 =	sld [smem:$0x3FD9]  }
0x89: {  	s3 =	sld [smem:$0x3FFE];
	_ =	sdelay $0x1  }
0x8a: {  	s1 =	srdreg.scid  }
0x8b: {  	s0 =	sand.u32 $0x1, s1  }
0x8c: {  	s16 =	sshll.u32 s0, $0xA;
	s2 =	sadd.s32 s3, s2  }
0x8d: {  	s2 =	sadd.s32 s2, s16  }
0x8e: {  	[smem:$0x3FBB] =	sst s2  }
0x8f: {  	_ = 	snop  }
0x90: {  	(tm) =	ssettm $0x1  }
0x91: {  	s17 =	sld [smem:$0x3FFB];
	_ =	sdelay $0x3  }
0x92: {  	_ =	strace s17  }
0x93: {  	s2 =	sld [smem:$0x3FFC];
	_ =	sdelay $0x3  }
0x94: {  	_ =	strace s2  }
0x95: {  	s2 =	sld [smem:$0x3FFD];
	_ =	sdelay $0x3  }
0x96: {  	_ =	strace s2  }
0x97: {  	_ =	strace $0x8FFFFFFF  }
0x98: {  	s18 =	sld [smem:$0x3FDB];
	_ =	sdelay $0x1  }
0x99: {  	s19 =	simm.s32 $_scs_section_size  }
0x9a: {  	s4 =	simm.s32 $_size__tile_overlayer_lowered;
	s5 =	simm.s32 $_tile_overlayer_lowered  }
0x9b: {  	s22 =	simm.s32 $0x1BFF;
	s21 =	sshll.u32 s5, $0x1;
	s2 =	sadd.s32 s19, s18  }
0x9c: {  	s6 =	simm.s32 $0x0;
	s20 =	sshll.u32 s4, $0x1;
	s4 =	sadd.s32 s21, s2  }
0x9d: {  	[timem:s6], [sflag:s22] =	dma.local [hbm:s4], s20  }
0x9e: {  	_ =	swait.ge [sflag:s22], s20  }
0x9f: {  	s3 =	ssub.s32 $0x0, s20;
	[sflag:s22] =	ssyncset.done $0x0  }
0xa0: {  	[sflag:s22] =	ssyncadd.s32 s3;
	_ =	sdelay $0x1  }
0xa1: {  	s23 =	simm.s32 $0x1B8B  }
0xa2: {  	_ =	swait.ge [sflag:s23], $0x1  }
0xa3: {  	[sflag:s23] =	ssyncset.done $0x0  }
0xa4: {  	s25 =	simm.s32 $0x1B8E;
	s24 =	sld [smem:$0x3FFE];
	[sflag:s23] =	ssyncadd.s32 $0xFFFFFFFF  }
0xa5: {  	s26 =	simm.s32 $execute0_lowered;
	[smem:$0x3FD2] =	sst s25  }
0xa6: {  	s4 =	sshll.u32 s26, $0x1;
	_ =	strace $0x80000046;
	[dreg:$0x1] =	wrdreg $0xFFFFFFFF  }
0xa7: {  	s28 =	simm.s32 $_size_execute0_lowered;
	s2 =	sadd.s32 s2, s4;
	[dreg:$0x0] =	wrdreg $0x0  }
0xa8: {  	s4 =	sshll.u32 s28, $0x1;
	[dreg:$0x2] =	wrdreg s2  }
0xa9: {  	[dreg:$0x3] =	wrdreg s4  }
0xaa: {  	[dreg:$0x4] =	wrdreg $0xC0  }
0xab: {  	_ =	task [dreg:s6], $0x5FFFF  }
0xac: {  	[dreg:$0x1] =	wrdreg $0xFFFFFFFF  }
0xad: {  	[dreg:$0x0] =	wrdreg $0x60  }
0xae: {  	[dreg:$0x2] =	wrdreg s24  }
0xaf: {  	[dreg:$0x3] =	wrdreg $0x92000  }
0xb0: {  	[dreg:$0x4] =	wrdreg $0x9  }
0xb1: {  	_ =	task.clear_ibuf [dreg:s6], $0x5FFFF;
	_ =	strace $0x90000046  }
0xb2: {  	s29 =	simm.s32 $0x9;
	_ =	strace $0x80000048  }
0xb3: {  	_ =	swait.ge [sflag:s29], $0x1  }
0xb4: {  	[sflag:s29] =	ssyncadd.s32 $0xFFFFFFFF  }
0xb5: {  	_ =	strace $0x90000048  }
0xb6: {  	_ =	sfence  }
0xb7: {  	s30 =	sld [smem:$0x0];
	_ =	sdelay $0x2  }
0xb8: {  	s31 =	sshll.u32 s1, $0xD;
	s1 =	sshrl.u32 s1, $0x2  }
0xb9: {  	s3 =	sand.u32 $0x4000, s31;
	s1 =	sadd.s32 s1, s30  }
0xba: {  	s0 =	sor.u32 s3, s0;
	s1 =	sshll.u32 s1, $0x11  }
0xbb: {  	s0 =	sor.u32 s1, s0  }
0xbc: {  	s0 =	sadd.s32 $0x8F2B, s0  }
0xbd: {  	[sflag:s0] =	ssyncadd.remote.s32 $0x1  }
0xbe: {  	_ =	sfence.sel $0xFFFF  }
0xbf: {  	[dreg:$0x0] =	wrdreg $0xFFFFFFFF;
	(pc) =	sbr.abs _section_cstart, $3  }
0xc0: {  	[dreg:$0x1] =	wrdreg $0xFFFFFFFF  }
0xc1: {  	_ =	task.clear_ibuf [dreg:s6], $0x2FFFF;
	_ =	strace $0x9FFFFFFF  }
0xc2: {  	(tm) =	ssettm $0x7FFFFFFF  }
0xc3: {  	_ =	shalt  }
tec
execute0_lowered:
.L_overlay_start_1:
0x0: {  	(tag) =	ssettag $0x1  }
0x1: {  	s6 =	rddreg [dreg:$0x0]  }
0x2: {  	s1 =	rddreg [dreg:$0x1];
	s2 =	simm.s32 $0x0  }
0x3: {  	s5 =	srdreg.scid;
	s0 =	stileid.u32;
	s17 =	simm.s32 $0x100  }
0x4: {  	s18 =	simm.s32 $0x80;
	s19 =	simm.s32 $0x180;
	s20 =	simm.s32 $0x1  }
0x5: {  	s21 =	simm.s32 $0x200;
	s22 =	simm.s32 $0x4A00;
	s23 =	simm.s32 $0x2  }
0x6: {  	s24 =	simm.s32 $0x3;
	s28 =	simm.s32 $0x0;
	[smem:$0x7FF] =	sst s2  }
0x7: {  	s4 =	sadd.s32 $0x2A00, s6;
	s14 =	sadd.s32 $0x38800, s6;
	s13 =	sadd.s32 $0x2EA00, s6  }
0x8: {  	s8 =	sand.u32 $0x1, s5;
	s5 =	sadd.s32 $0x42600, s6;
	s9 =	smul.u32 $0x16380, s0  }
0x9: {  	s10 =	sadd.s32 $0x45400, s6;
	s29 =	sshll.u32 s0, $0x6;
	s15 =	smul.u32 $0x760, s0  }
0xa: {  	s16 =	smul.u32 $0x280, s0;
	s25 =	sadd.s32 $0x14D480, s1;
	p1 =	seq.s32 s0, $0xF  }
0xb: {  	_ =	strace $0x80000047;
	s7 =	ssub.s32 $0x2, s8;
	s11 =	smul.u32 $0x15F900, s8  }
0xc: {  	p0 =	seq.s32 s8, $0x1;
	s25 =	sshrl.u32 @p1 s25, $0x3;
	s26 =	sshrl.u32 s7, $0x1  }
0xd: {  	s6 =	sadd.s32 s9, s1;
	s12 =	ssub.s32 s7, s26;
	s7 =	sor.u32 $0x1C05, s29  }
.Ltmp0:
0xe: {  	s30 =	sadd.s32 s9, s11;
	s31 =	sshrl.u32 s11, $0x3;
	(pc) =	sbr.rel .LBB2_1-.Ltmp0, $4  }
0xf: {  	s11 =	sadd.s32 s15, s14;
	s14 =	sadd.s32 s16, s14;
	s8 =	sshrl.u32 s30, $0x3  }
0x10: {  	s26 =	simm.s32 $0x4;
	s9 =	sadd.s32 s10, s31;
	s8 =	sadd.s32 s10, s8  }
0x11: {  	s9 =	sadd.s32 $0x29A90, s9;
	s10 =	smax.u32 s12, $0x1;
	s12 =	sadd.s32 s15, s13  }
0x12: {  	s13 =	sadd.s32 s16, s13;
	s15 =	sshrl.u32 s6, $0x3;
	s16 =	simm.s32 $0x5  }
.LBB2_7:
0x13: {  	s0 =	sadd.s32 $0x7880, s31;
	s3 =	sadd.s32 s29, s13;
	[sflag:s26] =	ssyncadd.s32 $0xFFFFB800  }
0x14: {  	[tilespmem:s2], [sflag:$0x1] =	stream.linear.gather [hbm4b:s0+s2], $0x80, $0x38;
	[tilespmem:$0x1F580] =	vst v63  }
0x15: {  	s29 =	sadd.s32 $0x7880, s3  }
0x16: {  	[tilespmem:s17], [sflag:$0x1] =	stream.linear.gather [hbm4b:s29+s2], $0x80, $0x38;
	[tilespmem:$0x1F580] =	vst v63  }
0x17: {  	s30 =	sadd.s32 $0x7890, s31  }
0x18: {  	[tilespmem:s18], [sflag:$0x1] =	stream.linear.gather [hbm4b:s30+s2], $0x80, $0x38;
	[tilespmem:$0x1F580] =	vst v63  }
0x19: {  	s31 =	sadd.s32 $0x7890, s3  }
0x1a: {  	[tilespmem:s19], [sflag:$0x1] =	stream.linear.gather [hbm4b:s31+s2], $0x80, $0x38;
	[tilespmem:$0x1F580] =	vst v63  }
0x1b: {  	_ =	swait.ge [sflag:s20], $0x80  }
0x1c: {  	[sflag:s20] =	ssyncset.done $0x0  }
0x1d: {  	[sflag:s20] =	ssyncadd.s32 $0xFFFFFF80  }
0x1e: {  	_ =	swait.ge [sflag:s20], $0x80  }
0x1f: {  	[sflag:s20] =	ssyncset.done $0x0  }
0x20: {  	[sflag:s20] =	ssyncadd.s32 $0xFFFFFF80  }
0x21: {  	_ =	swait.ge [sflag:s20], $0x80  }
0x22: {  	[sflag:s20] =	ssyncset.done $0x0  }
0x23: {  	[sflag:s20] =	ssyncadd.s32 $0xFFFFFF80  }
0x24: {  	_ =	swait.ge [sflag:s20], $0x80  }
0x25: {  	[sflag:s20] =	ssyncset.done $0x0  }
0x26: {  	[sflag:s20] =	ssyncadd.s32 $0xFFFFFF80  }
0x27: {  	[tilespmem:s21], [sflag:$0x2] =	stream.indirect.gather [hbm4b:s4+s18], $0x90, s2, s18, $0xb8;
	[tilespmem:$0x1F580] =	vst v63  }
0x28: {  	_ = 	snop  }
0x29: {  	[tilespmem:s22], [sflag:$0x3] =	stream.indirect.gather [hbm4b:s4+s18], $0x90, s18, s18, $0xb8;
	[tilespmem:$0x1F580] =	vst v63  }
0x2a: {  	_ =	swait.ge [sflag:s23], $0x4800  }
0x2b: {  	[sflag:s23] =	ssyncset.done $0x0  }
0x2c: {  	[sflag:s23] =	ssyncadd.s32 $0xFFFFB800  }
0x2d: {  	[spmem:s1] =	stream.indirect.scatter.add.f32 [tilespmem:s21], [sflag:$0x4], $0x90, s17, s18, $0xb8;
	[tilespmem:$0x1F580] =	vst v63  }
0x2e: {  	_ =	swait.ge [sflag:s24], $0x4800  }
0x2f: {  	[sflag:s24] =	ssyncset.done $0x0  }
0x30: {  	[sflag:s24] =	ssyncadd.s32 $0xFFFFB800  }
0x31: {  	[spmem:s1] =	stream.indirect.scatter.add.f32 [tilespmem:s22], [sflag:$0x4], $0x90, s19, s18, $0xb8;
	[tilespmem:$0x1F580] =	vst v63  }
0x32: {  	_ =	swait.ge [sflag:s26], $0x4800  }
0x33: {  	[sflag:s26] =	ssyncset.done $0x0  }
0x34: {  	[sflag:s26] =	ssyncadd.s32 $0xFFFFB800  }
0x35: {  	_ =	swait.ge [sflag:s26], $0x4800  }
0x36: {  	[sflag:s26] =	ssyncset.done $0x0  }
0x37: {  	[sflag:s26] =	ssyncadd.s32 $0xFFFFB800  }
.LBB2_8:
0x38: {  	[bflag:$0x0] =	sbarrier.arrive $0xFFFF;
	s0 =	simm.s32 @p1 $0x5  }
0x39: {  	[hbm:s9], [sflag:s7] =	dma.local @p1 [spmem:s25], $0x2490  }
0x3a: {  	_ =	swait.ge @p1 [sflag:s0], $0x2490  }
0x3b: {  	s28 =	sadd.s32 $0x1, s28;
	[sflag:s0] =	ssyncset.done @p1 $0x0  }
0x3c: {  	p2 =	sne.s32 s28, s10;
	[sflag:s0] =	ssyncadd.s32 @p1 $0xFFFFDB70;
	s0 =	sshrl.u32 @!p1 s6, $0x3  }
0x3d: {  	[hbm:s8], [sflag:s7] =	dma.local @!p1 [spmem:s0], $0x2C70  }
.Ltmp1:
0x3e: {  	_ = 	snop;
	(pc) =	sbr.rel @!p2 .LBB2_9-.Ltmp1, $4  }
0x3f: {  	s0 =	simm.s32 @!p1 $0x5  }
0x40: {  	_ =	swait.ge @!p1 [sflag:s0], $0x2C70  }
0x41: {  	[sflag:s0] =	ssyncset.done @!p1 $0x0  }
0x42: {  	[sflag:s0] =	ssyncadd.s32 @!p1 $0xFFFFD390  }
.LBB2_1:
0x43: {  	[spmem:s15], [sflag:s7] =	dma.local [hbm:s5], $0x2C70  }
.Ltmp2:
0x44: {  	_ =	swait.ge [sflag:s16], $0x2C70;
	(pc) =	sbr.rel @!p0 .LBB2_2-.Ltmp2, $3  }
0x45: {  	[sflag:s16] =	ssyncset.done $0x0  }
0x46: {  	[sflag:s16] =	ssyncadd.s32 $0xFFFFD390  }
0x47: {  	[bflag:$0x0] =	sbarrier.arrive $0xFFFF;
	_ =	sdelay $0x1  }
0x48: {  	s0 =	sadd.s32 $0xFFFFFD80, s14  }
0x49: {  	s29 =	sadd.s32 $0xFFFFFD80, s13;
	s3 =	sadd.s32 $0x7880, s0  }
0x4a: {  	[tilespmem:s2], [sflag:$0x1] =	stream.linear.gather [hbm4b:s3+s2], $0x80, $0x38;
	[tilespmem:$0x1F580] =	vst v63  }
0x4b: {  	s3 =	sadd.s32 $0x7880, s29  }
0x4c: {  	[tilespmem:s17], [sflag:$0x1] =	stream.linear.gather [hbm4b:s3+s2], $0x80, $0x38;
	[tilespmem:$0x1F580] =	vst v63  }
0x4d: {  	s0 =	sadd.s32 $0x7890, s0  }
0x4e: {  	[tilespmem:s18], [sflag:$0x1] =	stream.linear.gather [hbm4b:s0+s2], $0x80, $0x38;
	[tilespmem:$0x1F580] =	vst v63  }
0x4f: {  	s3 =	sadd.s32 $0x7890, s29  }
0x50: {  	[tilespmem:s19], [sflag:$0x1] =	stream.linear.gather [hbm4b:s3+s2], $0x80, $0x38;
	[tilespmem:$0x1F580] =	vst v63  }
0x51: {  	_ =	swait.ge [sflag:s20], $0x80  }
0x52: {  	[sflag:s20] =	ssyncset.done $0x0  }
0x53: {  	[sflag:s20] =	ssyncadd.s32 $0xFFFFFF80  }
0x54: {  	_ =	swait.ge [sflag:s20], $0x80  }
0x55: {  	[sflag:s20] =	ssyncset.done $0x0  }
0x56: {  	[sflag:s20] =	ssyncadd.s32 $0xFFFFFF80  }
0x57: {  	_ =	swait.ge [sflag:s20], $0x80  }
0x58: {  	[sflag:s20] =	ssyncset.done $0x0  }
0x59: {  	[sflag:s20] =	ssyncadd.s32 $0xFFFFFF80  }
0x5a: {  	_ =	swait.ge [sflag:s20], $0x80  }
0x5b: {  	[sflag:s20] =	ssyncset.done $0x0  }
0x5c: {  	[sflag:s20] =	ssyncadd.s32 $0xFFFFFF80  }
0x5d: {  	[tilespmem:s21], [sflag:$0x2] =	stream.indirect.gather [hbm4b:s4+s18], $0x90, s2, s18, $0xb8;
	[tilespmem:$0x1F580] =	vst v63  }
0x5e: {  	_ = 	snop  }
0x5f: {  	[tilespmem:s22], [sflag:$0x3] =	stream.indirect.gather [hbm4b:s4+s18], $0x90, s18, s18, $0xb8;
	[tilespmem:$0x1F580] =	vst v63  }
0x60: {  	_ =	swait.ge [sflag:s23], $0x4800  }
0x61: {  	[sflag:s23] =	ssyncset.done $0x0  }
0x62: {  	[sflag:s23] =	ssyncadd.s32 $0xFFFFB800  }
0x63: {  	[spmem:s1] =	stream.indirect.scatter.add.f32 [tilespmem:s21], [sflag:$0x4], $0x90, s17, s18, $0xb8;
	[tilespmem:$0x1F580] =	vst v63  }
0x64: {  	_ =	swait.ge [sflag:s24], $0x4800  }
0x65: {  	[sflag:s24] =	ssyncset.done $0x0  }
0x66: {  	[sflag:s24] =	ssyncadd.s32 $0xFFFFB800  }
0x67: {  	[spmem:s1] =	stream.indirect.scatter.add.f32 [tilespmem:s22], [sflag:$0x4], $0x90, s19, s18, $0xb8;
	[tilespmem:$0x1F580] =	vst v63  }
0x68: {  	_ =	swait.ge [sflag:s26], $0x4800  }
0x69: {  	[sflag:s26] =	ssyncset.done $0x0  }
0x6a: {  	[sflag:s26] =	ssyncadd.s32 $0xFFFFB800  }
0x6b: {  	s30 =	simm.s32 $0xFFFFFDC0;
	_ =	swait.ge [sflag:s26], $0x4800  }
0x6c: {  	s31 =	sadd.s32 $0xFFFFFDA0, s14;
	s29 =	simm.s32 $0xFFFFFDA0;
	[sflag:s26] =	ssyncset.done $0x0  }
.LBB2_6:
0x6d: {  	s0 =	sadd.s32 $0x7880, s31  }
0x6e: {  	s3 =	sadd.s32 s29, s13;
	[sflag:s26] =	ssyncadd.s32 $0xFFFFB800;
	s29 =	smov.u32 s30  }
0x6f: {  	[tilespmem:s2], [sflag:$0x1] =	stream.linear.gather [hbm4b:s0+s2], $0x80, $0x38;
	[tilespmem:$0x1F580] =	vst v63  }
0x70: {  	p2 =	sne.s32 s30, $0xFFFFFFE0;
	s30 =	sadd.s32 $0x20, s30;
	s0 =	sadd.s32 $0x7880, s3  }
0x71: {  	[tilespmem:s17], [sflag:$0x1] =	stream.linear.gather [hbm4b:s0+s2], $0x80, $0x38;
	[tilespmem:$0x1F580] =	vst v63  }
0x72: {  	s0 =	sadd.s32 $0x7890, s31  }
0x73: {  	[tilespmem:s18], [sflag:$0x1] =	stream.linear.gather [hbm4b:s0+s2], $0x80, $0x38;
	[tilespmem:$0x1F580] =	vst v63  }
0x74: {  	s0 =	sadd.s32 $0x7890, s3  }
0x75: {  	[tilespmem:s19], [sflag:$0x1] =	stream.linear.gather [hbm4b:s0+s2], $0x80, $0x38;
	[tilespmem:$0x1F580] =	vst v63  }
0x76: {  	_ =	swait.ge [sflag:s20], $0x80  }
0x77: {  	[sflag:s20] =	ssyncset.done $0x0  }
0x78: {  	[sflag:s20] =	ssyncadd.s32 $0xFFFFFF80  }
0x79: {  	_ =	swait.ge [sflag:s20], $0x80  }
0x7a: {  	[sflag:s20] =	ssyncset.done $0x0  }
0x7b: {  	[sflag:s20] =	ssyncadd.s32 $0xFFFFFF80  }
0x7c: {  	_ =	swait.ge [sflag:s20], $0x80  }
0x7d: {  	[sflag:s20] =	ssyncset.done $0x0  }
0x7e: {  	[sflag:s20] =	ssyncadd.s32 $0xFFFFFF80  }
0x7f: {  	_ =	swait.ge [sflag:s20], $0x80  }
0x80: {  	[sflag:s20] =	ssyncset.done $0x0  }
0x81: {  	[sflag:s20] =	ssyncadd.s32 $0xFFFFFF80  }
0x82: {  	[tilespmem:s21], [sflag:$0x2] =	stream.indirect.gather [hbm4b:s4+s18], $0x90, s2, s18, $0xb8;
	[tilespmem:$0x1F580] =	vst v63  }
0x83: {  	_ = 	snop  }
0x84: {  	[tilespmem:s22], [sflag:$0x3] =	stream.indirect.gather [hbm4b:s4+s18], $0x90, s18, s18, $0xb8;
	[tilespmem:$0x1F580] =	vst v63  }
0x85: {  	_ =	swait.ge [sflag:s23], $0x4800  }
0x86: {  	[sflag:s23] =	ssyncset.done $0x0  }
0x87: {  	[sflag:s23] =	ssyncadd.s32 $0xFFFFB800  }
0x88: {  	[spmem:s1] =	stream.indirect.scatter.add.f32 [tilespmem:s21], [sflag:$0x4], $0x90, s17, s18, $0xb8;
	[tilespmem:$0x1F580] =	vst v63  }
0x89: {  	_ =	swait.ge [sflag:s24], $0x4800  }
0x8a: {  	[sflag:s24] =	ssyncset.done $0x0  }
0x8b: {  	[sflag:s24] =	ssyncadd.s32 $0xFFFFB800  }
0x8c: {  	[spmem:s1] =	stream.indirect.scatter.add.f32 [tilespmem:s22], [sflag:$0x4], $0x90, s19, s18, $0xb8;
	[tilespmem:$0x1F580] =	vst v63  }
.Ltmp3:
0x8d: {  	_ =	swait.ge [sflag:s26], $0x4800;
	(pc) =	sbr.rel @p2 .LBB2_6-.Ltmp3, $4  }
0x8e: {  	[sflag:s26] =	ssyncset.done $0x0  }
0x8f: {  	[sflag:s26] =	ssyncadd.s32 $0xFFFFB800  }
0x90: {  	_ =	swait.ge [sflag:s26], $0x4800  }
0x91: {  	s31 =	sadd.s32 s29, s14;
	[sflag:s26] =	ssyncset.done $0x0  }
.Ltmp4:
0x92: {  	_ = 	snop;
	(pc) =	sbr.rel .LBB2_7-.Ltmp4, $1  }
0x93: {  	_ =	sdelay $0x3  }
.LBB2_2:
0x94: {  	s29 =	sadd.s32 $0x0, s11  }
0x95: {  	[tilespmem:s2], [sflag:$0x1] =	stream.linear.gather [hbm4b:s29+s2], $0x80, $0x38;
	[tilespmem:$0x1F580] =	vst v63  }
0x96: {  	s30 =	sadd.s32 $0x0, s12  }
0x97: {  	[tilespmem:s17], [sflag:$0x1] =	stream.linear.gather [hbm4b:s30+s2], $0x80, $0x38;
	[tilespmem:$0x1F580] =	vst v63  }
0x98: {  	s29 =	sadd.s32 $0x10, s29  }
0x99: {  	[tilespmem:s18], [sflag:$0x1] =	stream.linear.gather [hbm4b:s29+s2], $0x80, $0x38;
	[tilespmem:$0x1F580] =	vst v63  }
0x9a: {  	s29 =	sadd.s32 $0x10, s30  }
0x9b: {  	[tilespmem:s19], [sflag:$0x1] =	stream.linear.gather [hbm4b:s29+s2], $0x80, $0x38;
	[tilespmem:$0x1F580] =	vst v63  }
0x9c: {  	_ =	swait.ge [sflag:s20], $0x80  }
0x9d: {  	[sflag:s20] =	ssyncset.done $0x0  }
0x9e: {  	[sflag:s20] =	ssyncadd.s32 $0xFFFFFF80  }
0x9f: {  	_ =	swait.ge [sflag:s20], $0x80  }
0xa0: {  	[sflag:s20] =	ssyncset.done $0x0  }
0xa1: {  	[sflag:s20] =	ssyncadd.s32 $0xFFFFFF80  }
0xa2: {  	_ =	swait.ge [sflag:s20], $0x80  }
0xa3: {  	[sflag:s20] =	ssyncset.done $0x0  }
0xa4: {  	[sflag:s20] =	ssyncadd.s32 $0xFFFFFF80  }
0xa5: {  	_ =	swait.ge [sflag:s20], $0x80  }
0xa6: {  	[sflag:s20] =	ssyncset.done $0x0  }
0xa7: {  	[sflag:s20] =	ssyncadd.s32 $0xFFFFFF80  }
0xa8: {  	[tilespmem:s21], [sflag:$0x2] =	stream.indirect.gather [hbm4b:s4+s18], $0x90, s2, s18, $0xb8;
	[tilespmem:$0x1F580] =	vst v63  }
0xa9: {  	_ = 	snop  }
0xaa: {  	[tilespmem:s22], [sflag:$0x3] =	stream.indirect.gather [hbm4b:s4+s18], $0x90, s18, s18, $0xb8;
	[tilespmem:$0x1F580] =	vst v63  }
0xab: {  	_ =	swait.ge [sflag:s23], $0x4800  }
0xac: {  	[sflag:s23] =	ssyncset.done $0x0  }
0xad: {  	[sflag:s23] =	ssyncadd.s32 $0xFFFFB800  }
0xae: {  	[spmem:s1] =	stream.indirect.scatter.add.f32 [tilespmem:s21], [sflag:$0x4], $0x90, s17, s18, $0xb8;
	[tilespmem:$0x1F580] =	vst v63  }
0xaf: {  	_ =	swait.ge [sflag:s24], $0x4800  }
0xb0: {  	[sflag:s24] =	ssyncset.done $0x0  }
0xb1: {  	[sflag:s24] =	ssyncadd.s32 $0xFFFFB800  }
0xb2: {  	[spmem:s1] =	stream.indirect.scatter.add.f32 [tilespmem:s22], [sflag:$0x4], $0x90, s19, s18, $0xb8;
	[tilespmem:$0x1F580] =	vst v63  }
0xb3: {  	_ =	swait.ge [sflag:s26], $0x4800  }
0xb4: {  	[sflag:s26] =	ssyncset.done $0x0  }
0xb5: {  	[sflag:s26] =	ssyncadd.s32 $0xFFFFB800  }
0xb6: {  	_ =	swait.ge [sflag:s26], $0x4800  }
0xb7: {  	s31 =	simm.s32 $0x40;
	s29 =	simm.s32 $0x20;
	[sflag:s26] =	ssyncset.done $0x0  }
.LBB2_3:
0xb8: {  	s0 =	sadd.s32 s29, s11  }
0xb9: {  	[sflag:s26] =	ssyncadd.s32 $0xFFFFB800;
	s3 =	smov.u32 s31;
	s30 =	sadd.s32 $0x20, s31  }
0xba: {  	[tilespmem:s2], [sflag:$0x1] =	stream.linear.gather [hbm4b:s0+s2], $0x80, $0x38;
	[tilespmem:$0x1F580] =	vst v63  }
0xbb: {  	p2 =	seq.s32 s31, $0x740;
	s31 =	sadd.s32 s29, s12;
	s29 =	smov.u32 s3  }
0xbc: {  	[tilespmem:s17], [sflag:$0x1] =	stream.linear.gather [hbm4b:s31+s2], $0x80, $0x38;
	[tilespmem:$0x1F580] =	vst v63  }
0xbd: {  	s0 =	sadd.s32 $0x10, s0  }
0xbe: {  	[tilespmem:s18], [sflag:$0x1] =	stream.linear.gather [hbm4b:s0+s2], $0x80, $0x38;
	[tilespmem:$0x1F580] =	vst v63  }
0xbf: {  	s0 =	sadd.s32 $0x10, s31  }
0xc0: {  	[tilespmem:s19], [sflag:$0x1] =	stream.linear.gather [hbm4b:s0+s2], $0x80, $0x38;
	[tilespmem:$0x1F580] =	vst v63  }
0xc1: {  	_ =	swait.ge [sflag:s20], $0x80  }
0xc2: {  	[sflag:s20] =	ssyncset.done $0x0  }
0xc3: {  	[sflag:s20] =	ssyncadd.s32 $0xFFFFFF80  }
0xc4: {  	_ =	swait.ge [sflag:s20], $0x80  }
0xc5: {  	[sflag:s20] =	ssyncset.done $0x0  }
0xc6: {  	[sflag:s20] =	ssyncadd.s32 $0xFFFFFF80  }
0xc7: {  	_ =	swait.ge [sflag:s20], $0x80  }
0xc8: {  	[sflag:s20] =	ssyncset.done $0x0  }
0xc9: {  	[sflag:s20] =	ssyncadd.s32 $0xFFFFFF80  }
0xca: {  	_ =	swait.ge [sflag:s20], $0x80  }
0xcb: {  	[sflag:s20] =	ssyncset.done $0x0  }
0xcc: {  	[sflag:s20] =	ssyncadd.s32 $0xFFFFFF80  }
0xcd: {  	[tilespmem:s21], [sflag:$0x2] =	stream.indirect.gather [hbm4b:s4+s18], $0x90, s2, s18, $0xb8;
	[tilespmem:$0x1F580] =	vst v63  }
0xce: {  	_ = 	snop  }
0xcf: {  	[tilespmem:s22], [sflag:$0x3] =	stream.indirect.gather [hbm4b:s4+s18], $0x90, s18, s18, $0xb8;
	[tilespmem:$0x1F580] =	vst v63  }
0xd0: {  	_ =	swait.ge [sflag:s23], $0x4800  }
0xd1: {  	[sflag:s23] =	ssyncset.done $0x0  }
0xd2: {  	[sflag:s23] =	ssyncadd.s32 $0xFFFFB800  }
0xd3: {  	[spmem:s1] =	stream.indirect.scatter.add.f32 [tilespmem:s21], [sflag:$0x4], $0x90, s17, s18, $0xb8;
	[tilespmem:$0x1F580] =	vst v63  }
0xd4: {  	_ =	swait.ge [sflag:s24], $0x4800  }
0xd5: {  	[sflag:s24] =	ssyncset.done $0x0  }
0xd6: {  	[sflag:s24] =	ssyncadd.s32 $0xFFFFB800  }
0xd7: {  	[spmem:s1] =	stream.indirect.scatter.add.f32 [tilespmem:s22], [sflag:$0x4], $0x90, s19, s18, $0xb8;
	[tilespmem:$0x1F580] =	vst v63  }
.Ltmp5:
0xd8: {  	_ =	swait.ge [sflag:s26], $0x4800;
	(pc) =	sbr.rel @!p2 .LBB2_3-.Ltmp5, $4  }
0xd9: {  	[sflag:s26] =	ssyncset.done $0x0  }
0xda: {  	[sflag:s26] =	ssyncadd.s32 $0xFFFFB800  }
0xdb: {  	_ =	swait.ge [sflag:s26], $0x4800  }
0xdc: {  	s31 =	smov.u32 s30;
	[sflag:s26] =	ssyncset.done $0x0  }
0xdd: {  	s0 =	sadd.s32 s29, s11;
	[sflag:s26] =	ssyncadd.s32 $0xFFFFB800  }
0xde: {  	[tilespmem:s2], [sflag:$0x1] =	stream.linear.gather [hbm4b:s0+s2], $0x80, $0x38;
	[tilespmem:$0x1F580] =	vst v63  }
0xdf: {  	s3 =	sadd.s32 s29, s12  }
0xe0: {  	[tilespmem:s17], [sflag:$0x1] =	stream.linear.gather [hbm4b:s3+s2], $0x80, $0x38;
	[tilespmem:$0x1F580] =	vst v63  }
0xe1: {  	s0 =	sadd.s32 $0x10, s0  }
0xe2: {  	[tilespmem:s18], [sflag:$0x1] =	stream.linear.gather [hbm4b:s0+s2], $0x80, $0x38;
	[tilespmem:$0x1F580] =	vst v63  }
0xe3: {  	s31 =	sadd.s32 $0x10, s3  }
0xe4: {  	[tilespmem:s19], [sflag:$0x1] =	stream.linear.gather [hbm4b:s31+s2], $0x80, $0x38;
	[tilespmem:$0x1F580] =	vst v63  }
0xe5: {  	_ =	swait.ge [sflag:s20], $0x80  }
0xe6: {  	[sflag:s20] =	ssyncset.done $0x0  }
0xe7: {  	[sflag:s20] =	ssyncadd.s32 $0xFFFFFF80  }
0xe8: {  	_ =	swait.ge [sflag:s20], $0x80  }
0xe9: {  	[sflag:s20] =	ssyncset.done $0x0  }
0xea: {  	[sflag:s20] =	ssyncadd.s32 $0xFFFFFF80  }
0xeb: {  	_ =	swait.ge [sflag:s20], $0x80  }
0xec: {  	[sflag:s20] =	ssyncset.done $0x0  }
0xed: {  	[sflag:s20] =	ssyncadd.s32 $0xFFFFFF80  }
0xee: {  	_ =	swait.ge [sflag:s20], $0x80  }
0xef: {  	[sflag:s20] =	ssyncset.done $0x0  }
0xf0: {  	[sflag:s20] =	ssyncadd.s32 $0xFFFFFF80  }
0xf1: {  	[tilespmem:s21], [sflag:$0x2] =	stream.indirect.gather [hbm4b:s4+s18], $0x90, s2, s18, $0xb8;
	[tilespmem:$0x1F580] =	vst v63  }
0xf2: {  	_ = 	snop  }
0xf3: {  	[tilespmem:s22], [sflag:$0x3] =	stream.indirect.gather [hbm4b:s4+s18], $0x90, s18, s18, $0xb8;
	[tilespmem:$0x1F580] =	vst v63  }
0xf4: {  	_ =	swait.ge [sflag:s23], $0x4800  }
0xf5: {  	[sflag:s23] =	ssyncset.done $0x0  }
0xf6: {  	[sflag:s23] =	ssyncadd.s32 $0xFFFFB800  }
0xf7: {  	[spmem:s1] =	stream.indirect.scatter.add.f32 [tilespmem:s21], [sflag:$0x4], $0x90, s17, s18, $0xb8;
	[tilespmem:$0x1F580] =	vst v63  }
0xf8: {  	_ =	swait.ge [sflag:s24], $0x4800  }
0xf9: {  	[sflag:s24] =	ssyncset.done $0x0  }
0xfa: {  	[sflag:s24] =	ssyncadd.s32 $0xFFFFB800  }
0xfb: {  	[spmem:s1] =	stream.indirect.scatter.add.f32 [tilespmem:s22], [sflag:$0x4], $0x90, s19, s18, $0xb8;
	[tilespmem:$0x1F580] =	vst v63  }
0xfc: {  	_ =	swait.ge [sflag:s26], $0x4800  }
.Ltmp6:
0xfd: {  	[sflag:s26] =	ssyncset.done $0x0;
	(pc) =	sbr.rel .LBB2_8-.Ltmp6, $4  }
0xfe: {  	[sflag:s26] =	ssyncadd.s32 $0xFFFFB800  }
0xff: {  	_ =	swait.ge [sflag:s26], $0x4800  }
0x100: {  	[sflag:s26] =	ssyncset.done $0x0  }
0x101: {  	[sflag:s26] =	ssyncadd.s32 $0xFFFFB800  }
.LBB2_9:
0x102: {  	_ =	sfence.sel $0x180000  }
0x103: {  	[bflag:$0x0] =	sbarrier.arrive $0xFFFF  }
0x104: {  	_ =	strace $0x90000047  }
0x105: {  	s0 =	stileid.u32;
	[bflag:$0x2] =	sbarrier.arrive $0xFFFF  }
0x106: {  	p0 =	sne.s32 s0, $0x0;
	s0 =	rddreg [dreg:$0x2]  }
0x107: {  	s0 =	sadd.s32 @!p0 $0x100000, s0  }
0x108: {  	[sflag:s0] =	ssyncadd.tile.s32 @!p0 $0x1;
	_ =	shalt  }
.Lfunc_end2:
_tile_overlayer_lowered:
.L_overlay_start_2:
0x109: {  	(tag) =	ssettag $0x2  }
0x10a: {  	s0 =	rddreg [dreg:$0x0];
	s2 =	stileid.u32  }
0x10b: {  	s1 =	rddreg [dreg:$0x1];
	p0 =	sne.s32 s2, $0x0  }
0x10c: {  	s3 =	rddreg [dreg:$0x2];
	[bflag:$0x3] =	sbarrier.arrive $0xFFFF;
	s2 =	simm.s32 @!p0 $0x1C05  }
0x10d: {  	[timem:s3], [sflag:s2] =	dma.local @!p0 [hbm:s0], s1  }
0x10e: {  	s0 =	simm.s32 @!p0 $0x5  }
0x10f: {  	_ =	swait.ge @!p0 [sflag:s0], s1  }
0x110: {  	s1 =	ssub.s32 @!p0 $0x0, s1;
	[sflag:s0] =	ssyncset.done @!p0 $0x0  }
0x111: {  	[sflag:s0] =	ssyncadd.s32 @!p0 s1  }
0x112: {  	[bflag:$0x3] =	sbarrier.arrive $0xFFFF  }
0x113: {  	_ =	shalt  }

// kernel: kernel.17.cloned.1.call-start
scs
__scs_entry_jumppad:
0x0: {  	(pc) =	sbr.rel $0x88, $3  }
0x1: {  	(tag) =	ssettag $0x0;
	lr =	simm.s32 $0x1  }
0x2: {  	[smem:$0x3F94] =	sst lr;
	_ =	strace $0xD0000000  }
0x3: {  	_ = 	snop  }
0x4: {  	_ = 	snop  }
0x5: {  	_ = 	snop  }
0x6: {  	_ = 	snop  }
0x7: {  	_ = 	snop  }
__scs_overlays_trampoline_lowered:
0x8: {  	[smem:$0x3FA3] =	sst s0  }
0x9: {  	[smem:$0x3FA4] =	sst s1  }
0xa: {  	[smem:$0x3FA5] =	sst s2  }
0xb: {  	[smem:$0x3FA6] =	sst s3  }
0xc: {  	[smem:$0x3FA7] =	sst s4  }
0xd: {  	[smem:$0x3FA8] =	sst s5  }
0xe: {  	[smem:$0x3FA9] =	sst s6  }
0xf: {  	[smem:$0x3FAA] =	sst s7  }
0x10: {  	[smem:$0x3FAB] =	sst s8  }
0x11: {  	[smem:$0x3FAC] =	sst s9;
	s0 =	simm.s32 @!p0 $0x0  }
0x12: {  	s1 =	sld [smem:$0x3F92];
	s0 =	simm.s32 @p0 $0x1  }
0x13: {  	[smem:$0x3FAD] =	sst s0;
	s0 =	simm.s32 @!p1 $0x0  }
0x14: {  	s2 =	sld [smem:$0x3F91];
	s0 =	simm.s32 @p1 $0x1  }
0x15: {  	[smem:$0x3FAE] =	sst s0;
	s0 =	simm.s32 @!p2 $0x0  }
0x16: {  	s3 =	sld [smem:$0x3FDB];
	s0 =	simm.s32 @p2 $0x1  }
0x17: {  	s4 =	simm.s32 $0x1BF5;
	[smem:$0x3FB0] =	sst s0  }
0x18: {  	s0 =	sld [smem:$0x3F93];
	_ =	swait.ge [sflag:s4], $0x0  }
0x19: {  	s7 =	sld [smem:$0x3F94]  }
0x1a: {  	s8 =	sadd.s32 $0xFFFFE003, lr  }
0x1b: {  	s9 =	sadd.s32 $0xFFFFFEF7, lr;
	s5 =	simm.s32 $0xFFFFFFFF;
	p2 =	slt.u32 s8, $0xFFFFF086  }
0x1c: {  	p1 =	slt.u32 s9, $0xF7A;
	s5 =	simm.s32 @!p2 $0x0  }
0x1d: {  	s5 =	simm.s32 @p1 $0x1;
	p0 =	seq.s32 s7, s2  }
0x1e: {  	s7 =	smul.u32 @!p0 $0xF7A, s2;
	p2 =	seq.s32 @!p0 s5, $0x0  }
0x1f: {  	s9 =	smul.u32 $0xF7A, s1;
	s8 =	simm.s32 @!p0 $0x1BF5;
	p2 =	por !p2, p0  }
0x20: {  	[sflag:s8] =	ssyncset.s32 @!p0 $0xFFFFF086;
	s6 =	sadd.s32 @!p0 s3, s7;
	s7 =	simm.s32 @!p0 $0x108  }
0x21: {  	s3 =	sadd.s32 s3, s9;
	s6 =	sadd.s32 @!p0 $0x88, s6;
	s7 =	simm.s32 @p2 $0x1082  }
0x22: {  	[simem:s7], [sflag:s8] =	dma.local @!p0 [hbm:s6], $0xF7A  }
0x23: {  	s9 =	sor.u32 $0xD0000000, s2;
	s6 =	simm.s32 $0x108;
	_ =	swait.ge @!p0 [sflag:s8], $0x0  }
0x24: {  	s3 =	sadd.s32 $0x88, s3;
	s6 =	simm.s32 @!p1 $0x1082;
	[sflag:s4] =	ssyncset.s32 $0xFFFFF086  }
0x25: {  	[simem:s6], [sflag:s4] =	dma.local [hbm:s3], $0xF7A  }
0x26: {  	[smem:$0x3F94] =	sst s1;
	(tag) =	ssettag s2;
	_ =	strace s9  }
0x27: {  	s1 =	sld [smem:$0x3FA4]  }
0x28: {  	s2 =	sld [smem:$0x3FA5]  }
0x29: {  	s4 =	sld [smem:$0x3FA7]  }
0x2a: {  	p0 =	seq.s32 s5, $0x0;
	s5 =	sld [smem:$0x3FA8]  }
0x2b: {  	s6 =	sld [smem:$0x3FA9]  }
0x2c: {  	s7 =	sld [smem:$0x3FAA]  }
0x2d: {  	s3 =	simm.s32 $0x108;
	s8 =	sld [smem:$0x3FAB]  }
0x2e: {  	s3 =	simm.s32 @!p0 $0x1082;
	s9 =	sld [smem:$0x3FAC]  }
0x2f: {  	lr =	sadd.s32 s0, s3;
	s0 =	sld [smem:$0x3FA3]  }
0x30: {  	s3 =	sld [smem:$0x3FA6]  }
0x31: {  	[smem:$0x3FAF] =	sst s10  }
0x32: {  	s10 =	sld [smem:$0x3FAD];
	_ =	sdelay $0x3  }
0x33: {  	p0 =	seq.s32 s10, $0x1;
	s10 =	sld [smem:$0x3FAF];
	_ =	sdelay $0x3  }
0x34: {  	[smem:$0x3FAF] =	sst s10  }
0x35: {  	s10 =	sld [smem:$0x3FAE];
	_ =	sdelay $0x3  }
0x36: {  	p1 =	seq.s32 s10, $0x1;
	s10 =	sld [smem:$0x3FAF];
	_ =	sdelay $0x3  }
0x37: {  	[smem:$0x3FAF] =	sst s10  }
0x38: {  	s10 =	sld [smem:$0x3FB0]  }
0x39: {  	_ = 	snop;
	(pc) =	sbr.ind lr, $3  }
0x3a: {  	_ = 	snop  }
0x3b: {  	_ = 	snop  }
0x3c: {  	p2 =	seq.s32 s10, $0x1;
	s10 =	sld [smem:$0x3FAF]  }
0x3d: {  	_ =	shalt  }
0x3e: {  	_ =	shalt  }
0x3f: {  	_ =	shalt  }
0x40: {  	_ =	shalt  }
0x41: {  	_ =	shalt  }
0x42: {  	_ =	shalt  }
0x43: {  	_ =	shalt  }
0x44: {  	_ =	shalt  }
0x45: {  	_ =	shalt  }
0x46: {  	_ =	shalt  }
0x47: {  	_ =	shalt  }
0x48: {  	_ =	shalt  }
0x49: {  	_ =	shalt  }
0x4a: {  	_ =	shalt  }
0x4b: {  	_ =	shalt  }
0x4c: {  	_ =	shalt  }
0x4d: {  	_ =	shalt  }
0x4e: {  	_ =	shalt  }
0x4f: {  	_ =	shalt  }
0x50: {  	_ =	shalt  }
0x51: {  	_ =	shalt  }
0x52: {  	_ =	shalt  }
0x53: {  	_ =	shalt  }
0x54: {  	_ =	shalt  }
0x55: {  	_ =	shalt  }
0x56: {  	_ =	shalt  }
0x57: {  	_ =	shalt  }
0x58: {  	_ =	shalt  }
0x59: {  	_ =	shalt  }
0x5a: {  	_ =	shalt  }
0x5b: {  	_ =	shalt  }
0x5c: {  	_ =	shalt  }
0x5d: {  	_ =	shalt  }
0x5e: {  	_ =	shalt  }
0x5f: {  	_ =	shalt  }
0x60: {  	_ =	shalt  }
0x61: {  	_ =	shalt  }
0x62: {  	_ =	shalt  }
0x63: {  	_ =	shalt  }
0x64: {  	_ =	shalt  }
0x65: {  	_ =	shalt  }
0x66: {  	_ =	shalt  }
0x67: {  	_ =	shalt  }
0x68: {  	_ =	shalt  }
0x69: {  	_ =	shalt  }
0x6a: {  	_ =	shalt  }
0x6b: {  	_ =	shalt  }
0x6c: {  	_ =	shalt  }
0x6d: {  	_ =	shalt  }
0x6e: {  	_ =	shalt  }
0x6f: {  	_ =	shalt  }
0x70: {  	_ =	shalt  }
0x71: {  	_ =	shalt  }
0x72: {  	_ =	shalt  }
0x73: {  	_ =	shalt  }
0x74: {  	_ =	shalt  }
0x75: {  	_ =	shalt  }
0x76: {  	_ =	shalt  }
0x77: {  	_ =	shalt  }
0x78: {  	_ =	shalt  }
0x79: {  	_ =	shalt  }
0x7a: {  	_ =	shalt  }
0x7b: {  	_ =	shalt  }
0x7c: {  	_ =	shalt  }
0x7d: {  	_ =	shalt  }
0x7e: {  	_ =	shalt  }
0x7f: {  	_ =	shalt  }
0x80: {  	_ =	shalt  }
0x81: {  	_ =	shalt  }
0x82: {  	_ =	shalt  }
0x83: {  	_ =	shalt  }
0x84: {  	_ =	shalt  }
0x85: {  	_ =	shalt  }
0x86: {  	_ =	shalt  }
0x87: {  	_ =	shalt  }
.Lfunc_end0:
.L_simem_size_0:
called_computation.1_lowered:
.L_overlay_start_0:
0x88: {  	s2 =	sld [smem:$0x3FD9]  }
0x89: {  	s3 =	sld [smem:$0x3FFE];
	_ =	sdelay $0x1  }
0x8a: {  	s1 =	srdreg.scid  }
0x8b: {  	s0 =	sand.u32 $0x1, s1  }
0x8c: {  	s16 =	sshll.u32 s0, $0xA;
	s2 =	sadd.s32 s3, s2  }
0x8d: {  	s2 =	sadd.s32 s2, s16  }
0x8e: {  	[smem:$0x3FBB] =	sst s2  }
0x8f: {  	_ = 	snop  }
0x90: {  	(tm) =	ssettm $0x1  }
0x91: {  	s17 =	sld [smem:$0x3FFB];
	_ =	sdelay $0x3  }
0x92: {  	_ =	strace s17  }
0x93: {  	s2 =	sld [smem:$0x3FFC];
	_ =	sdelay $0x3  }
0x94: {  	_ =	strace s2  }
0x95: {  	s2 =	sld [smem:$0x3FFD];
	_ =	sdelay $0x3  }
0x96: {  	_ =	strace s2  }
0x97: {  	_ =	strace $0x8FFFFFFF  }
0x98: {  	s18 =	sld [smem:$0x3FDB];
	_ =	sdelay $0x1  }
0x99: {  	s19 =	simm.s32 $_scs_section_size  }
0x9a: {  	s4 =	simm.s32 $_size__tile_overlayer_lowered;
	s5 =	simm.s32 $_tile_overlayer_lowered  }
0x9b: {  	s22 =	simm.s32 $0x1BFF;
	s21 =	sshll.u32 s5, $0x1;
	s2 =	sadd.s32 s19, s18  }
0x9c: {  	s6 =	simm.s32 $0x0;
	s20 =	sshll.u32 s4, $0x1;
	s4 =	sadd.s32 s21, s2  }
0x9d: {  	[timem:s6], [sflag:s22] =	dma.local [hbm:s4], s20  }
0x9e: {  	_ =	swait.ge [sflag:s22], s20  }
0x9f: {  	s3 =	ssub.s32 $0x0, s20;
	[sflag:s22] =	ssyncset.done $0x0  }
0xa0: {  	[sflag:s22] =	ssyncadd.s32 s3;
	_ =	sdelay $0x1  }
0xa1: {  	s23 =	simm.s32 $0x1B8B  }
0xa2: {  	_ =	swait.ge [sflag:s23], $0x1  }
0xa3: {  	[sflag:s23] =	ssyncset.done $0x0  }
0xa4: {  	s25 =	simm.s32 $0x1B8E;
	s24 =	sld [smem:$0x3FFE];
	[sflag:s23] =	ssyncadd.s32 $0xFFFFFFFF  }
0xa5: {  	s26 =	simm.s32 $execute0_lowered;
	[smem:$0x3FD2] =	sst s25  }
0xa6: {  	s4 =	sshll.u32 s26, $0x1;
	_ =	strace $0x80000049;
	[dreg:$0x1] =	wrdreg $0xFFFFFFFF  }
0xa7: {  	s28 =	simm.s32 $_size_execute0_lowered;
	s2 =	sadd.s32 s2, s4;
	[dreg:$0x0] =	wrdreg $0x0  }
0xa8: {  	s4 =	sshll.u32 s28, $0x1;
	[dreg:$0x2] =	wrdreg s2  }
0xa9: {  	[dreg:$0x3] =	wrdreg s4  }
0xaa: {  	[dreg:$0x4] =	wrdreg $0xC0  }
0xab: {  	_ =	task [dreg:s6], $0x5FFFF  }
0xac: {  	[dreg:$0x1] =	wrdreg $0xFFFFFFFF  }
0xad: {  	[dreg:$0x0] =	wrdreg $0x60  }
0xae: {  	[dreg:$0x2] =	wrdreg s24  }
0xaf: {  	[dreg:$0x3] =	wrdreg $0x92000  }
0xb0: {  	[dreg:$0x4] =	wrdreg $0x9  }
0xb1: {  	_ =	task.clear_ibuf [dreg:s6], $0x5FFFF;
	_ =	strace $0x90000049  }
0xb2: {  	s29 =	simm.s32 $0x9;
	_ =	strace $0x8000004B  }
0xb3: {  	_ =	swait.ge [sflag:s29], $0x1  }
0xb4: {  	[sflag:s29] =	ssyncadd.s32 $0xFFFFFFFF  }
0xb5: {  	_ =	strace $0x9000004B  }
0xb6: {  	_ =	sfence  }
0xb7: {  	s30 =	sld [smem:$0x0];
	_ =	sdelay $0x2  }
0xb8: {  	s31 =	sshll.u32 s1, $0xD;
	s1 =	sshrl.u32 s1, $0x2  }
0xb9: {  	s3 =	sand.u32 $0x4000, s31;
	s1 =	sadd.s32 s1, s30  }
0xba: {  	s0 =	sor.u32 s3, s0;
	s1 =	sshll.u32 s1, $0x11  }
0xbb: {  	s0 =	sor.u32 s1, s0  }
0xbc: {  	s0 =	sadd.s32 $0x8F2B, s0  }
0xbd: {  	[sflag:s0] =	ssyncadd.remote.s32 $0x1  }
0xbe: {  	_ =	sfence.sel $0xFFFF  }
0xbf: {  	[dreg:$0x0] =	wrdreg $0xFFFFFFFF;
	(pc) =	sbr.abs _section_cstart, $3  }
0xc0: {  	[dreg:$0x1] =	wrdreg $0xFFFFFFFF  }
0xc1: {  	_ =	task.clear_ibuf [dreg:s6], $0x2FFFF;
	_ =	strace $0x9FFFFFFF  }
0xc2: {  	(tm) =	ssettm $0x7FFFFFFF  }
0xc3: {  	_ =	shalt  }
tec
execute0_lowered:
.L_overlay_start_1:
0x0: {  	(tag) =	ssettag $0x1  }
0x1: {  	s6 =	rddreg [dreg:$0x0]  }
0x2: {  	s1 =	rddreg [dreg:$0x1];
	s2 =	simm.s32 $0x0  }
0x3: {  	s5 =	srdreg.scid;
	s0 =	stileid.u32;
	s17 =	simm.s32 $0x100  }
0x4: {  	s18 =	simm.s32 $0x80;
	s19 =	simm.s32 $0x180;
	s20 =	simm.s32 $0x1  }
0x5: {  	s21 =	simm.s32 $0x200;
	s22 =	simm.s32 $0x4A00;
	s23 =	simm.s32 $0x2  }
0x6: {  	s24 =	simm.s32 $0x3;
	s28 =	simm.s32 $0x0;
	[smem:$0x7FF] =	sst s2  }
0x7: {  	s4 =	sadd.s32 $0x2A00, s6;
	s14 =	sadd.s32 $0x38800, s6;
	s13 =	sadd.s32 $0x2EA00, s6  }
0x8: {  	s8 =	sand.u32 $0x1, s5;
	s5 =	sadd.s32 $0x42600, s6;
	s9 =	smul.u32 $0x16380, s0  }
0x9: {  	s10 =	sadd.s32 $0x45400, s6;
	s29 =	sshll.u32 s0, $0x6;
	s15 =	smul.u32 $0x760, s0  }
0xa: {  	s16 =	smul.u32 $0x280, s0;
	s25 =	sadd.s32 $0x14D480, s1;
	p1 =	seq.s32 s0, $0xF  }
0xb: {  	_ =	strace $0x8000004A;
	s7 =	ssub.s32 $0x2, s8;
	s11 =	smul.u32 $0x15F900, s8  }
0xc: {  	p0 =	seq.s32 s8, $0x1;
	s25 =	sshrl.u32 @p1 s25, $0x3;
	s26 =	sshrl.u32 s7, $0x1  }
0xd: {  	s6 =	sadd.s32 s9, s1;
	s12 =	ssub.s32 s7, s26;
	s7 =	sor.u32 $0x1C05, s29  }
.Ltmp0:
0xe: {  	s30 =	sadd.s32 s9, s11;
	s31 =	sshrl.u32 s11, $0x3;
	(pc) =	sbr.rel .LBB2_1-.Ltmp0, $4  }
0xf: {  	s11 =	sadd.s32 s15, s14;
	s14 =	sadd.s32 s16, s14;
	s8 =	sshrl.u32 s30, $0x3  }
0x10: {  	s26 =	simm.s32 $0x4;
	s9 =	sadd.s32 s10, s31;
	s8 =	sadd.s32 s10, s8  }
0x11: {  	s9 =	sadd.s32 $0x29A90, s9;
	s10 =	smax.u32 s12, $0x1;
	s12 =	sadd.s32 s15, s13  }
0x12: {  	s13 =	sadd.s32 s16, s13;
	s15 =	sshrl.u32 s6, $0x3;
	s16 =	simm.s32 $0x5  }
.LBB2_7:
0x13: {  	s0 =	sadd.s32 $0x7880, s31;
	s3 =	sadd.s32 s29, s13;
	[sflag:s26] =	ssyncadd.s32 $0xFFFFB800  }
0x14: {  	[tilespmem:s2], [sflag:$0x1] =	stream.linear.gather [hbm4b:s0+s2], $0x80, $0x38;
	[tilespmem:$0x1F580] =	vst v63  }
0x15: {  	s29 =	sadd.s32 $0x7880, s3  }
0x16: {  	[tilespmem:s17], [sflag:$0x1] =	stream.linear.gather [hbm4b:s29+s2], $0x80, $0x38;
	[tilespmem:$0x1F580] =	vst v63  }
0x17: {  	s30 =	sadd.s32 $0x7890, s31  }
0x18: {  	[tilespmem:s18], [sflag:$0x1] =	stream.linear.gather [hbm4b:s30+s2], $0x80, $0x38;
	[tilespmem:$0x1F580] =	vst v63  }
0x19: {  	s31 =	sadd.s32 $0x7890, s3  }
0x1a: {  	[tilespmem:s19], [sflag:$0x1] =	stream.linear.gather [hbm4b:s31+s2], $0x80, $0x38;
	[tilespmem:$0x1F580] =	vst v63  }
0x1b: {  	_ =	swait.ge [sflag:s20], $0x80  }
0x1c: {  	[sflag:s20] =	ssyncset.done $0x0  }
0x1d: {  	[sflag:s20] =	ssyncadd.s32 $0xFFFFFF80  }
0x1e: {  	_ =	swait.ge [sflag:s20], $0x80  }
0x1f: {  	[sflag:s20] =	ssyncset.done $0x0  }
0x20: {  	[sflag:s20] =	ssyncadd.s32 $0xFFFFFF80  }
0x21: {  	_ =	swait.ge [sflag:s20], $0x80  }
0x22: {  	[sflag:s20] =	ssyncset.done $0x0  }
0x23: {  	[sflag:s20] =	ssyncadd.s32 $0xFFFFFF80  }
0x24: {  	_ =	swait.ge [sflag:s20], $0x80  }
0x25: {  	[sflag:s20] =	ssyncset.done $0x0  }
0x26: {  	[sflag:s20] =	ssyncadd.s32 $0xFFFFFF80  }
0x27: {  	[tilespmem:s21], [sflag:$0x2] =	stream.indirect.gather [hbm4b:s4+s18], $0x90, s2, s18, $0xb8;
	[tilespmem:$0x1F580] =	vst v63  }
0x28: {  	_ = 	snop  }
0x29: {  	[tilespmem:s22], [sflag:$0x3] =	stream.indirect.gather [hbm4b:s4+s18], $0x90, s18, s18, $0xb8;
	[tilespmem:$0x1F580] =	vst v63  }
0x2a: {  	_ =	swait.ge [sflag:s23], $0x4800  }
0x2b: {  	[sflag:s23] =	ssyncset.done $0x0  }
0x2c: {  	[sflag:s23] =	ssyncadd.s32 $0xFFFFB800  }
0x2d: {  	[spmem:s1] =	stream.indirect.scatter.add.f32 [tilespmem:s21], [sflag:$0x4], $0x90, s17, s18, $0xb8;
	[tilespmem:$0x1F580] =	vst v63  }
0x2e: {  	_ =	swait.ge [sflag:s24], $0x4800  }
0x2f: {  	[sflag:s24] =	ssyncset.done $0x0  }
0x30: {  	[sflag:s24] =	ssyncadd.s32 $0xFFFFB800  }
0x31: {  	[spmem:s1] =	stream.indirect.scatter.add.f32 [tilespmem:s22], [sflag:$0x4], $0x90, s19, s18, $0xb8;
	[tilespmem:$0x1F580] =	vst v63  }
0x32: {  	_ =	swait.ge [sflag:s26], $0x4800  }
0x33: {  	[sflag:s26] =	ssyncset.done $0x0  }
0x34: {  	[sflag:s26] =	ssyncadd.s32 $0xFFFFB800  }
0x35: {  	_ =	swait.ge [sflag:s26], $0x4800  }
0x36: {  	[sflag:s26] =	ssyncset.done $0x0  }
0x37: {  	[sflag:s26] =	ssyncadd.s32 $0xFFFFB800  }
.LBB2_8:
0x38: {  	[bflag:$0x0] =	sbarrier.arrive $0xFFFF;
	s0 =	simm.s32 @p1 $0x5  }
0x39: {  	[hbm:s9], [sflag:s7] =	dma.local @p1 [spmem:s25], $0x2490  }
0x3a: {  	_ =	swait.ge @p1 [sflag:s0], $0x2490  }
0x3b: {  	s28 =	sadd.s32 $0x1, s28;
	[sflag:s0] =	ssyncset.done @p1 $0x0  }
0x3c: {  	p2 =	sne.s32 s28, s10;
	[sflag:s0] =	ssyncadd.s32 @p1 $0xFFFFDB70;
	s0 =	sshrl.u32 @!p1 s6, $0x3  }
0x3d: {  	[hbm:s8], [sflag:s7] =	dma.local @!p1 [spmem:s0], $0x2C70  }
.Ltmp1:
0x3e: {  	_ = 	snop;
	(pc) =	sbr.rel @!p2 .LBB2_9-.Ltmp1, $4  }
0x3f: {  	s0 =	simm.s32 @!p1 $0x5  }
0x40: {  	_ =	swait.ge @!p1 [sflag:s0], $0x2C70  }
0x41: {  	[sflag:s0] =	ssyncset.done @!p1 $0x0  }
0x42: {  	[sflag:s0] =	ssyncadd.s32 @!p1 $0xFFFFD390  }
.LBB2_1:
0x43: {  	[spmem:s15], [sflag:s7] =	dma.local [hbm:s5], $0x2C70  }
.Ltmp2:
0x44: {  	_ =	swait.ge [sflag:s16], $0x2C70;
	(pc) =	sbr.rel @!p0 .LBB2_2-.Ltmp2, $3  }
0x45: {  	[sflag:s16] =	ssyncset.done $0x0  }
0x46: {  	[sflag:s16] =	ssyncadd.s32 $0xFFFFD390  }
0x47: {  	[bflag:$0x0] =	sbarrier.arrive $0xFFFF;
	_ =	sdelay $0x1  }
0x48: {  	s0 =	sadd.s32 $0xFFFFFD80, s14  }
0x49: {  	s29 =	sadd.s32 $0xFFFFFD80, s13;
	s3 =	sadd.s32 $0x7880, s0  }
0x4a: {  	[tilespmem:s2], [sflag:$0x1] =	stream.linear.gather [hbm4b:s3+s2], $0x80, $0x38;
	[tilespmem:$0x1F580] =	vst v63  }
0x4b: {  	s3 =	sadd.s32 $0x7880, s29  }
0x4c: {  	[tilespmem:s17], [sflag:$0x1] =	stream.linear.gather [hbm4b:s3+s2], $0x80, $0x38;
	[tilespmem:$0x1F580] =	vst v63  }
0x4d: {  	s0 =	sadd.s32 $0x7890, s0  }
0x4e: {  	[tilespmem:s18], [sflag:$0x1] =	stream.linear.gather [hbm4b:s0+s2], $0x80, $0x38;
	[tilespmem:$0x1F580] =	vst v63  }
0x4f: {  	s3 =	sadd.s32 $0x7890, s29  }
0x50: {  	[tilespmem:s19], [sflag:$0x1] =	stream.linear.gather [hbm4b:s3+s2], $0x80, $0x38;
	[tilespmem:$0x1F580] =	vst v63  }
0x51: {  	_ =	swait.ge [sflag:s20], $0x80  }
0x52: {  	[sflag:s20] =	ssyncset.done $0x0  }
0x53: {  	[sflag:s20] =	ssyncadd.s32 $0xFFFFFF80  }
0x54: {  	_ =	swait.ge [sflag:s20], $0x80  }
0x55: {  	[sflag:s20] =	ssyncset.done $0x0  }
0x56: {  	[sflag:s20] =	ssyncadd.s32 $0xFFFFFF80  }
0x57: {  	_ =	swait.ge [sflag:s20], $0x80  }
0x58: {  	[sflag:s20] =	ssyncset.done $0x0  }
0x59: {  	[sflag:s20] =	ssyncadd.s32 $0xFFFFFF80  }
0x5a: {  	_ =	swait.ge [sflag:s20], $0x80  }
0x5b: {  	[sflag:s20] =	ssyncset.done $0x0  }
0x5c: {  	[sflag:s20] =	ssyncadd.s32 $0xFFFFFF80  }
0x5d: {  	[tilespmem:s21], [sflag:$0x2] =	stream.indirect.gather [hbm4b:s4+s18], $0x90, s2, s18, $0xb8;
	[tilespmem:$0x1F580] =	vst v63  }
0x5e: {  	_ = 	snop  }
0x5f: {  	[tilespmem:s22], [sflag:$0x3] =	stream.indirect.gather [hbm4b:s4+s18], $0x90, s18, s18, $0xb8;
	[tilespmem:$0x1F580] =	vst v63  }
0x60: {  	_ =	swait.ge [sflag:s23], $0x4800  }
0x61: {  	[sflag:s23] =	ssyncset.done $0x0  }
0x62: {  	[sflag:s23] =	ssyncadd.s32 $0xFFFFB800  }
0x63: {  	[spmem:s1] =	stream.indirect.scatter.add.f32 [tilespmem:s21], [sflag:$0x4], $0x90, s17, s18, $0xb8;
	[tilespmem:$0x1F580] =	vst v63  }
0x64: {  	_ =	swait.ge [sflag:s24], $0x4800  }
0x65: {  	[sflag:s24] =	ssyncset.done $0x0  }
0x66: {  	[sflag:s24] =	ssyncadd.s32 $0xFFFFB800  }
0x67: {  	[spmem:s1] =	stream.indirect.scatter.add.f32 [tilespmem:s22], [sflag:$0x4], $0x90, s19, s18, $0xb8;
	[tilespmem:$0x1F580] =	vst v63  }
0x68: {  	_ =	swait.ge [sflag:s26], $0x4800  }
0x69: {  	[sflag:s26] =	ssyncset.done $0x0  }
0x6a: {  	[sflag:s26] =	ssyncadd.s32 $0xFFFFB800  }
0x6b: {  	s30 =	simm.s32 $0xFFFFFDC0;
	_ =	swait.ge [sflag:s26], $0x4800  }
0x6c: {  	s31 =	sadd.s32 $0xFFFFFDA0, s14;
	s29 =	simm.s32 $0xFFFFFDA0;
	[sflag:s26] =	ssyncset.done $0x0  }
.LBB2_6:
0x6d: {  	s0 =	sadd.s32 $0x7880, s31  }
0x6e: {  	s3 =	sadd.s32 s29, s13;
	[sflag:s26] =	ssyncadd.s32 $0xFFFFB800;
	s29 =	smov.u32 s30  }
0x6f: {  	[tilespmem:s2], [sflag:$0x1] =	stream.linear.gather [hbm4b:s0+s2], $0x80, $0x38;
	[tilespmem:$0x1F580] =	vst v63  }
0x70: {  	p2 =	sne.s32 s30, $0xFFFFFFE0;
	s30 =	sadd.s32 $0x20, s30;
	s0 =	sadd.s32 $0x7880, s3  }
0x71: {  	[tilespmem:s17], [sflag:$0x1] =	stream.linear.gather [hbm4b:s0+s2], $0x80, $0x38;
	[tilespmem:$0x1F580] =	vst v63  }
0x72: {  	s0 =	sadd.s32 $0x7890, s31  }
0x73: {  	[tilespmem:s18], [sflag:$0x1] =	stream.linear.gather [hbm4b:s0+s2], $0x80, $0x38;
	[tilespmem:$0x1F580] =	vst v63  }
0x74: {  	s0 =	sadd.s32 $0x7890, s3  }
0x75: {  	[tilespmem:s19], [sflag:$0x1] =	stream.linear.gather [hbm4b:s0+s2], $0x80, $0x38;
	[tilespmem:$0x1F580] =	vst v63  }
0x76: {  	_ =	swait.ge [sflag:s20], $0x80  }
0x77: {  	[sflag:s20] =	ssyncset.done $0x0  }
0x78: {  	[sflag:s20] =	ssyncadd.s32 $0xFFFFFF80  }
0x79: {  	_ =	swait.ge [sflag:s20], $0x80  }
0x7a: {  	[sflag:s20] =	ssyncset.done $0x0  }
0x7b: {  	[sflag:s20] =	ssyncadd.s32 $0xFFFFFF80  }
0x7c: {  	_ =	swait.ge [sflag:s20], $0x80  }
0x7d: {  	[sflag:s20] =	ssyncset.done $0x0  }
0x7e: {  	[sflag:s20] =	ssyncadd.s32 $0xFFFFFF80  }
0x7f: {  	_ =	swait.ge [sflag:s20], $0x80  }
0x80: {  	[sflag:s20] =	ssyncset.done $0x0  }
0x81: {  	[sflag:s20] =	ssyncadd.s32 $0xFFFFFF80  }
0x82: {  	[tilespmem:s21], [sflag:$0x2] =	stream.indirect.gather [hbm4b:s4+s18], $0x90, s2, s18, $0xb8;
	[tilespmem:$0x1F580] =	vst v63  }
0x83: {  	_ = 	snop  }
0x84: {  	[tilespmem:s22], [sflag:$0x3] =	stream.indirect.gather [hbm4b:s4+s18], $0x90, s18, s18, $0xb8;
	[tilespmem:$0x1F580] =	vst v63  }
0x85: {  	_ =	swait.ge [sflag:s23], $0x4800  }
0x86: {  	[sflag:s23] =	ssyncset.done $0x0  }
0x87: {  	[sflag:s23] =	ssyncadd.s32 $0xFFFFB800  }
0x88: {  	[spmem:s1] =	stream.indirect.scatter.add.f32 [tilespmem:s21], [sflag:$0x4], $0x90, s17, s18, $0xb8;
	[tilespmem:$0x1F580] =	vst v63  }
0x89: {  	_ =	swait.ge [sflag:s24], $0x4800  }
0x8a: {  	[sflag:s24] =	ssyncset.done $0x0  }
0x8b: {  	[sflag:s24] =	ssyncadd.s32 $0xFFFFB800  }
0x8c: {  	[spmem:s1] =	stream.indirect.scatter.add.f32 [tilespmem:s22], [sflag:$0x4], $0x90, s19, s18, $0xb8;
	[tilespmem:$0x1F580] =	vst v63  }
.Ltmp3:
0x8d: {  	_ =	swait.ge [sflag:s26], $0x4800;
	(pc) =	sbr.rel @p2 .LBB2_6-.Ltmp3, $4  }
0x8e: {  	[sflag:s26] =	ssyncset.done $0x0  }
0x8f: {  	[sflag:s26] =	ssyncadd.s32 $0xFFFFB800  }
0x90: {  	_ =	swait.ge [sflag:s26], $0x4800  }
0x91: {  	s31 =	sadd.s32 s29, s14;
	[sflag:s26] =	ssyncset.done $0x0  }
.Ltmp4:
0x92: {  	_ = 	snop;
	(pc) =	sbr.rel .LBB2_7-.Ltmp4, $1  }
0x93: {  	_ =	sdelay $0x3  }
.LBB2_2:
0x94: {  	s29 =	sadd.s32 $0x0, s11  }
0x95: {  	[tilespmem:s2], [sflag:$0x1] =	stream.linear.gather [hbm4b:s29+s2], $0x80, $0x38;
	[tilespmem:$0x1F580] =	vst v63  }
0x96: {  	s30 =	sadd.s32 $0x0, s12  }
0x97: {  	[tilespmem:s17], [sflag:$0x1] =	stream.linear.gather [hbm4b:s30+s2], $0x80, $0x38;
	[tilespmem:$0x1F580] =	vst v63  }
0x98: {  	s29 =	sadd.s32 $0x10, s29  }
0x99: {  	[tilespmem:s18], [sflag:$0x1] =	stream.linear.gather [hbm4b:s29+s2], $0x80, $0x38;
	[tilespmem:$0x1F580] =	vst v63  }
0x9a: {  	s29 =	sadd.s32 $0x10, s30  }
0x9b: {  	[tilespmem:s19], [sflag:$0x1] =	stream.linear.gather [hbm4b:s29+s2], $0x80, $0x38;
	[tilespmem:$0x1F580] =	vst v63  }
0x9c: {  	_ =	swait.ge [sflag:s20], $0x80  }
0x9d: {  	[sflag:s20] =	ssyncset.done $0x0  }
0x9e: {  	[sflag:s20] =	ssyncadd.s32 $0xFFFFFF80  }
0x9f: {  	_ =	swait.ge [sflag:s20], $0x80  }
0xa0: {  	[sflag:s20] =	ssyncset.done $0x0  }
0xa1: {  	[sflag:s20] =	ssyncadd.s32 $0xFFFFFF80  }
0xa2: {  	_ =	swait.ge [sflag:s20], $0x80  }
0xa3: {  	[sflag:s20] =	ssyncset.done $0x0  }
0xa4: {  	[sflag:s20] =	ssyncadd.s32 $0xFFFFFF80  }
0xa5: {  	_ =	swait.ge [sflag:s20], $0x80  }
0xa6: {  	[sflag:s20] =	ssyncset.done $0x0  }
0xa7: {  	[sflag:s20] =	ssyncadd.s32 $0xFFFFFF80  }
0xa8: {  	[tilespmem:s21], [sflag:$0x2] =	stream.indirect.gather [hbm4b:s4+s18], $0x90, s2, s18, $0xb8;
	[tilespmem:$0x1F580] =	vst v63  }
0xa9: {  	_ = 	snop  }
0xaa: {  	[tilespmem:s22], [sflag:$0x3] =	stream.indirect.gather [hbm4b:s4+s18], $0x90, s18, s18, $0xb8;
	[tilespmem:$0x1F580] =	vst v63  }
0xab: {  	_ =	swait.ge [sflag:s23], $0x4800  }
0xac: {  	[sflag:s23] =	ssyncset.done $0x0  }
0xad: {  	[sflag:s23] =	ssyncadd.s32 $0xFFFFB800  }
0xae: {  	[spmem:s1] =	stream.indirect.scatter.add.f32 [tilespmem:s21], [sflag:$0x4], $0x90, s17, s18, $0xb8;
	[tilespmem:$0x1F580] =	vst v63  }
0xaf: {  	_ =	swait.ge [sflag:s24], $0x4800  }
0xb0: {  	[sflag:s24] =	ssyncset.done $0x0  }
0xb1: {  	[sflag:s24] =	ssyncadd.s32 $0xFFFFB800  }
0xb2: {  	[spmem:s1] =	stream.indirect.scatter.add.f32 [tilespmem:s22], [sflag:$0x4], $0x90, s19, s18, $0xb8;
	[tilespmem:$0x1F580] =	vst v63  }
0xb3: {  	_ =	swait.ge [sflag:s26], $0x4800  }
0xb4: {  	[sflag:s26] =	ssyncset.done $0x0  }
0xb5: {  	[sflag:s26] =	ssyncadd.s32 $0xFFFFB800  }
0xb6: {  	_ =	swait.ge [sflag:s26], $0x4800  }
0xb7: {  	s31 =	simm.s32 $0x40;
	s29 =	simm.s32 $0x20;
	[sflag:s26] =	ssyncset.done $0x0  }
.LBB2_3:
0xb8: {  	s0 =	sadd.s32 s29, s11  }
0xb9: {  	[sflag:s26] =	ssyncadd.s32 $0xFFFFB800;
	s3 =	smov.u32 s31;
	s30 =	sadd.s32 $0x20, s31  }
0xba: {  	[tilespmem:s2], [sflag:$0x1] =	stream.linear.gather [hbm4b:s0+s2], $0x80, $0x38;
	[tilespmem:$0x1F580] =	vst v63  }
0xbb: {  	p2 =	seq.s32 s31, $0x740;
	s31 =	sadd.s32 s29, s12;
	s29 =	smov.u32 s3  }
0xbc: {  	[tilespmem:s17], [sflag:$0x1] =	stream.linear.gather [hbm4b:s31+s2], $0x80, $0x38;
	[tilespmem:$0x1F580] =	vst v63  }
0xbd: {  	s0 =	sadd.s32 $0x10, s0  }
0xbe: {  	[tilespmem:s18], [sflag:$0x1] =	stream.linear.gather [hbm4b:s0+s2], $0x80, $0x38;
	[tilespmem:$0x1F580] =	vst v63  }
0xbf: {  	s0 =	sadd.s32 $0x10, s31  }
0xc0: {  	[tilespmem:s19], [sflag:$0x1] =	stream.linear.gather [hbm4b:s0+s2], $0x80, $0x38;
	[tilespmem:$0x1F580] =	vst v63  }
0xc1: {  	_ =	swait.ge [sflag:s20], $0x80  }
0xc2: {  	[sflag:s20] =	ssyncset.done $0x0  }
0xc3: {  	[sflag:s20] =	ssyncadd.s32 $0xFFFFFF80  }
0xc4: {  	_ =	swait.ge [sflag:s20], $0x80  }
0xc5: {  	[sflag:s20] =	ssyncset.done $0x0  }
0xc6: {  	[sflag:s20] =	ssyncadd.s32 $0xFFFFFF80  }
0xc7: {  	_ =	swait.ge [sflag:s20], $0x80  }
0xc8: {  	[sflag:s20] =	ssyncset.done $0x0  }
0xc9: {  	[sflag:s20] =	ssyncadd.s32 $0xFFFFFF80  }
0xca: {  	_ =	swait.ge [sflag:s20], $0x80  }
0xcb: {  	[sflag:s20] =	ssyncset.done $0x0  }
0xcc: {  	[sflag:s20] =	ssyncadd.s32 $0xFFFFFF80  }
0xcd: {  	[tilespmem:s21], [sflag:$0x2] =	stream.indirect.gather [hbm4b:s4+s18], $0x90, s2, s18, $0xb8;
	[tilespmem:$0x1F580] =	vst v63  }
0xce: {  	_ = 	snop  }
0xcf: {  	[tilespmem:s22], [sflag:$0x3] =	stream.indirect.gather [hbm4b:s4+s18], $0x90, s18, s18, $0xb8;
	[tilespmem:$0x1F580] =	vst v63  }
0xd0: {  	_ =	swait.ge [sflag:s23], $0x4800  }
0xd1: {  	[sflag:s23] =	ssyncset.done $0x0  }
0xd2: {  	[sflag:s23] =	ssyncadd.s32 $0xFFFFB800  }
0xd3: {  	[spmem:s1] =	stream.indirect.scatter.add.f32 [tilespmem:s21], [sflag:$0x4], $0x90, s17, s18, $0xb8;
	[tilespmem:$0x1F580] =	vst v63  }
0xd4: {  	_ =	swait.ge [sflag:s24], $0x4800  }
0xd5: {  	[sflag:s24] =	ssyncset.done $0x0  }
0xd6: {  	[sflag:s24] =	ssyncadd.s32 $0xFFFFB800  }
0xd7: {  	[spmem:s1] =	stream.indirect.scatter.add.f32 [tilespmem:s22], [sflag:$0x4], $0x90, s19, s18, $0xb8;
	[tilespmem:$0x1F580] =	vst v63  }
.Ltmp5:
0xd8: {  	_ =	swait.ge [sflag:s26], $0x4800;
	(pc) =	sbr.rel @!p2 .LBB2_3-.Ltmp5, $4  }
0xd9: {  	[sflag:s26] =	ssyncset.done $0x0  }
0xda: {  	[sflag:s26] =	ssyncadd.s32 $0xFFFFB800  }
0xdb: {  	_ =	swait.ge [sflag:s26], $0x4800  }
0xdc: {  	s31 =	smov.u32 s30;
	[sflag:s26] =	ssyncset.done $0x0  }
0xdd: {  	s0 =	sadd.s32 s29, s11;
	[sflag:s26] =	ssyncadd.s32 $0xFFFFB800  }
0xde: {  	[tilespmem:s2], [sflag:$0x1] =	stream.linear.gather [hbm4b:s0+s2], $0x80, $0x38;
	[tilespmem:$0x1F580] =	vst v63  }
0xdf: {  	s3 =	sadd.s32 s29, s12  }
0xe0: {  	[tilespmem:s17], [sflag:$0x1] =	stream.linear.gather [hbm4b:s3+s2], $0x80, $0x38;
	[tilespmem:$0x1F580] =	vst v63  }
0xe1: {  	s0 =	sadd.s32 $0x10, s0  }
0xe2: {  	[tilespmem:s18], [sflag:$0x1] =	stream.linear.gather [hbm4b:s0+s2], $0x80, $0x38;
	[tilespmem:$0x1F580] =	vst v63  }
0xe3: {  	s31 =	sadd.s32 $0x10, s3  }
0xe4: {  	[tilespmem:s19], [sflag:$0x1] =	stream.linear.gather [hbm4b:s31+s2], $0x80, $0x38;
	[tilespmem:$0x1F580] =	vst v63  }
0xe5: {  	_ =	swait.ge [sflag:s20], $0x80  }
0xe6: {  	[sflag:s20] =	ssyncset.done $0x0  }
0xe7: {  	[sflag:s20] =	ssyncadd.s32 $0xFFFFFF80  }
0xe8: {  	_ =	swait.ge [sflag:s20], $0x80  }
0xe9: {  	[sflag:s20] =	ssyncset.done $0x0  }
0xea: {  	[sflag:s20] =	ssyncadd.s32 $0xFFFFFF80  }
0xeb: {  	_ =	swait.ge [sflag:s20], $0x80  }
0xec: {  	[sflag:s20] =	ssyncset.done $0x0  }
0xed: {  	[sflag:s20] =	ssyncadd.s32 $0xFFFFFF80  }
0xee: {  	_ =	swait.ge [sflag:s20], $0x80  }
0xef: {  	[sflag:s20] =	ssyncset.done $0x0  }
0xf0: {  	[sflag:s20] =	ssyncadd.s32 $0xFFFFFF80  }
0xf1: {  	[tilespmem:s21], [sflag:$0x2] =	stream.indirect.gather [hbm4b:s4+s18], $0x90, s2, s18, $0xb8;
	[tilespmem:$0x1F580] =	vst v63  }
0xf2: {  	_ = 	snop  }
0xf3: {  	[tilespmem:s22], [sflag:$0x3] =	stream.indirect.gather [hbm4b:s4+s18], $0x90, s18, s18, $0xb8;
	[tilespmem:$0x1F580] =	vst v63  }
0xf4: {  	_ =	swait.ge [sflag:s23], $0x4800  }
0xf5: {  	[sflag:s23] =	ssyncset.done $0x0  }
0xf6: {  	[sflag:s23] =	ssyncadd.s32 $0xFFFFB800  }
0xf7: {  	[spmem:s1] =	stream.indirect.scatter.add.f32 [tilespmem:s21], [sflag:$0x4], $0x90, s17, s18, $0xb8;
	[tilespmem:$0x1F580] =	vst v63  }
0xf8: {  	_ =	swait.ge [sflag:s24], $0x4800  }
0xf9: {  	[sflag:s24] =	ssyncset.done $0x0  }
0xfa: {  	[sflag:s24] =	ssyncadd.s32 $0xFFFFB800  }
0xfb: {  	[spmem:s1] =	stream.indirect.scatter.add.f32 [tilespmem:s22], [sflag:$0x4], $0x90, s19, s18, $0xb8;
	[tilespmem:$0x1F580] =	vst v63  }
0xfc: {  	_ =	swait.ge [sflag:s26], $0x4800  }
.Ltmp6:
0xfd: {  	[sflag:s26] =	ssyncset.done $0x0;
	(pc) =	sbr.rel .LBB2_8-.Ltmp6, $4  }
0xfe: {  	[sflag:s26] =	ssyncadd.s32 $0xFFFFB800  }
0xff: {  	_ =	swait.ge [sflag:s26], $0x4800  }
0x100: {  	[sflag:s26] =	ssyncset.done $0x0  }
0x101: {  	[sflag:s26] =	ssyncadd.s32 $0xFFFFB800  }
.LBB2_9:
0x102: {  	_ =	sfence.sel $0x180000  }
0x103: {  	[bflag:$0x0] =	sbarrier.arrive $0xFFFF  }
0x104: {  	_ =	strace $0x9000004A  }
0x105: {  	s0 =	stileid.u32;
	[bflag:$0x2] =	sbarrier.arrive $0xFFFF  }
0x106: {  	p0 =	sne.s32 s0, $0x0;
	s0 =	rddreg [dreg:$0x2]  }
0x107: {  	s0 =	sadd.s32 @!p0 $0x100000, s0  }
0x108: {  	[sflag:s0] =	ssyncadd.tile.s32 @!p0 $0x1;
	_ =	shalt  }
.Lfunc_end2:
_tile_overlayer_lowered:
.L_overlay_start_2:
0x109: {  	(tag) =	ssettag $0x2  }
0x10a: {  	s0 =	rddreg [dreg:$0x0];
	s2 =	stileid.u32  }
0x10b: {  	s1 =	rddreg [dreg:$0x1];
	p0 =	sne.s32 s2, $0x0  }
0x10c: {  	s3 =	rddreg [dreg:$0x2];
	[bflag:$0x3] =	sbarrier.arrive $0xFFFF;
	s2 =	simm.s32 @!p0 $0x1C05  }
0x10d: {  	[timem:s3], [sflag:s2] =	dma.local @!p0 [hbm:s0], s1  }
0x10e: {  	s0 =	simm.s32 @!p0 $0x5  }
0x10f: {  	_ =	swait.ge @!p0 [sflag:s0], s1  }
0x110: {  	s1 =	ssub.s32 @!p0 $0x0, s1;
	[sflag:s0] =	ssyncset.done @!p0 $0x0  }
0x111: {  	[sflag:s0] =	ssyncadd.s32 @!p0 s1  }
0x112: {  	[bflag:$0x3] =	sbarrier.arrive $0xFFFF  }
0x113: {  	_ =	shalt  }

// kernel: kernel.20.cloned.1.call-start
scs
__scs_entry_jumppad:
0x0: {  	(pc) =	sbr.rel $0x88, $3  }
0x1: {  	(tag) =	ssettag $0x0;
	lr =	simm.s32 $0x1  }
0x2: {  	[smem:$0x3F94] =	sst lr;
	_ =	strace $0xD0000000  }
0x3: {  	_ = 	snop  }
0x4: {  	_ = 	snop  }
0x5: {  	_ = 	snop  }
0x6: {  	_ = 	snop  }
0x7: {  	_ = 	snop  }
__scs_overlays_trampoline_lowered:
0x8: {  	[smem:$0x3FA3] =	sst s0  }
0x9: {  	[smem:$0x3FA4] =	sst s1  }
0xa: {  	[smem:$0x3FA5] =	sst s2  }
0xb: {  	[smem:$0x3FA6] =	sst s3  }
0xc: {  	[smem:$0x3FA7] =	sst s4  }
0xd: {  	[smem:$0x3FA8] =	sst s5  }
0xe: {  	[smem:$0x3FA9] =	sst s6  }
0xf: {  	[smem:$0x3FAA] =	sst s7  }
0x10: {  	[smem:$0x3FAB] =	sst s8  }
0x11: {  	[smem:$0x3FAC] =	sst s9;
	s0 =	simm.s32 @!p0 $0x0  }
0x12: {  	s1 =	sld [smem:$0x3F92];
	s0 =	simm.s32 @p0 $0x1  }
0x13: {  	[smem:$0x3FAD] =	sst s0;
	s0 =	simm.s32 @!p1 $0x0  }
0x14: {  	s2 =	sld [smem:$0x3F91];
	s0 =	simm.s32 @p1 $0x1  }
0x15: {  	[smem:$0x3FAE] =	sst s0;
	s0 =	simm.s32 @!p2 $0x0  }
0x16: {  	s3 =	sld [smem:$0x3FDB];
	s0 =	simm.s32 @p2 $0x1  }
0x17: {  	s4 =	simm.s32 $0x1BF5;
	[smem:$0x3FB0] =	sst s0  }
0x18: {  	s0 =	sld [smem:$0x3F93];
	_ =	swait.ge [sflag:s4], $0x0  }
0x19: {  	s7 =	sld [smem:$0x3F94]  }
0x1a: {  	s8 =	sadd.s32 $0xFFFFE003, lr  }
0x1b: {  	s9 =	sadd.s32 $0xFFFFFEF7, lr;
	s5 =	simm.s32 $0xFFFFFFFF;
	p2 =	slt.u32 s8, $0xFFFFF086  }
0x1c: {  	p1 =	slt.u32 s9, $0xF7A;
	s5 =	simm.s32 @!p2 $0x0  }
0x1d: {  	s5 =	simm.s32 @p1 $0x1;
	p0 =	seq.s32 s7, s2  }
0x1e: {  	s7 =	smul.u32 @!p0 $0xF7A, s2;
	p2 =	seq.s32 @!p0 s5, $0x0  }
0x1f: {  	s9 =	smul.u32 $0xF7A, s1;
	s8 =	simm.s32 @!p0 $0x1BF5;
	p2 =	por !p2, p0  }
0x20: {  	[sflag:s8] =	ssyncset.s32 @!p0 $0xFFFFF086;
	s6 =	sadd.s32 @!p0 s3, s7;
	s7 =	simm.s32 @!p0 $0x108  }
0x21: {  	s3 =	sadd.s32 s3, s9;
	s6 =	sadd.s32 @!p0 $0x88, s6;
	s7 =	simm.s32 @p2 $0x1082  }
0x22: {  	[simem:s7], [sflag:s8] =	dma.local @!p0 [hbm:s6], $0xF7A  }
0x23: {  	s9 =	sor.u32 $0xD0000000, s2;
	s6 =	simm.s32 $0x108;
	_ =	swait.ge @!p0 [sflag:s8], $0x0  }
0x24: {  	s3 =	sadd.s32 $0x88, s3;
	s6 =	simm.s32 @!p1 $0x1082;
	[sflag:s4] =	ssyncset.s32 $0xFFFFF086  }
0x25: {  	[simem:s6], [sflag:s4] =	dma.local [hbm:s3], $0xF7A  }
0x26: {  	[smem:$0x3F94] =	sst s1;
	(tag) =	ssettag s2;
	_ =	strace s9  }
0x27: {  	s1 =	sld [smem:$0x3FA4]  }
0x28: {  	s2 =	sld [smem:$0x3FA5]  }
0x29: {  	s4 =	sld [smem:$0x3FA7]  }
0x2a: {  	p0 =	seq.s32 s5, $0x0;
	s5 =	sld [smem:$0x3FA8]  }
0x2b: {  	s6 =	sld [smem:$0x3FA9]  }
0x2c: {  	s7 =	sld [smem:$0x3FAA]  }
0x2d: {  	s3 =	simm.s32 $0x108;
	s8 =	sld [smem:$0x3FAB]  }
0x2e: {  	s3 =	simm.s32 @!p0 $0x1082;
	s9 =	sld [smem:$0x3FAC]  }
0x2f: {  	lr =	sadd.s32 s0, s3;
	s0 =	sld [smem:$0x3FA3]  }
0x30: {  	s3 =	sld [smem:$0x3FA6]  }
0x31: {  	[smem:$0x3FAF] =	sst s10  }
0x32: {  	s10 =	sld [smem:$0x3FAD];
	_ =	sdelay $0x3  }
0x33: {  	p0 =	seq.s32 s10, $0x1;
	s10 =	sld [smem:$0x3FAF];
	_ =	sdelay $0x3  }
0x34: {  	[smem:$0x3FAF] =	sst s10  }
0x35: {  	s10 =	sld [smem:$0x3FAE];
	_ =	sdelay $0x3  }
0x36: {  	p1 =	seq.s32 s10, $0x1;
	s10 =	sld [smem:$0x3FAF];
	_ =	sdelay $0x3  }
0x37: {  	[smem:$0x3FAF] =	sst s10  }
0x38: {  	s10 =	sld [smem:$0x3FB0]  }
0x39: {  	_ = 	snop;
	(pc) =	sbr.ind lr, $3  }
0x3a: {  	_ = 	snop  }
0x3b: {  	_ = 	snop  }
0x3c: {  	p2 =	seq.s32 s10, $0x1;
	s10 =	sld [smem:$0x3FAF]  }
0x3d: {  	_ =	shalt  }
0x3e: {  	_ =	shalt  }
0x3f: {  	_ =	shalt  }
0x40: {  	_ =	shalt  }
0x41: {  	_ =	shalt  }
0x42: {  	_ =	shalt  }
0x43: {  	_ =	shalt  }
0x44: {  	_ =	shalt  }
0x45: {  	_ =	shalt  }
0x46: {  	_ =	shalt  }
0x47: {  	_ =	shalt  }
0x48: {  	_ =	shalt  }
0x49: {  	_ =	shalt  }
0x4a: {  	_ =	shalt  }
0x4b: {  	_ =	shalt  }
0x4c: {  	_ =	shalt  }
0x4d: {  	_ =	shalt  }
0x4e: {  	_ =	shalt  }
0x4f: {  	_ =	shalt  }
0x50: {  	_ =	shalt  }
0x51: {  	_ =	shalt  }
0x52: {  	_ =	shalt  }
0x53: {  	_ =	shalt  }
0x54: {  	_ =	shalt  }
0x55: {  	_ =	shalt  }
0x56: {  	_ =	shalt  }
0x57: {  	_ =	shalt  }
0x58: {  	_ =	shalt  }
0x59: {  	_ =	shalt  }
0x5a: {  	_ =	shalt  }
0x5b: {  	_ =	shalt  }
0x5c: {  	_ =	shalt  }
0x5d: {  	_ =	shalt  }
0x5e: {  	_ =	shalt  }
0x5f: {  	_ =	shalt  }
0x60: {  	_ =	shalt  }
0x61: {  	_ =	shalt  }
0x62: {  	_ =	shalt  }
0x63: {  	_ =	shalt  }
0x64: {  	_ =	shalt  }
0x65: {  	_ =	shalt  }
0x66: {  	_ =	shalt  }
0x67: {  	_ =	shalt  }
0x68: {  	_ =	shalt  }
0x69: {  	_ =	shalt  }
0x6a: {  	_ =	shalt  }
0x6b: {  	_ =	shalt  }
0x6c: {  	_ =	shalt  }
0x6d: {  	_ =	shalt  }
0x6e: {  	_ =	shalt  }
0x6f: {  	_ =	shalt  }
0x70: {  	_ =	shalt  }
0x71: {  	_ =	shalt  }
0x72: {  	_ =	shalt  }
0x73: {  	_ =	shalt  }
0x74: {  	_ =	shalt  }
0x75: {  	_ =	shalt  }
0x76: {  	_ =	shalt  }
0x77: {  	_ =	shalt  }
0x78: {  	_ =	shalt  }
0x79: {  	_ =	shalt  }
0x7a: {  	_ =	shalt  }
0x7b: {  	_ =	shalt  }
0x7c: {  	_ =	shalt  }
0x7d: {  	_ =	shalt  }
0x7e: {  	_ =	shalt  }
0x7f: {  	_ =	shalt  }
0x80: {  	_ =	shalt  }
0x81: {  	_ =	shalt  }
0x82: {  	_ =	shalt  }
0x83: {  	_ =	shalt  }
0x84: {  	_ =	shalt  }
0x85: {  	_ =	shalt  }
0x86: {  	_ =	shalt  }
0x87: {  	_ =	shalt  }
.Lfunc_end0:
.L_simem_size_0:
called_computation.2_lowered:
.L_overlay_start_0:
0x88: {  	s2 =	sld [smem:$0x3FD9]  }
0x89: {  	s3 =	sld [smem:$0x3FFE];
	_ =	sdelay $0x1  }
0x8a: {  	s1 =	srdreg.scid  }
0x8b: {  	s0 =	sand.u32 $0x1, s1  }
0x8c: {  	s16 =	sshll.u32 s0, $0xA;
	s2 =	sadd.s32 s3, s2  }
0x8d: {  	s2 =	sadd.s32 s2, s16  }
0x8e: {  	[smem:$0x3FBB] =	sst s2  }
0x8f: {  	_ = 	snop  }
0x90: {  	(tm) =	ssettm $0x1  }
0x91: {  	s17 =	sld [smem:$0x3FFB];
	_ =	sdelay $0x3  }
0x92: {  	_ =	strace s17  }
0x93: {  	s2 =	sld [smem:$0x3FFC];
	_ =	sdelay $0x3  }
0x94: {  	_ =	strace s2  }
0x95: {  	s2 =	sld [smem:$0x3FFD];
	_ =	sdelay $0x3  }
0x96: {  	_ =	strace s2  }
0x97: {  	_ =	strace $0x8FFFFFFF  }
0x98: {  	s18 =	sld [smem:$0x3FDB];
	_ =	sdelay $0x1  }
0x99: {  	s19 =	simm.s32 $_scs_section_size  }
0x9a: {  	s4 =	simm.s32 $_size__tile_overlayer_lowered;
	s5 =	simm.s32 $_tile_overlayer_lowered  }
0x9b: {  	s22 =	simm.s32 $0x1BFF;
	s21 =	sshll.u32 s5, $0x1;
	s2 =	sadd.s32 s19, s18  }
0x9c: {  	s6 =	simm.s32 $0x0;
	s20 =	sshll.u32 s4, $0x1;
	s4 =	sadd.s32 s21, s2  }
0x9d: {  	[timem:s6], [sflag:s22] =	dma.local [hbm:s4], s20  }
0x9e: {  	_ =	swait.ge [sflag:s22], s20  }
0x9f: {  	s3 =	ssub.s32 $0x0, s20;
	[sflag:s22] =	ssyncset.done $0x0  }
0xa0: {  	[sflag:s22] =	ssyncadd.s32 s3;
	_ =	sdelay $0x1  }
0xa1: {  	s23 =	simm.s32 $0x1B8B  }
0xa2: {  	_ =	swait.ge [sflag:s23], $0x1  }
0xa3: {  	[sflag:s23] =	ssyncset.done $0x0  }
0xa4: {  	s25 =	simm.s32 $0x1B8E;
	s24 =	sld [smem:$0x3FFE];
	[sflag:s23] =	ssyncadd.s32 $0xFFFFFFFF  }
0xa5: {  	s26 =	simm.s32 $execute0_lowered;
	[smem:$0x3FD2] =	sst s25  }
0xa6: {  	s4 =	sshll.u32 s26, $0x1;
	_ =	strace $0x8000004C;
	[dreg:$0x1] =	wrdreg $0xFFFFFFFF  }
0xa7: {  	s28 =	simm.s32 $_size_execute0_lowered;
	s2 =	sadd.s32 s2, s4;
	[dreg:$0x0] =	wrdreg $0x0  }
0xa8: {  	s4 =	sshll.u32 s28, $0x1;
	[dreg:$0x2] =	wrdreg s2  }
0xa9: {  	[dreg:$0x3] =	wrdreg s4  }
0xaa: {  	[dreg:$0x4] =	wrdreg $0xC0  }
0xab: {  	_ =	task [dreg:s6], $0x5FFFF  }
0xac: {  	[dreg:$0x1] =	wrdreg $0xFFFFFFFF  }
0xad: {  	[dreg:$0x0] =	wrdreg $0x60  }
0xae: {  	[dreg:$0x2] =	wrdreg s24  }
0xaf: {  	[dreg:$0x3] =	wrdreg $0x9  }
0xb0: {  	_ =	task.clear_ibuf [dreg:s6], $0x4FFFF;
	_ =	strace $0x9000004C  }
0xb1: {  	s29 =	simm.s32 $0x9;
	_ =	strace $0x8000004E  }
0xb2: {  	_ =	swait.ge [sflag:s29], $0x1  }
0xb3: {  	[sflag:s29] =	ssyncadd.s32 $0xFFFFFFFF  }
0xb4: {  	_ =	strace $0x9000004E  }
0xb5: {  	_ =	sfence  }
0xb6: {  	s30 =	sld [smem:$0x0];
	_ =	sdelay $0x2  }
0xb7: {  	s31 =	sshll.u32 s1, $0xD;
	s1 =	sshrl.u32 s1, $0x2  }
0xb8: {  	s3 =	sand.u32 $0x4000, s31;
	s1 =	sadd.s32 s1, s30  }
0xb9: {  	s0 =	sor.u32 s3, s0;
	s1 =	sshll.u32 s1, $0x11  }
0xba: {  	s0 =	sor.u32 s1, s0  }
0xbb: {  	s0 =	sadd.s32 $0x8F2B, s0  }
0xbc: {  	[sflag:s0] =	ssyncadd.remote.s32 $0x1  }
0xbd: {  	_ =	sfence.sel $0xFFFF  }
0xbe: {  	[dreg:$0x0] =	wrdreg $0xFFFFFFFF;
	(pc) =	sbr.abs _section_cstart, $3  }
0xbf: {  	[dreg:$0x1] =	wrdreg $0xFFFFFFFF  }
0xc0: {  	_ =	task.clear_ibuf [dreg:s6], $0x2FFFF;
	_ =	strace $0x9FFFFFFF  }
0xc1: {  	(tm) =	ssettm $0x7FFFFFFF  }
tec
execute0_lowered:
.L_overlay_start_1:
0x0: {  	(tag) =	ssettag $0x1  }
0x1: {  	s4 =	rddreg [dreg:$0x0]  }
0x2: {  	s0 =	rddreg [dreg:$0x1];
	s2 =	simm.s32 $0x0;
	s1 =	stileid.u32  }
0x3: {  	s5 =	srdreg.scid;
	s13 =	simm.s32 $0x1;
	s14 =	simm.s32 $0x2  }
0x4: {  	s15 =	simm.s32 $0x3;
	s16 =	simm.s32 $0x0;
	[smem:$0x7FF] =	sst s2  }
0x5: {  	s3 =	sadd.s32 $0x2A00, s4;
	s6 =	sor.u32 $0xE0, s1;
	s10 =	smul.u32 $0xE0, s1  }
0x6: {  	s7 =	sadd.s32 $0x9D400, s4;
	s9 =	sand.u32 $0x1, s5;
	s12 =	smul.u32 $0x7E00, s1  }
0x7: {  	s8 =	sadd.s32 $0x9E400, s4;
	_ =	strace $0x8000004D;
	s30 =	smul.u32 $0x900, s6  }
.Ltmp0:
0x8: {  	s31 =	ssub.s32 $0x2, s9;
	s6 =	sshll.u32 s6, $0x4;
	(pc) =	sbr.rel .LBB2_1-.Ltmp0, $4  }
0x9: {  	p0 =	sne.s32 s9, $0x0;
	s9 =	simm.s32 $0x4;
	s11 =	sshrl.u32 s31, $0x1  }
0xa: {  	s4 =	sadd.s32 s7, s6;
	s6 =	sadd.s32 s7, s10;
	s10 =	simm.s32 $0x80  }
0xb: {  	s11 =	ssub.s32 s31, s11;
	s5 =	sadd.s32 s8, s30;
	s8 =	sadd.s32 s12, s8  }
0xc: {  	s12 =	simm.s32 $0x4F00;
	s7 =	smax.u32 s11, $0x1;
	s11 =	simm.s32 $0x700  }
.LBB2_5:
0xd: {  	[tilespmem:s2], [sflag:$0x4] =	stream.linear.gather [hbm4b:s4+s2], $0x80, $0x38;
	[tilespmem:$0x9700] =	vst v63  }
0xe: {  	_ =	swait.ge [sflag:s9], $0x80  }
0xf: {  	[sflag:s9] =	ssyncset.done $0x0  }
0x10: {  	[sflag:s9] =	ssyncadd.s32 $0xFFFFFF80  }
0x11: {  	[tilespmem:s11], [sflag:$0x1] =	stream.indirect.gather [hbm4b:s3+s10], $0x90, s2, s10, $0xb8;
	[tilespmem:$0x9700] =	vst v63  }
0x12: {  	_ =	swait.ge [sflag:s13], $0x4800  }
0x13: {  	[sflag:s13] =	ssyncset.done $0x0  }
0x14: {  	[sflag:s13] =	ssyncadd.s32 $0xFFFFB800  }
0x15: {  	[hbm4b:s5+s2] =	stream.linear.scatter [tilespmem:s11], [sflag:$0x4], $0x4800, $0x38;
	[tilespmem:$0x9700] =	vst v63  }
0x16: {  	_ =	swait.ge [sflag:s9], $0x4800  }
0x17: {  	[sflag:s9] =	ssyncset.done $0x0  }
0x18: {  	[sflag:s9] =	ssyncadd.s32 $0xFFFFB800  }
.LBB2_6:
0x19: {  	s16 =	sadd.s32 $0x1, s16  }
0x1a: {  	p1 =	sne.s32 s16, s7  }
.Ltmp1:
0x1b: {  	_ = 	snop;
	(pc) =	sbr.rel @!p1 .LBB2_7-.Ltmp1, $1  }
0x1c: {  	_ =	sdelay $0x3  }
.LBB2_1:
.Ltmp2:
0x1d: {  	(pc) =	sbr.rel @p0 .LBB2_5-.Ltmp2, $1  }
0x1e: {  	_ =	sdelay $0x3  }
0x1f: {  	s17 =	simm.s32 $0x0  }
0x20: {  	[tilespmem:s17], [sflag:$0x4] =	stream.linear.gather [hbm4b:s6+s17], $0x700, $0x38;
	[tilespmem:$0x9700] =	vst v63  }
0x21: {  	_ =	swait.ge [sflag:s9], $0x700  }
0x22: {  	[sflag:s9] =	ssyncset.done $0x0  }
0x23: {  	s29 =	simm.s32 $0x0;
	[sflag:s9] =	ssyncadd.s32 $0xFFFFF900  }
0x24: {  	[tilespmem:s11], [sflag:$0x1] =	stream.indirect.gather [hbm4b:s3+s10], $0x90, s29, s10, $0xb8;
	[tilespmem:$0x9700] =	vst v63  }
0x25: {  	s30 =	simm.s32 $0x80  }
0x26: {  	[tilespmem:s12], [sflag:$0x2] =	stream.indirect.gather [hbm4b:s3+s10], $0x90, s30, s10, $0xb8;
	[tilespmem:$0x9700] =	vst v63  }
0x27: {  	_ =	swait.ge [sflag:s13], $0x4800  }
0x28: {  	[sflag:s13] =	ssyncset.done $0x0  }
0x29: {  	[sflag:s13] =	ssyncadd.s32 $0xFFFFB800  }
0x2a: {  	[hbm4b:s8+s2] =	stream.linear.scatter [tilespmem:s11], [sflag:$0x3], $0x4800, $0x38;
	[tilespmem:$0x9700] =	vst v63  }
0x2b: {  	_ =	swait.ge [sflag:s14], $0x4800  }
0x2c: {  	[sflag:s14] =	ssyncset.done $0x0  }
0x2d: {  	s31 =	sadd.s32 $0x900, s8;
	[sflag:s14] =	ssyncadd.s32 $0xFFFFB800  }
0x2e: {  	[hbm4b:s31+s2] =	stream.linear.scatter [tilespmem:s12], [sflag:$0x3], $0x4800, $0x38;
	[tilespmem:$0x9700] =	vst v63  }
0x2f: {  	_ =	swait.ge [sflag:s15], $0x4800  }
0x30: {  	[sflag:s15] =	ssyncset.done $0x0  }
0x31: {  	[sflag:s15] =	ssyncadd.s32 $0xFFFFB800  }
0x32: {  	s18 =	simm.s32 $0x400;
	_ =	swait.ge [sflag:s15], $0x4800  }
0x33: {  	s19 =	simm.s32 $0x800;
	s17 =	sadd.s32 $0x1200, s8;
	[sflag:s15] =	ssyncset.done $0x0  }
.LBB2_3:
0x34: {  	s20 =	sshra.s32 s18, $0x2  }
0x35: {  	[sflag:s15] =	ssyncadd.s32 $0xFFFFB800;
	s18 =	smov.u32 s19;
	s21 =	sadd.s32 $0x400, s19  }
0x36: {  	[tilespmem:s11], [sflag:$0x1] =	stream.indirect.gather [hbm4b:s3+s10], $0x90, s20, s10, $0xb8;
	[tilespmem:$0x9700] =	vst v63  }
0x37: {  	p1 =	seq.s32 s19, $0x1800;
	s19 =	sadd.s32 $0x80, s20  }
0x38: {  	[tilespmem:s12], [sflag:$0x2] =	stream.indirect.gather [hbm4b:s3+s10], $0x90, s19, s10, $0xb8;
	[tilespmem:$0x9700] =	vst v63  }
0x39: {  	_ =	swait.ge [sflag:s13], $0x4800  }
0x3a: {  	[sflag:s13] =	ssyncset.done $0x0  }
0x3b: {  	[sflag:s13] =	ssyncadd.s32 $0xFFFFB800  }
0x3c: {  	[hbm4b:s17+s2] =	stream.linear.scatter [tilespmem:s11], [sflag:$0x3], $0x4800, $0x38;
	[tilespmem:$0x9700] =	vst v63  }
0x3d: {  	_ =	swait.ge [sflag:s14], $0x4800  }
0x3e: {  	[sflag:s14] =	ssyncset.done $0x0  }
0x3f: {  	s19 =	sadd.s32 $0x900, s17;
	[sflag:s14] =	ssyncadd.s32 $0xFFFFB800  }
0x40: {  	[hbm4b:s19+s2] =	stream.linear.scatter [tilespmem:s12], [sflag:$0x3], $0x4800, $0x38;
	[tilespmem:$0x9700] =	vst v63  }
.Ltmp3:
0x41: {  	_ =	swait.ge [sflag:s15], $0x4800;
	(pc) =	sbr.rel @!p1 .LBB2_3-.Ltmp3, $4  }
0x42: {  	[sflag:s15] =	ssyncset.done $0x0  }
0x43: {  	[sflag:s15] =	ssyncadd.s32 $0xFFFFB800  }
0x44: {  	_ =	swait.ge [sflag:s15], $0x4800  }
0x45: {  	s17 =	sadd.s32 $0x1200, s17;
	s19 =	smov.u32 s21;
	[sflag:s15] =	ssyncset.done $0x0  }
0x46: {  	s18 =	sshra.s32 s18, $0x2;
	[sflag:s15] =	ssyncadd.s32 $0xFFFFB800  }
0x47: {  	[tilespmem:s11], [sflag:$0x1] =	stream.indirect.gather [hbm4b:s3+s10], $0x90, s18, s10, $0xb8;
	[tilespmem:$0x9700] =	vst v63  }
0x48: {  	s18 =	sadd.s32 $0x80, s18  }
0x49: {  	[tilespmem:s12], [sflag:$0x2] =	stream.indirect.gather [hbm4b:s3+s10], $0x90, s18, s10, $0xb8;
	[tilespmem:$0x9700] =	vst v63  }
0x4a: {  	_ =	swait.ge [sflag:s13], $0x4800  }
0x4b: {  	[sflag:s13] =	ssyncset.done $0x0  }
0x4c: {  	[sflag:s13] =	ssyncadd.s32 $0xFFFFB800  }
0x4d: {  	[hbm4b:s17+s2] =	stream.linear.scatter [tilespmem:s11], [sflag:$0x3], $0x4800, $0x38;
	[tilespmem:$0x9700] =	vst v63  }
0x4e: {  	_ =	swait.ge [sflag:s14], $0x4800  }
0x4f: {  	[sflag:s14] =	ssyncset.done $0x0  }
0x50: {  	s31 =	sadd.s32 $0x900, s17;
	[sflag:s14] =	ssyncadd.s32 $0xFFFFB800  }
0x51: {  	[hbm4b:s31+s2] =	stream.linear.scatter [tilespmem:s12], [sflag:$0x3], $0x4800, $0x38;
	[tilespmem:$0x9700] =	vst v63  }
0x52: {  	_ =	swait.ge [sflag:s15], $0x4800  }
.Ltmp4:
0x53: {  	[sflag:s15] =	ssyncset.done $0x0;
	(pc) =	sbr.rel .LBB2_6-.Ltmp4, $4  }
0x54: {  	[sflag:s15] =	ssyncadd.s32 $0xFFFFB800  }
0x55: {  	_ =	swait.ge [sflag:s15], $0x4800  }
0x56: {  	[sflag:s15] =	ssyncset.done $0x0  }
0x57: {  	[sflag:s15] =	ssyncadd.s32 $0xFFFFB800  }
.LBB2_7:
0x58: {  	_ =	sfence.sel $0x180000  }
0x59: {  	[bflag:$0x0] =	sbarrier.arrive $0xFFFF  }
0x5a: {  	p0 =	sne.s32 s1, $0x0;
	_ =	strace $0x9000004D  }
0x5b: {  	s0 =	sadd.s32 @!p0 $0x100000, s0;
	[bflag:$0x2] =	sbarrier.arrive $0xFFFF  }
0x5c: {  	[sflag:s0] =	ssyncadd.tile.s32 @!p0 $0x1;
	_ =	shalt  }
.Lfunc_end2:
_tile_overlayer_lowered:
.L_overlay_start_2:
0x5d: {  	(tag) =	ssettag $0x2  }
0x5e: {  	s0 =	rddreg [dreg:$0x0];
	s2 =	stileid.u32  }
0x5f: {  	s1 =	rddreg [dreg:$0x1];
	p0 =	sne.s32 s2, $0x0  }
0x60: {  	s3 =	rddreg [dreg:$0x2];
	[bflag:$0x3] =	sbarrier.arrive $0xFFFF;
	s2 =	simm.s32 @!p0 $0x1C04  }
0x61: {  	[timem:s3], [sflag:s2] =	dma.local @!p0 [hbm:s0], s1  }
0x62: {  	s0 =	simm.s32 @!p0 $0x4  }
0x63: {  	_ =	swait.ge @!p0 [sflag:s0], s1  }
0x64: {  	s1 =	ssub.s32 @!p0 $0x0, s1;
	[sflag:s0] =	ssyncset.done @!p0 $0x0  }
0x65: {  	[sflag:s0] =	ssyncadd.s32 @!p0 s1  }
0x66: {  	[bflag:$0x3] =	sbarrier.arrive $0xFFFF  }
0x67: {  	_ =	shalt  }

// kernel: kernel.23.cloned.1.call-start
scs
__scs_entry_jumppad:
0x0: {  	(pc) =	sbr.rel $0x88, $3  }
0x1: {  	(tag) =	ssettag $0x0;
	lr =	simm.s32 $0x1  }
0x2: {  	[smem:$0x3F94] =	sst lr;
	_ =	strace $0xD0000000  }
0x3: {  	_ = 	snop  }
0x4: {  	_ = 	snop  }
0x5: {  	_ = 	snop  }
0x6: {  	_ = 	snop  }
0x7: {  	_ = 	snop  }
__scs_overlays_trampoline_lowered:
0x8: {  	[smem:$0x3FA3] =	sst s0  }
0x9: {  	[smem:$0x3FA4] =	sst s1  }
0xa: {  	[smem:$0x3FA5] =	sst s2  }
0xb: {  	[smem:$0x3FA6] =	sst s3  }
0xc: {  	[smem:$0x3FA7] =	sst s4  }
0xd: {  	[smem:$0x3FA8] =	sst s5  }
0xe: {  	[smem:$0x3FA9] =	sst s6  }
0xf: {  	[smem:$0x3FAA] =	sst s7  }
0x10: {  	[smem:$0x3FAB] =	sst s8  }
0x11: {  	[smem:$0x3FAC] =	sst s9;
	s0 =	simm.s32 @!p0 $0x0  }
0x12: {  	s1 =	sld [smem:$0x3F92];
	s0 =	simm.s32 @p0 $0x1  }
0x13: {  	[smem:$0x3FAD] =	sst s0;
	s0 =	simm.s32 @!p1 $0x0  }
0x14: {  	s2 =	sld [smem:$0x3F91];
	s0 =	simm.s32 @p1 $0x1  }
0x15: {  	[smem:$0x3FAE] =	sst s0;
	s0 =	simm.s32 @!p2 $0x0  }
0x16: {  	s3 =	sld [smem:$0x3FDB];
	s0 =	simm.s32 @p2 $0x1  }
0x17: {  	s4 =	simm.s32 $0x1BF5;
	[smem:$0x3FB0] =	sst s0  }
0x18: {  	s0 =	sld [smem:$0x3F93];
	_ =	swait.ge [sflag:s4], $0x0  }
0x19: {  	s7 =	sld [smem:$0x3F94]  }
0x1a: {  	s8 =	sadd.s32 $0xFFFFE003, lr  }
0x1b: {  	s9 =	sadd.s32 $0xFFFFFEF7, lr;
	s5 =	simm.s32 $0xFFFFFFFF;
	p2 =	slt.u32 s8, $0xFFFFF086  }
0x1c: {  	p1 =	slt.u32 s9, $0xF7A;
	s5 =	simm.s32 @!p2 $0x0  }
0x1d: {  	s5 =	simm.s32 @p1 $0x1;
	p0 =	seq.s32 s7, s2  }
0x1e: {  	s7 =	smul.u32 @!p0 $0xF7A, s2;
	p2 =	seq.s32 @!p0 s5, $0x0  }
0x1f: {  	s9 =	smul.u32 $0xF7A, s1;
	s8 =	simm.s32 @!p0 $0x1BF5;
	p2 =	por !p2, p0  }
0x20: {  	[sflag:s8] =	ssyncset.s32 @!p0 $0xFFFFF086;
	s6 =	sadd.s32 @!p0 s3, s7;
	s7 =	simm.s32 @!p0 $0x108  }
0x21: {  	s3 =	sadd.s32 s3, s9;
	s6 =	sadd.s32 @!p0 $0x88, s6;
	s7 =	simm.s32 @p2 $0x1082  }
0x22: {  	[simem:s7], [sflag:s8] =	dma.local @!p0 [hbm:s6], $0xF7A  }
0x23: {  	s9 =	sor.u32 $0xD0000000, s2;
	s6 =	simm.s32 $0x108;
	_ =	swait.ge @!p0 [sflag:s8], $0x0  }
0x24: {  	s3 =	sadd.s32 $0x88, s3;
	s6 =	simm.s32 @!p1 $0x1082;
	[sflag:s4] =	ssyncset.s32 $0xFFFFF086  }
0x25: {  	[simem:s6], [sflag:s4] =	dma.local [hbm:s3], $0xF7A  }
0x26: {  	[smem:$0x3F94] =	sst s1;
	(tag) =	ssettag s2;
	_ =	strace s9  }
0x27: {  	s1 =	sld [smem:$0x3FA4]  }
0x28: {  	s2 =	sld [smem:$0x3FA5]  }
0x29: {  	s4 =	sld [smem:$0x3FA7]  }
0x2a: {  	p0 =	seq.s32 s5, $0x0;
	s5 =	sld [smem:$0x3FA8]  }
0x2b: {  	s6 =	sld [smem:$0x3FA9]  }
0x2c: {  	s7 =	sld [smem:$0x3FAA]  }
0x2d: {  	s3 =	simm.s32 $0x108;
	s8 =	sld [smem:$0x3FAB]  }
0x2e: {  	s3 =	simm.s32 @!p0 $0x1082;
	s9 =	sld [smem:$0x3FAC]  }
0x2f: {  	lr =	sadd.s32 s0, s3;
	s0 =	sld [smem:$0x3FA3]  }
0x30: {  	s3 =	sld [smem:$0x3FA6]  }
0x31: {  	[smem:$0x3FAF] =	sst s10  }
0x32: {  	s10 =	sld [smem:$0x3FAD];
	_ =	sdelay $0x3  }
0x33: {  	p0 =	seq.s32 s10, $0x1;
	s10 =	sld [smem:$0x3FAF];
	_ =	sdelay $0x3  }
0x34: {  	[smem:$0x3FAF] =	sst s10  }
0x35: {  	s10 =	sld [smem:$0x3FAE];
	_ =	sdelay $0x3  }
0x36: {  	p1 =	seq.s32 s10, $0x1;
	s10 =	sld [smem:$0x3FAF];
	_ =	sdelay $0x3  }
0x37: {  	[smem:$0x3FAF] =	sst s10  }
0x38: {  	s10 =	sld [smem:$0x3FB0]  }
0x39: {  	_ = 	snop;
	(pc) =	sbr.ind lr, $3  }
0x3a: {  	_ = 	snop  }
0x3b: {  	_ = 	snop  }
0x3c: {  	p2 =	seq.s32 s10, $0x1;
	s10 =	sld [smem:$0x3FAF]  }
0x3d: {  	_ =	shalt  }
0x3e: {  	_ =	shalt  }
0x3f: {  	_ =	shalt  }
0x40: {  	_ =	shalt  }
0x41: {  	_ =	shalt  }
0x42: {  	_ =	shalt  }
0x43: {  	_ =	shalt  }
0x44: {  	_ =	shalt  }
0x45: {  	_ =	shalt  }
0x46: {  	_ =	shalt  }
0x47: {  	_ =	shalt  }
0x48: {  	_ =	shalt  }
0x49: {  	_ =	shalt  }
0x4a: {  	_ =	shalt  }
0x4b: {  	_ =	shalt  }
0x4c: {  	_ =	shalt  }
0x4d: {  	_ =	shalt  }
0x4e: {  	_ =	shalt  }
0x4f: {  	_ =	shalt  }
0x50: {  	_ =	shalt  }
0x51: {  	_ =	shalt  }
0x52: {  	_ =	shalt  }
0x53: {  	_ =	shalt  }
0x54: {  	_ =	shalt  }
0x55: {  	_ =	shalt  }
0x56: {  	_ =	shalt  }
0x57: {  	_ =	shalt  }
0x58: {  	_ =	shalt  }
0x59: {  	_ =	shalt  }
0x5a: {  	_ =	shalt  }
0x5b: {  	_ =	shalt  }
0x5c: {  	_ =	shalt  }
0x5d: {  	_ =	shalt  }
0x5e: {  	_ =	shalt  }
0x5f: {  	_ =	shalt  }
0x60: {  	_ =	shalt  }
0x61: {  	_ =	shalt  }
0x62: {  	_ =	shalt  }
0x63: {  	_ =	shalt  }
0x64: {  	_ =	shalt  }
0x65: {  	_ =	shalt  }
0x66: {  	_ =	shalt  }
0x67: {  	_ =	shalt  }
0x68: {  	_ =	shalt  }
0x69: {  	_ =	shalt  }
0x6a: {  	_ =	shalt  }
0x6b: {  	_ =	shalt  }
0x6c: {  	_ =	shalt  }
0x6d: {  	_ =	shalt  }
0x6e: {  	_ =	shalt  }
0x6f: {  	_ =	shalt  }
0x70: {  	_ =	shalt  }
0x71: {  	_ =	shalt  }
0x72: {  	_ =	shalt  }
0x73: {  	_ =	shalt  }
0x74: {  	_ =	shalt  }
0x75: {  	_ =	shalt  }
0x76: {  	_ =	shalt  }
0x77: {  	_ =	shalt  }
0x78: {  	_ =	shalt  }
0x79: {  	_ =	shalt  }
0x7a: {  	_ =	shalt  }
0x7b: {  	_ =	shalt  }
0x7c: {  	_ =	shalt  }
0x7d: {  	_ =	shalt  }
0x7e: {  	_ =	shalt  }
0x7f: {  	_ =	shalt  }
0x80: {  	_ =	shalt  }
0x81: {  	_ =	shalt  }
0x82: {  	_ =	shalt  }
0x83: {  	_ =	shalt  }
0x84: {  	_ =	shalt  }
0x85: {  	_ =	shalt  }
0x86: {  	_ =	shalt  }
0x87: {  	_ =	shalt  }
.Lfunc_end0:
.L_simem_size_0:
called_computation.3_lowered:
.L_overlay_start_0:
0x88: {  	s2 =	sld [smem:$0x3FD9]  }
0x89: {  	s3 =	sld [smem:$0x3FFE];
	_ =	sdelay $0x1  }
0x8a: {  	s1 =	srdreg.scid  }
0x8b: {  	s0 =	sand.u32 $0x1, s1  }
0x8c: {  	s16 =	sshll.u32 s0, $0xA;
	s2 =	sadd.s32 s3, s2  }
0x8d: {  	s2 =	sadd.s32 s2, s16  }
0x8e: {  	[smem:$0x3FBB] =	sst s2  }
0x8f: {  	_ = 	snop  }
0x90: {  	(tm) =	ssettm $0x1  }
0x91: {  	s17 =	sld [smem:$0x3FFB];
	_ =	sdelay $0x3  }
0x92: {  	_ =	strace s17  }
0x93: {  	s2 =	sld [smem:$0x3FFC];
	_ =	sdelay $0x3  }
0x94: {  	_ =	strace s2  }
0x95: {  	s2 =	sld [smem:$0x3FFD];
	_ =	sdelay $0x3  }
0x96: {  	_ =	strace s2  }
0x97: {  	_ =	strace $0x8FFFFFFF  }
0x98: {  	s18 =	sld [smem:$0x3FDB];
	_ =	sdelay $0x1  }
0x99: {  	s19 =	simm.s32 $_scs_section_size  }
0x9a: {  	s4 =	simm.s32 $_size__tile_overlayer_lowered;
	s5 =	simm.s32 $_tile_overlayer_lowered  }
0x9b: {  	s22 =	simm.s32 $0x1BFF;
	s21 =	sshll.u32 s5, $0x1;
	s2 =	sadd.s32 s19, s18  }
0x9c: {  	s6 =	simm.s32 $0x0;
	s20 =	sshll.u32 s4, $0x1;
	s4 =	sadd.s32 s21, s2  }
0x9d: {  	[timem:s6], [sflag:s22] =	dma.local [hbm:s4], s20  }
0x9e: {  	_ =	swait.ge [sflag:s22], s20  }
0x9f: {  	s3 =	ssub.s32 $0x0, s20;
	[sflag:s22] =	ssyncset.done $0x0  }
0xa0: {  	[sflag:s22] =	ssyncadd.s32 s3;
	_ =	sdelay $0x1  }
0xa1: {  	s23 =	simm.s32 $0x1B8B  }
0xa2: {  	_ =	swait.ge [sflag:s23], $0x1  }
0xa3: {  	[sflag:s23] =	ssyncset.done $0x0  }
0xa4: {  	s25 =	simm.s32 $0x1B8E;
	s24 =	sld [smem:$0x3FFE];
	[sflag:s23] =	ssyncadd.s32 $0xFFFFFFFF  }
0xa5: {  	s26 =	simm.s32 $execute0_lowered;
	[smem:$0x3FD2] =	sst s25  }
0xa6: {  	s4 =	sshll.u32 s26, $0x1;
	_ =	strace $0x8000004F;
	[dreg:$0x1] =	wrdreg $0xFFFFFFFF  }
0xa7: {  	s28 =	simm.s32 $_size_execute0_lowered;
	s2 =	sadd.s32 s2, s4;
	[dreg:$0x0] =	wrdreg $0x0  }
0xa8: {  	s4 =	sshll.u32 s28, $0x1;
	[dreg:$0x2] =	wrdreg s2  }
0xa9: {  	[dreg:$0x3] =	wrdreg s4  }
0xaa: {  	[dreg:$0x4] =	wrdreg $0xC0  }
0xab: {  	_ =	task [dreg:s6], $0x5FFFF  }
0xac: {  	[dreg:$0x1] =	wrdreg $0xFFFFFFFF  }
0xad: {  	[dreg:$0x0] =	wrdreg $0x60  }
0xae: {  	[dreg:$0x2] =	wrdreg s24  }
0xaf: {  	[dreg:$0x3] =	wrdreg $0x92000  }
0xb0: {  	[dreg:$0x4] =	wrdreg $0x9  }
0xb1: {  	_ =	task.clear_ibuf [dreg:s6], $0x5FFFF;
	_ =	strace $0x9000004F  }
0xb2: {  	s29 =	simm.s32 $0x9;
	_ =	strace $0x80000051  }
0xb3: {  	_ =	swait.ge [sflag:s29], $0x1  }
0xb4: {  	[sflag:s29] =	ssyncadd.s32 $0xFFFFFFFF  }
0xb5: {  	_ =	strace $0x90000051  }
0xb6: {  	_ =	sfence  }
0xb7: {  	s30 =	sld [smem:$0x0];
	_ =	sdelay $0x2  }
0xb8: {  	s31 =	sshll.u32 s1, $0xD;
	s1 =	sshrl.u32 s1, $0x2  }
0xb9: {  	s3 =	sand.u32 $0x4000, s31;
	s1 =	sadd.s32 s1, s30  }
0xba: {  	s0 =	sor.u32 s3, s0;
	s1 =	sshll.u32 s1, $0x11  }
0xbb: {  	s0 =	sor.u32 s1, s0  }
0xbc: {  	s0 =	sadd.s32 $0x8F2B, s0  }
0xbd: {  	[sflag:s0] =	ssyncadd.remote.s32 $0x1  }
0xbe: {  	_ =	sfence.sel $0xFFFF  }
0xbf: {  	[dreg:$0x0] =	wrdreg $0xFFFFFFFF;
	(pc) =	sbr.abs _section_cstart, $3  }
0xc0: {  	[dreg:$0x1] =	wrdreg $0xFFFFFFFF  }
0xc1: {  	_ =	task.clear_ibuf [dreg:s6], $0x2FFFF;
	_ =	strace $0x9FFFFFFF  }
0xc2: {  	(tm) =	ssettm $0x7FFFFFFF  }
0xc3: {  	_ =	shalt  }
tec
execute0_lowered:
.L_overlay_start_1:
0x0: {  	(tag) =	ssettag $0x1  }
0x1: {  	s6 =	rddreg [dreg:$0x0]  }
0x2: {  	s1 =	rddreg [dreg:$0x1];
	s2 =	simm.s32 $0x0  }
0x3: {  	s5 =	srdreg.scid;
	s0 =	stileid.u32;
	s17 =	simm.s32 $0x100  }
0x4: {  	s18 =	simm.s32 $0x80;
	s19 =	simm.s32 $0x180;
	s20 =	simm.s32 $0x1  }
0x5: {  	s21 =	simm.s32 $0x200;
	s22 =	simm.s32 $0x4A00;
	s23 =	simm.s32 $0x2  }
0x6: {  	s24 =	simm.s32 $0x3;
	s28 =	simm.s32 $0x0;
	[smem:$0x7FF] =	sst s2  }
0x7: {  	s4 =	sadd.s32 $0x2A00, s6;
	s14 =	sadd.s32 $0x38800, s6;
	s13 =	sadd.s32 $0x2EA00, s6  }
0x8: {  	s8 =	sand.u32 $0x1, s5;
	s5 =	sadd.s32 $0x42600, s6;
	s9 =	smul.u32 $0x16380, s0  }
0x9: {  	s10 =	sadd.s32 $0x45400, s6;
	s29 =	sshll.u32 s0, $0x6;
	s15 =	smul.u32 $0x760, s0  }
0xa: {  	s16 =	smul.u32 $0x280, s0;
	s25 =	sadd.s32 $0x14D480, s1;
	p1 =	seq.s32 s0, $0xF  }
0xb: {  	_ =	strace $0x80000050;
	s7 =	ssub.s32 $0x2, s8;
	s11 =	smul.u32 $0x15F900, s8  }
0xc: {  	p0 =	seq.s32 s8, $0x1;
	s25 =	sshrl.u32 @p1 s25, $0x3;
	s26 =	sshrl.u32 s7, $0x1  }
0xd: {  	s6 =	sadd.s32 s9, s1;
	s12 =	ssub.s32 s7, s26;
	s7 =	sor.u32 $0x1C05, s29  }
.Ltmp0:
0xe: {  	s30 =	sadd.s32 s9, s11;
	s31 =	sshrl.u32 s11, $0x3;
	(pc) =	sbr.rel .LBB2_1-.Ltmp0, $4  }
0xf: {  	s11 =	sadd.s32 s15, s14;
	s14 =	sadd.s32 s16, s14;
	s8 =	sshrl.u32 s30, $0x3  }
0x10: {  	s26 =	simm.s32 $0x4;
	s9 =	sadd.s32 s10, s31;
	s8 =	sadd.s32 s10, s8  }
0x11: {  	s9 =	sadd.s32 $0x29A90, s9;
	s10 =	smax.u32 s12, $0x1;
	s12 =	sadd.s32 s15, s13  }
0x12: {  	s13 =	sadd.s32 s16, s13;
	s15 =	sshrl.u32 s6, $0x3;
	s16 =	simm.s32 $0x5  }
.LBB2_7:
0x13: {  	s0 =	sadd.s32 $0x7880, s31;
	s3 =	sadd.s32 s29, s13;
	[sflag:s26] =	ssyncadd.s32 $0xFFFFB800  }
0x14: {  	[tilespmem:s2], [sflag:$0x1] =	stream.linear.gather [hbm4b:s0+s2], $0x80, $0x38;
	[tilespmem:$0x1F580] =	vst v63  }
0x15: {  	s29 =	sadd.s32 $0x7880, s3  }
0x16: {  	[tilespmem:s17], [sflag:$0x1] =	stream.linear.gather [hbm4b:s29+s2], $0x80, $0x38;
	[tilespmem:$0x1F580] =	vst v63  }
0x17: {  	s30 =	sadd.s32 $0x7890, s31  }
0x18: {  	[tilespmem:s18], [sflag:$0x1] =	stream.linear.gather [hbm4b:s30+s2], $0x80, $0x38;
	[tilespmem:$0x1F580] =	vst v63  }
0x19: {  	s31 =	sadd.s32 $0x7890, s3  }
0x1a: {  	[tilespmem:s19], [sflag:$0x1] =	stream.linear.gather [hbm4b:s31+s2], $0x80, $0x38;
	[tilespmem:$0x1F580] =	vst v63  }
0x1b: {  	_ =	swait.ge [sflag:s20], $0x80  }
0x1c: {  	[sflag:s20] =	ssyncset.done $0x0  }
0x1d: {  	[sflag:s20] =	ssyncadd.s32 $0xFFFFFF80  }
0x1e: {  	_ =	swait.ge [sflag:s20], $0x80  }
0x1f: {  	[sflag:s20] =	ssyncset.done $0x0  }
0x20: {  	[sflag:s20] =	ssyncadd.s32 $0xFFFFFF80  }
0x21: {  	_ =	swait.ge [sflag:s20], $0x80  }
0x22: {  	[sflag:s20] =	ssyncset.done $0x0  }
0x23: {  	[sflag:s20] =	ssyncadd.s32 $0xFFFFFF80  }
0x24: {  	_ =	swait.ge [sflag:s20], $0x80  }
0x25: {  	[sflag:s20] =	ssyncset.done $0x0  }
0x26: {  	[sflag:s20] =	ssyncadd.s32 $0xFFFFFF80  }
0x27: {  	[tilespmem:s21], [sflag:$0x2] =	stream.indirect.gather [hbm4b:s4+s18], $0x90, s2, s18, $0xb8;
	[tilespmem:$0x1F580] =	vst v63  }
0x28: {  	_ = 	snop  }
0x29: {  	[tilespmem:s22], [sflag:$0x3] =	stream.indirect.gather [hbm4b:s4+s18], $0x90, s18, s18, $0xb8;
	[tilespmem:$0x1F580] =	vst v63  }
0x2a: {  	_ =	swait.ge [sflag:s23], $0x4800  }
0x2b: {  	[sflag:s23] =	ssyncset.done $0x0  }
0x2c: {  	[sflag:s23] =	ssyncadd.s32 $0xFFFFB800  }
0x2d: {  	[spmem:s1] =	stream.indirect.scatter.add.f32 [tilespmem:s21], [sflag:$0x4], $0x90, s17, s18, $0xb8;
	[tilespmem:$0x1F580] =	vst v63  }
0x2e: {  	_ =	swait.ge [sflag:s24], $0x4800  }
0x2f: {  	[sflag:s24] =	ssyncset.done $0x0  }
0x30: {  	[sflag:s24] =	ssyncadd.s32 $0xFFFFB800  }
0x31: {  	[spmem:s1] =	stream.indirect.scatter.add.f32 [tilespmem:s22], [sflag:$0x4], $0x90, s19, s18, $0xb8;
	[tilespmem:$0x1F580] =	vst v63  }
0x32: {  	_ =	swait.ge [sflag:s26], $0x4800  }
0x33: {  	[sflag:s26] =	ssyncset.done $0x0  }
0x34: {  	[sflag:s26] =	ssyncadd.s32 $0xFFFFB800  }
0x35: {  	_ =	swait.ge [sflag:s26], $0x4800  }
0x36: {  	[sflag:s26] =	ssyncset.done $0x0  }
0x37: {  	[sflag:s26] =	ssyncadd.s32 $0xFFFFB800  }
.LBB2_8:
0x38: {  	[bflag:$0x0] =	sbarrier.arrive $0xFFFF;
	s0 =	simm.s32 @p1 $0x5  }
0x39: {  	[hbm:s9], [sflag:s7] =	dma.local @p1 [spmem:s25], $0x2490  }
0x3a: {  	_ =	swait.ge @p1 [sflag:s0], $0x2490  }
0x3b: {  	s28 =	sadd.s32 $0x1, s28;
	[sflag:s0] =	ssyncset.done @p1 $0x0  }
0x3c: {  	p2 =	sne.s32 s28, s10;
	[sflag:s0] =	ssyncadd.s32 @p1 $0xFFFFDB70;
	s0 =	sshrl.u32 @!p1 s6, $0x3  }
0x3d: {  	[hbm:s8], [sflag:s7] =	dma.local @!p1 [spmem:s0], $0x2C70  }
.Ltmp1:
0x3e: {  	_ = 	snop;
	(pc) =	sbr.rel @!p2 .LBB2_9-.Ltmp1, $4  }
0x3f: {  	s0 =	simm.s32 @!p1 $0x5  }
0x40: {  	_ =	swait.ge @!p1 [sflag:s0], $0x2C70  }
0x41: {  	[sflag:s0] =	ssyncset.done @!p1 $0x0  }
0x42: {  	[sflag:s0] =	ssyncadd.s32 @!p1 $0xFFFFD390  }
.LBB2_1:
0x43: {  	[spmem:s15], [sflag:s7] =	dma.local [hbm:s5], $0x2C70  }
.Ltmp2:
0x44: {  	_ =	swait.ge [sflag:s16], $0x2C70;
	(pc) =	sbr.rel @!p0 .LBB2_2-.Ltmp2, $3  }
0x45: {  	[sflag:s16] =	ssyncset.done $0x0  }
0x46: {  	[sflag:s16] =	ssyncadd.s32 $0xFFFFD390  }
0x47: {  	[bflag:$0x0] =	sbarrier.arrive $0xFFFF;
	_ =	sdelay $0x1  }
0x48: {  	s0 =	sadd.s32 $0xFFFFFD80, s14  }
0x49: {  	s29 =	sadd.s32 $0xFFFFFD80, s13;
	s3 =	sadd.s32 $0x7880, s0  }
0x4a: {  	[tilespmem:s2], [sflag:$0x1] =	stream.linear.gather [hbm4b:s3+s2], $0x80, $0x38;
	[tilespmem:$0x1F580] =	vst v63  }
0x4b: {  	s3 =	sadd.s32 $0x7880, s29  }
0x4c: {  	[tilespmem:s17], [sflag:$0x1] =	stream.linear.gather [hbm4b:s3+s2], $0x80, $0x38;
	[tilespmem:$0x1F580] =	vst v63  }
0x4d: {  	s0 =	sadd.s32 $0x7890, s0  }
0x4e: {  	[tilespmem:s18], [sflag:$0x1] =	stream.linear.gather [hbm4b:s0+s2], $0x80, $0x38;
	[tilespmem:$0x1F580] =	vst v63  }
0x4f: {  	s3 =	sadd.s32 $0x7890, s29  }
0x50: {  	[tilespmem:s19], [sflag:$0x1] =	stream.linear.gather [hbm4b:s3+s2], $0x80, $0x38;
	[tilespmem:$0x1F580] =	vst v63  }
0x51: {  	_ =	swait.ge [sflag:s20], $0x80  }
0x52: {  	[sflag:s20] =	ssyncset.done $0x0  }
0x53: {  	[sflag:s20] =	ssyncadd.s32 $0xFFFFFF80  }
0x54: {  	_ =	swait.ge [sflag:s20], $0x80  }
0x55: {  	[sflag:s20] =	ssyncset.done $0x0  }
0x56: {  	[sflag:s20] =	ssyncadd.s32 $0xFFFFFF80  }
0x57: {  	_ =	swait.ge [sflag:s20], $0x80  }
0x58: {  	[sflag:s20] =	ssyncset.done $0x0  }
0x59: {  	[sflag:s20] =	ssyncadd.s32 $0xFFFFFF80  }
0x5a: {  	_ =	swait.ge [sflag:s20], $0x80  }
0x5b: {  	[sflag:s20] =	ssyncset.done $0x0  }
0x5c: {  	[sflag:s20] =	ssyncadd.s32 $0xFFFFFF80  }
0x5d: {  	[tilespmem:s21], [sflag:$0x2] =	stream.indirect.gather [hbm4b:s4+s18], $0x90, s2, s18, $0xb8;
	[tilespmem:$0x1F580] =	vst v63  }
0x5e: {  	_ = 	snop  }
0x5f: {  	[tilespmem:s22], [sflag:$0x3] =	stream.indirect.gather [hbm4b:s4+s18], $0x90, s18, s18, $0xb8;
	[tilespmem:$0x1F580] =	vst v63  }
0x60: {  	_ =	swait.ge [sflag:s23], $0x4800  }
0x61: {  	[sflag:s23] =	ssyncset.done $0x0  }
0x62: {  	[sflag:s23] =	ssyncadd.s32 $0xFFFFB800  }
0x63: {  	[spmem:s1] =	stream.indirect.scatter.add.f32 [tilespmem:s21], [sflag:$0x4], $0x90, s17, s18, $0xb8;
	[tilespmem:$0x1F580] =	vst v63  }
0x64: {  	_ =	swait.ge [sflag:s24], $0x4800  }
0x65: {  	[sflag:s24] =	ssyncset.done $0x0  }
0x66: {  	[sflag:s24] =	ssyncadd.s32 $0xFFFFB800  }
0x67: {  	[spmem:s1] =	stream.indirect.scatter.add.f32 [tilespmem:s22], [sflag:$0x4], $0x90, s19, s18, $0xb8;
	[tilespmem:$0x1F580] =	vst v63  }
0x68: {  	_ =	swait.ge [sflag:s26], $0x4800  }
0x69: {  	[sflag:s26] =	ssyncset.done $0x0  }
0x6a: {  	[sflag:s26] =	ssyncadd.s32 $0xFFFFB800  }
0x6b: {  	s30 =	simm.s32 $0xFFFFFDC0;
	_ =	swait.ge [sflag:s26], $0x4800  }
0x6c: {  	s31 =	sadd.s32 $0xFFFFFDA0, s14;
	s29 =	simm.s32 $0xFFFFFDA0;
	[sflag:s26] =	ssyncset.done $0x0  }
.LBB2_6:
0x6d: {  	s0 =	sadd.s32 $0x7880, s31  }
0x6e: {  	s3 =	sadd.s32 s29, s13;
	[sflag:s26] =	ssyncadd.s32 $0xFFFFB800;
	s29 =	smov.u32 s30  }
0x6f: {  	[tilespmem:s2], [sflag:$0x1] =	stream.linear.gather [hbm4b:s0+s2], $0x80, $0x38;
	[tilespmem:$0x1F580] =	vst v63  }
0x70: {  	p2 =	sne.s32 s30, $0xFFFFFFE0;
	s30 =	sadd.s32 $0x20, s30;
	s0 =	sadd.s32 $0x7880, s3  }
0x71: {  	[tilespmem:s17], [sflag:$0x1] =	stream.linear.gather [hbm4b:s0+s2], $0x80, $0x38;
	[tilespmem:$0x1F580] =	vst v63  }
0x72: {  	s0 =	sadd.s32 $0x7890, s31  }
0x73: {  	[tilespmem:s18], [sflag:$0x1] =	stream.linear.gather [hbm4b:s0+s2], $0x80, $0x38;
	[tilespmem:$0x1F580] =	vst v63  }
0x74: {  	s0 =	sadd.s32 $0x7890, s3  }
0x75: {  	[tilespmem:s19], [sflag:$0x1] =	stream.linear.gather [hbm4b:s0+s2], $0x80, $0x38;
	[tilespmem:$0x1F580] =	vst v63  }
0x76: {  	_ =	swait.ge [sflag:s20], $0x80  }
0x77: {  	[sflag:s20] =	ssyncset.done $0x0  }
0x78: {  	[sflag:s20] =	ssyncadd.s32 $0xFFFFFF80  }
0x79: {  	_ =	swait.ge [sflag:s20], $0x80  }
0x7a: {  	[sflag:s20] =	ssyncset.done $0x0  }
0x7b: {  	[sflag:s20] =	ssyncadd.s32 $0xFFFFFF80  }
0x7c: {  	_ =	swait.ge [sflag:s20], $0x80  }
0x7d: {  	[sflag:s20] =	ssyncset.done $0x0  }
0x7e: {  	[sflag:s20] =	ssyncadd.s32 $0xFFFFFF80  }
0x7f: {  	_ =	swait.ge [sflag:s20], $0x80  }
0x80: {  	[sflag:s20] =	ssyncset.done $0x0  }
0x81: {  	[sflag:s20] =	ssyncadd.s32 $0xFFFFFF80  }
0x82: {  	[tilespmem:s21], [sflag:$0x2] =	stream.indirect.gather [hbm4b:s4+s18], $0x90, s2, s18, $0xb8;
	[tilespmem:$0x1F580] =	vst v63  }
0x83: {  	_ = 	snop  }
0x84: {  	[tilespmem:s22], [sflag:$0x3] =	stream.indirect.gather [hbm4b:s4+s18], $0x90, s18, s18, $0xb8;
	[tilespmem:$0x1F580] =	vst v63  }
0x85: {  	_ =	swait.ge [sflag:s23], $0x4800  }
0x86: {  	[sflag:s23] =	ssyncset.done $0x0  }
0x87: {  	[sflag:s23] =	ssyncadd.s32 $0xFFFFB800  }
0x88: {  	[spmem:s1] =	stream.indirect.scatter.add.f32 [tilespmem:s21], [sflag:$0x4], $0x90, s17, s18, $0xb8;
	[tilespmem:$0x1F580] =	vst v63  }
0x89: {  	_ =	swait.ge [sflag:s24], $0x4800  }
0x8a: {  	[sflag:s24] =	ssyncset.done $0x0  }
0x8b: {  	[sflag:s24] =	ssyncadd.s32 $0xFFFFB800  }
0x8c: {  	[spmem:s1] =	stream.indirect.scatter.add.f32 [tilespmem:s22], [sflag:$0x4], $0x90, s19, s18, $0xb8;
	[tilespmem:$0x1F580] =	vst v63  }
.Ltmp3:
0x8d: {  	_ =	swait.ge [sflag:s26], $0x4800;
	(pc) =	sbr.rel @p2 .LBB2_6-.Ltmp3, $4  }
0x8e: {  	[sflag:s26] =	ssyncset.done $0x0  }
0x8f: {  	[sflag:s26] =	ssyncadd.s32 $0xFFFFB800  }
0x90: {  	_ =	swait.ge [sflag:s26], $0x4800  }
0x91: {  	s31 =	sadd.s32 s29, s14;
	[sflag:s26] =	ssyncset.done $0x0  }
.Ltmp4:
0x92: {  	_ = 	snop;
	(pc) =	sbr.rel .LBB2_7-.Ltmp4, $1  }
0x93: {  	_ =	sdelay $0x3  }
.LBB2_2:
0x94: {  	s29 =	sadd.s32 $0x0, s11  }
0x95: {  	[tilespmem:s2], [sflag:$0x1] =	stream.linear.gather [hbm4b:s29+s2], $0x80, $0x38;
	[tilespmem:$0x1F580] =	vst v63  }
0x96: {  	s30 =	sadd.s32 $0x0, s12  }
0x97: {  	[tilespmem:s17], [sflag:$0x1] =	stream.linear.gather [hbm4b:s30+s2], $0x80, $0x38;
	[tilespmem:$0x1F580] =	vst v63  }
0x98: {  	s29 =	sadd.s32 $0x10, s29  }
0x99: {  	[tilespmem:s18], [sflag:$0x1] =	stream.linear.gather [hbm4b:s29+s2], $0x80, $0x38;
	[tilespmem:$0x1F580] =	vst v63  }
0x9a: {  	s29 =	sadd.s32 $0x10, s30  }
0x9b: {  	[tilespmem:s19], [sflag:$0x1] =	stream.linear.gather [hbm4b:s29+s2], $0x80, $0x38;
	[tilespmem:$0x1F580] =	vst v63  }
0x9c: {  	_ =	swait.ge [sflag:s20], $0x80  }
0x9d: {  	[sflag:s20] =	ssyncset.done $0x0  }
0x9e: {  	[sflag:s20] =	ssyncadd.s32 $0xFFFFFF80  }
0x9f: {  	_ =	swait.ge [sflag:s20], $0x80  }
0xa0: {  	[sflag:s20] =	ssyncset.done $0x0  }
0xa1: {  	[sflag:s20] =	ssyncadd.s32 $0xFFFFFF80  }
0xa2: {  	_ =	swait.ge [sflag:s20], $0x80  }
0xa3: {  	[sflag:s20] =	ssyncset.done $0x0  }
0xa4: {  	[sflag:s20] =	ssyncadd.s32 $0xFFFFFF80  }
0xa5: {  	_ =	swait.ge [sflag:s20], $0x80  }
0xa6: {  	[sflag:s20] =	ssyncset.done $0x0  }
0xa7: {  	[sflag:s20] =	ssyncadd.s32 $0xFFFFFF80  }
0xa8: {  	[tilespmem:s21], [sflag:$0x2] =	stream.indirect.gather [hbm4b:s4+s18], $0x90, s2, s18, $0xb8;
	[tilespmem:$0x1F580] =	vst v63  }
0xa9: {  	_ = 	snop  }
0xaa: {  	[tilespmem:s22], [sflag:$0x3] =	stream.indirect.gather [hbm4b:s4+s18], $0x90, s18, s18, $0xb8;
	[tilespmem:$0x1F580] =	vst v63  }
0xab: {  	_ =	swait.ge [sflag:s23], $0x4800  }
0xac: {  	[sflag:s23] =	ssyncset.done $0x0  }
0xad: {  	[sflag:s23] =	ssyncadd.s32 $0xFFFFB800  }
0xae: {  	[spmem:s1] =	stream.indirect.scatter.add.f32 [tilespmem:s21], [sflag:$0x4], $0x90, s17, s18, $0xb8;
	[tilespmem:$0x1F580] =	vst v63  }
0xaf: {  	_ =	swait.ge [sflag:s24], $0x4800  }
0xb0: {  	[sflag:s24] =	ssyncset.done $0x0  }
0xb1: {  	[sflag:s24] =	ssyncadd.s32 $0xFFFFB800  }
0xb2: {  	[spmem:s1] =	stream.indirect.scatter.add.f32 [tilespmem:s22], [sflag:$0x4], $0x90, s19, s18, $0xb8;
	[tilespmem:$0x1F580] =	vst v63  }
0xb3: {  	_ =	swait.ge [sflag:s26], $0x4800  }
0xb4: {  	[sflag:s26] =	ssyncset.done $0x0  }
0xb5: {  	[sflag:s26] =	ssyncadd.s32 $0xFFFFB800  }
0xb6: {  	_ =	swait.ge [sflag:s26], $0x4800  }
0xb7: {  	s31 =	simm.s32 $0x40;
	s29 =	simm.s32 $0x20;
	[sflag:s26] =	ssyncset.done $0x0  }
.LBB2_3:
0xb8: {  	s0 =	sadd.s32 s29, s11  }
0xb9: {  	[sflag:s26] =	ssyncadd.s32 $0xFFFFB800;
	s3 =	smov.u32 s31;
	s30 =	sadd.s32 $0x20, s31  }
0xba: {  	[tilespmem:s2], [sflag:$0x1] =	stream.linear.gather [hbm4b:s0+s2], $0x80, $0x38;
	[tilespmem:$0x1F580] =	vst v63  }
0xbb: {  	p2 =	seq.s32 s31, $0x740;
	s31 =	sadd.s32 s29, s12;
	s29 =	smov.u32 s3  }
0xbc: {  	[tilespmem:s17], [sflag:$0x1] =	stream.linear.gather [hbm4b:s31+s2], $0x80, $0x38;
	[tilespmem:$0x1F580] =	vst v63  }
0xbd: {  	s0 =	sadd.s32 $0x10, s0  }
0xbe: {  	[tilespmem:s18], [sflag:$0x1] =	stream.linear.gather [hbm4b:s0+s2], $0x80, $0x38;
	[tilespmem:$0x1F580] =	vst v63  }
0xbf: {  	s0 =	sadd.s32 $0x10, s31  }
0xc0: {  	[tilespmem:s19], [sflag:$0x1] =	stream.linear.gather [hbm4b:s0+s2], $0x80, $0x38;
	[tilespmem:$0x1F580] =	vst v63  }
0xc1: {  	_ =	swait.ge [sflag:s20], $0x80  }
0xc2: {  	[sflag:s20] =	ssyncset.done $0x0  }
0xc3: {  	[sflag:s20] =	ssyncadd.s32 $0xFFFFFF80  }
0xc4: {  	_ =	swait.ge [sflag:s20], $0x80  }
0xc5: {  	[sflag:s20] =	ssyncset.done $0x0  }
0xc6: {  	[sflag:s20] =	ssyncadd.s32 $0xFFFFFF80  }
0xc7: {  	_ =	swait.ge [sflag:s20], $0x80  }
0xc8: {  	[sflag:s20] =	ssyncset.done $0x0  }
0xc9: {  	[sflag:s20] =	ssyncadd.s32 $0xFFFFFF80  }
0xca: {  	_ =	swait.ge [sflag:s20], $0x80  }
0xcb: {  	[sflag:s20] =	ssyncset.done $0x0  }
0xcc: {  	[sflag:s20] =	ssyncadd.s32 $0xFFFFFF80  }
0xcd: {  	[tilespmem:s21], [sflag:$0x2] =	stream.indirect.gather [hbm4b:s4+s18], $0x90, s2, s18, $0xb8;
	[tilespmem:$0x1F580] =	vst v63  }
0xce: {  	_ = 	snop  }
0xcf: {  	[tilespmem:s22], [sflag:$0x3] =	stream.indirect.gather [hbm4b:s4+s18], $0x90, s18, s18, $0xb8;
	[tilespmem:$0x1F580] =	vst v63  }
0xd0: {  	_ =	swait.ge [sflag:s23], $0x4800  }
0xd1: {  	[sflag:s23] =	ssyncset.done $0x0  }
0xd2: {  	[sflag:s23] =	ssyncadd.s32 $0xFFFFB800  }
0xd3: {  	[spmem:s1] =	stream.indirect.scatter.add.f32 [tilespmem:s21], [sflag:$0x4], $0x90, s17, s18, $0xb8;
	[tilespmem:$0x1F580] =	vst v63  }
0xd4: {  	_ =	swait.ge [sflag:s24], $0x4800  }
0xd5: {  	[sflag:s24] =	ssyncset.done $0x0  }
0xd6: {  	[sflag:s24] =	ssyncadd.s32 $0xFFFFB800  }
0xd7: {  	[spmem:s1] =	stream.indirect.scatter.add.f32 [tilespmem:s22], [sflag:$0x4], $0x90, s19, s18, $0xb8;
	[tilespmem:$0x1F580] =	vst v63  }
.Ltmp5:
0xd8: {  	_ =	swait.ge [sflag:s26], $0x4800;
	(pc) =	sbr.rel @!p2 .LBB2_3-.Ltmp5, $4  }
0xd9: {  	[sflag:s26] =	ssyncset.done $0x0  }
0xda: {  	[sflag:s26] =	ssyncadd.s32 $0xFFFFB800  }
0xdb: {  	_ =	swait.ge [sflag:s26], $0x4800  }
0xdc: {  	s31 =	smov.u32 s30;
	[sflag:s26] =	ssyncset.done $0x0  }
0xdd: {  	s0 =	sadd.s32 s29, s11;
	[sflag:s26] =	ssyncadd.s32 $0xFFFFB800  }
0xde: {  	[tilespmem:s2], [sflag:$0x1] =	stream.linear.gather [hbm4b:s0+s2], $0x80, $0x38;
	[tilespmem:$0x1F580] =	vst v63  }
0xdf: {  	s3 =	sadd.s32 s29, s12  }
0xe0: {  	[tilespmem:s17], [sflag:$0x1] =	stream.linear.gather [hbm4b:s3+s2], $0x80, $0x38;
	[tilespmem:$0x1F580] =	vst v63  }
0xe1: {  	s0 =	sadd.s32 $0x10, s0  }
0xe2: {  	[tilespmem:s18], [sflag:$0x1] =	stream.linear.gather [hbm4b:s0+s2], $0x80, $0x38;
	[tilespmem:$0x1F580] =	vst v63  }
0xe3: {  	s31 =	sadd.s32 $0x10, s3  }
0xe4: {  	[tilespmem:s19], [sflag:$0x1] =	stream.linear.gather [hbm4b:s31+s2], $0x80, $0x38;
	[tilespmem:$0x1F580] =	vst v63  }
0xe5: {  	_ =	swait.ge [sflag:s20], $0x80  }
0xe6: {  	[sflag:s20] =	ssyncset.done $0x0  }
0xe7: {  	[sflag:s20] =	ssyncadd.s32 $0xFFFFFF80  }
0xe8: {  	_ =	swait.ge [sflag:s20], $0x80  }
0xe9: {  	[sflag:s20] =	ssyncset.done $0x0  }
0xea: {  	[sflag:s20] =	ssyncadd.s32 $0xFFFFFF80  }
0xeb: {  	_ =	swait.ge [sflag:s20], $0x80  }
0xec: {  	[sflag:s20] =	ssyncset.done $0x0  }
0xed: {  	[sflag:s20] =	ssyncadd.s32 $0xFFFFFF80  }
0xee: {  	_ =	swait.ge [sflag:s20], $0x80  }
0xef: {  	[sflag:s20] =	ssyncset.done $0x0  }
0xf0: {  	[sflag:s20] =	ssyncadd.s32 $0xFFFFFF80  }
0xf1: {  	[tilespmem:s21], [sflag:$0x2] =	stream.indirect.gather [hbm4b:s4+s18], $0x90, s2, s18, $0xb8;
	[tilespmem:$0x1F580] =	vst v63  }
0xf2: {  	_ = 	snop  }
0xf3: {  	[tilespmem:s22], [sflag:$0x3] =	stream.indirect.gather [hbm4b:s4+s18], $0x90, s18, s18, $0xb8;
	[tilespmem:$0x1F580] =	vst v63  }
0xf4: {  	_ =	swait.ge [sflag:s23], $0x4800  }
0xf5: {  	[sflag:s23] =	ssyncset.done $0x0  }
0xf6: {  	[sflag:s23] =	ssyncadd.s32 $0xFFFFB800  }
0xf7: {  	[spmem:s1] =	stream.indirect.scatter.add.f32 [tilespmem:s21], [sflag:$0x4], $0x90, s17, s18, $0xb8;
	[tilespmem:$0x1F580] =	vst v63  }
0xf8: {  	_ =	swait.ge [sflag:s24], $0x4800  }
0xf9: {  	[sflag:s24] =	ssyncset.done $0x0  }
0xfa: {  	[sflag:s24] =	ssyncadd.s32 $0xFFFFB800  }
0xfb: {  	[spmem:s1] =	stream.indirect.scatter.add.f32 [tilespmem:s22], [sflag:$0x4], $0x90, s19, s18, $0xb8;
	[tilespmem:$0x1F580] =	vst v63  }
0xfc: {  	_ =	swait.ge [sflag:s26], $0x4800  }
.Ltmp6:
0xfd: {  	[sflag:s26] =	ssyncset.done $0x0;
	(pc) =	sbr.rel .LBB2_8-.Ltmp6, $4  }
0xfe: {  	[sflag:s26] =	ssyncadd.s32 $0xFFFFB800  }
0xff: {  	_ =	swait.ge [sflag:s26], $0x4800  }
0x100: {  	[sflag:s26] =	ssyncset.done $0x0  }
0x101: {  	[sflag:s26] =	ssyncadd.s32 $0xFFFFB800  }
.LBB2_9:
0x102: {  	_ =	sfence.sel $0x180000  }
0x103: {  	[bflag:$0x0] =	sbarrier.arrive $0xFFFF  }
0x104: {  	_ =	strace $0x90000050  }
0x105: {  	s0 =	stileid.u32;
	[bflag:$0x2] =	sbarrier.arrive $0xFFFF  }
0x106: {  	p0 =	sne.s32 s0, $0x0;
	s0 =	rddreg [dreg:$0x2]  }
0x107: {  	s0 =	sadd.s32 @!p0 $0x100000, s0  }
0x108: {  	[sflag:s0] =	ssyncadd.tile.s32 @!p0 $0x1;
	_ =	shalt  }
.Lfunc_end2:
_tile_overlayer_lowered:
.L_overlay_start_2:
0x109: {  	(tag) =	ssettag $0x2  }
0x10a: {  	s0 =	rddreg [dreg:$0x0];
	s2 =	stileid.u32  }
0x10b: {  	s1 =	rddreg [dreg:$0x1];
	p0 =	sne.s32 s2, $0x0  }
0x10c: {  	s3 =	rddreg [dreg:$0x2];
	[bflag:$0x3] =	sbarrier.arrive $0xFFFF;
	s2 =	simm.s32 @!p0 $0x1C05  }
0x10d: {  	[timem:s3], [sflag:s2] =	dma.local @!p0 [hbm:s0], s1  }
0x10e: {  	s0 =	simm.s32 @!p0 $0x5  }
0x10f: {  	_ =	swait.ge @!p0 [sflag:s0], s1  }
0x110: {  	s1 =	ssub.s32 @!p0 $0x0, s1;
	[sflag:s0] =	ssyncset.done @!p0 $0x0  }
0x111: {  	[sflag:s0] =	ssyncadd.s32 @!p0 s1  }
0x112: {  	[bflag:$0x3] =	sbarrier.arrive $0xFFFF  }
0x113: {  	_ =	shalt  }

// kernel: kernel.26.cloned.1.call-start
scs
__scs_entry_jumppad:
0x0: {  	(pc) =	sbr.rel $0x88, $3  }
0x1: {  	(tag) =	ssettag $0x0;
	lr =	simm.s32 $0x1  }
0x2: {  	[smem:$0x3F94] =	sst lr;
	_ =	strace $0xD0000000  }
0x3: {  	_ = 	snop  }
0x4: {  	_ = 	snop  }
0x5: {  	_ = 	snop  }
0x6: {  	_ = 	snop  }
0x7: {  	_ = 	snop  }
__scs_overlays_trampoline_lowered:
0x8: {  	[smem:$0x3FA3] =	sst s0  }
0x9: {  	[smem:$0x3FA4] =	sst s1  }
0xa: {  	[smem:$0x3FA5] =	sst s2  }
0xb: {  	[smem:$0x3FA6] =	sst s3  }
0xc: {  	[smem:$0x3FA7] =	sst s4  }
0xd: {  	[smem:$0x3FA8] =	sst s5  }
0xe: {  	[smem:$0x3FA9] =	sst s6  }
0xf: {  	[smem:$0x3FAA] =	sst s7  }
0x10: {  	[smem:$0x3FAB] =	sst s8  }
0x11: {  	[smem:$0x3FAC] =	sst s9;
	s0 =	simm.s32 @!p0 $0x0  }
0x12: {  	s1 =	sld [smem:$0x3F92];
	s0 =	simm.s32 @p0 $0x1  }
0x13: {  	[smem:$0x3FAD] =	sst s0;
	s0 =	simm.s32 @!p1 $0x0  }
0x14: {  	s2 =	sld [smem:$0x3F91];
	s0 =	simm.s32 @p1 $0x1  }
0x15: {  	[smem:$0x3FAE] =	sst s0;
	s0 =	simm.s32 @!p2 $0x0  }
0x16: {  	s3 =	sld [smem:$0x3FDB];
	s0 =	simm.s32 @p2 $0x1  }
0x17: {  	s4 =	simm.s32 $0x1BF5;
	[smem:$0x3FB0] =	sst s0  }
0x18: {  	s0 =	sld [smem:$0x3F93];
	_ =	swait.ge [sflag:s4], $0x0  }
0x19: {  	s7 =	sld [smem:$0x3F94]  }
0x1a: {  	s8 =	sadd.s32 $0xFFFFE003, lr  }
0x1b: {  	s9 =	sadd.s32 $0xFFFFFEF7, lr;
	s5 =	simm.s32 $0xFFFFFFFF;
	p2 =	slt.u32 s8, $0xFFFFF086  }
0x1c: {  	p1 =	slt.u32 s9, $0xF7A;
	s5 =	simm.s32 @!p2 $0x0  }
0x1d: {  	s5 =	simm.s32 @p1 $0x1;
	p0 =	seq.s32 s7, s2  }
0x1e: {  	s7 =	smul.u32 @!p0 $0xF7A, s2;
	p2 =	seq.s32 @!p0 s5, $0x0  }
0x1f: {  	s9 =	smul.u32 $0xF7A, s1;
	s8 =	simm.s32 @!p0 $0x1BF5;
	p2 =	por !p2, p0  }
0x20: {  	[sflag:s8] =	ssyncset.s32 @!p0 $0xFFFFF086;
	s6 =	sadd.s32 @!p0 s3, s7;
	s7 =	simm.s32 @!p0 $0x108  }
0x21: {  	s3 =	sadd.s32 s3, s9;
	s6 =	sadd.s32 @!p0 $0x88, s6;
	s7 =	simm.s32 @p2 $0x1082  }
0x22: {  	[simem:s7], [sflag:s8] =	dma.local @!p0 [hbm:s6], $0xF7A  }
0x23: {  	s9 =	sor.u32 $0xD0000000, s2;
	s6 =	simm.s32 $0x108;
	_ =	swait.ge @!p0 [sflag:s8], $0x0  }
0x24: {  	s3 =	sadd.s32 $0x88, s3;
	s6 =	simm.s32 @!p1 $0x1082;
	[sflag:s4] =	ssyncset.s32 $0xFFFFF086  }
0x25: {  	[simem:s6], [sflag:s4] =	dma.local [hbm:s3], $0xF7A  }
0x26: {  	[smem:$0x3F94] =	sst s1;
	(tag) =	ssettag s2;
	_ =	strace s9  }
0x27: {  	s1 =	sld [smem:$0x3FA4]  }
0x28: {  	s2 =	sld [smem:$0x3FA5]  }
0x29: {  	s4 =	sld [smem:$0x3FA7]  }
0x2a: {  	p0 =	seq.s32 s5, $0x0;
	s5 =	sld [smem:$0x3FA8]  }
0x2b: {  	s6 =	sld [smem:$0x3FA9]  }
0x2c: {  	s7 =	sld [smem:$0x3FAA]  }
0x2d: {  	s3 =	simm.s32 $0x108;
	s8 =	sld [smem:$0x3FAB]  }
0x2e: {  	s3 =	simm.s32 @!p0 $0x1082;
	s9 =	sld [smem:$0x3FAC]  }
0x2f: {  	lr =	sadd.s32 s0, s3;
	s0 =	sld [smem:$0x3FA3]  }
0x30: {  	s3 =	sld [smem:$0x3FA6]  }
0x31: {  	[smem:$0x3FAF] =	sst s10  }
0x32: {  	s10 =	sld [smem:$0x3FAD];
	_ =	sdelay $0x3  }
0x33: {  	p0 =	seq.s32 s10, $0x1;
	s10 =	sld [smem:$0x3FAF];
	_ =	sdelay $0x3  }
0x34: {  	[smem:$0x3FAF] =	sst s10  }
0x35: {  	s10 =	sld [smem:$0x3FAE];
	_ =	sdelay $0x3  }
0x36: {  	p1 =	seq.s32 s10, $0x1;
	s10 =	sld [smem:$0x3FAF];
	_ =	sdelay $0x3  }
0x37: {  	[smem:$0x3FAF] =	sst s10  }
0x38: {  	s10 =	sld [smem:$0x3FB0]  }
0x39: {  	_ = 	snop;
	(pc) =	sbr.ind lr, $3  }
0x3a: {  	_ = 	snop  }
0x3b: {  	_ = 	snop  }
0x3c: {  	p2 =	seq.s32 s10, $0x1;
	s10 =	sld [smem:$0x3FAF]  }
0x3d: {  	_ =	shalt  }
0x3e: {  	_ =	shalt  }
0x3f: {  	_ =	shalt  }
0x40: {  	_ =	shalt  }
0x41: {  	_ =	shalt  }
0x42: {  	_ =	shalt  }
0x43: {  	_ =	shalt  }
0x44: {  	_ =	shalt  }
0x45: {  	_ =	shalt  }
0x46: {  	_ =	shalt  }
0x47: {  	_ =	shalt  }
0x48: {  	_ =	shalt  }
0x49: {  	_ =	shalt  }
0x4a: {  	_ =	shalt  }
0x4b: {  	_ =	shalt  }
0x4c: {  	_ =	shalt  }
0x4d: {  	_ =	shalt  }
0x4e: {  	_ =	shalt  }
0x4f: {  	_ =	shalt  }
0x50: {  	_ =	shalt  }
0x51: {  	_ =	shalt  }
0x52: {  	_ =	shalt  }
0x53: {  	_ =	shalt  }
0x54: {  	_ =	shalt  }
0x55: {  	_ =	shalt  }
0x56: {  	_ =	shalt  }
0x57: {  	_ =	shalt  }
0x58: {  	_ =	shalt  }
0x59: {  	_ =	shalt  }
0x5a: {  	_ =	shalt  }
0x5b: {  	_ =	shalt  }
0x5c: {  	_ =	shalt  }
0x5d: {  	_ =	shalt  }
0x5e: {  	_ =	shalt  }
0x5f: {  	_ =	shalt  }
0x60: {  	_ =	shalt  }
0x61: {  	_ =	shalt  }
0x62: {  	_ =	shalt  }
0x63: {  	_ =	shalt  }
0x64: {  	_ =	shalt  }
0x65: {  	_ =	shalt  }
0x66: {  	_ =	shalt  }
0x67: {  	_ =	shalt  }
0x68: {  	_ =	shalt  }
0x69: {  	_ =	shalt  }
0x6a: {  	_ =	shalt  }
0x6b: {  	_ =	shalt  }
0x6c: {  	_ =	shalt  }
0x6d: {  	_ =	shalt  }
0x6e: {  	_ =	shalt  }
0x6f: {  	_ =	shalt  }
0x70: {  	_ =	shalt  }
0x71: {  	_ =	shalt  }
0x72: {  	_ =	shalt  }
0x73: {  	_ =	shalt  }
0x74: {  	_ =	shalt  }
0x75: {  	_ =	shalt  }
0x76: {  	_ =	shalt  }
0x77: {  	_ =	shalt  }
0x78: {  	_ =	shalt  }
0x79: {  	_ =	shalt  }
0x7a: {  	_ =	shalt  }
0x7b: {  	_ =	shalt  }
0x7c: {  	_ =	shalt  }
0x7d: {  	_ =	shalt  }
0x7e: {  	_ =	shalt  }
0x7f: {  	_ =	shalt  }
0x80: {  	_ =	shalt  }
0x81: {  	_ =	shalt  }
0x82: {  	_ =	shalt  }
0x83: {  	_ =	shalt  }
0x84: {  	_ =	shalt  }
0x85: {  	_ =	shalt  }
0x86: {  	_ =	shalt  }
0x87: {  	_ =	shalt  }
.Lfunc_end0:
.L_simem_size_0:
called_computation.4_lowered:
.L_overlay_start_0:
0x88: {  	s2 =	sld [smem:$0x3FD9]  }
0x89: {  	s3 =	sld [smem:$0x3FFE];
	_ =	sdelay $0x1  }
0x8a: {  	s1 =	srdreg.scid  }
0x8b: {  	s0 =	sand.u32 $0x1, s1  }
0x8c: {  	s16 =	sshll.u32 s0, $0xA;
	s2 =	sadd.s32 s3, s2  }
0x8d: {  	s2 =	sadd.s32 s2, s16  }
0x8e: {  	[smem:$0x3FBB] =	sst s2  }
0x8f: {  	_ = 	snop  }
0x90: {  	(tm) =	ssettm $0x1  }
0x91: {  	s17 =	sld [smem:$0x3FFB];
	_ =	sdelay $0x3  }
0x92: {  	_ =	strace s17  }
0x93: {  	s2 =	sld [smem:$0x3FFC];
	_ =	sdelay $0x3  }
0x94: {  	_ =	strace s2  }
0x95: {  	s2 =	sld [smem:$0x3FFD];
	_ =	sdelay $0x3  }
0x96: {  	_ =	strace s2  }
0x97: {  	_ =	strace $0x8FFFFFFF  }
0x98: {  	s18 =	sld [smem:$0x3FDB];
	_ =	sdelay $0x1  }
0x99: {  	s19 =	simm.s32 $_scs_section_size  }
0x9a: {  	s4 =	simm.s32 $_size__tile_overlayer_lowered;
	s5 =	simm.s32 $_tile_overlayer_lowered  }
0x9b: {  	s22 =	simm.s32 $0x1BFF;
	s21 =	sshll.u32 s5, $0x1;
	s2 =	sadd.s32 s19, s18  }
0x9c: {  	s6 =	simm.s32 $0x0;
	s20 =	sshll.u32 s4, $0x1;
	s4 =	sadd.s32 s21, s2  }
0x9d: {  	[timem:s6], [sflag:s22] =	dma.local [hbm:s4], s20  }
0x9e: {  	_ =	swait.ge [sflag:s22], s20  }
0x9f: {  	s3 =	ssub.s32 $0x0, s20;
	[sflag:s22] =	ssyncset.done $0x0  }
0xa0: {  	[sflag:s22] =	ssyncadd.s32 s3;
	_ =	sdelay $0x1  }
0xa1: {  	s23 =	simm.s32 $0x1B8B  }
0xa2: {  	_ =	swait.ge [sflag:s23], $0x1  }
0xa3: {  	[sflag:s23] =	ssyncset.done $0x0  }
0xa4: {  	s25 =	simm.s32 $0x1B8E;
	s24 =	sld [smem:$0x3FFE];
	[sflag:s23] =	ssyncadd.s32 $0xFFFFFFFF  }
0xa5: {  	s26 =	simm.s32 $execute0_lowered;
	[smem:$0x3FD2] =	sst s25  }
0xa6: {  	s4 =	sshll.u32 s26, $0x1;
	_ =	strace $0x80000052;
	[dreg:$0x1] =	wrdreg $0xFFFFFFFF  }
0xa7: {  	s28 =	simm.s32 $_size_execute0_lowered;
	s2 =	sadd.s32 s2, s4;
	[dreg:$0x0] =	wrdreg $0x0  }
0xa8: {  	s4 =	sshll.u32 s28, $0x1;
	[dreg:$0x2] =	wrdreg s2  }
0xa9: {  	[dreg:$0x3] =	wrdreg s4  }
0xaa: {  	[dreg:$0x4] =	wrdreg $0xC0  }
0xab: {  	_ =	task [dreg:s6], $0x5FFFF  }
0xac: {  	[dreg:$0x1] =	wrdreg $0xFFFFFFFF  }
0xad: {  	[dreg:$0x0] =	wrdreg $0x60  }
0xae: {  	[dreg:$0x2] =	wrdreg s24  }
0xaf: {  	[dreg:$0x3] =	wrdreg $0x92000  }
0xb0: {  	[dreg:$0x4] =	wrdreg $0x9  }
0xb1: {  	_ =	task.clear_ibuf [dreg:s6], $0x5FFFF;
	_ =	strace $0x90000052  }
0xb2: {  	s29 =	simm.s32 $0x9;
	_ =	strace $0x80000054  }
0xb3: {  	_ =	swait.ge [sflag:s29], $0x1  }
0xb4: {  	[sflag:s29] =	ssyncadd.s32 $0xFFFFFFFF  }
0xb5: {  	_ =	strace $0x90000054  }
0xb6: {  	_ =	sfence  }
0xb7: {  	s30 =	sld [smem:$0x0];
	_ =	sdelay $0x2  }
0xb8: {  	s31 =	sshll.u32 s1, $0xD;
	s1 =	sshrl.u32 s1, $0x2  }
0xb9: {  	s3 =	sand.u32 $0x4000, s31;
	s1 =	sadd.s32 s1, s30  }
0xba: {  	s0 =	sor.u32 s3, s0;
	s1 =	sshll.u32 s1, $0x11  }
0xbb: {  	s0 =	sor.u32 s1, s0  }
0xbc: {  	s0 =	sadd.s32 $0x8F2B, s0  }
0xbd: {  	[sflag:s0] =	ssyncadd.remote.s32 $0x1  }
0xbe: {  	_ =	sfence.sel $0xFFFF  }
0xbf: {  	[dreg:$0x0] =	wrdreg $0xFFFFFFFF;
	(pc) =	sbr.abs _section_cstart, $3  }
0xc0: {  	[dreg:$0x1] =	wrdreg $0xFFFFFFFF  }
0xc1: {  	_ =	task.clear_ibuf [dreg:s6], $0x2FFFF;
	_ =	strace $0x9FFFFFFF  }
0xc2: {  	(tm) =	ssettm $0x7FFFFFFF  }
0xc3: {  	_ =	shalt  }
tec
execute0_lowered:
.L_overlay_start_1:
0x0: {  	(tag) =	ssettag $0x1  }
0x1: {  	s6 =	rddreg [dreg:$0x0]  }
0x2: {  	s1 =	rddreg [dreg:$0x1];
	s2 =	simm.s32 $0x0  }
0x3: {  	s5 =	srdreg.scid;
	s0 =	stileid.u32;
	s17 =	simm.s32 $0x100  }
0x4: {  	s18 =	simm.s32 $0x80;
	s19 =	simm.s32 $0x180;
	s20 =	simm.s32 $0x1  }
0x5: {  	s21 =	simm.s32 $0x200;
	s22 =	simm.s32 $0x4A00;
	s23 =	simm.s32 $0x2  }
0x6: {  	s24 =	simm.s32 $0x3;
	s28 =	simm.s32 $0x0;
	[smem:$0x7FF] =	sst s2  }
0x7: {  	s4 =	sadd.s32 $0x2A00, s6;
	s14 =	sadd.s32 $0x38800, s6;
	s13 =	sadd.s32 $0x2EA00, s6  }
0x8: {  	s8 =	sand.u32 $0x1, s5;
	s5 =	sadd.s32 $0x42600, s6;
	s9 =	smul.u32 $0x16380, s0  }
0x9: {  	s10 =	sadd.s32 $0x45400, s6;
	s29 =	sshll.u32 s0, $0x6;
	s15 =	smul.u32 $0x760, s0  }
0xa: {  	s16 =	smul.u32 $0x280, s0;
	s25 =	sadd.s32 $0x14D480, s1;
	p1 =	seq.s32 s0, $0xF  }
0xb: {  	_ =	strace $0x80000053;
	s7 =	ssub.s32 $0x2, s8;
	s11 =	smul.u32 $0x15F900, s8  }
0xc: {  	p0 =	seq.s32 s8, $0x1;
	s25 =	sshrl.u32 @p1 s25, $0x3;
	s26 =	sshrl.u32 s7, $0x1  }
0xd: {  	s6 =	sadd.s32 s9, s1;
	s12 =	ssub.s32 s7, s26;
	s7 =	sor.u32 $0x1C05, s29  }
.Ltmp0:
0xe: {  	s30 =	sadd.s32 s9, s11;
	s31 =	sshrl.u32 s11, $0x3;
	(pc) =	sbr.rel .LBB2_1-.Ltmp0, $4  }
0xf: {  	s11 =	sadd.s32 s15, s14;
	s14 =	sadd.s32 s16, s14;
	s8 =	sshrl.u32 s30, $0x3  }
0x10: {  	s26 =	simm.s32 $0x4;
	s9 =	sadd.s32 s10, s31;
	s8 =	sadd.s32 s10, s8  }
0x11: {  	s9 =	sadd.s32 $0x29A90, s9;
	s10 =	smax.u32 s12, $0x1;
	s12 =	sadd.s32 s15, s13  }
0x12: {  	s13 =	sadd.s32 s16, s13;
	s15 =	sshrl.u32 s6, $0x3;
	s16 =	simm.s32 $0x5  }
.LBB2_7:
0x13: {  	s0 =	sadd.s32 $0x7880, s31;
	s3 =	sadd.s32 s29, s13;
	[sflag:s26] =	ssyncadd.s32 $0xFFFFB800  }
0x14: {  	[tilespmem:s2], [sflag:$0x1] =	stream.linear.gather [hbm4b:s0+s2], $0x80, $0x38;
	[tilespmem:$0x1F580] =	vst v63  }
0x15: {  	s29 =	sadd.s32 $0x7880, s3  }
0x16: {  	[tilespmem:s17], [sflag:$0x1] =	stream.linear.gather [hbm4b:s29+s2], $0x80, $0x38;
	[tilespmem:$0x1F580] =	vst v63  }
0x17: {  	s30 =	sadd.s32 $0x7890, s31  }
0x18: {  	[tilespmem:s18], [sflag:$0x1] =	stream.linear.gather [hbm4b:s30+s2], $0x80, $0x38;
	[tilespmem:$0x1F580] =	vst v63  }
0x19: {  	s31 =	sadd.s32 $0x7890, s3  }
0x1a: {  	[tilespmem:s19], [sflag:$0x1] =	stream.linear.gather [hbm4b:s31+s2], $0x80, $0x38;
	[tilespmem:$0x1F580] =	vst v63  }
0x1b: {  	_ =	swait.ge [sflag:s20], $0x80  }
0x1c: {  	[sflag:s20] =	ssyncset.done $0x0  }
0x1d: {  	[sflag:s20] =	ssyncadd.s32 $0xFFFFFF80  }
0x1e: {  	_ =	swait.ge [sflag:s20], $0x80  }
0x1f: {  	[sflag:s20] =	ssyncset.done $0x0  }
0x20: {  	[sflag:s20] =	ssyncadd.s32 $0xFFFFFF80  }
0x21: {  	_ =	swait.ge [sflag:s20], $0x80  }
0x22: {  	[sflag:s20] =	ssyncset.done $0x0  }
0x23: {  	[sflag:s20] =	ssyncadd.s32 $0xFFFFFF80  }
0x24: {  	_ =	swait.ge [sflag:s20], $0x80  }
0x25: {  	[sflag:s20] =	ssyncset.done $0x0  }
0x26: {  	[sflag:s20] =	ssyncadd.s32 $0xFFFFFF80  }
0x27: {  	[tilespmem:s21], [sflag:$0x2] =	stream.indirect.gather [hbm4b:s4+s18], $0x90, s2, s18, $0xb8;
	[tilespmem:$0x1F580] =	vst v63  }
0x28: {  	_ = 	snop  }
0x29: {  	[tilespmem:s22], [sflag:$0x3] =	stream.indirect.gather [hbm4b:s4+s18], $0x90, s18, s18, $0xb8;
	[tilespmem:$0x1F580] =	vst v63  }
0x2a: {  	_ =	swait.ge [sflag:s23], $0x4800  }
0x2b: {  	[sflag:s23] =	ssyncset.done $0x0  }
0x2c: {  	[sflag:s23] =	ssyncadd.s32 $0xFFFFB800  }
0x2d: {  	[spmem:s1] =	stream.indirect.scatter.add.f32 [tilespmem:s21], [sflag:$0x4], $0x90, s17, s18, $0xb8;
	[tilespmem:$0x1F580] =	vst v63  }
0x2e: {  	_ =	swait.ge [sflag:s24], $0x4800  }
0x2f: {  	[sflag:s24] =	ssyncset.done $0x0  }
0x30: {  	[sflag:s24] =	ssyncadd.s32 $0xFFFFB800  }
0x31: {  	[spmem:s1] =	stream.indirect.scatter.add.f32 [tilespmem:s22], [sflag:$0x4], $0x90, s19, s18, $0xb8;
	[tilespmem:$0x1F580] =	vst v63  }
0x32: {  	_ =	swait.ge [sflag:s26], $0x4800  }
0x33: {  	[sflag:s26] =	ssyncset.done $0x0  }
0x34: {  	[sflag:s26] =	ssyncadd.s32 $0xFFFFB800  }
0x35: {  	_ =	swait.ge [sflag:s26], $0x4800  }
0x36: {  	[sflag:s26] =	ssyncset.done $0x0  }
0x37: {  	[sflag:s26] =	ssyncadd.s32 $0xFFFFB800  }
.LBB2_8:
0x38: {  	[bflag:$0x0] =	sbarrier.arrive $0xFFFF;
	s0 =	simm.s32 @p1 $0x5  }
0x39: {  	[hbm:s9], [sflag:s7] =	dma.local @p1 [spmem:s25], $0x2490  }
0x3a: {  	_ =	swait.ge @p1 [sflag:s0], $0x2490  }
0x3b: {  	s28 =	sadd.s32 $0x1, s28;
	[sflag:s0] =	ssyncset.done @p1 $0x0  }
0x3c: {  	p2 =	sne.s32 s28, s10;
	[sflag:s0] =	ssyncadd.s32 @p1 $0xFFFFDB70;
	s0 =	sshrl.u32 @!p1 s6, $0x3  }
0x3d: {  	[hbm:s8], [sflag:s7] =	dma.local @!p1 [spmem:s0], $0x2C70  }
.Ltmp1:
0x3e: {  	_ = 	snop;
	(pc) =	sbr.rel @!p2 .LBB2_9-.Ltmp1, $4  }
0x3f: {  	s0 =	simm.s32 @!p1 $0x5  }
0x40: {  	_ =	swait.ge @!p1 [sflag:s0], $0x2C70  }
0x41: {  	[sflag:s0] =	ssyncset.done @!p1 $0x0  }
0x42: {  	[sflag:s0] =	ssyncadd.s32 @!p1 $0xFFFFD390  }
.LBB2_1:
0x43: {  	[spmem:s15], [sflag:s7] =	dma.local [hbm:s5], $0x2C70  }
.Ltmp2:
0x44: {  	_ =	swait.ge [sflag:s16], $0x2C70;
	(pc) =	sbr.rel @!p0 .LBB2_2-.Ltmp2, $3  }
0x45: {  	[sflag:s16] =	ssyncset.done $0x0  }
0x46: {  	[sflag:s16] =	ssyncadd.s32 $0xFFFFD390  }
0x47: {  	[bflag:$0x0] =	sbarrier.arrive $0xFFFF;
	_ =	sdelay $0x1  }
0x48: {  	s0 =	sadd.s32 $0xFFFFFD80, s14  }
0x49: {  	s29 =	sadd.s32 $0xFFFFFD80, s13;
	s3 =	sadd.s32 $0x7880, s0  }
0x4a: {  	[tilespmem:s2], [sflag:$0x1] =	stream.linear.gather [hbm4b:s3+s2], $0x80, $0x38;
	[tilespmem:$0x1F580] =	vst v63  }
0x4b: {  	s3 =	sadd.s32 $0x7880, s29  }
0x4c: {  	[tilespmem:s17], [sflag:$0x1] =	stream.linear.gather [hbm4b:s3+s2], $0x80, $0x38;
	[tilespmem:$0x1F580] =	vst v63  }
0x4d: {  	s0 =	sadd.s32 $0x7890, s0  }
0x4e: {  	[tilespmem:s18], [sflag:$0x1] =	stream.linear.gather [hbm4b:s0+s2], $0x80, $0x38;
	[tilespmem:$0x1F580] =	vst v63  }
0x4f: {  	s3 =	sadd.s32 $0x7890, s29  }
0x50: {  	[tilespmem:s19], [sflag:$0x1] =	stream.linear.gather [hbm4b:s3+s2], $0x80, $0x38;
	[tilespmem:$0x1F580] =	vst v63  }
0x51: {  	_ =	swait.ge [sflag:s20], $0x80  }
0x52: {  	[sflag:s20] =	ssyncset.done $0x0  }
0x53: {  	[sflag:s20] =	ssyncadd.s32 $0xFFFFFF80  }
0x54: {  	_ =	swait.ge [sflag:s20], $0x80  }
0x55: {  	[sflag:s20] =	ssyncset.done $0x0  }
0x56: {  	[sflag:s20] =	ssyncadd.s32 $0xFFFFFF80  }
0x57: {  	_ =	swait.ge [sflag:s20], $0x80  }
0x58: {  	[sflag:s20] =	ssyncset.done $0x0  }
0x59: {  	[sflag:s20] =	ssyncadd.s32 $0xFFFFFF80  }
0x5a: {  	_ =	swait.ge [sflag:s20], $0x80  }
0x5b: {  	[sflag:s20] =	ssyncset.done $0x0  }
0x5c: {  	[sflag:s20] =	ssyncadd.s32 $0xFFFFFF80  }
0x5d: {  	[tilespmem:s21], [sflag:$0x2] =	stream.indirect.gather [hbm4b:s4+s18], $0x90, s2, s18, $0xb8;
	[tilespmem:$0x1F580] =	vst v63  }
0x5e: {  	_ = 	snop  }
0x5f: {  	[tilespmem:s22], [sflag:$0x3] =	stream.indirect.gather [hbm4b:s4+s18], $0x90, s18, s18, $0xb8;
	[tilespmem:$0x1F580] =	vst v63  }
0x60: {  	_ =	swait.ge [sflag:s23], $0x4800  }
0x61: {  	[sflag:s23] =	ssyncset.done $0x0  }
0x62: {  	[sflag:s23] =	ssyncadd.s32 $0xFFFFB800  }
0x63: {  	[spmem:s1] =	stream.indirect.scatter.add.f32 [tilespmem:s21], [sflag:$0x4], $0x90, s17, s18, $0xb8;
	[tilespmem:$0x1F580] =	vst v63  }
0x64: {  	_ =	swait.ge [sflag:s24], $0x4800  }
0x65: {  	[sflag:s24] =	ssyncset.done $0x0  }
0x66: {  	[sflag:s24] =	ssyncadd.s32 $0xFFFFB800  }
0x67: {  	[spmem:s1] =	stream.indirect.scatter.add.f32 [tilespmem:s22], [sflag:$0x4], $0x90, s19, s18, $0xb8;
	[tilespmem:$0x1F580] =	vst v63  }
0x68: {  	_ =	swait.ge [sflag:s26], $0x4800  }
0x69: {  	[sflag:s26] =	ssyncset.done $0x0  }
0x6a: {  	[sflag:s26] =	ssyncadd.s32 $0xFFFFB800  }
0x6b: {  	s30 =	simm.s32 $0xFFFFFDC0;
	_ =	swait.ge [sflag:s26], $0x4800  }
0x6c: {  	s31 =	sadd.s32 $0xFFFFFDA0, s14;
	s29 =	simm.s32 $0xFFFFFDA0;
	[sflag:s26] =	ssyncset.done $0x0  }
.LBB2_6:
0x6d: {  	s0 =	sadd.s32 $0x7880, s31  }
0x6e: {  	s3 =	sadd.s32 s29, s13;
	[sflag:s26] =	ssyncadd.s32 $0xFFFFB800;
	s29 =	smov.u32 s30  }
0x6f: {  	[tilespmem:s2], [sflag:$0x1] =	stream.linear.gather [hbm4b:s0+s2], $0x80, $0x38;
	[tilespmem:$0x1F580] =	vst v63  }
0x70: {  	p2 =	sne.s32 s30, $0xFFFFFFE0;
	s30 =	sadd.s32 $0x20, s30;
	s0 =	sadd.s32 $0x7880, s3  }
0x71: {  	[tilespmem:s17], [sflag:$0x1] =	stream.linear.gather [hbm4b:s0+s2], $0x80, $0x38;
	[tilespmem:$0x1F580] =	vst v63  }
0x72: {  	s0 =	sadd.s32 $0x7890, s31  }
0x73: {  	[tilespmem:s18], [sflag:$0x1] =	stream.linear.gather [hbm4b:s0+s2], $0x80, $0x38;
	[tilespmem:$0x1F580] =	vst v63  }
0x74: {  	s0 =	sadd.s32 $0x7890, s3  }
0x75: {  	[tilespmem:s19], [sflag:$0x1] =	stream.linear.gather [hbm4b:s0+s2], $0x80, $0x38;
	[tilespmem:$0x1F580] =	vst v63  }
0x76: {  	_ =	swait.ge [sflag:s20], $0x80  }
0x77: {  	[sflag:s20] =	ssyncset.done $0x0  }
0x78: {  	[sflag:s20] =	ssyncadd.s32 $0xFFFFFF80  }
0x79: {  	_ =	swait.ge [sflag:s20], $0x80  }
0x7a: {  	[sflag:s20] =	ssyncset.done $0x0  }
0x7b: {  	[sflag:s20] =	ssyncadd.s32 $0xFFFFFF80  }
0x7c: {  	_ =	swait.ge [sflag:s20], $0x80  }
0x7d: {  	[sflag:s20] =	ssyncset.done $0x0  }
0x7e: {  	[sflag:s20] =	ssyncadd.s32 $0xFFFFFF80  }
0x7f: {  	_ =	swait.ge [sflag:s20], $0x80  }
0x80: {  	[sflag:s20] =	ssyncset.done $0x0  }
0x81: {  	[sflag:s20] =	ssyncadd.s32 $0xFFFFFF80  }
0x82: {  	[tilespmem:s21], [sflag:$0x2] =	stream.indirect.gather [hbm4b:s4+s18], $0x90, s2, s18, $0xb8;
	[tilespmem:$0x1F580] =	vst v63  }
0x83: {  	_ = 	snop  }
0x84: {  	[tilespmem:s22], [sflag:$0x3] =	stream.indirect.gather [hbm4b:s4+s18], $0x90, s18, s18, $0xb8;
	[tilespmem:$0x1F580] =	vst v63  }
0x85: {  	_ =	swait.ge [sflag:s23], $0x4800  }
0x86: {  	[sflag:s23] =	ssyncset.done $0x0  }
0x87: {  	[sflag:s23] =	ssyncadd.s32 $0xFFFFB800  }
0x88: {  	[spmem:s1] =	stream.indirect.scatter.add.f32 [tilespmem:s21], [sflag:$0x4], $0x90, s17, s18, $0xb8;
	[tilespmem:$0x1F580] =	vst v63  }
0x89: {  	_ =	swait.ge [sflag:s24], $0x4800  }
0x8a: {  	[sflag:s24] =	ssyncset.done $0x0  }
0x8b: {  	[sflag:s24] =	ssyncadd.s32 $0xFFFFB800  }
0x8c: {  	[spmem:s1] =	stream.indirect.scatter.add.f32 [tilespmem:s22], [sflag:$0x4], $0x90, s19, s18, $0xb8;
	[tilespmem:$0x1F580] =	vst v63  }
.Ltmp3:
0x8d: {  	_ =	swait.ge [sflag:s26], $0x4800;
	(pc) =	sbr.rel @p2 .LBB2_6-.Ltmp3, $4  }
0x8e: {  	[sflag:s26] =	ssyncset.done $0x0  }
0x8f: {  	[sflag:s26] =	ssyncadd.s32 $0xFFFFB800  }
0x90: {  	_ =	swait.ge [sflag:s26], $0x4800  }
0x91: {  	s31 =	sadd.s32 s29, s14;
	[sflag:s26] =	ssyncset.done $0x0  }
.Ltmp4:
0x92: {  	_ = 	snop;
	(pc) =	sbr.rel .LBB2_7-.Ltmp4, $1  }
0x93: {  	_ =	sdelay $0x3  }
.LBB2_2:
0x94: {  	s29 =	sadd.s32 $0x0, s11  }
0x95: {  	[tilespmem:s2], [sflag:$0x1] =	stream.linear.gather [hbm4b:s29+s2], $0x80, $0x38;
	[tilespmem:$0x1F580] =	vst v63  }
0x96: {  	s30 =	sadd.s32 $0x0, s12  }
0x97: {  	[tilespmem:s17], [sflag:$0x1] =	stream.linear.gather [hbm4b:s30+s2], $0x80, $0x38;
	[tilespmem:$0x1F580] =	vst v63  }
0x98: {  	s29 =	sadd.s32 $0x10, s29  }
0x99: {  	[tilespmem:s18], [sflag:$0x1] =	stream.linear.gather [hbm4b:s29+s2], $0x80, $0x38;
	[tilespmem:$0x1F580] =	vst v63  }
0x9a: {  	s29 =	sadd.s32 $0x10, s30  }
0x9b: {  	[tilespmem:s19], [sflag:$0x1] =	stream.linear.gather [hbm4b:s29+s2], $0x80, $0x38;
	[tilespmem:$0x1F580] =	vst v63  }
0x9c: {  	_ =	swait.ge [sflag:s20], $0x80  }
0x9d: {  	[sflag:s20] =	ssyncset.done $0x0  }
0x9e: {  	[sflag:s20] =	ssyncadd.s32 $0xFFFFFF80  }
0x9f: {  	_ =	swait.ge [sflag:s20], $0x80  }
0xa0: {  	[sflag:s20] =	ssyncset.done $0x0  }
0xa1: {  	[sflag:s20] =	ssyncadd.s32 $0xFFFFFF80  }
0xa2: {  	_ =	swait.ge [sflag:s20], $0x80  }
0xa3: {  	[sflag:s20] =	ssyncset.done $0x0  }
0xa4: {  	[sflag:s20] =	ssyncadd.s32 $0xFFFFFF80  }
0xa5: {  	_ =	swait.ge [sflag:s20], $0x80  }
0xa6: {  	[sflag:s20] =	ssyncset.done $0x0  }
0xa7: {  	[sflag:s20] =	ssyncadd.s32 $0xFFFFFF80  }
0xa8: {  	[tilespmem:s21], [sflag:$0x2] =	stream.indirect.gather [hbm4b:s4+s18], $0x90, s2, s18, $0xb8;
	[tilespmem:$0x1F580] =	vst v63  }
0xa9: {  	_ = 	snop  }
0xaa: {  	[tilespmem:s22], [sflag:$0x3] =	stream.indirect.gather [hbm4b:s4+s18], $0x90, s18, s18, $0xb8;
	[tilespmem:$0x1F580] =	vst v63  }
0xab: {  	_ =	swait.ge [sflag:s23], $0x4800  }
0xac: {  	[sflag:s23] =	ssyncset.done $0x0  }
0xad: {  	[sflag:s23] =	ssyncadd.s32 $0xFFFFB800  }
0xae: {  	[spmem:s1] =	stream.indirect.scatter.add.f32 [tilespmem:s21], [sflag:$0x4], $0x90, s17, s18, $0xb8;
	[tilespmem:$0x1F580] =	vst v63  }
0xaf: {  	_ =	swait.ge [sflag:s24], $0x4800  }
0xb0: {  	[sflag:s24] =	ssyncset.done $0x0  }
0xb1: {  	[sflag:s24] =	ssyncadd.s32 $0xFFFFB800  }
0xb2: {  	[spmem:s1] =	stream.indirect.scatter.add.f32 [tilespmem:s22], [sflag:$0x4], $0x90, s19, s18, $0xb8;
	[tilespmem:$0x1F580] =	vst v63  }
0xb3: {  	_ =	swait.ge [sflag:s26], $0x4800  }
0xb4: {  	[sflag:s26] =	ssyncset.done $0x0  }
0xb5: {  	[sflag:s26] =	ssyncadd.s32 $0xFFFFB800  }
0xb6: {  	_ =	swait.ge [sflag:s26], $0x4800  }
0xb7: {  	s31 =	simm.s32 $0x40;
	s29 =	simm.s32 $0x20;
	[sflag:s26] =	ssyncset.done $0x0  }
.LBB2_3:
0xb8: {  	s0 =	sadd.s32 s29, s11  }
0xb9: {  	[sflag:s26] =	ssyncadd.s32 $0xFFFFB800;
	s3 =	smov.u32 s31;
	s30 =	sadd.s32 $0x20, s31  }
0xba: {  	[tilespmem:s2], [sflag:$0x1] =	stream.linear.gather [hbm4b:s0+s2], $0x80, $0x38;
	[tilespmem:$0x1F580] =	vst v63  }
0xbb: {  	p2 =	seq.s32 s31, $0x740;
	s31 =	sadd.s32 s29, s12;
	s29 =	smov.u32 s3  }
0xbc: {  	[tilespmem:s17], [sflag:$0x1] =	stream.linear.gather [hbm4b:s31+s2], $0x80, $0x38;
	[tilespmem:$0x1F580] =	vst v63  }
0xbd: {  	s0 =	sadd.s32 $0x10, s0  }
0xbe: {  	[tilespmem:s18], [sflag:$0x1] =	stream.linear.gather [hbm4b:s0+s2], $0x80, $0x38;
	[tilespmem:$0x1F580] =	vst v63  }
0xbf: {  	s0 =	sadd.s32 $0x10, s31  }
0xc0: {  	[tilespmem:s19], [sflag:$0x1] =	stream.linear.gather [hbm4b:s0+s2], $0x80, $0x38;
	[tilespmem:$0x1F580] =	vst v63  }
0xc1: {  	_ =	swait.ge [sflag:s20], $0x80  }
0xc2: {  	[sflag:s20] =	ssyncset.done $0x0  }
0xc3: {  	[sflag:s20] =	ssyncadd.s32 $0xFFFFFF80  }
0xc4: {  	_ =	swait.ge [sflag:s20], $0x80  }
0xc5: {  	[sflag:s20] =	ssyncset.done $0x0  }
0xc6: {  	[sflag:s20] =	ssyncadd.s32 $0xFFFFFF80  }
0xc7: {  	_ =	swait.ge [sflag:s20], $0x80  }
0xc8: {  	[sflag:s20] =	ssyncset.done $0x0  }
0xc9: {  	[sflag:s20] =	ssyncadd.s32 $0xFFFFFF80  }
0xca: {  	_ =	swait.ge [sflag:s20], $0x80  }
0xcb: {  	[sflag:s20] =	ssyncset.done $0x0  }
0xcc: {  	[sflag:s20] =	ssyncadd.s32 $0xFFFFFF80  }
0xcd: {  	[tilespmem:s21], [sflag:$0x2] =	stream.indirect.gather [hbm4b:s4+s18], $0x90, s2, s18, $0xb8;
	[tilespmem:$0x1F580] =	vst v63  }
0xce: {  	_ = 	snop  }
0xcf: {  	[tilespmem:s22], [sflag:$0x3] =	stream.indirect.gather [hbm4b:s4+s18], $0x90, s18, s18, $0xb8;
	[tilespmem:$0x1F580] =	vst v63  }
0xd0: {  	_ =	swait.ge [sflag:s23], $0x4800  }
0xd1: {  	[sflag:s23] =	ssyncset.done $0x0  }
0xd2: {  	[sflag:s23] =	ssyncadd.s32 $0xFFFFB800  }
0xd3: {  	[spmem:s1] =	stream.indirect.scatter.add.f32 [tilespmem:s21], [sflag:$0x4], $0x90, s17, s18, $0xb8;
	[tilespmem:$0x1F580] =	vst v63  }
0xd4: {  	_ =	swait.ge [sflag:s24], $0x4800  }
0xd5: {  	[sflag:s24] =	ssyncset.done $0x0  }
0xd6: {  	[sflag:s24] =	ssyncadd.s32 $0xFFFFB800  }
0xd7: {  	[spmem:s1] =	stream.indirect.scatter.add.f32 [tilespmem:s22], [sflag:$0x4], $0x90, s19, s18, $0xb8;
	[tilespmem:$0x1F580] =	vst v63  }
.Ltmp5:
0xd8: {  	_ =	swait.ge [sflag:s26], $0x4800;
	(pc) =	sbr.rel @!p2 .LBB2_3-.Ltmp5, $4  }
0xd9: {  	[sflag:s26] =	ssyncset.done $0x0  }
0xda: {  	[sflag:s26] =	ssyncadd.s32 $0xFFFFB800  }
0xdb: {  	_ =	swait.ge [sflag:s26], $0x4800  }
0xdc: {  	s31 =	smov.u32 s30;
	[sflag:s26] =	ssyncset.done $0x0  }
0xdd: {  	s0 =	sadd.s32 s29, s11;
	[sflag:s26] =	ssyncadd.s32 $0xFFFFB800  }
0xde: {  	[tilespmem:s2], [sflag:$0x1] =	stream.linear.gather [hbm4b:s0+s2], $0x80, $0x38;
	[tilespmem:$0x1F580] =	vst v63  }
0xdf: {  	s3 =	sadd.s32 s29, s12  }
0xe0: {  	[tilespmem:s17], [sflag:$0x1] =	stream.linear.gather [hbm4b:s3+s2], $0x80, $0x38;
	[tilespmem:$0x1F580] =	vst v63  }
0xe1: {  	s0 =	sadd.s32 $0x10, s0  }
0xe2: {  	[tilespmem:s18], [sflag:$0x1] =	stream.linear.gather [hbm4b:s0+s2], $0x80, $0x38;
	[tilespmem:$0x1F580] =	vst v63  }
0xe3: {  	s31 =	sadd.s32 $0x10, s3  }
0xe4: {  	[tilespmem:s19], [sflag:$0x1] =	stream.linear.gather [hbm4b:s31+s2], $0x80, $0x38;
	[tilespmem:$0x1F580] =	vst v63  }
0xe5: {  	_ =	swait.ge [sflag:s20], $0x80  }
0xe6: {  	[sflag:s20] =	ssyncset.done $0x0  }
0xe7: {  	[sflag:s20] =	ssyncadd.s32 $0xFFFFFF80  }
0xe8: {  	_ =	swait.ge [sflag:s20], $0x80  }
0xe9: {  	[sflag:s20] =	ssyncset.done $0x0  }
0xea: {  	[sflag:s20] =	ssyncadd.s32 $0xFFFFFF80  }
0xeb: {  	_ =	swait.ge [sflag:s20], $0x80  }
0xec: {  	[sflag:s20] =	ssyncset.done $0x0  }
0xed: {  	[sflag:s20] =	ssyncadd.s32 $0xFFFFFF80  }
0xee: {  	_ =	swait.ge [sflag:s20], $0x80  }
0xef: {  	[sflag:s20] =	ssyncset.done $0x0  }
0xf0: {  	[sflag:s20] =	ssyncadd.s32 $0xFFFFFF80  }
0xf1: {  	[tilespmem:s21], [sflag:$0x2] =	stream.indirect.gather [hbm4b:s4+s18], $0x90, s2, s18, $0xb8;
	[tilespmem:$0x1F580] =	vst v63  }
0xf2: {  	_ = 	snop  }
0xf3: {  	[tilespmem:s22], [sflag:$0x3] =	stream.indirect.gather [hbm4b:s4+s18], $0x90, s18, s18, $0xb8;
	[tilespmem:$0x1F580] =	vst v63  }
0xf4: {  	_ =	swait.ge [sflag:s23], $0x4800  }
0xf5: {  	[sflag:s23] =	ssyncset.done $0x0  }
0xf6: {  	[sflag:s23] =	ssyncadd.s32 $0xFFFFB800  }
0xf7: {  	[spmem:s1] =	stream.indirect.scatter.add.f32 [tilespmem:s21], [sflag:$0x4], $0x90, s17, s18, $0xb8;
	[tilespmem:$0x1F580] =	vst v63  }
0xf8: {  	_ =	swait.ge [sflag:s24], $0x4800  }
0xf9: {  	[sflag:s24] =	ssyncset.done $0x0  }
0xfa: {  	[sflag:s24] =	ssyncadd.s32 $0xFFFFB800  }
0xfb: {  	[spmem:s1] =	stream.indirect.scatter.add.f32 [tilespmem:s22], [sflag:$0x4], $0x90, s19, s18, $0xb8;
	[tilespmem:$0x1F580] =	vst v63  }
0xfc: {  	_ =	swait.ge [sflag:s26], $0x4800  }
.Ltmp6:
0xfd: {  	[sflag:s26] =	ssyncset.done $0x0;
	(pc) =	sbr.rel .LBB2_8-.Ltmp6, $4  }
0xfe: {  	[sflag:s26] =	ssyncadd.s32 $0xFFFFB800  }
0xff: {  	_ =	swait.ge [sflag:s26], $0x4800  }
0x100: {  	[sflag:s26] =	ssyncset.done $0x0  }
0x101: {  	[sflag:s26] =	ssyncadd.s32 $0xFFFFB800  }
.LBB2_9:
0x102: {  	_ =	sfence.sel $0x180000  }
0x103: {  	[bflag:$0x0] =	sbarrier.arrive $0xFFFF  }
0x104: {  	_ =	strace $0x90000053  }
0x105: {  	s0 =	stileid.u32;
	[bflag:$0x2] =	sbarrier.arrive $0xFFFF  }
0x106: {  	p0 =	sne.s32 s0, $0x0;
	s0 =	rddreg [dreg:$0x2]  }
0x107: {  	s0 =	sadd.s32 @!p0 $0x100000, s0  }
0x108: {  	[sflag:s0] =	ssyncadd.tile.s32 @!p0 $0x1;
	_ =	shalt  }
.Lfunc_end2:
_tile_overlayer_lowered:
.L_overlay_start_2:
0x109: {  	(tag) =	ssettag $0x2  }
0x10a: {  	s0 =	rddreg [dreg:$0x0];
	s2 =	stileid.u32  }
0x10b: {  	s1 =	rddreg [dreg:$0x1];
	p0 =	sne.s32 s2, $0x0  }
0x10c: {  	s3 =	rddreg [dreg:$0x2];
	[bflag:$0x3] =	sbarrier.arrive $0xFFFF;
	s2 =	simm.s32 @!p0 $0x1C05  }
0x10d: {  	[timem:s3], [sflag:s2] =	dma.local @!p0 [hbm:s0], s1  }
0x10e: {  	s0 =	simm.s32 @!p0 $0x5  }
0x10f: {  	_ =	swait.ge @!p0 [sflag:s0], s1  }
0x110: {  	s1 =	ssub.s32 @!p0 $0x0, s1;
	[sflag:s0] =	ssyncset.done @!p0 $0x0  }
0x111: {  	[sflag:s0] =	ssyncadd.s32 @!p0 s1  }
0x112: {  	[bflag:$0x3] =	sbarrier.arrive $0xFFFF  }
0x113: {  	_ =	shalt  }

</sc_bundles>
